<compile_context>
chip_gen: v7x
topology: tpu7x:2x2x1
jax: 0.10.2.dev20260603
libtpu: 0.0.44.dev20260713+nightly
codegen_flags: <defaults>
</compile_context>

<pallas_src>
import functools

import jax
import jax.numpy as jnp
from jax import lax
from jax.experimental import pallas as pl
from jax.experimental.pallas import tpu as pltpu
from jax.experimental.pallas import tpu_sc as plsc

N_CG = 10000
N_CG_PAD = 10240
N_ATOM = 80000
N_ATOM_PAD = 81920
E_CG = 320000
D = 128
C = 32

NC = 2
NS = 16
NW = NC * NS
L = 16

BN = 1280
E_CHUNK = 8000
N_E_CHUNKS = E_CG // E_CHUNK
A_PER_W = N_ATOM_PAD // NW
A_GATHER_ROWS = 128
A_N_GATHERS = A_PER_W // A_GATHER_ROWS
CA_PAD = 10240


def _gate_body(cz_ref, embT_ref, w1T_ref, wgT_ref, out_ref):
    cz = cz_ref[0, 0, :]
    rows = lax.broadcasted_iota(jnp.int32, (D, BN), 0)
    oh = (rows == cz[None, :]).astype(jnp.float32)
    st = jnp.dot(embT_ref[...], oh, preferred_element_type=jnp.float32)
    ht = jnp.maximum(
        jnp.dot(w1T_ref[...], st, preferred_element_type=jnp.float32), 0.0)
    out_ref[...] = jnp.dot(wgT_ref[...], ht,
                           preferred_element_type=jnp.float32)


def _gate_features(cz_pad, embT_pad, w1T, wgT):
    n_blocks = N_CG_PAD // BN
    czp = cz_pad.reshape(n_blocks, 1, BN)
    return pl.pallas_call(
        _gate_body,
        grid=(n_blocks,),
        in_specs=[
            pl.BlockSpec((1, 1, BN), lambda i: (i, 0, 0)),
            pl.BlockSpec((D, D), lambda i: (0, 0)),
            pl.BlockSpec((D, D), lambda i: (0, 0)),
            pl.BlockSpec((C, D), lambda i: (0, 0)),
        ],
        out_specs=pl.BlockSpec((C, BN), lambda i: (0, i)),
        out_shape=jax.ShapeDtypeStruct((C, N_CG_PAD), jnp.float32),
    )(czp, embT_pad, w1T, wgT)


def _fast_rsqrt(x):
    i = plsc.bitcast(x, jnp.int32)
    y = plsc.bitcast(jnp.int32(0x5F3759DF) - (i >> 1), jnp.float32)
    h = x * 0.5
    y = y * (1.5 - h * y * y)
    y = y * (1.5 - h * y * y)
    y = y * (1.5 - h * y * y)
    return y


def _wid():
    return lax.axis_index("s") * NC + lax.axis_index("c")


E_SLICE = E_CG // NW


@functools.cache
def _build_unit_kernel():
    mesh = plsc.VectorSubcoreMesh(core_axis_name="c", subcore_axis_name="s")
    return functools.partial(
        pl.kernel,
        mesh=mesh,
        out_type=jax.ShapeDtypeStruct((3, E_CG), jnp.float32),
        scratch_types=[
            pltpu.VMEM((3 * N_CG_PAD,), jnp.float32),
            pltpu.VMEM((E_SLICE,), jnp.int32),
            pltpu.VMEM((E_SLICE,), jnp.float32),
            pltpu.VMEM((E_SLICE,), jnp.float32),
            pltpu.VMEM((E_SLICE,), jnp.float32),
        ],
        compiler_params=pltpu.CompilerParams(
            needs_layout_passes=False, use_tc_tiling_on_sc=False),
    )(_unit_body)


def _unit_body(xyzT_hbm, pk_hbm, u_hbm,
               xyz_v, pk_v, ux_v, uy_v, uz_v):
    w = _wid()
    ebase = w * E_SLICE
    pltpu.sync_copy(xyzT_hbm, xyz_v)
    pltpu.sync_copy(pk_hbm.at[pl.ds(ebase, E_SLICE)], pk_v)

    o1 = jnp.full((L,), N_CG_PAD, jnp.int32)
    o2 = jnp.full((L,), 2 * N_CG_PAD, jnp.int32)
    m16 = jnp.full((L,), 0xFFFF, jnp.int32)

    @plsc.parallel_loop(0, E_SLICE // L, unroll=4)
    def grp_body(i):
        sl = pl.ds(i * L, L)
        p = pk_v[sl]
        s = p & m16
        d = p >> 16
        xs = plsc.load_gather(xyz_v, [s])
        ys = plsc.load_gather(xyz_v, [s + o1])
        zs = plsc.load_gather(xyz_v, [s + o2])
        xd = plsc.load_gather(xyz_v, [d])
        yd = plsc.load_gather(xyz_v, [d + o1])
        zd = plsc.load_gather(xyz_v, [d + o2])
        rx = xd - xs
        ry = yd - ys
        rz = zd - zs
        s2 = rx * rx + ry * ry + rz * rz
        rs = _fast_rsqrt(jnp.maximum(s2, 1e-30))
        dn = s2 * rs
        inv = 1.0 / (dn + 1e-8)
        ux_v[sl] = rx * inv
        uy_v[sl] = ry * inv
        uz_v[sl] = rz * inv

    pltpu.sync_copy(ux_v, u_hbm.at[0, pl.ds(ebase, E_SLICE)])
    pltpu.sync_copy(uy_v, u_hbm.at[1, pl.ds(ebase, E_SLICE)])
    pltpu.sync_copy(uz_v, u_hbm.at[2, pl.ds(ebase, E_SLICE)])


@functools.cache
def _build_edge_kernel():
    mesh = plsc.VectorSubcoreMesh(core_axis_name="c", subcore_axis_name="s")
    buf = lambda dt: pltpu.VMEM((E_CHUNK,), dt)
    return functools.partial(
        pl.kernel,
        mesh=mesh,
        out_type=jax.ShapeDtypeStruct((NW, 3 * N_CG_PAD), jnp.float32),
        scratch_types=[
            pltpu.VMEM((N_CG_PAD,), jnp.float32),
            pltpu.VMEM((3 * N_CG_PAD,), jnp.float32),
            buf(jnp.int32),
            buf(jnp.float32), buf(jnp.float32), buf(jnp.float32),
            buf(jnp.int32),
            buf(jnp.float32), buf(jnp.float32), buf(jnp.float32),
            pltpu.SemaphoreType.DMA,
            pltpu.SemaphoreType.DMA,
        ],
        compiler_params=pltpu.CompilerParams(
            needs_layout_passes=False, use_tc_tiling_on_sc=False),
    )(_edge_body)


def _edge_body(gT_hbm, pk_hbm, u_hbm, v_hbm,
               g_v, acc_v,
               pa_v, uxa_v, uya_v, uza_v,
               pb_v, uxb_v, uyb_v, uzb_v,
               sem_a, sem_b):
    w = _wid()
    set_a = (pa_v, uxa_v, uya_v, uza_v)
    set_b = (pb_v, uxb_v, uyb_v, uzb_v)

    def chunk_copies(g, bufs, sem):
        base = g * E_CHUNK
        sl = pl.ds(base, E_CHUNK)
        return [
            pltpu.make_async_copy(pk_hbm.at[sl], bufs[0], sem),
            pltpu.make_async_copy(u_hbm.at[0, sl], bufs[1], sem),
            pltpu.make_async_copy(u_hbm.at[1, sl], bufs[2], sem),
            pltpu.make_async_copy(u_hbm.at[2, sl], bufs[3], sem),
        ]

    def start_chunk(g, bufs, sem):
        for cp in chunk_copies(g, bufs, sem):
            cp.start()

    def wait_chunk(g, bufs, sem):
        for cp in chunk_copies(g, bufs, sem):
            cp.wait()

    pltpu.sync_copy(gT_hbm.at[w], g_v)

    zeros16 = jnp.zeros((L,), jnp.float32)

    @plsc.parallel_loop(0, 3 * N_CG_PAD // L, unroll=8)
    def zero_body(i):
        acc_v[pl.ds(i * L, L)] = zeros16

    o1 = jnp.full((L,), N_CG_PAD, jnp.int32)
    o2 = jnp.full((L,), 2 * N_CG_PAD, jnp.int32)
    m16 = jnp.full((L,), 0xFFFF, jnp.int32)

    def process(bufs):
        bpk, bux, buy, buz = bufs

        @plsc.parallel_loop(0, E_CHUNK // L, unroll=4)
        def grp_body(i):
            sl = pl.ds(i * L, L)
            p = bpk[sl]
            s = p & m16
            d = p >> 16
            gv = plsc.load_gather(g_v, [s])
            plsc.addupdate_scatter(acc_v, [d], gv * bux[sl])
            plsc.addupdate_scatter(acc_v, [d + o1], gv * buy[sl])
            plsc.addupdate_scatter(acc_v, [d + o2], gv * buz[sl])

    start_chunk(0, set_a, sem_a)

    def chunk_body(p, carry):
        ga = 2 * p
        wait_chunk(ga, set_a, sem_a)
        start_chunk(ga + 1, set_b, sem_b)
        process(set_a)
        wait_chunk(ga + 1, set_b, sem_b)

        @pl.when(ga + 2 < N_E_CHUNKS)
        def _():
            start_chunk(ga + 2, set_a, sem_a)

        process(set_b)
        return carry

    lax.fori_loop(0, N_E_CHUNKS // 2, chunk_body, 0)
    pltpu.sync_copy(acc_v, v_hbm.at[w])


@functools.cache
def _build_atom_kernel():
    mesh = plsc.VectorSubcoreMesh(core_axis_name="c", subcore_axis_name="s")
    return functools.partial(
        pl.kernel,
        mesh=mesh,
        out_type=jax.ShapeDtypeStruct((NW, 3, A_PER_W), jnp.float32),
        scratch_types=[
            pltpu.VMEM((3 * N_CG_PAD,), jnp.float32),
            pltpu.VMEM((A_PER_W + 32,), jnp.int32),
            pltpu.VMEM((A_PER_W,), jnp.int32),
            pltpu.VMEM((A_PER_W,), jnp.int32),
            pltpu.VMEM((A_PER_W,), jnp.int32),
            pltpu.VMEM((A_PER_W,), jnp.float32),
            pltpu.VMEM((A_PER_W,), jnp.float32),
            pltpu.VMEM((A_PER_W,), jnp.float32),
            pltpu.VMEM((A_PER_W,), jnp.float32),
            pltpu.VMEM((A_PER_W,), jnp.float32),
            pltpu.VMEM((A_PER_W,), jnp.float32),
            pltpu.VMEM((CA_PAD,), jnp.int32),
            pltpu.SemaphoreType.DMA,
        ],
        compiler_params=pltpu.CompilerParams(
            needs_layout_passes=False, use_tc_tiling_on_sc=False),
    )(_atom_body)


def _atom_body(xyzT_hbm, mext_hbm, v4_hbm, ca_hbm, out_hbm,
               xyz_v, m_v, rix_v, riy_v, riz_v, vrx_v, vry_v, vrz_v,
               ox_v, oy_v, oz_v, ca_v, sem):
    w = _wid()
    abase = w * A_PER_W
    pltpu.sync_copy(xyzT_hbm, xyz_v)
    pltpu.sync_copy(mext_hbm.at[pl.ds(abase, A_PER_W + 32)], m_v)
    pltpu.sync_copy(ca_hbm, ca_v)

    iota = lax.iota(jnp.int32, L)
    o1 = jnp.full((L,), N_CG_PAD, jnp.int32)
    o2 = jnp.full((L,), 2 * N_CG_PAD, jnp.int32)

    @plsc.parallel_loop(0, A_PER_W // L, unroll=2)
    def pass1(i):
        q = i * L
        mcur = m_v[pl.ds(32 + q, L)]
        ch = jnp.zeros((L,), jnp.int32)
        for j in range(1, 32):
            mj = plsc.load_gather(m_v, [iota + (32 + q - j)])
            ch = ch + (mj == mcur).astype(jnp.int32)
        r0 = ch * (3 * N_CG_PAD) + mcur
        sl = pl.ds(q, L)
        rix_v[sl] = r0
        riy_v[sl] = r0 + o1
        riz_v[sl] = r0 + o2

    copies = []
    for ridx, vdst in ((rix_v, vrx_v), (riy_v, vry_v), (riz_v, vrz_v)):
        for j in range(A_N_GATHERS):
            sl = pl.ds(j * A_GATHER_ROWS, A_GATHER_ROWS)
            copies.append(
                pltpu.async_copy(v4_hbm.at[ridx.at[sl]], vdst.at[sl], sem))
    for cp in copies:
        cp.wait()

    @plsc.parallel_loop(0, A_PER_W // L, unroll=4)
    def pass2(i):
        q = i * L
        sl = pl.ds(q, L)
        mcur = m_v[pl.ds(32 + q, L)]
        bx = plsc.load_gather(xyz_v, [mcur])
        by = plsc.load_gather(xyz_v, [mcur + o1])
        bz = plsc.load_gather(xyz_v, [mcur + o2])
        ox_v[sl] = vrx_v[sl] + bx
        oy_v[sl] = vry_v[sl] + by
        oz_v[sl] = vrz_v[sl] + bz

    @plsc.parallel_loop(0, CA_PAD // L, unroll=4)
    def pass3(i):
        t = ca_v[pl.ds(i * L, L)]
        lt = t - abase
        inb = (lt >= 0) & (lt < A_PER_W)
        lsafe = jnp.where(inb, lt, 0)
        mt = plsc.load_gather(m_v, [lsafe + 32])
        bx = plsc.load_gather(xyz_v, [mt])
        by = plsc.load_gather(xyz_v, [mt + o1])
        bz = plsc.load_gather(xyz_v, [mt + o2])
        plsc.store_scatter(ox_v, [lsafe], bx, mask=inb)
        plsc.store_scatter(oy_v, [lsafe], by, mask=inb)
        plsc.store_scatter(oz_v, [lsafe], bz, mask=inb)

    pltpu.sync_copy(ox_v, out_hbm.at[w, 0])
    pltpu.sync_copy(oy_v, out_hbm.at[w, 1])
    pltpu.sync_copy(oz_v, out_hbm.at[w, 2])


def kernel(cg_z, xyz, cg_xyz, bond_edge_list, CG_nbr_list, cg_map, ca_idx,
           emb, W1, Wg):
    f32 = jnp.float32
    i32 = jnp.int32

    cz_pad = jnp.zeros((N_CG_PAD,), i32).at[:N_CG].set(cg_z.astype(i32))
    embT_pad = jnp.zeros((D, D), f32).at[:, :emb.shape[0]].set(emb.T)
    gT = _gate_features(cz_pad, embT_pad, W1.T, Wg.T)

    xyzT = jnp.zeros((3, N_CG_PAD), f32).at[:, :N_CG].set(cg_xyz.T)
    xyzT_flat = xyzT.reshape(3 * N_CG_PAD)
    src = CG_nbr_list[:, 0].astype(i32)
    dst = CG_nbr_list[:, 1].astype(i32)
    pk = (dst << 16) | src

    u = _build_unit_kernel()(xyzT_flat, pk)
    v_flat = _build_edge_kernel()(gT, pk, u)
    v4 = v_flat.reshape(NW * 3 * N_CG_PAD)

    mext = jnp.concatenate([
        jnp.full((32,), -1, i32),
        cg_map.astype(i32),
        jnp.zeros((N_ATOM_PAD - N_ATOM,), i32),
    ])
    ca_pad = jnp.concatenate([
        ca_idx.astype(i32),
        jnp.full((CA_PAD - ca_idx.shape[0],), -1, i32),
    ])

    out = _build_atom_kernel()(xyzT_flat, mext, v4, ca_pad)
    xyz_recon = out.transpose(0, 2, 1).reshape(N_ATOM_PAD, 3)[:N_ATOM]
    return (xyz, xyz_recon)

# --- scband reference (transcript-rebuilt; emitter-appended) ---
"""Pipeline reference for scband-pcn-87179246174229 (READ-ONLY COPY).

The authoritative reference and input builder live on the scoring server;
editing this copy changes nothing except your own understanding.
"""

import jax, jax.numpy as jnp
import numpy as np

N_CG = 10000
N_ATOM = 80000
E_CG = 320000
E_BOND = 160000
D = 128
C = 32  # per-CG atom channels in equivariant conv output


def setup_inputs(seed: int = 0) -> dict:
    key = jax.random.key(seed)
    ks = jax.random.split(key, 10)
    cg_z = jax.random.randint(ks[0], (N_CG,), 0, 100)
    xyz = jax.random.normal(ks[1], (N_ATOM, 3), dtype=jnp.float32)
    cg_xyz = jax.random.normal(ks[2], (N_CG, 3), dtype=jnp.float32)
    bond_edge_list = jax.random.randint(ks[3], (E_BOND, 2), 0, N_ATOM)
    CG_nbr_list = jax.random.randint(ks[4], (E_CG, 2), 0, N_CG)
    cg_map = jnp.sort(jax.random.randint(ks[5], (N_ATOM,), 0, N_CG))
    ca_idx = jax.random.randint(ks[6], (N_CG,), 0, N_ATOM)
    # learned params: nn.Embedding(100, feature_dim, padding_idx=0) + equivariant conv weights
    emb = jax.random.normal(ks[7], (100, D), dtype=jnp.float32) * 0.05
    emb = emb.at[0].set(0.0)  # padding_idx=0
    W1 = jax.random.normal(ks[8], (D, D), dtype=jnp.float32) * 0.05
    Wg = jax.random.normal(ks[9], (D, C), dtype=jnp.float32) * 0.05
    return {"cg_z": cg_z, "xyz": xyz, "cg_xyz": cg_xyz,
            "bond_edge_list": bond_edge_list, "CG_nbr_list": CG_nbr_list,
            "cg_map": cg_map, "ca_idx": ca_idx,
            "emb": emb, "W1": W1, "Wg": Wg}


def _equivariant_conv(cg_xyz, CG_nbr_list, mapping, S_I, W1, Wg):
    src = CG_nbr_list[:, 0]
    dst = CG_nbr_list[:, 1]
    r_ij = cg_xyz[dst] - cg_xyz[src]                      # [E, 3]
    d_ij = jnp.linalg.norm(r_ij, axis=-1, keepdims=True)  # [E, 1]
    unit = r_ij / (d_ij + 1e-8)
    h_src = jax.nn.relu(S_I[src] @ W1)                    # [E, D]
    gate = h_src @ Wg                                     # [E, C]
    v_msg = gate[:, :, None] * unit[:, None, :]           # [E, C, 3]
    cg_v = jax.ops.segment_sum(v_msg, dst, num_segments=cg_xyz.shape[0])
    cg_s = jax.ops.segment_sum(h_src, dst, num_segments=cg_xyz.shape[0])
    return cg_s, cg_v


def _cg2channel_idx(cg_map):
    # position of each atom within its (sorted) CG segment
    n = cg_map.shape[0]
    first = jnp.searchsorted(cg_map, cg_map, side='left')
    ch = jnp.arange(n) - first
    return jnp.clip(ch, 0, C - 1)


def reference(cg_z, xyz, cg_xyz, bond_edge_list, CG_nbr_list, cg_map, ca_idx, emb, W1, Wg):
    # S_I = self.embedding(cg_z)
    S_I = jnp.take(emb, cg_z, axis=0)                     # [N_CG, D]
    cg_s, cg_v = _equivariant_conv(cg_xyz, CG_nbr_list, cg_map, S_I, W1, Wg)
    ch = _cg2channel_idx(cg_map)
    xyz_rel = cg_v[cg_map, ch, :]                         # [N_ATOM, 3]
    pred = ca_idx[-1] < xyz_rel.shape[0]
    offset = xyz_rel[ca_idx]
    xyz_rel_updated = xyz_rel.at[ca_idx].set(xyz_rel[ca_idx] - offset)
    xyz_rel = jnp.where(pred, xyz_rel_updated, xyz_rel)
    xyz_recon = xyz_rel + cg_xyz[cg_map]
    return (xyz, xyz_recon)

if __name__ == "__main__":
    import jax
    _d = setup_inputs()
    print(jax.jit(kernel)(*tuple(_d.values())))

</pallas_src>

<mosaic_0001>
#map = affine_map<(d0, d1) -> (0, 0)>
#map1 = affine_map<(d0, d1) -> (0)>
module attributes {stable_mosaic.version = 14 : i64} {
  func.func @_edge_body(%arg0: i32, %arg1: i32, %arg2: memref<32x10240xf32, #tpu.memory_space<hbm>>, %arg3: memref<320000xi32, #tpu.memory_space<hbm>>, %arg4: memref<3x320000xf32, #tpu.memory_space<hbm>>, %arg5: memref<32x30720xf32, #tpu.memory_space<hbm>>, %arg6: memref<10240xf32, #tpu.memory_space<vmem>>, %arg7: memref<30720xf32, #tpu.memory_space<vmem>>, %arg8: memref<8000xi32, #tpu.memory_space<vmem>>, %arg9: memref<8000xf32, #tpu.memory_space<vmem>>, %arg10: memref<8000xf32, #tpu.memory_space<vmem>>, %arg11: memref<8000xf32, #tpu.memory_space<vmem>>, %arg12: memref<8000xi32, #tpu.memory_space<vmem>>, %arg13: memref<8000xf32, #tpu.memory_space<vmem>>, %arg14: memref<8000xf32, #tpu.memory_space<vmem>>, %arg15: memref<8000xf32, #tpu.memory_space<vmem>>, %arg16: memref<!tpu.dma_semaphore, #tpu.memory_space<semaphore_mem>>, %arg17: memref<!tpu.dma_semaphore, #tpu.memory_space<semaphore_mem>>) attributes {dimension_semantics = [#tpu.dimension_semantics<core_parallel>, #tpu.dimension_semantics<subcore_parallel>], iteration_bounds = array<i64: 2, 16>, scalar_prefetch = 0 : i64, scratch_operands = 12 : i64, tpu.core_type = #tpu.core_type<sc_vector_subcore>, window_params = [{transform_indices = #map}, {transform_indices = #map1}, {transform_indices = #map}, {transform_indices = #map}]} {
    %mul3A = arith.constant 2 : i32
    %mul3A_0 = arith.muli %arg1, %mul3A : i32
    %add3A = arith.addi %mul3A_0, %arg0 : i32
    "tpu.region"() ({
      %run_scoped3A = tpu.sem_alloc : memref<!tpu.dma_semaphore, #tpu.memory_space<semaphore_mem>>
      %dma_start3A_39 = arith.constant 0 : i32
      %dma_start3A_40 = tpu.memref_slice %arg2[%add3A, %dma_start3A_39] : memref<32x10240xf32, #tpu.memory_space<hbm>> -> memref<1x10240xf32, #tpu.memory_space<hbm>>
      %dma_start3A_41 = tpu.memref_squeeze %dma_start3A_40 : memref<1x10240xf32, #tpu.memory_space<hbm>> -> memref<10240xf32, #tpu.memory_space<hbm>>
      %dma_start3A_42 = arith.constant 0 : i32
      %dma_start3A_43 = tpu.memref_slice %arg2[%add3A, %dma_start3A_42] : memref<32x10240xf32, #tpu.memory_space<hbm>> -> memref<1x10240xf32, #tpu.memory_space<hbm>>
      %dma_start3A_44 = tpu.memref_squeeze %dma_start3A_43 : memref<1x10240xf32, #tpu.memory_space<hbm>> -> memref<10240xf32, #tpu.memory_space<hbm>>
      tpu.enqueue_dma source(%dma_start3A_44 : memref<10240xf32, #tpu.memory_space<hbm>>) target(%arg6 : memref<10240xf32, #tpu.memory_space<vmem>>) target_semaphore(%run_scoped3A : memref<!tpu.dma_semaphore, #tpu.memory_space<semaphore_mem>>)
      %dma_wait3A = arith.constant 0 : i32
      %dma_wait3A_45 = tpu.memref_slice %arg2[%add3A, %dma_wait3A] : memref<32x10240xf32, #tpu.memory_space<hbm>> -> memref<1x10240xf32, #tpu.memory_space<hbm>>
      %dma_wait3A_46 = tpu.memref_squeeze %dma_wait3A_45 : memref<1x10240xf32, #tpu.memory_space<hbm>> -> memref<10240xf32, #tpu.memory_space<hbm>>
      %dma_wait3A_47 = arith.constant 0 : i32
      %dma_wait3A_48 = tpu.memref_slice %arg2[%add3A, %dma_wait3A_47] : memref<32x10240xf32, #tpu.memory_space<hbm>> -> memref<1x10240xf32, #tpu.memory_space<hbm>>
      %dma_wait3A_49 = tpu.memref_squeeze %dma_wait3A_48 : memref<1x10240xf32, #tpu.memory_space<hbm>> -> memref<10240xf32, #tpu.memory_space<hbm>>
      tpu.wait_dma2 semaphore(%run_scoped3A : memref<!tpu.dma_semaphore, #tpu.memory_space<semaphore_mem>>) src(%dma_wait3A_49 : memref<10240xf32, #tpu.memory_space<hbm>>) dst(%arg6 : memref<10240xf32, #tpu.memory_space<vmem>>)
      tpu.yield
    }) : () -> ()
    %broadcast_in_dim3A = arith.constant 0.000000e+00 : f32
    %broadcast_in_dim3A_1 = vector.broadcast %broadcast_in_dim3A : f32 to vector<16xf32>
    %parallel_loop3A = arith.constant 0 : i32
    %parallel_loop3A_2 = arith.constant 1920 : i32
    %parallel_loop3A_3 = arith.constant 1 : i32
    scf.for %parallel_loop3A_39 = %parallel_loop3A to %parallel_loop3A_2 step %parallel_loop3A_3  : i32 {
      %parallel_loop3A_40 = arith.constant 16 : i32
      %parallel_loop3A_41 = arith.muli %parallel_loop3A_39, %parallel_loop3A_40 : i32
      %parallel_loop3A_42 = arith.index_cast %parallel_loop3A_41 : i32 to index
      %parallel_loop3A_43 = tpu.vector_load %arg7[%parallel_loop3A_42] {strides = array<i32>} : memref<30720xf32, #tpu.memory_space<vmem>>, vector<16xf32>,
      tpu.vector_store %arg7[%parallel_loop3A_42], %broadcast_in_dim3A_1 {strides = array<i32>} : memref<30720xf32, #tpu.memory_space<vmem>>, vector<16xf32>,
    } {sc.loop_unroll_factor = 8 : i64, sc.parallel_access}
    %broadcast_in_dim3A_4 = arith.constant 10240 : i32
    %broadcast_in_dim3A_5 = vector.broadcast %broadcast_in_dim3A_4 : i32 to vector<16xi32>
    %broadcast_in_dim3A_6 = arith.constant 20480 : i32
    %broadcast_in_dim3A_7 = vector.broadcast %broadcast_in_dim3A_6 : i32 to vector<16xi32>
    %broadcast_in_dim3A_8 = arith.constant 65535 : i32
    %broadcast_in_dim3A_9 = vector.broadcast %broadcast_in_dim3A_8 : i32 to vector<16xi32>
    %dma_start3A = arith.constant 0 : i32
    %dma_start3A_10 = tpu.memref_slice %arg3[%dma_start3A] : memref<320000xi32, #tpu.memory_space<hbm>> -> memref<8000xi32, #tpu.memory_space<hbm>>
    %dma_start3A_11 = arith.constant 0 : i32
    %dma_start3A_12 = tpu.memref_slice %arg3[%dma_start3A_11] : memref<320000xi32, #tpu.memory_space<hbm>> -> memref<8000xi32, #tpu.memory_space<hbm>>
    tpu.enqueue_dma source(%dma_start3A_12 : memref<8000xi32, #tpu.memory_space<hbm>>) target(%arg8 : memref<8000xi32, #tpu.memory_space<vmem>>) target_semaphore(%arg16 : memref<!tpu.dma_semaphore, #tpu.memory_space<semaphore_mem>>)
    %dma_start3A_13 = arith.constant 0 : i32
    %dma_start3A_14 = arith.constant 0 : i32
    %dma_start3A_15 = tpu.memref_slice %arg4[%dma_start3A_13, %dma_start3A_14] : memref<3x320000xf32, #tpu.memory_space<hbm>> -> memref<1x8000xf32, #tpu.memory_space<hbm>>
    %dma_start3A_16 = tpu.memref_squeeze %dma_start3A_15 : memref<1x8000xf32, #tpu.memory_space<hbm>> -> memref<8000xf32, #tpu.memory_space<hbm>>
    %dma_start3A_17 = arith.constant 0 : i32
    %dma_start3A_18 = tpu.memref_slice %arg4[%dma_start3A_13, %dma_start3A_17] : memref<3x320000xf32, #tpu.memory_space<hbm>> -> memref<1x8000xf32, #tpu.memory_space<hbm>>
    %dma_start3A_19 = tpu.memref_squeeze %dma_start3A_18 : memref<1x8000xf32, #tpu.memory_space<hbm>> -> memref<8000xf32, #tpu.memory_space<hbm>>
    tpu.enqueue_dma source(%dma_start3A_19 : memref<8000xf32, #tpu.memory_space<hbm>>) target(%arg9 : memref<8000xf32, #tpu.memory_space<vmem>>) target_semaphore(%arg16 : memref<!tpu.dma_semaphore, #tpu.memory_space<semaphore_mem>>)
    %dma_start3A_20 = arith.constant 1 : i32
    %dma_start3A_21 = arith.constant 0 : i32
    %dma_start3A_22 = tpu.memref_slice %arg4[%dma_start3A_20, %dma_start3A_21] : memref<3x320000xf32, #tpu.memory_space<hbm>> -> memref<1x8000xf32, #tpu.memory_space<hbm>>
    %dma_start3A_23 = tpu.memref_squeeze %dma_start3A_22 : memref<1x8000xf32, #tpu.memory_space<hbm>> -> memref<8000xf32, #tpu.memory_space<hbm>>
    %dma_start3A_24 = arith.constant 0 : i32
    %dma_start3A_25 = tpu.memref_slice %arg4[%dma_start3A_20, %dma_start3A_24] : memref<3x320000xf32, #tpu.memory_space<hbm>> -> memref<1x8000xf32, #tpu.memory_space<hbm>>
    %dma_start3A_26 = tpu.memref_squeeze %dma_start3A_25 : memref<1x8000xf32, #tpu.memory_space<hbm>> -> memref<8000xf32, #tpu.memory_space<hbm>>
    tpu.enqueue_dma source(%dma_start3A_26 : memref<8000xf32, #tpu.memory_space<hbm>>) target(%arg10 : memref<8000xf32, #tpu.memory_space<vmem>>) target_semaphore(%arg16 : memref<!tpu.dma_semaphore, #tpu.memory_space<semaphore_mem>>)
    %dma_start3A_27 = arith.constant 2 : i32
    %dma_start3A_28 = arith.constant 0 : i32
    %dma_start3A_29 = tpu.memref_slice %arg4[%dma_start3A_27, %dma_start3A_28] : memref<3x320000xf32, #tpu.memory_space<hbm>> -> memref<1x8000xf32, #tpu.memory_space<hbm>>
    %dma_start3A_30 = tpu.memref_squeeze %dma_start3A_29 : memref<1x8000xf32, #tpu.memory_space<hbm>> -> memref<8000xf32, #tpu.memory_space<hbm>>
    %dma_start3A_31 = arith.constant 0 : i32
    %dma_start3A_32 = tpu.memref_slice %arg4[%dma_start3A_27, %dma_start3A_31] : memref<3x320000xf32, #tpu.memory_space<hbm>> -> memref<1x8000xf32, #tpu.memory_space<hbm>>
    %dma_start3A_33 = tpu.memref_squeeze %dma_start3A_32 : memref<1x8000xf32, #tpu.memory_space<hbm>> -> memref<8000xf32, #tpu.memory_space<hbm>>
    tpu.enqueue_dma source(%dma_start3A_33 : memref<8000xf32, #tpu.memory_space<hbm>>) target(%arg11 : memref<8000xf32, #tpu.memory_space<vmem>>) target_semaphore(%arg16 : memref<!tpu.dma_semaphore, #tpu.memory_space<semaphore_mem>>)
    %scan3A = arith.constant 0 : i32
    %scan3A_34 = arith.constant 0 : i32
    %scan3A_35 = arith.constant 20 : i32
    %scan3A_36 = arith.addi %scan3A_34, %scan3A_35 : i32
    %scan3A_37 = arith.constant 1 : i32
    scf.for %scan3A_39 = %scan3A_34 to %scan3A_36 step %scan3A_37  : i32 {
      %mul3A_40 = arith.constant 2 : i32
      %mul3A_41 = arith.muli %mul3A_40, %scan3A_39 : i32
      %mul3A_42 = arith.constant 8000 : i32
      %mul3A_43 = arith.muli %mul3A_41, %mul3A_42 : i32
      %dma_wait3A = tpu.memref_slice %arg3[%mul3A_43] : memref<320000xi32, #tpu.memory_space<hbm>> -> memref<8000xi32, #tpu.memory_space<hbm>>
      %dma_wait3A_44 = tpu.memref_slice %arg3[%mul3A_43] : memref<320000xi32, #tpu.memory_space<hbm>> -> memref<8000xi32, #tpu.memory_space<hbm>>
      tpu.wait_dma2 semaphore(%arg16 : memref<!tpu.dma_semaphore, #tpu.memory_space<semaphore_mem>>) src(%dma_wait3A_44 : memref<8000xi32, #tpu.memory_space<hbm>>) dst(%arg8 : memref<8000xi32, #tpu.memory_space<vmem>>)
      %dma_wait3A_45 = arith.constant 0 : i32
      %dma_wait3A_46 = tpu.memref_slice %arg4[%dma_wait3A_45, %mul3A_43] : memref<3x320000xf32, #tpu.memory_space<hbm>> -> memref<1x8000xf32, #tpu.memory_space<hbm>>
      %dma_wait3A_47 = tpu.memref_squeeze %dma_wait3A_46 : memref<1x8000xf32, #tpu.memory_space<hbm>> -> memref<8000xf32, #tpu.memory_space<hbm>>
      %dma_wait3A_48 = tpu.memref_slice %arg4[%dma_wait3A_45, %mul3A_43] : memref<3x320000xf32, #tpu.memory_space<hbm>> -> memref<1x8000xf32, #tpu.memory_space<hbm>>
      %dma_wait3A_49 = tpu.memref_squeeze %dma_wait3A_48 : memref<1x8000xf32, #tpu.memory_space<hbm>> -> memref<8000xf32, #tpu.memory_space<hbm>>
      tpu.wait_dma2 semaphore(%arg16 : memref<!tpu.dma_semaphore, #tpu.memory_space<semaphore_mem>>) src(%dma_wait3A_49 : memref<8000xf32, #tpu.memory_space<hbm>>) dst(%arg9 : memref<8000xf32, #tpu.memory_space<vmem>>)
      %dma_wait3A_50 = arith.constant 1 : i32
      %dma_wait3A_51 = tpu.memref_slice %arg4[%dma_wait3A_50, %mul3A_43] : memref<3x320000xf32, #tpu.memory_space<hbm>> -> memref<1x8000xf32, #tpu.memory_space<hbm>>
      %dma_wait3A_52 = tpu.memref_squeeze %dma_wait3A_51 : memref<1x8000xf32, #tpu.memory_space<hbm>> -> memref<8000xf32, #tpu.memory_space<hbm>>
      %dma_wait3A_53 = tpu.memref_slice %arg4[%dma_wait3A_50, %mul3A_43] : memref<3x320000xf32, #tpu.memory_space<hbm>> -> memref<1x8000xf32, #tpu.memory_space<hbm>>
      %dma_wait3A_54 = tpu.memref_squeeze %dma_wait3A_53 : memref<1x8000xf32, #tpu.memory_space<hbm>> -> memref<8000xf32, #tpu.memory_space<hbm>>
      tpu.wait_dma2 semaphore(%arg16 : memref<!tpu.dma_semaphore, #tpu.memory_space<semaphore_mem>>) src(%dma_wait3A_54 : memref<8000xf32, #tpu.memory_space<hbm>>) dst(%arg10 : memref<8000xf32, #tpu.memory_space<vmem>>)
      %dma_wait3A_55 = arith.constant 2 : i32
      %dma_wait3A_56 = tpu.memref_slice %arg4[%dma_wait3A_55, %mul3A_43] : memref<3x320000xf32, #tpu.memory_space<hbm>> -> memref<1x8000xf32, #tpu.memory_space<hbm>>
      %dma_wait3A_57 = tpu.memref_squeeze %dma_wait3A_56 : memref<1x8000xf32, #tpu.memory_space<hbm>> -> memref<8000xf32, #tpu.memory_space<hbm>>
      %dma_wait3A_58 = tpu.memref_slice %arg4[%dma_wait3A_55, %mul3A_43] : memref<3x320000xf32, #tpu.memory_space<hbm>> -> memref<1x8000xf32, #tpu.memory_space<hbm>>
      %dma_wait3A_59 = tpu.memref_squeeze %dma_wait3A_58 : memref<1x8000xf32, #tpu.memory_space<hbm>> -> memref<8000xf32, #tpu.memory_space<hbm>>
      tpu.wait_dma2 semaphore(%arg16 : memref<!tpu.dma_semaphore, #tpu.memory_space<semaphore_mem>>) src(%dma_wait3A_59 : memref<8000xf32, #tpu.memory_space<hbm>>) dst(%arg11 : memref<8000xf32, #tpu.memory_space<vmem>>)
      %add3A_60 = arith.constant 1 : i32
      %add3A_61 = arith.addi %mul3A_41, %add3A_60 : i32
      %mul3A_62 = arith.constant 8000 : i32
      %mul3A_63 = arith.muli %add3A_61, %mul3A_62 : i32
      %dma_start3A_64 = tpu.memref_slice %arg3[%mul3A_63] : memref<320000xi32, #tpu.memory_space<hbm>> -> memref<8000xi32, #tpu.memory_space<hbm>>
      %dma_start3A_65 = tpu.memref_slice %arg3[%mul3A_63] : memref<320000xi32, #tpu.memory_space<hbm>> -> memref<8000xi32, #tpu.memory_space<hbm>>
      tpu.enqueue_dma source(%dma_start3A_65 : memref<8000xi32, #tpu.memory_space<hbm>>) target(%arg12 : memref<8000xi32, #tpu.memory_space<vmem>>) target_semaphore(%arg17 : memref<!tpu.dma_semaphore, #tpu.memory_space<semaphore_mem>>)
      %dma_start3A_66 = arith.constant 0 : i32
      %dma_start3A_67 = tpu.memref_slice %arg4[%dma_start3A_66, %mul3A_63] : memref<3x320000xf32, #tpu.memory_space<hbm>> -> memref<1x8000xf32, #tpu.memory_space<hbm>>
      %dma_start3A_68 = tpu.memref_squeeze %dma_start3A_67 : memref<1x8000xf32, #tpu.memory_space<hbm>> -> memref<8000xf32, #tpu.memory_space<hbm>>
      %dma_start3A_69 = tpu.memref_slice %arg4[%dma_start3A_66, %mul3A_63] : memref<3x320000xf32, #tpu.memory_space<hbm>> -> memref<1x8000xf32, #tpu.memory_space<hbm>>
      %dma_start3A_70 = tpu.memref_squeeze %dma_start3A_69 : memref<1x8000xf32, #tpu.memory_space<hbm>> -> memref<8000xf32, #tpu.memory_space<hbm>>
      tpu.enqueue_dma source(%dma_start3A_70 : memref<8000xf32, #tpu.memory_space<hbm>>) target(%arg13 : memref<8000xf32, #tpu.memory_space<vmem>>) target_semaphore(%arg17 : memref<!tpu.dma_semaphore, #tpu.memory_space<semaphore_mem>>)
      %dma_start3A_71 = arith.constant 1 : i32
      %dma_start3A_72 = tpu.memref_slice %arg4[%dma_start3A_71, %mul3A_63] : memref<3x320000xf32, #tpu.memory_space<hbm>> -> memref<1x8000xf32, #tpu.memory_space<hbm>>
      %dma_start3A_73 = tpu.memref_squeeze %dma_start3A_72 : memref<1x8000xf32, #tpu.memory_space<hbm>> -> memref<8000xf32, #tpu.memory_space<hbm>>
      %dma_start3A_74 = tpu.memref_slice %arg4[%dma_start3A_71, %mul3A_63] : memref<3x320000xf32, #tpu.memory_space<hbm>> -> memref<1x8000xf32, #tpu.memory_space<hbm>>
      %dma_start3A_75 = tpu.memref_squeeze %dma_start3A_74 : memref<1x8000xf32, #tpu.memory_space<hbm>> -> memref<8000xf32, #tpu.memory_space<hbm>>
      tpu.enqueue_dma source(%dma_start3A_75 : memref<8000xf32, #tpu.memory_space<hbm>>) target(%arg14 : memref<8000xf32, #tpu.memory_space<vmem>>) target_semaphore(%arg17 : memref<!tpu.dma_semaphore, #tpu.memory_space<semaphore_mem>>)
      %dma_start3A_76 = arith.constant 2 : i32
      %dma_start3A_77 = tpu.memref_slice %arg4[%dma_start3A_76, %mul3A_63] : memref<3x320000xf32, #tpu.memory_space<hbm>> -> memref<1x8000xf32, #tpu.memory_space<hbm>>
      %dma_start3A_78 = tpu.memref_squeeze %dma_start3A_77 : memref<1x8000xf32, #tpu.memory_space<hbm>> -> memref<8000xf32, #tpu.memory_space<hbm>>
      %dma_start3A_79 = tpu.memref_slice %arg4[%dma_start3A_76, %mul3A_63] : memref<3x320000xf32, #tpu.memory_space<hbm>> -> memref<1x8000xf32, #tpu.memory_space<hbm>>
      %dma_start3A_80 = tpu.memref_squeeze %dma_start3A_79 : memref<1x8000xf32, #tpu.memory_space<hbm>> -> memref<8000xf32, #tpu.memory_space<hbm>>
      tpu.enqueue_dma source(%dma_start3A_80 : memref<8000xf32, #tpu.memory_space<hbm>>) target(%arg15 : memref<8000xf32, #tpu.memory_space<vmem>>) target_semaphore(%arg17 : memref<!tpu.dma_semaphore, #tpu.memory_space<semaphore_mem>>)
      %parallel_loop3A_81 = arith.constant 0 : i32
      %parallel_loop3A_82 = arith.constant 500 : i32
      %parallel_loop3A_83 = arith.constant 1 : i32
      scf.for %parallel_loop3A_112 = %parallel_loop3A_81 to %parallel_loop3A_82 step %parallel_loop3A_83  : i32 {
        %parallel_loop3A_113 = arith.constant 16 : i32
        %parallel_loop3A_114 = arith.muli %parallel_loop3A_112, %parallel_loop3A_113 : i32
        %parallel_loop3A_115 = arith.index_cast %parallel_loop3A_114 : i32 to index
        %parallel_loop3A_116 = tpu.vector_load %arg8[%parallel_loop3A_115] {strides = array<i32>} : memref<8000xi32, #tpu.memory_space<vmem>>, vector<16xi32>,
        %parallel_loop3A_117 = arith.andi %parallel_loop3A_116, %broadcast_in_dim3A_9 : vector<16xi32>
        %parallel_loop3A_118 = arith.constant 16 : i32
        %parallel_loop3A_119 = vector.broadcast %parallel_loop3A_118 : i32 to vector<16xi32>
        %parallel_loop3A_120 = arith.shrsi %parallel_loop3A_116, %parallel_loop3A_119 : vector<16xi32>
        %parallel_loop3A_121 = tpu.vector_load_idx %arg6[%parallel_loop3A_117] : memref<10240xf32, #tpu.memory_space<vmem>>[vector<16xi32>], vector<16xf32>,
        %parallel_loop3A_122 = arith.index_cast %parallel_loop3A_114 : i32 to index
        %parallel_loop3A_123 = tpu.vector_load %arg9[%parallel_loop3A_122] {strides = array<i32>} : memref<8000xf32, #tpu.memory_space<vmem>>, vector<16xf32>,
        %parallel_loop3A_124 = arith.mulf %parallel_loop3A_121, %parallel_loop3A_123 : vector<16xf32>
        tpu.vector_store_idx %arg7[%parallel_loop3A_120], %parallel_loop3A_124 {add = true} : memref<30720xf32, #tpu.memory_space<vmem>>[vector<16xi32>], vector<16xf32>,
        %parallel_loop3A_125 = arith.addi %parallel_loop3A_120, %broadcast_in_dim3A_5 : vector<16xi32>
        %parallel_loop3A_126 = arith.index_cast %parallel_loop3A_114 : i32 to index
        %parallel_loop3A_127 = tpu.vector_load %arg10[%parallel_loop3A_126] {strides = array<i32>} : memref<8000xf32, #tpu.memory_space<vmem>>, vector<16xf32>,
        %parallel_loop3A_128 = arith.mulf %parallel_loop3A_121, %parallel_loop3A_127 : vector<16xf32>
        tpu.vector_store_idx %arg7[%parallel_loop3A_125], %parallel_loop3A_128 {add = true} : memref<30720xf32, #tpu.memory_space<vmem>>[vector<16xi32>], vector<16xf32>,
        %parallel_loop3A_129 = arith.addi %parallel_loop3A_120, %broadcast_in_dim3A_7 : vector<16xi32>
        %parallel_loop3A_130 = arith.index_cast %parallel_loop3A_114 : i32 to index
        %parallel_loop3A_131 = tpu.vector_load %arg11[%parallel_loop3A_130] {strides = array<i32>} : memref<8000xf32, #tpu.memory_space<vmem>>, vector<16xf32>,
        %parallel_loop3A_132 = arith.mulf %parallel_loop3A_121, %parallel_loop3A_131 : vector<16xf32>
        tpu.vector_store_idx %arg7[%parallel_loop3A_129], %parallel_loop3A_132 {add = true} : memref<30720xf32, #tpu.memory_space<vmem>>[vector<16xi32>], vector<16xf32>,
      } {sc.loop_unroll_factor = 4 : i64, sc.parallel_access}
      %add3A_84 = arith.constant 1 : i32
      %add3A_85 = arith.addi %mul3A_41, %add3A_84 : i32
      %mul3A_86 = arith.constant 8000 : i32
      %mul3A_87 = arith.muli %add3A_85, %mul3A_86 : i32
      %dma_wait3A_88 = tpu.memref_slice %arg3[%mul3A_87] : memref<320000xi32, #tpu.memory_space<hbm>> -> memref<8000xi32, #tpu.memory_space<hbm>>
      %dma_wait3A_89 = tpu.memref_slice %arg3[%mul3A_87] : memref<320000xi32, #tpu.memory_space<hbm>> -> memref<8000xi32, #tpu.memory_space<hbm>>
      tpu.wait_dma2 semaphore(%arg17 : memref<!tpu.dma_semaphore, #tpu.memory_space<semaphore_mem>>) src(%dma_wait3A_89 : memref<8000xi32, #tpu.memory_space<hbm>>) dst(%arg12 : memref<8000xi32, #tpu.memory_space<vmem>>)
      %dma_wait3A_90 = arith.constant 0 : i32
      %dma_wait3A_91 = tpu.memref_slice %arg4[%dma_wait3A_90, %mul3A_87] : memref<3x320000xf32, #tpu.memory_space<hbm>> -> memref<1x8000xf32, #tpu.memory_space<hbm>>
      %dma_wait3A_92 = tpu.memref_squeeze %dma_wait3A_91 : memref<1x8000xf32, #tpu.memory_space<hbm>> -> memref<8000xf32, #tpu.memory_space<hbm>>
      %dma_wait3A_93 = tpu.memref_slice %arg4[%dma_wait3A_90, %mul3A_87] : memref<3x320000xf32, #tpu.memory_space<hbm>> -> memref<1x8000xf32, #tpu.memory_space<hbm>>
      %dma_wait3A_94 = tpu.memref_squeeze %dma_wait3A_93 : memref<1x8000xf32, #tpu.memory_space<hbm>> -> memref<8000xf32, #tpu.memory_space<hbm>>
      tpu.wait_dma2 semaphore(%arg17 : memref<!tpu.dma_semaphore, #tpu.memory_space<semaphore_mem>>) src(%dma_wait3A_94 : memref<8000xf32, #tpu.memory_space<hbm>>) dst(%arg13 : memref<8000xf32, #tpu.memory_space<vmem>>)
      %dma_wait3A_95 = arith.constant 1 : i32
      %dma_wait3A_96 = tpu.memref_slice %arg4[%dma_wait3A_95, %mul3A_87] : memref<3x320000xf32, #tpu.memory_space<hbm>> -> memref<1x8000xf32, #tpu.memory_space<hbm>>
      %dma_wait3A_97 = tpu.memref_squeeze %dma_wait3A_96 : memref<1x8000xf32, #tpu.memory_space<hbm>> -> memref<8000xf32, #tpu.memory_space<hbm>>
      %dma_wait3A_98 = tpu.memref_slice %arg4[%dma_wait3A_95, %mul3A_87] : memref<3x320000xf32, #tpu.memory_space<hbm>> -> memref<1x8000xf32, #tpu.memory_space<hbm>>
      %dma_wait3A_99 = tpu.memref_squeeze %dma_wait3A_98 : memref<1x8000xf32, #tpu.memory_space<hbm>> -> memref<8000xf32, #tpu.memory_space<hbm>>
      tpu.wait_dma2 semaphore(%arg17 : memref<!tpu.dma_semaphore, #tpu.memory_space<semaphore_mem>>) src(%dma_wait3A_99 : memref<8000xf32, #tpu.memory_space<hbm>>) dst(%arg14 : memref<8000xf32, #tpu.memory_space<vmem>>)
      %dma_wait3A_100 = arith.constant 2 : i32
      %dma_wait3A_101 = tpu.memref_slice %arg4[%dma_wait3A_100, %mul3A_87] : memref<3x320000xf32, #tpu.memory_space<hbm>> -> memref<1x8000xf32, #tpu.memory_space<hbm>>
      %dma_wait3A_102 = tpu.memref_squeeze %dma_wait3A_101 : memref<1x8000xf32, #tpu.memory_space<hbm>> -> memref<8000xf32, #tpu.memory_space<hbm>>
      %dma_wait3A_103 = tpu.memref_slice %arg4[%dma_wait3A_100, %mul3A_87] : memref<3x320000xf32, #tpu.memory_space<hbm>> -> memref<1x8000xf32, #tpu.memory_space<hbm>>
      %dma_wait3A_104 = tpu.memref_squeeze %dma_wait3A_103 : memref<1x8000xf32, #tpu.memory_space<hbm>> -> memref<8000xf32, #tpu.memory_space<hbm>>
      tpu.wait_dma2 semaphore(%arg17 : memref<!tpu.dma_semaphore, #tpu.memory_space<semaphore_mem>>) src(%dma_wait3A_104 : memref<8000xf32, #tpu.memory_space<hbm>>) dst(%arg15 : memref<8000xf32, #tpu.memory_space<vmem>>)
      %add3A_105 = arith.constant 2 : i32
      %add3A_106 = arith.addi %mul3A_41, %add3A_105 : i32
      %lt3A = arith.constant 40 : i32
      %lt3A_107 = arith.cmpi slt, %add3A_106, %lt3A : i32
      %convert_element_type3A = arith.extui %lt3A_107 : i1 to i32
      %cond3A = arith.constant 0 : i32
      %cond3A_108 = arith.cmpi ne, %convert_element_type3A, %cond3A : i32
      scf.if %cond3A_108 {
        %add3A_112 = arith.constant 2 : i32
        %add3A_113 = arith.addi %mul3A_41, %add3A_112 : i32
        %mul3A_114 = arith.constant 8000 : i32
        %mul3A_115 = arith.muli %add3A_113, %mul3A_114 : i32
        %dma_start3A_116 = tpu.memref_slice %arg3[%mul3A_115] : memref<320000xi32, #tpu.memory_space<hbm>> -> memref<8000xi32, #tpu.memory_space<hbm>>
        %dma_start3A_117 = tpu.memref_slice %arg3[%mul3A_115] : memref<320000xi32, #tpu.memory_space<hbm>> -> memref<8000xi32, #tpu.memory_space<hbm>>
        tpu.enqueue_dma source(%dma_start3A_117 : memref<8000xi32, #tpu.memory_space<hbm>>) target(%arg8 : memref<8000xi32, #tpu.memory_space<vmem>>) target_semaphore(%arg16 : memref<!tpu.dma_semaphore, #tpu.memory_space<semaphore_mem>>)
        %dma_start3A_118 = arith.constant 0 : i32
        %dma_start3A_119 = tpu.memref_slice %arg4[%dma_start3A_118, %mul3A_115] : memref<3x320000xf32, #tpu.memory_space<hbm>> -> memref<1x8000xf32, #tpu.memory_space<hbm>>
        %dma_start3A_120 = tpu.memref_squeeze %dma_start3A_119 : memref<1x8000xf32, #tpu.memory_space<hbm>> -> memref<8000xf32, #tpu.memory_space<hbm>>
        %dma_start3A_121 = tpu.memref_slice %arg4[%dma_start3A_118, %mul3A_115] : memref<3x320000xf32, #tpu.memory_space<hbm>> -> memref<1x8000xf32, #tpu.memory_space<hbm>>
        %dma_start3A_122 = tpu.memref_squeeze %dma_start3A_121 : memref<1x8000xf32, #tpu.memory_space<hbm>> -> memref<8000xf32, #tpu.memory_space<hbm>>
        tpu.enqueue_dma source(%dma_start3A_122 : memref<8000xf32, #tpu.memory_space<hbm>>) target(%arg9 : memref<8000xf32, #tpu.memory_space<vmem>>) target_semaphore(%arg16 : memref<!tpu.dma_semaphore, #tpu.memory_space<semaphore_mem>>)
        %dma_start3A_123 = arith.constant 1 : i32
        %dma_start3A_124 = tpu.memref_slice %arg4[%dma_start3A_123, %mul3A_115] : memref<3x320000xf32, #tpu.memory_space<hbm>> -> memref<1x8000xf32, #tpu.memory_space<hbm>>
        %dma_start3A_125 = tpu.memref_squeeze %dma_start3A_124 : memref<1x8000xf32, #tpu.memory_space<hbm>> -> memref<8000xf32, #tpu.memory_space<hbm>>
        %dma_start3A_126 = tpu.memref_slice %arg4[%dma_start3A_123, %mul3A_115] : memref<3x320000xf32, #tpu.memory_space<hbm>> -> memref<1x8000xf32, #tpu.memory_space<hbm>>
        %dma_start3A_127 = tpu.memref_squeeze %dma_start3A_126 : memref<1x8000xf32, #tpu.memory_space<hbm>> -> memref<8000xf32, #tpu.memory_space<hbm>>
        tpu.enqueue_dma source(%dma_start3A_127 : memref<8000xf32, #tpu.memory_space<hbm>>) target(%arg10 : memref<8000xf32, #tpu.memory_space<vmem>>) target_semaphore(%arg16 : memref<!tpu.dma_semaphore, #tpu.memory_space<semaphore_mem>>)
        %dma_start3A_128 = arith.constant 2 : i32
        %dma_start3A_129 = tpu.memref_slice %arg4[%dma_start3A_128, %mul3A_115] : memref<3x320000xf32, #tpu.memory_space<hbm>> -> memref<1x8000xf32, #tpu.memory_space<hbm>>
        %dma_start3A_130 = tpu.memref_squeeze %dma_start3A_129 : memref<1x8000xf32, #tpu.memory_space<hbm>> -> memref<8000xf32, #tpu.memory_space<hbm>>
        %dma_start3A_131 = tpu.memref_slice %arg4[%dma_start3A_128, %mul3A_115] : memref<3x320000xf32, #tpu.memory_space<hbm>> -> memref<1x8000xf32, #tpu.memory_space<hbm>>
        %dma_start3A_132 = tpu.memref_squeeze %dma_start3A_131 : memref<1x8000xf32, #tpu.memory_space<hbm>> -> memref<8000xf32, #tpu.memory_space<hbm>>
        tpu.enqueue_dma source(%dma_start3A_132 : memref<8000xf32, #tpu.memory_space<hbm>>) target(%arg11 : memref<8000xf32, #tpu.memory_space<vmem>>) target_semaphore(%arg16 : memref<!tpu.dma_semaphore, #tpu.memory_space<semaphore_mem>>)
      } else {
      }
      %parallel_loop3A_109 = arith.constant 0 : i32
      %parallel_loop3A_110 = arith.constant 500 : i32
      %parallel_loop3A_111 = arith.constant 1 : i32
      scf.for %parallel_loop3A_112 = %parallel_loop3A_109 to %parallel_loop3A_110 step %parallel_loop3A_111  : i32 {
        %parallel_loop3A_113 = arith.constant 16 : i32
        %parallel_loop3A_114 = arith.muli %parallel_loop3A_112, %parallel_loop3A_113 : i32
        %parallel_loop3A_115 = arith.index_cast %parallel_loop3A_114 : i32 to index
        %parallel_loop3A_116 = tpu.vector_load %arg12[%parallel_loop3A_115] {strides = array<i32>} : memref<8000xi32, #tpu.memory_space<vmem>>, vector<16xi32>,
        %parallel_loop3A_117 = arith.andi %parallel_loop3A_116, %broadcast_in_dim3A_9 : vector<16xi32>
        %parallel_loop3A_118 = arith.constant 16 : i32
        %parallel_loop3A_119 = vector.broadcast %parallel_loop3A_118 : i32 to vector<16xi32>
        %parallel_loop3A_120 = arith.shrsi %parallel_loop3A_116, %parallel_loop3A_119 : vector<16xi32>
        %parallel_loop3A_121 = tpu.vector_load_idx %arg6[%parallel_loop3A_117] : memref<10240xf32, #tpu.memory_space<vmem>>[vector<16xi32>], vector<16xf32>,
        %parallel_loop3A_122 = arith.index_cast %parallel_loop3A_114 : i32 to index
        %parallel_loop3A_123 = tpu.vector_load %arg13[%parallel_loop3A_122] {strides = array<i32>} : memref<8000xf32, #tpu.memory_space<vmem>>, vector<16xf32>,
        %parallel_loop3A_124 = arith.mulf %parallel_loop3A_121, %parallel_loop3A_123 : vector<16xf32>
        tpu.vector_store_idx %arg7[%parallel_loop3A_120], %parallel_loop3A_124 {add = true} : memref<30720xf32, #tpu.memory_space<vmem>>[vector<16xi32>], vector<16xf32>,
        %parallel_loop3A_125 = arith.addi %parallel_loop3A_120, %broadcast_in_dim3A_5 : vector<16xi32>
        %parallel_loop3A_126 = arith.index_cast %parallel_loop3A_114 : i32 to index
        %parallel_loop3A_127 = tpu.vector_load %arg14[%parallel_loop3A_126] {strides = array<i32>} : memref<8000xf32, #tpu.memory_space<vmem>>, vector<16xf32>,
        %parallel_loop3A_128 = arith.mulf %parallel_loop3A_121, %parallel_loop3A_127 : vector<16xf32>
        tpu.vector_store_idx %arg7[%parallel_loop3A_125], %parallel_loop3A_128 {add = true} : memref<30720xf32, #tpu.memory_space<vmem>>[vector<16xi32>], vector<16xf32>,
        %parallel_loop3A_129 = arith.addi %parallel_loop3A_120, %broadcast_in_dim3A_7 : vector<16xi32>
        %parallel_loop3A_130 = arith.index_cast %parallel_loop3A_114 : i32 to index
        %parallel_loop3A_131 = tpu.vector_load %arg15[%parallel_loop3A_130] {strides = array<i32>} : memref<8000xf32, #tpu.memory_space<vmem>>, vector<16xf32>,
        %parallel_loop3A_132 = arith.mulf %parallel_loop3A_121, %parallel_loop3A_131 : vector<16xf32>
        tpu.vector_store_idx %arg7[%parallel_loop3A_129], %parallel_loop3A_132 {add = true} : memref<30720xf32, #tpu.memory_space<vmem>>[vector<16xi32>], vector<16xf32>,
      } {sc.loop_unroll_factor = 4 : i64, sc.parallel_access}
    }
    %scan3A_38 = arith.constant 20 : i32
    "tpu.region"() ({
      %run_scoped3A = tpu.sem_alloc : memref<!tpu.dma_semaphore, #tpu.memory_space<semaphore_mem>>
      %dma_start3A_39 = arith.constant 0 : i32
      %dma_start3A_40 = tpu.memref_slice %arg5[%add3A, %dma_start3A_39] : memref<32x30720xf32, #tpu.memory_space<hbm>> -> memref<1x30720xf32, #tpu.memory_space<hbm>>
      %dma_start3A_41 = tpu.memref_squeeze %dma_start3A_40 : memref<1x30720xf32, #tpu.memory_space<hbm>> -> memref<30720xf32, #tpu.memory_space<hbm>>
      %dma_start3A_42 = arith.constant 0 : i32
      %dma_start3A_43 = tpu.memref_slice %arg5[%add3A, %dma_start3A_42] : memref<32x30720xf32, #tpu.memory_space<hbm>> -> memref<1x30720xf32, #tpu.memory_space<hbm>>
      %dma_start3A_44 = tpu.memref_squeeze %dma_start3A_43 : memref<1x30720xf32, #tpu.memory_space<hbm>> -> memref<30720xf32, #tpu.memory_space<hbm>>
      tpu.enqueue_dma source(%arg7 : memref<30720xf32, #tpu.memory_space<vmem>>) target(%dma_start3A_44 : memref<30720xf32, #tpu.memory_space<hbm>>) target_semaphore(%run_scoped3A : memref<!tpu.dma_semaphore, #tpu.memory_space<semaphore_mem>>)
      %dma_wait3A = arith.constant 0 : i32
      %dma_wait3A_45 = tpu.memref_slice %arg5[%add3A, %dma_wait3A] : memref<32x30720xf32, #tpu.memory_space<hbm>> -> memref<1x30720xf32, #tpu.memory_space<hbm>>
      %dma_wait3A_46 = tpu.memref_squeeze %dma_wait3A_45 : memref<1x30720xf32, #tpu.memory_space<hbm>> -> memref<30720xf32, #tpu.memory_space<hbm>>
      %dma_wait3A_47 = arith.constant 0 : i32
      %dma_wait3A_48 = tpu.memref_slice %arg5[%add3A, %dma_wait3A_47] : memref<32x30720xf32, #tpu.memory_space<hbm>> -> memref<1x30720xf32, #tpu.memory_space<hbm>>
      %dma_wait3A_49 = tpu.memref_squeeze %dma_wait3A_48 : memref<1x30720xf32, #tpu.memory_space<hbm>> -> memref<30720xf32, #tpu.memory_space<hbm>>
      tpu.wait_dma2 semaphore(%run_scoped3A : memref<!tpu.dma_semaphore, #tpu.memory_space<semaphore_mem>>) src(%arg7 : memref<30720xf32, #tpu.memory_space<vmem>>) dst(%dma_wait3A_49 : memref<30720xf32, #tpu.memory_space<hbm>>)
      tpu.yield
    }) : () -> ()
    return
  }
}

#map = affine_map<(d0, d1) -> (0)>
#map1 = affine_map<(d0, d1) -> (0, 0)>
module attributes {stable_mosaic.version = 14 : i64} {
  func.func @_unit_body(%arg0: i32, %arg1: i32, %arg2: memref<30720xf32, #tpu.memory_space<hbm>>, %arg3: memref<320000xi32, #tpu.memory_space<hbm>>, %arg4: memref<3x320000xf32, #tpu.memory_space<hbm>>, %arg5: memref<30720xf32, #tpu.memory_space<vmem>>, %arg6: memref<10000xi32, #tpu.memory_space<vmem>>, %arg7: memref<10000xf32, #tpu.memory_space<vmem>>, %arg8: memref<10000xf32, #tpu.memory_space<vmem>>, %arg9: memref<10000xf32, #tpu.memory_space<vmem>>) attributes {dimension_semantics = [#tpu.dimension_semantics<core_parallel>, #tpu.dimension_semantics<subcore_parallel>], iteration_bounds = array<i64: 2, 16>, scalar_prefetch = 0 : i64, scratch_operands = 5 : i64, tpu.core_type = #tpu.core_type<sc_vector_subcore>, window_params = [{transform_indices = #map}, {transform_indices = #map}, {transform_indices = #map1}]} {
    %mul3A = arith.constant 2 : i32
    %mul3A_0 = arith.muli %arg1, %mul3A : i32
    %add3A = arith.addi %mul3A_0, %arg0 : i32
    %mul3A_1 = arith.constant 10000 : i32
    %mul3A_2 = arith.muli %add3A, %mul3A_1 : i32
    "tpu.region"() ({
      %run_scoped3A_12 = tpu.sem_alloc : memref<!tpu.dma_semaphore, #tpu.memory_space<semaphore_mem>>
      tpu.enqueue_dma source(%arg2 : memref<30720xf32, #tpu.memory_space<hbm>>) target(%arg5 : memref<30720xf32, #tpu.memory_space<vmem>>) target_semaphore(%run_scoped3A_12 : memref<!tpu.dma_semaphore, #tpu.memory_space<semaphore_mem>>)
      tpu.wait_dma2 semaphore(%run_scoped3A_12 : memref<!tpu.dma_semaphore, #tpu.memory_space<semaphore_mem>>) src(%arg2 : memref<30720xf32, #tpu.memory_space<hbm>>) dst(%arg5 : memref<30720xf32, #tpu.memory_space<vmem>>)
      tpu.yield
    }) : () -> ()
    "tpu.region"() ({
      %run_scoped3A_12 = tpu.sem_alloc : memref<!tpu.dma_semaphore, #tpu.memory_space<semaphore_mem>>
      %dma_start3A = tpu.memref_slice %arg3[%mul3A_2] : memref<320000xi32, #tpu.memory_space<hbm>> -> memref<10000xi32, #tpu.memory_space<hbm>>
      %dma_start3A_13 = tpu.memref_slice %arg3[%mul3A_2] : memref<320000xi32, #tpu.memory_space<hbm>> -> memref<10000xi32, #tpu.memory_space<hbm>>
      tpu.enqueue_dma source(%dma_start3A_13 : memref<10000xi32, #tpu.memory_space<hbm>>) target(%arg6 : memref<10000xi32, #tpu.memory_space<vmem>>) target_semaphore(%run_scoped3A_12 : memref<!tpu.dma_semaphore, #tpu.memory_space<semaphore_mem>>)
      %dma_wait3A = tpu.memref_slice %arg3[%mul3A_2] : memref<320000xi32, #tpu.memory_space<hbm>> -> memref<10000xi32, #tpu.memory_space<hbm>>
      %dma_wait3A_14 = tpu.memref_slice %arg3[%mul3A_2] : memref<320000xi32, #tpu.memory_space<hbm>> -> memref<10000xi32, #tpu.memory_space<hbm>>
      tpu.wait_dma2 semaphore(%run_scoped3A_12 : memref<!tpu.dma_semaphore, #tpu.memory_space<semaphore_mem>>) src(%dma_wait3A_14 : memref<10000xi32, #tpu.memory_space<hbm>>) dst(%arg6 : memref<10000xi32, #tpu.memory_space<vmem>>)
      tpu.yield
    }) : () -> ()
    %broadcast_in_dim3A = arith.constant 10240 : i32
    %broadcast_in_dim3A_3 = vector.broadcast %broadcast_in_dim3A : i32 to vector<16xi32>
    %broadcast_in_dim3A_4 = arith.constant 20480 : i32
    %broadcast_in_dim3A_5 = vector.broadcast %broadcast_in_dim3A_4 : i32 to vector<16xi32>
    %broadcast_in_dim3A_6 = arith.constant 65535 : i32
    %broadcast_in_dim3A_7 = vector.broadcast %broadcast_in_dim3A_6 : i32 to vector<16xi32>
    %parallel_loop3A = arith.constant 0 : i32
    %parallel_loop3A_8 = arith.constant 625 : i32
    %parallel_loop3A_9 = arith.constant 1 : i32
    scf.for %parallel_loop3A_12 = %parallel_loop3A to %parallel_loop3A_8 step %parallel_loop3A_9  : i32 {
      %parallel_loop3A_13 = arith.constant 16 : i32
      %parallel_loop3A_14 = arith.muli %parallel_loop3A_12, %parallel_loop3A_13 : i32
      %parallel_loop3A_15 = arith.index_cast %parallel_loop3A_14 : i32 to index
      %parallel_loop3A_16 = tpu.vector_load %arg6[%parallel_loop3A_15] {strides = array<i32>} : memref<10000xi32, #tpu.memory_space<vmem>>, vector<16xi32>,
      %parallel_loop3A_17 = arith.andi %parallel_loop3A_16, %broadcast_in_dim3A_7 : vector<16xi32>
      %parallel_loop3A_18 = arith.constant 16 : i32
      %parallel_loop3A_19 = vector.broadcast %parallel_loop3A_18 : i32 to vector<16xi32>
      %parallel_loop3A_20 = arith.shrsi %parallel_loop3A_16, %parallel_loop3A_19 : vector<16xi32>
      %parallel_loop3A_21 = tpu.vector_load_idx %arg5[%parallel_loop3A_17] : memref<30720xf32, #tpu.memory_space<vmem>>[vector<16xi32>], vector<16xf32>,
      %parallel_loop3A_22 = arith.addi %parallel_loop3A_17, %broadcast_in_dim3A_3 : vector<16xi32>
      %parallel_loop3A_23 = tpu.vector_load_idx %arg5[%parallel_loop3A_22] : memref<30720xf32, #tpu.memory_space<vmem>>[vector<16xi32>], vector<16xf32>,
      %parallel_loop3A_24 = arith.addi %parallel_loop3A_17, %broadcast_in_dim3A_5 : vector<16xi32>
      %parallel_loop3A_25 = tpu.vector_load_idx %arg5[%parallel_loop3A_24] : memref<30720xf32, #tpu.memory_space<vmem>>[vector<16xi32>], vector<16xf32>,
      %parallel_loop3A_26 = tpu.vector_load_idx %arg5[%parallel_loop3A_20] : memref<30720xf32, #tpu.memory_space<vmem>>[vector<16xi32>], vector<16xf32>,
      %parallel_loop3A_27 = arith.addi %parallel_loop3A_20, %broadcast_in_dim3A_3 : vector<16xi32>
      %parallel_loop3A_28 = tpu.vector_load_idx %arg5[%parallel_loop3A_27] : memref<30720xf32, #tpu.memory_space<vmem>>[vector<16xi32>], vector<16xf32>,
      %parallel_loop3A_29 = arith.addi %parallel_loop3A_20, %broadcast_in_dim3A_5 : vector<16xi32>
      %parallel_loop3A_30 = tpu.vector_load_idx %arg5[%parallel_loop3A_29] : memref<30720xf32, #tpu.memory_space<vmem>>[vector<16xi32>], vector<16xf32>,
      %parallel_loop3A_31 = arith.subf %parallel_loop3A_26, %parallel_loop3A_21 : vector<16xf32>
      %parallel_loop3A_32 = arith.subf %parallel_loop3A_28, %parallel_loop3A_23 : vector<16xf32>
      %parallel_loop3A_33 = arith.subf %parallel_loop3A_30, %parallel_loop3A_25 : vector<16xf32>
      %parallel_loop3A_34 = arith.mulf %parallel_loop3A_31, %parallel_loop3A_31 : vector<16xf32>
      %parallel_loop3A_35 = arith.mulf %parallel_loop3A_32, %parallel_loop3A_32 : vector<16xf32>
      %parallel_loop3A_36 = arith.addf %parallel_loop3A_34, %parallel_loop3A_35 : vector<16xf32>
      %parallel_loop3A_37 = arith.mulf %parallel_loop3A_33, %parallel_loop3A_33 : vector<16xf32>
      %parallel_loop3A_38 = arith.addf %parallel_loop3A_36, %parallel_loop3A_37 : vector<16xf32>
      %parallel_loop3A_39 = arith.constant 1.000000e-30 : f32
      %parallel_loop3A_40 = vector.broadcast %parallel_loop3A_39 : f32 to vector<16xf32>
      %parallel_loop3A_41 = arith.maximumf %parallel_loop3A_38, %parallel_loop3A_40 : vector<16xf32>
      %parallel_loop3A_42 = vector.bitcast %parallel_loop3A_41 : vector<16xf32> to vector<16xi32>
      %parallel_loop3A_43 = arith.constant 1 : i32
      %parallel_loop3A_44 = vector.broadcast %parallel_loop3A_43 : i32 to vector<16xi32>
      %parallel_loop3A_45 = arith.shrsi %parallel_loop3A_42, %parallel_loop3A_44 : vector<16xi32>
      %parallel_loop3A_46 = arith.constant 1597463007 : i32
      %parallel_loop3A_47 = vector.broadcast %parallel_loop3A_46 : i32 to vector<16xi32>
      %parallel_loop3A_48 = arith.subi %parallel_loop3A_47, %parallel_loop3A_45 : vector<16xi32>
      %parallel_loop3A_49 = vector.bitcast %parallel_loop3A_48 : vector<16xi32> to vector<16xf32>
      %parallel_loop3A_50 = arith.constant 5.000000e-01 : f32
      %parallel_loop3A_51 = vector.broadcast %parallel_loop3A_50 : f32 to vector<16xf32>
      %parallel_loop3A_52 = arith.mulf %parallel_loop3A_41, %parallel_loop3A_51 : vector<16xf32>
      %parallel_loop3A_53 = arith.mulf %parallel_loop3A_52, %parallel_loop3A_49 : vector<16xf32>
      %parallel_loop3A_54 = arith.mulf %parallel_loop3A_53, %parallel_loop3A_49 : vector<16xf32>
      %parallel_loop3A_55 = arith.constant 1.500000e+00 : f32
      %parallel_loop3A_56 = vector.broadcast %parallel_loop3A_55 : f32 to vector<16xf32>
      %parallel_loop3A_57 = arith.subf %parallel_loop3A_56, %parallel_loop3A_54 : vector<16xf32>
      %parallel_loop3A_58 = arith.mulf %parallel_loop3A_49, %parallel_loop3A_57 : vector<16xf32>
      %parallel_loop3A_59 = arith.mulf %parallel_loop3A_52, %parallel_loop3A_58 : vector<16xf32>
      %parallel_loop3A_60 = arith.mulf %parallel_loop3A_59, %parallel_loop3A_58 : vector<16xf32>
      %parallel_loop3A_61 = arith.constant 1.500000e+00 : f32
      %parallel_loop3A_62 = vector.broadcast %parallel_loop3A_61 : f32 to vector<16xf32>
      %parallel_loop3A_63 = arith.subf %parallel_loop3A_62, %parallel_loop3A_60 : vector<16xf32>
      %parallel_loop3A_64 = arith.mulf %parallel_loop3A_58, %parallel_loop3A_63 : vector<16xf32>
      %parallel_loop3A_65 = arith.mulf %parallel_loop3A_52, %parallel_loop3A_64 : vector<16xf32>
      %parallel_loop3A_66 = arith.mulf %parallel_loop3A_65, %parallel_loop3A_64 : vector<16xf32>
      %parallel_loop3A_67 = arith.constant 1.500000e+00 : f32
      %parallel_loop3A_68 = vector.broadcast %parallel_loop3A_67 : f32 to vector<16xf32>
      %parallel_loop3A_69 = arith.subf %parallel_loop3A_68, %parallel_loop3A_66 : vector<16xf32>
      %parallel_loop3A_70 = arith.mulf %parallel_loop3A_64, %parallel_loop3A_69 : vector<16xf32>
      %parallel_loop3A_71 = arith.mulf %parallel_loop3A_38, %parallel_loop3A_70 : vector<16xf32>
      %parallel_loop3A_72 = arith.constant 9.99999993E-9 : f32
      %parallel_loop3A_73 = vector.broadcast %parallel_loop3A_72 : f32 to vector<16xf32>
      %parallel_loop3A_74 = arith.addf %parallel_loop3A_71, %parallel_loop3A_73 : vector<16xf32>
      %parallel_loop3A_75 = arith.constant 1.000000e+00 : f32
      %parallel_loop3A_76 = vector.broadcast %parallel_loop3A_75 : f32 to vector<16xf32>
      %parallel_loop3A_77 = arith.divf %parallel_loop3A_76, %parallel_loop3A_74 : vector<16xf32>
      %parallel_loop3A_78 = arith.mulf %parallel_loop3A_31, %parallel_loop3A_77 : vector<16xf32>
      %parallel_loop3A_79 = arith.index_cast %parallel_loop3A_14 : i32 to index
      %parallel_loop3A_80 = tpu.vector_load %arg7[%parallel_loop3A_79] {strides = array<i32>} : memref<10000xf32, #tpu.memory_space<vmem>>, vector<16xf32>,
      tpu.vector_store %arg7[%parallel_loop3A_79], %parallel_loop3A_78 {strides = array<i32>} : memref<10000xf32, #tpu.memory_space<vmem>>, vector<16xf32>,
      %parallel_loop3A_81 = arith.mulf %parallel_loop3A_32, %parallel_loop3A_77 : vector<16xf32>
      %parallel_loop3A_82 = arith.index_cast %parallel_loop3A_14 : i32 to index
      %parallel_loop3A_83 = tpu.vector_load %arg8[%parallel_loop3A_82] {strides = array<i32>} : memref<10000xf32, #tpu.memory_space<vmem>>, vector<16xf32>,
      tpu.vector_store %arg8[%parallel_loop3A_82], %parallel_loop3A_81 {strides = array<i32>} : memref<10000xf32, #tpu.memory_space<vmem>>, vector<16xf32>,
      %parallel_loop3A_84 = arith.mulf %parallel_loop3A_33, %parallel_loop3A_77 : vector<16xf32>
      %parallel_loop3A_85 = arith.index_cast %parallel_loop3A_14 : i32 to index
      %parallel_loop3A_86 = tpu.vector_load %arg9[%parallel_loop3A_85] {strides = array<i32>} : memref<10000xf32, #tpu.memory_space<vmem>>, vector<16xf32>,
      tpu.vector_store %arg9[%parallel_loop3A_85], %parallel_loop3A_84 {strides = array<i32>} : memref<10000xf32, #tpu.memory_space<vmem>>, vector<16xf32>,
    } {sc.loop_unroll_factor = 4 : i64, sc.parallel_access}
    %run_scoped3A = arith.constant 0 : i32
    "tpu.region"() ({
      %run_scoped3A_12 = tpu.sem_alloc : memref<!tpu.dma_semaphore, #tpu.memory_space<semaphore_mem>>
      %dma_start3A = tpu.memref_slice %arg4[%run_scoped3A, %mul3A_2] : memref<3x320000xf32, #tpu.memory_space<hbm>> -> memref<1x10000xf32, #tpu.memory_space<hbm>>
      %dma_start3A_13 = tpu.memref_squeeze %dma_start3A : memref<1x10000xf32, #tpu.memory_space<hbm>> -> memref<10000xf32, #tpu.memory_space<hbm>>
      %dma_start3A_14 = tpu.memref_slice %arg4[%run_scoped3A, %mul3A_2] : memref<3x320000xf32, #tpu.memory_space<hbm>> -> memref<1x10000xf32, #tpu.memory_space<hbm>>
      %dma_start3A_15 = tpu.memref_squeeze %dma_start3A_14 : memref<1x10000xf32, #tpu.memory_space<hbm>> -> memref<10000xf32, #tpu.memory_space<hbm>>
      tpu.enqueue_dma source(%arg7 : memref<10000xf32, #tpu.memory_space<vmem>>) target(%dma_start3A_15 : memref<10000xf32, #tpu.memory_space<hbm>>) target_semaphore(%run_scoped3A_12 : memref<!tpu.dma_semaphore, #tpu.memory_space<semaphore_mem>>)
      %dma_wait3A = tpu.memref_slice %arg4[%run_scoped3A, %mul3A_2] : memref<3x320000xf32, #tpu.memory_space<hbm>> -> memref<1x10000xf32, #tpu.memory_space<hbm>>
      %dma_wait3A_16 = tpu.memref_squeeze %dma_wait3A : memref<1x10000xf32, #tpu.memory_space<hbm>> -> memref<10000xf32, #tpu.memory_space<hbm>>
      %dma_wait3A_17 = tpu.memref_slice %arg4[%run_scoped3A, %mul3A_2] : memref<3x320000xf32, #tpu.memory_space<hbm>> -> memref<1x10000xf32, #tpu.memory_space<hbm>>
      %dma_wait3A_18 = tpu.memref_squeeze %dma_wait3A_17 : memref<1x10000xf32, #tpu.memory_space<hbm>> -> memref<10000xf32, #tpu.memory_space<hbm>>
      tpu.wait_dma2 semaphore(%run_scoped3A_12 : memref<!tpu.dma_semaphore, #tpu.memory_space<semaphore_mem>>) src(%arg7 : memref<10000xf32, #tpu.memory_space<vmem>>) dst(%dma_wait3A_18 : memref<10000xf32, #tpu.memory_space<hbm>>)
      tpu.yield
    }) : () -> ()
    %run_scoped3A_10 = arith.constant 1 : i32
    "tpu.region"() ({
      %run_scoped3A_12 = tpu.sem_alloc : memref<!tpu.dma_semaphore, #tpu.memory_space<semaphore_mem>>
      %dma_start3A = tpu.memref_slice %arg4[%run_scoped3A_10, %mul3A_2] : memref<3x320000xf32, #tpu.memory_space<hbm>> -> memref<1x10000xf32, #tpu.memory_space<hbm>>
      %dma_start3A_13 = tpu.memref_squeeze %dma_start3A : memref<1x10000xf32, #tpu.memory_space<hbm>> -> memref<10000xf32, #tpu.memory_space<hbm>>
      %dma_start3A_14 = tpu.memref_slice %arg4[%run_scoped3A_10, %mul3A_2] : memref<3x320000xf32, #tpu.memory_space<hbm>> -> memref<1x10000xf32, #tpu.memory_space<hbm>>
      %dma_start3A_15 = tpu.memref_squeeze %dma_start3A_14 : memref<1x10000xf32, #tpu.memory_space<hbm>> -> memref<10000xf32, #tpu.memory_space<hbm>>
      tpu.enqueue_dma source(%arg8 : memref<10000xf32, #tpu.memory_space<vmem>>) target(%dma_start3A_15 : memref<10000xf32, #tpu.memory_space<hbm>>) target_semaphore(%run_scoped3A_12 : memref<!tpu.dma_semaphore, #tpu.memory_space<semaphore_mem>>)
      %dma_wait3A = tpu.memref_slice %arg4[%run_scoped3A_10, %mul3A_2] : memref<3x320000xf32, #tpu.memory_space<hbm>> -> memref<1x10000xf32, #tpu.memory_space<hbm>>
      %dma_wait3A_16 = tpu.memref_squeeze %dma_wait3A : memref<1x10000xf32, #tpu.memory_space<hbm>> -> memref<10000xf32, #tpu.memory_space<hbm>>
      %dma_wait3A_17 = tpu.memref_slice %arg4[%run_scoped3A_10, %mul3A_2] : memref<3x320000xf32, #tpu.memory_space<hbm>> -> memref<1x10000xf32, #tpu.memory_space<hbm>>
      %dma_wait3A_18 = tpu.memref_squeeze %dma_wait3A_17 : memref<1x10000xf32, #tpu.memory_space<hbm>> -> memref<10000xf32, #tpu.memory_space<hbm>>
      tpu.wait_dma2 semaphore(%run_scoped3A_12 : memref<!tpu.dma_semaphore, #tpu.memory_space<semaphore_mem>>) src(%arg8 : memref<10000xf32, #tpu.memory_space<vmem>>) dst(%dma_wait3A_18 : memref<10000xf32, #tpu.memory_space<hbm>>)
      tpu.yield
    }) : () -> ()
    %run_scoped3A_11 = arith.constant 2 : i32
    "tpu.region"() ({
      %run_scoped3A_12 = tpu.sem_alloc : memref<!tpu.dma_semaphore, #tpu.memory_space<semaphore_mem>>
      %dma_start3A = tpu.memref_slice %arg4[%run_scoped3A_11, %mul3A_2] : memref<3x320000xf32, #tpu.memory_space<hbm>> -> memref<1x10000xf32, #tpu.memory_space<hbm>>
      %dma_start3A_13 = tpu.memref_squeeze %dma_start3A : memref<1x10000xf32, #tpu.memory_space<hbm>> -> memref<10000xf32, #tpu.memory_space<hbm>>
      %dma_start3A_14 = tpu.memref_slice %arg4[%run_scoped3A_11, %mul3A_2] : memref<3x320000xf32, #tpu.memory_space<hbm>> -> memref<1x10000xf32, #tpu.memory_space<hbm>>
      %dma_start3A_15 = tpu.memref_squeeze %dma_start3A_14 : memref<1x10000xf32, #tpu.memory_space<hbm>> -> memref<10000xf32, #tpu.memory_space<hbm>>
      tpu.enqueue_dma source(%arg9 : memref<10000xf32, #tpu.memory_space<vmem>>) target(%dma_start3A_15 : memref<10000xf32, #tpu.memory_space<hbm>>) target_semaphore(%run_scoped3A_12 : memref<!tpu.dma_semaphore, #tpu.memory_space<semaphore_mem>>)
      %dma_wait3A = tpu.memref_slice %arg4[%run_scoped3A_11, %mul3A_2] : memref<3x320000xf32, #tpu.memory_space<hbm>> -> memref<1x10000xf32, #tpu.memory_space<hbm>>
      %dma_wait3A_16 = tpu.memref_squeeze %dma_wait3A : memref<1x10000xf32, #tpu.memory_space<hbm>> -> memref<10000xf32, #tpu.memory_space<hbm>>
      %dma_wait3A_17 = tpu.memref_slice %arg4[%run_scoped3A_11, %mul3A_2] : memref<3x320000xf32, #tpu.memory_space<hbm>> -> memref<1x10000xf32, #tpu.memory_space<hbm>>
      %dma_wait3A_18 = tpu.memref_squeeze %dma_wait3A_17 : memref<1x10000xf32, #tpu.memory_space<hbm>> -> memref<10000xf32, #tpu.memory_space<hbm>>
      tpu.wait_dma2 semaphore(%run_scoped3A_12 : memref<!tpu.dma_semaphore, #tpu.memory_space<semaphore_mem>>) src(%arg9 : memref<10000xf32, #tpu.memory_space<vmem>>) dst(%dma_wait3A_18 : memref<10000xf32, #tpu.memory_space<hbm>>)
      tpu.yield
    }) : () -> ()
    return
  }
}

#map = affine_map<(d0, d1) -> (0)>
#map1 = affine_map<(d0, d1) -> (0, 0, 0)>
module attributes {stable_mosaic.version = 14 : i64} {
  func.func @_atom_body(%arg0: i32, %arg1: i32, %arg2: memref<30720xf32, #tpu.memory_space<hbm>>, %arg3: memref<81952xi32, #tpu.memory_space<hbm>>, %arg4: memref<983040xf32, #tpu.memory_space<hbm>>, %arg5: memref<10240xi32, #tpu.memory_space<hbm>>, %arg6: memref<32x3x2560xf32, #tpu.memory_space<hbm>>, %arg7: memref<30720xf32, #tpu.memory_space<vmem>>, %arg8: memref<2592xi32, #tpu.memory_space<vmem>>, %arg9: memref<2560xi32, #tpu.memory_space<vmem>>, %arg10: memref<2560xi32, #tpu.memory_space<vmem>>, %arg11: memref<2560xi32, #tpu.memory_space<vmem>>, %arg12: memref<2560xf32, #tpu.memory_space<vmem>>, %arg13: memref<2560xf32, #tpu.memory_space<vmem>>, %arg14: memref<2560xf32, #tpu.memory_space<vmem>>, %arg15: memref<2560xf32, #tpu.memory_space<vmem>>, %arg16: memref<2560xf32, #tpu.memory_space<vmem>>, %arg17: memref<2560xf32, #tpu.memory_space<vmem>>, %arg18: memref<10240xi32, #tpu.memory_space<vmem>>, %arg19: memref<!tpu.dma_semaphore, #tpu.memory_space<semaphore_mem>>) attributes {dimension_semantics = [#tpu.dimension_semantics<core_parallel>, #tpu.dimension_semantics<subcore_parallel>], iteration_bounds = array<i64: 2, 16>, scalar_prefetch = 0 : i64, scratch_operands = 13 : i64, tpu.core_type = #tpu.core_type<sc_vector_subcore>, window_params = [{transform_indices = #map}, {transform_indices = #map}, {transform_indices = #map}, {transform_indices = #map}, {transform_indices = #map1}]} {
    %mul3A = arith.constant 2 : i32
    %mul3A_0 = arith.muli %arg1, %mul3A : i32
    %add3A = arith.addi %mul3A_0, %arg0 : i32
    %mul3A_1 = arith.constant 2560 : i32
    %mul3A_2 = arith.muli %add3A, %mul3A_1 : i32
    "tpu.region"() ({
      %run_scoped3A_734 = tpu.sem_alloc : memref<!tpu.dma_semaphore, #tpu.memory_space<semaphore_mem>>
      tpu.enqueue_dma source(%arg2 : memref<30720xf32, #tpu.memory_space<hbm>>) target(%arg7 : memref<30720xf32, #tpu.memory_space<vmem>>) target_semaphore(%run_scoped3A_734 : memref<!tpu.dma_semaphore, #tpu.memory_space<semaphore_mem>>)
      tpu.wait_dma2 semaphore(%run_scoped3A_734 : memref<!tpu.dma_semaphore, #tpu.memory_space<semaphore_mem>>) src(%arg2 : memref<30720xf32, #tpu.memory_space<hbm>>) dst(%arg7 : memref<30720xf32, #tpu.memory_space<vmem>>)
      tpu.yield
    }) : () -> ()
    "tpu.region"() ({
      %run_scoped3A_734 = tpu.sem_alloc : memref<!tpu.dma_semaphore, #tpu.memory_space<semaphore_mem>>
      %dma_start3A_735 = tpu.memref_slice %arg3[%mul3A_2] : memref<81952xi32, #tpu.memory_space<hbm>> -> memref<2592xi32, #tpu.memory_space<hbm>>
      %dma_start3A_736 = tpu.memref_slice %arg3[%mul3A_2] : memref<81952xi32, #tpu.memory_space<hbm>> -> memref<2592xi32, #tpu.memory_space<hbm>>
      tpu.enqueue_dma source(%dma_start3A_736 : memref<2592xi32, #tpu.memory_space<hbm>>) target(%arg8 : memref<2592xi32, #tpu.memory_space<vmem>>) target_semaphore(%run_scoped3A_734 : memref<!tpu.dma_semaphore, #tpu.memory_space<semaphore_mem>>)
      %dma_wait3A_737 = tpu.memref_slice %arg3[%mul3A_2] : memref<81952xi32, #tpu.memory_space<hbm>> -> memref<2592xi32, #tpu.memory_space<hbm>>
      %dma_wait3A_738 = tpu.memref_slice %arg3[%mul3A_2] : memref<81952xi32, #tpu.memory_space<hbm>> -> memref<2592xi32, #tpu.memory_space<hbm>>
      tpu.wait_dma2 semaphore(%run_scoped3A_734 : memref<!tpu.dma_semaphore, #tpu.memory_space<semaphore_mem>>) src(%dma_wait3A_738 : memref<2592xi32, #tpu.memory_space<hbm>>) dst(%arg8 : memref<2592xi32, #tpu.memory_space<vmem>>)
      tpu.yield
    }) : () -> ()
    "tpu.region"() ({
      %run_scoped3A_734 = tpu.sem_alloc : memref<!tpu.dma_semaphore, #tpu.memory_space<semaphore_mem>>
      tpu.enqueue_dma source(%arg5 : memref<10240xi32, #tpu.memory_space<hbm>>) target(%arg18 : memref<10240xi32, #tpu.memory_space<vmem>>) target_semaphore(%run_scoped3A_734 : memref<!tpu.dma_semaphore, #tpu.memory_space<semaphore_mem>>)
      tpu.wait_dma2 semaphore(%run_scoped3A_734 : memref<!tpu.dma_semaphore, #tpu.memory_space<semaphore_mem>>) src(%arg5 : memref<10240xi32, #tpu.memory_space<hbm>>) dst(%arg18 : memref<10240xi32, #tpu.memory_space<vmem>>)
      tpu.yield
    }) : () -> ()
    %iota3A = tpu.iota {dimensions = array<i32: 0>} : vector<16xi32>
    %broadcast_in_dim3A = arith.constant 10240 : i32
    %broadcast_in_dim3A_3 = vector.broadcast %broadcast_in_dim3A : i32 to vector<16xi32>
    %broadcast_in_dim3A_4 = arith.constant 20480 : i32
    %broadcast_in_dim3A_5 = vector.broadcast %broadcast_in_dim3A_4 : i32 to vector<16xi32>
    %parallel_loop3A = arith.constant 0 : i32
    %parallel_loop3A_6 = arith.constant 160 : i32
    %parallel_loop3A_7 = arith.constant 1 : i32
    scf.for %parallel_loop3A_734 = %parallel_loop3A to %parallel_loop3A_6 step %parallel_loop3A_7  : i32 {
      %parallel_loop3A_735 = arith.constant 16 : i32
      %parallel_loop3A_736 = arith.muli %parallel_loop3A_734, %parallel_loop3A_735 : i32
      %parallel_loop3A_737 = arith.constant 32 : i32
      %parallel_loop3A_738 = arith.addi %parallel_loop3A_737, %parallel_loop3A_736 : i32
      %parallel_loop3A_739 = arith.index_cast %parallel_loop3A_738 : i32 to index
      %parallel_loop3A_740 = tpu.vector_load %arg8[%parallel_loop3A_739] {strides = array<i32>} : memref<2592xi32, #tpu.memory_space<vmem>>, vector<16xi32>,
      %parallel_loop3A_741 = arith.constant 0 : i32
      %parallel_loop3A_742 = vector.broadcast %parallel_loop3A_741 : i32 to vector<16xi32>
      %parallel_loop3A_743 = arith.constant 32 : i32
      %parallel_loop3A_744 = arith.addi %parallel_loop3A_743, %parallel_loop3A_736 : i32
      %parallel_loop3A_745 = arith.constant 1 : i32
      %parallel_loop3A_746 = arith.subi %parallel_loop3A_744, %parallel_loop3A_745 : i32
      %parallel_loop3A_747 = vector.broadcast %parallel_loop3A_746 : i32 to vector<16xi32>
      %parallel_loop3A_748 = arith.addi %iota3A, %parallel_loop3A_747 : vector<16xi32>
      %parallel_loop3A_749 = tpu.vector_load_idx %arg8[%parallel_loop3A_748] : memref<2592xi32, #tpu.memory_space<vmem>>[vector<16xi32>], vector<16xi32>,
      %parallel_loop3A_750 = arith.cmpi eq, %parallel_loop3A_749, %parallel_loop3A_740 : vector<16xi32>
      %parallel_loop3A_751 = arith.extui %parallel_loop3A_750 : vector<16xi1> to vector<16xi32>
      %parallel_loop3A_752 = arith.addi %parallel_loop3A_742, %parallel_loop3A_751 : vector<16xi32>
      %parallel_loop3A_753 = arith.constant 32 : i32
      %parallel_loop3A_754 = arith.addi %parallel_loop3A_753, %parallel_loop3A_736 : i32
      %parallel_loop3A_755 = arith.constant 2 : i32
      %parallel_loop3A_756 = arith.subi %parallel_loop3A_754, %parallel_loop3A_755 : i32
      %parallel_loop3A_757 = vector.broadcast %parallel_loop3A_756 : i32 to vector<16xi32>
      %parallel_loop3A_758 = arith.addi %iota3A, %parallel_loop3A_757 : vector<16xi32>
      %parallel_loop3A_759 = tpu.vector_load_idx %arg8[%parallel_loop3A_758] : memref<2592xi32, #tpu.memory_space<vmem>>[vector<16xi32>], vector<16xi32>,
      %parallel_loop3A_760 = arith.cmpi eq, %parallel_loop3A_759, %parallel_loop3A_740 : vector<16xi32>
      %parallel_loop3A_761 = arith.extui %parallel_loop3A_760 : vector<16xi1> to vector<16xi32>
      %parallel_loop3A_762 = arith.addi %parallel_loop3A_752, %parallel_loop3A_761 : vector<16xi32>
      %parallel_loop3A_763 = arith.constant 32 : i32
      %parallel_loop3A_764 = arith.addi %parallel_loop3A_763, %parallel_loop3A_736 : i32
      %parallel_loop3A_765 = arith.constant 3 : i32
      %parallel_loop3A_766 = arith.subi %parallel_loop3A_764, %parallel_loop3A_765 : i32
      %parallel_loop3A_767 = vector.broadcast %parallel_loop3A_766 : i32 to vector<16xi32>
      %parallel_loop3A_768 = arith.addi %iota3A, %parallel_loop3A_767 : vector<16xi32>
      %parallel_loop3A_769 = tpu.vector_load_idx %arg8[%parallel_loop3A_768] : memref<2592xi32, #tpu.memory_space<vmem>>[vector<16xi32>], vector<16xi32>,
      %parallel_loop3A_770 = arith.cmpi eq, %parallel_loop3A_769, %parallel_loop3A_740 : vector<16xi32>
      %parallel_loop3A_771 = arith.extui %parallel_loop3A_770 : vector<16xi1> to vector<16xi32>
      %parallel_loop3A_772 = arith.addi %parallel_loop3A_762, %parallel_loop3A_771 : vector<16xi32>
      %parallel_loop3A_773 = arith.constant 32 : i32
      %parallel_loop3A_774 = arith.addi %parallel_loop3A_773, %parallel_loop3A_736 : i32
      %parallel_loop3A_775 = arith.constant 4 : i32
      %parallel_loop3A_776 = arith.subi %parallel_loop3A_774, %parallel_loop3A_775 : i32
      %parallel_loop3A_777 = vector.broadcast %parallel_loop3A_776 : i32 to vector<16xi32>
      %parallel_loop3A_778 = arith.addi %iota3A, %parallel_loop3A_777 : vector<16xi32>
      %parallel_loop3A_779 = tpu.vector_load_idx %arg8[%parallel_loop3A_778] : memref<2592xi32, #tpu.memory_space<vmem>>[vector<16xi32>], vector<16xi32>,
      %parallel_loop3A_780 = arith.cmpi eq, %parallel_loop3A_779, %parallel_loop3A_740 : vector<16xi32>
      %parallel_loop3A_781 = arith.extui %parallel_loop3A_780 : vector<16xi1> to vector<16xi32>
      %parallel_loop3A_782 = arith.addi %parallel_loop3A_772, %parallel_loop3A_781 : vector<16xi32>
      %parallel_loop3A_783 = arith.constant 32 : i32
      %parallel_loop3A_784 = arith.addi %parallel_loop3A_783, %parallel_loop3A_736 : i32
      %parallel_loop3A_785 = arith.constant 5 : i32
      %parallel_loop3A_786 = arith.subi %parallel_loop3A_784, %parallel_loop3A_785 : i32
      %parallel_loop3A_787 = vector.broadcast %parallel_loop3A_786 : i32 to vector<16xi32>
      %parallel_loop3A_788 = arith.addi %iota3A, %parallel_loop3A_787 : vector<16xi32>
      %parallel_loop3A_789 = tpu.vector_load_idx %arg8[%parallel_loop3A_788] : memref<2592xi32, #tpu.memory_space<vmem>>[vector<16xi32>], vector<16xi32>,
      %parallel_loop3A_790 = arith.cmpi eq, %parallel_loop3A_789, %parallel_loop3A_740 : vector<16xi32>
      %parallel_loop3A_791 = arith.extui %parallel_loop3A_790 : vector<16xi1> to vector<16xi32>
      %parallel_loop3A_792 = arith.addi %parallel_loop3A_782, %parallel_loop3A_791 : vector<16xi32>
      %parallel_loop3A_793 = arith.constant 32 : i32
      %parallel_loop3A_794 = arith.addi %parallel_loop3A_793, %parallel_loop3A_736 : i32
      %parallel_loop3A_795 = arith.constant 6 : i32
      %parallel_loop3A_796 = arith.subi %parallel_loop3A_794, %parallel_loop3A_795 : i32
      %parallel_loop3A_797 = vector.broadcast %parallel_loop3A_796 : i32 to vector<16xi32>
      %parallel_loop3A_798 = arith.addi %iota3A, %parallel_loop3A_797 : vector<16xi32>
      %parallel_loop3A_799 = tpu.vector_load_idx %arg8[%parallel_loop3A_798] : memref<2592xi32, #tpu.memory_space<vmem>>[vector<16xi32>], vector<16xi32>,
      %parallel_loop3A_800 = arith.cmpi eq, %parallel_loop3A_799, %parallel_loop3A_740 : vector<16xi32>
      %parallel_loop3A_801 = arith.extui %parallel_loop3A_800 : vector<16xi1> to vector<16xi32>
      %parallel_loop3A_802 = arith.addi %parallel_loop3A_792, %parallel_loop3A_801 : vector<16xi32>
      %parallel_loop3A_803 = arith.constant 32 : i32
      %parallel_loop3A_804 = arith.addi %parallel_loop3A_803, %parallel_loop3A_736 : i32
      %parallel_loop3A_805 = arith.constant 7 : i32
      %parallel_loop3A_806 = arith.subi %parallel_loop3A_804, %parallel_loop3A_805 : i32
      %parallel_loop3A_807 = vector.broadcast %parallel_loop3A_806 : i32 to vector<16xi32>
      %parallel_loop3A_808 = arith.addi %iota3A, %parallel_loop3A_807 : vector<16xi32>
      %parallel_loop3A_809 = tpu.vector_load_idx %arg8[%parallel_loop3A_808] : memref<2592xi32, #tpu.memory_space<vmem>>[vector<16xi32>], vector<16xi32>,
      %parallel_loop3A_810 = arith.cmpi eq, %parallel_loop3A_809, %parallel_loop3A_740 : vector<16xi32>
      %parallel_loop3A_811 = arith.extui %parallel_loop3A_810 : vector<16xi1> to vector<16xi32>
      %parallel_loop3A_812 = arith.addi %parallel_loop3A_802, %parallel_loop3A_811 : vector<16xi32>
      %parallel_loop3A_813 = arith.constant 32 : i32
      %parallel_loop3A_814 = arith.addi %parallel_loop3A_813, %parallel_loop3A_736 : i32
      %parallel_loop3A_815 = arith.constant 8 : i32
      %parallel_loop3A_816 = arith.subi %parallel_loop3A_814, %parallel_loop3A_815 : i32
      %parallel_loop3A_817 = vector.broadcast %parallel_loop3A_816 : i32 to vector<16xi32>
      %parallel_loop3A_818 = arith.addi %iota3A, %parallel_loop3A_817 : vector<16xi32>
      %parallel_loop3A_819 = tpu.vector_load_idx %arg8[%parallel_loop3A_818] : memref<2592xi32, #tpu.memory_space<vmem>>[vector<16xi32>], vector<16xi32>,
      %parallel_loop3A_820 = arith.cmpi eq, %parallel_loop3A_819, %parallel_loop3A_740 : vector<16xi32>
      %parallel_loop3A_821 = arith.extui %parallel_loop3A_820 : vector<16xi1> to vector<16xi32>
      %parallel_loop3A_822 = arith.addi %parallel_loop3A_812, %parallel_loop3A_821 : vector<16xi32>
      %parallel_loop3A_823 = arith.constant 32 : i32
      %parallel_loop3A_824 = arith.addi %parallel_loop3A_823, %parallel_loop3A_736 : i32
      %parallel_loop3A_825 = arith.constant 9 : i32
      %parallel_loop3A_826 = arith.subi %parallel_loop3A_824, %parallel_loop3A_825 : i32
      %parallel_loop3A_827 = vector.broadcast %parallel_loop3A_826 : i32 to vector<16xi32>
      %parallel_loop3A_828 = arith.addi %iota3A, %parallel_loop3A_827 : vector<16xi32>
      %parallel_loop3A_829 = tpu.vector_load_idx %arg8[%parallel_loop3A_828] : memref<2592xi32, #tpu.memory_space<vmem>>[vector<16xi32>], vector<16xi32>,
      %parallel_loop3A_830 = arith.cmpi eq, %parallel_loop3A_829, %parallel_loop3A_740 : vector<16xi32>
      %parallel_loop3A_831 = arith.extui %parallel_loop3A_830 : vector<16xi1> to vector<16xi32>
      %parallel_loop3A_832 = arith.addi %parallel_loop3A_822, %parallel_loop3A_831 : vector<16xi32>
      %parallel_loop3A_833 = arith.constant 32 : i32
      %parallel_loop3A_834 = arith.addi %parallel_loop3A_833, %parallel_loop3A_736 : i32
      %parallel_loop3A_835 = arith.constant 10 : i32
      %parallel_loop3A_836 = arith.subi %parallel_loop3A_834, %parallel_loop3A_835 : i32
      %parallel_loop3A_837 = vector.broadcast %parallel_loop3A_836 : i32 to vector<16xi32>
      %parallel_loop3A_838 = arith.addi %iota3A, %parallel_loop3A_837 : vector<16xi32>
      %parallel_loop3A_839 = tpu.vector_load_idx %arg8[%parallel_loop3A_838] : memref<2592xi32, #tpu.memory_space<vmem>>[vector<16xi32>], vector<16xi32>,
      %parallel_loop3A_840 = arith.cmpi eq, %parallel_loop3A_839, %parallel_loop3A_740 : vector<16xi32>
      %parallel_loop3A_841 = arith.extui %parallel_loop3A_840 : vector<16xi1> to vector<16xi32>
      %parallel_loop3A_842 = arith.addi %parallel_loop3A_832, %parallel_loop3A_841 : vector<16xi32>
      %parallel_loop3A_843 = arith.constant 32 : i32
      %parallel_loop3A_844 = arith.addi %parallel_loop3A_843, %parallel_loop3A_736 : i32
      %parallel_loop3A_845 = arith.constant 11 : i32
      %parallel_loop3A_846 = arith.subi %parallel_loop3A_844, %parallel_loop3A_845 : i32
      %parallel_loop3A_847 = vector.broadcast %parallel_loop3A_846 : i32 to vector<16xi32>
      %parallel_loop3A_848 = arith.addi %iota3A, %parallel_loop3A_847 : vector<16xi32>
      %parallel_loop3A_849 = tpu.vector_load_idx %arg8[%parallel_loop3A_848] : memref<2592xi32, #tpu.memory_space<vmem>>[vector<16xi32>], vector<16xi32>,
      %parallel_loop3A_850 = arith.cmpi eq, %parallel_loop3A_849, %parallel_loop3A_740 : vector<16xi32>
      %parallel_loop3A_851 = arith.extui %parallel_loop3A_850 : vector<16xi1> to vector<16xi32>
      %parallel_loop3A_852 = arith.addi %parallel_loop3A_842, %parallel_loop3A_851 : vector<16xi32>
      %parallel_loop3A_853 = arith.constant 32 : i32
      %parallel_loop3A_854 = arith.addi %parallel_loop3A_853, %parallel_loop3A_736 : i32
      %parallel_loop3A_855 = arith.constant 12 : i32
      %parallel_loop3A_856 = arith.subi %parallel_loop3A_854, %parallel_loop3A_855 : i32
      %parallel_loop3A_857 = vector.broadcast %parallel_loop3A_856 : i32 to vector<16xi32>
      %parallel_loop3A_858 = arith.addi %iota3A, %parallel_loop3A_857 : vector<16xi32>
      %parallel_loop3A_859 = tpu.vector_load_idx %arg8[%parallel_loop3A_858] : memref<2592xi32, #tpu.memory_space<vmem>>[vector<16xi32>], vector<16xi32>,
      %parallel_loop3A_860 = arith.cmpi eq, %parallel_loop3A_859, %parallel_loop3A_740 : vector<16xi32>
      %parallel_loop3A_861 = arith.extui %parallel_loop3A_860 : vector<16xi1> to vector<16xi32>
      %parallel_loop3A_862 = arith.addi %parallel_loop3A_852, %parallel_loop3A_861 : vector<16xi32>
      %parallel_loop3A_863 = arith.constant 32 : i32
      %parallel_loop3A_864 = arith.addi %parallel_loop3A_863, %parallel_loop3A_736 : i32
      %parallel_loop3A_865 = arith.constant 13 : i32
      %parallel_loop3A_866 = arith.subi %parallel_loop3A_864, %parallel_loop3A_865 : i32
      %parallel_loop3A_867 = vector.broadcast %parallel_loop3A_866 : i32 to vector<16xi32>
      %parallel_loop3A_868 = arith.addi %iota3A, %parallel_loop3A_867 : vector<16xi32>
      %parallel_loop3A_869 = tpu.vector_load_idx %arg8[%parallel_loop3A_868] : memref<2592xi32, #tpu.memory_space<vmem>>[vector<16xi32>], vector<16xi32>,
      %parallel_loop3A_870 = arith.cmpi eq, %parallel_loop3A_869, %parallel_loop3A_740 : vector<16xi32>
      %parallel_loop3A_871 = arith.extui %parallel_loop3A_870 : vector<16xi1> to vector<16xi32>
      %parallel_loop3A_872 = arith.addi %parallel_loop3A_862, %parallel_loop3A_871 : vector<16xi32>
      %parallel_loop3A_873 = arith.constant 32 : i32
      %parallel_loop3A_874 = arith.addi %parallel_loop3A_873, %parallel_loop3A_736 : i32
      %parallel_loop3A_875 = arith.constant 14 : i32
      %parallel_loop3A_876 = arith.subi %parallel_loop3A_874, %parallel_loop3A_875 : i32
      %parallel_loop3A_877 = vector.broadcast %parallel_loop3A_876 : i32 to vector<16xi32>
      %parallel_loop3A_878 = arith.addi %iota3A, %parallel_loop3A_877 : vector<16xi32>
      %parallel_loop3A_879 = tpu.vector_load_idx %arg8[%parallel_loop3A_878] : memref<2592xi32, #tpu.memory_space<vmem>>[vector<16xi32>], vector<16xi32>,
      %parallel_loop3A_880 = arith.cmpi eq, %parallel_loop3A_879, %parallel_loop3A_740 : vector<16xi32>
      %parallel_loop3A_881 = arith.extui %parallel_loop3A_880 : vector<16xi1> to vector<16xi32>
      %parallel_loop3A_882 = arith.addi %parallel_loop3A_872, %parallel_loop3A_881 : vector<16xi32>
      %parallel_loop3A_883 = arith.constant 32 : i32
      %parallel_loop3A_884 = arith.addi %parallel_loop3A_883, %parallel_loop3A_736 : i32
      %parallel_loop3A_885 = arith.constant 15 : i32
      %parallel_loop3A_886 = arith.subi %parallel_loop3A_884, %parallel_loop3A_885 : i32
      %parallel_loop3A_887 = vector.broadcast %parallel_loop3A_886 : i32 to vector<16xi32>
      %parallel_loop3A_888 = arith.addi %iota3A, %parallel_loop3A_887 : vector<16xi32>
      %parallel_loop3A_889 = tpu.vector_load_idx %arg8[%parallel_loop3A_888] : memref<2592xi32, #tpu.memory_space<vmem>>[vector<16xi32>], vector<16xi32>,
      %parallel_loop3A_890 = arith.cmpi eq, %parallel_loop3A_889, %parallel_loop3A_740 : vector<16xi32>
      %parallel_loop3A_891 = arith.extui %parallel_loop3A_890 : vector<16xi1> to vector<16xi32>
      %parallel_loop3A_892 = arith.addi %parallel_loop3A_882, %parallel_loop3A_891 : vector<16xi32>
      %parallel_loop3A_893 = arith.constant 32 : i32
      %parallel_loop3A_894 = arith.addi %parallel_loop3A_893, %parallel_loop3A_736 : i32
      %parallel_loop3A_895 = arith.constant 16 : i32
      %parallel_loop3A_896 = arith.subi %parallel_loop3A_894, %parallel_loop3A_895 : i32
      %parallel_loop3A_897 = vector.broadcast %parallel_loop3A_896 : i32 to vector<16xi32>
      %parallel_loop3A_898 = arith.addi %iota3A, %parallel_loop3A_897 : vector<16xi32>
      %parallel_loop3A_899 = tpu.vector_load_idx %arg8[%parallel_loop3A_898] : memref<2592xi32, #tpu.memory_space<vmem>>[vector<16xi32>], vector<16xi32>,
      %parallel_loop3A_900 = arith.cmpi eq, %parallel_loop3A_899, %parallel_loop3A_740 : vector<16xi32>
      %parallel_loop3A_901 = arith.extui %parallel_loop3A_900 : vector<16xi1> to vector<16xi32>
      %parallel_loop3A_902 = arith.addi %parallel_loop3A_892, %parallel_loop3A_901 : vector<16xi32>
      %parallel_loop3A_903 = arith.constant 32 : i32
      %parallel_loop3A_904 = arith.addi %parallel_loop3A_903, %parallel_loop3A_736 : i32
      %parallel_loop3A_905 = arith.constant 17 : i32
      %parallel_loop3A_906 = arith.subi %parallel_loop3A_904, %parallel_loop3A_905 : i32
      %parallel_loop3A_907 = vector.broadcast %parallel_loop3A_906 : i32 to vector<16xi32>
      %parallel_loop3A_908 = arith.addi %iota3A, %parallel_loop3A_907 : vector<16xi32>
      %parallel_loop3A_909 = tpu.vector_load_idx %arg8[%parallel_loop3A_908] : memref<2592xi32, #tpu.memory_space<vmem>>[vector<16xi32>], vector<16xi32>,
      %parallel_loop3A_910 = arith.cmpi eq, %parallel_loop3A_909, %parallel_loop3A_740 : vector<16xi32>
      %parallel_loop3A_911 = arith.extui %parallel_loop3A_910 : vector<16xi1> to vector<16xi32>
      %parallel_loop3A_912 = arith.addi %parallel_loop3A_902, %parallel_loop3A_911 : vector<16xi32>
      %parallel_loop3A_913 = arith.constant 32 : i32
      %parallel_loop3A_914 = arith.addi %parallel_loop3A_913, %parallel_loop3A_736 : i32
      %parallel_loop3A_915 = arith.constant 18 : i32
      %parallel_loop3A_916 = arith.subi %parallel_loop3A_914, %parallel_loop3A_915 : i32
      %parallel_loop3A_917 = vector.broadcast %parallel_loop3A_916 : i32 to vector<16xi32>
      %parallel_loop3A_918 = arith.addi %iota3A, %parallel_loop3A_917 : vector<16xi32>
      %parallel_loop3A_919 = tpu.vector_load_idx %arg8[%parallel_loop3A_918] : memref<2592xi32, #tpu.memory_space<vmem>>[vector<16xi32>], vector<16xi32>,
      %parallel_loop3A_920 = arith.cmpi eq, %parallel_loop3A_919, %parallel_loop3A_740 : vector<16xi32>
      %parallel_loop3A_921 = arith.extui %parallel_loop3A_920 : vector<16xi1> to vector<16xi32>
      %parallel_loop3A_922 = arith.addi %parallel_loop3A_912, %parallel_loop3A_921 : vector<16xi32>
      %parallel_loop3A_923 = arith.constant 32 : i32
      %parallel_loop3A_924 = arith.addi %parallel_loop3A_923, %parallel_loop3A_736 : i32
      %parallel_loop3A_925 = arith.constant 19 : i32
      %parallel_loop3A_926 = arith.subi %parallel_loop3A_924, %parallel_loop3A_925 : i32
      %parallel_loop3A_927 = vector.broadcast %parallel_loop3A_926 : i32 to vector<16xi32>
      %parallel_loop3A_928 = arith.addi %iota3A, %parallel_loop3A_927 : vector<16xi32>
      %parallel_loop3A_929 = tpu.vector_load_idx %arg8[%parallel_loop3A_928] : memref<2592xi32, #tpu.memory_space<vmem>>[vector<16xi32>], vector<16xi32>,
      %parallel_loop3A_930 = arith.cmpi eq, %parallel_loop3A_929, %parallel_loop3A_740 : vector<16xi32>
      %parallel_loop3A_931 = arith.extui %parallel_loop3A_930 : vector<16xi1> to vector<16xi32>
      %parallel_loop3A_932 = arith.addi %parallel_loop3A_922, %parallel_loop3A_931 : vector<16xi32>
      %parallel_loop3A_933 = arith.constant 32 : i32
      %parallel_loop3A_934 = arith.addi %parallel_loop3A_933, %parallel_loop3A_736 : i32
      %parallel_loop3A_935 = arith.constant 20 : i32
      %parallel_loop3A_936 = arith.subi %parallel_loop3A_934, %parallel_loop3A_935 : i32
      %parallel_loop3A_937 = vector.broadcast %parallel_loop3A_936 : i32 to vector<16xi32>
      %parallel_loop3A_938 = arith.addi %iota3A, %parallel_loop3A_937 : vector<16xi32>
      %parallel_loop3A_939 = tpu.vector_load_idx %arg8[%parallel_loop3A_938] : memref<2592xi32, #tpu.memory_space<vmem>>[vector<16xi32>], vector<16xi32>,
      %parallel_loop3A_940 = arith.cmpi eq, %parallel_loop3A_939, %parallel_loop3A_740 : vector<16xi32>
      %parallel_loop3A_941 = arith.extui %parallel_loop3A_940 : vector<16xi1> to vector<16xi32>
      %parallel_loop3A_942 = arith.addi %parallel_loop3A_932, %parallel_loop3A_941 : vector<16xi32>
      %parallel_loop3A_943 = arith.constant 32 : i32
      %parallel_loop3A_944 = arith.addi %parallel_loop3A_943, %parallel_loop3A_736 : i32
      %parallel_loop3A_945 = arith.constant 21 : i32
      %parallel_loop3A_946 = arith.subi %parallel_loop3A_944, %parallel_loop3A_945 : i32
      %parallel_loop3A_947 = vector.broadcast %parallel_loop3A_946 : i32 to vector<16xi32>
      %parallel_loop3A_948 = arith.addi %iota3A, %parallel_loop3A_947 : vector<16xi32>
      %parallel_loop3A_949 = tpu.vector_load_idx %arg8[%parallel_loop3A_948] : memref<2592xi32, #tpu.memory_space<vmem>>[vector<16xi32>], vector<16xi32>,
      %parallel_loop3A_950 = arith.cmpi eq, %parallel_loop3A_949, %parallel_loop3A_740 : vector<16xi32>
      %parallel_loop3A_951 = arith.extui %parallel_loop3A_950 : vector<16xi1> to vector<16xi32>
      %parallel_loop3A_952 = arith.addi %parallel_loop3A_942, %parallel_loop3A_951 : vector<16xi32>
      %parallel_loop3A_953 = arith.constant 32 : i32
      %parallel_loop3A_954 = arith.addi %parallel_loop3A_953, %parallel_loop3A_736 : i32
      %parallel_loop3A_955 = arith.constant 22 : i32
      %parallel_loop3A_956 = arith.subi %parallel_loop3A_954, %parallel_loop3A_955 : i32
      %parallel_loop3A_957 = vector.broadcast %parallel_loop3A_956 : i32 to vector<16xi32>
      %parallel_loop3A_958 = arith.addi %iota3A, %parallel_loop3A_957 : vector<16xi32>
      %parallel_loop3A_959 = tpu.vector_load_idx %arg8[%parallel_loop3A_958] : memref<2592xi32, #tpu.memory_space<vmem>>[vector<16xi32>], vector<16xi32>,
      %parallel_loop3A_960 = arith.cmpi eq, %parallel_loop3A_959, %parallel_loop3A_740 : vector<16xi32>
      %parallel_loop3A_961 = arith.extui %parallel_loop3A_960 : vector<16xi1> to vector<16xi32>
      %parallel_loop3A_962 = arith.addi %parallel_loop3A_952, %parallel_loop3A_961 : vector<16xi32>
      %parallel_loop3A_963 = arith.constant 32 : i32
      %parallel_loop3A_964 = arith.addi %parallel_loop3A_963, %parallel_loop3A_736 : i32
      %parallel_loop3A_965 = arith.constant 23 : i32
      %parallel_loop3A_966 = arith.subi %parallel_loop3A_964, %parallel_loop3A_965 : i32
      %parallel_loop3A_967 = vector.broadcast %parallel_loop3A_966 : i32 to vector<16xi32>
      %parallel_loop3A_968 = arith.addi %iota3A, %parallel_loop3A_967 : vector<16xi32>
      %parallel_loop3A_969 = tpu.vector_load_idx %arg8[%parallel_loop3A_968] : memref<2592xi32, #tpu.memory_space<vmem>>[vector<16xi32>], vector<16xi32>,
      %parallel_loop3A_970 = arith.cmpi eq, %parallel_loop3A_969, %parallel_loop3A_740 : vector<16xi32>
      %parallel_loop3A_971 = arith.extui %parallel_loop3A_970 : vector<16xi1> to vector<16xi32>
      %parallel_loop3A_972 = arith.addi %parallel_loop3A_962, %parallel_loop3A_971 : vector<16xi32>
      %parallel_loop3A_973 = arith.constant 32 : i32
      %parallel_loop3A_974 = arith.addi %parallel_loop3A_973, %parallel_loop3A_736 : i32
      %parallel_loop3A_975 = arith.constant 24 : i32
      %parallel_loop3A_976 = arith.subi %parallel_loop3A_974, %parallel_loop3A_975 : i32
      %parallel_loop3A_977 = vector.broadcast %parallel_loop3A_976 : i32 to vector<16xi32>
      %parallel_loop3A_978 = arith.addi %iota3A, %parallel_loop3A_977 : vector<16xi32>
      %parallel_loop3A_979 = tpu.vector_load_idx %arg8[%parallel_loop3A_978] : memref<2592xi32, #tpu.memory_space<vmem>>[vector<16xi32>], vector<16xi32>,
      %parallel_loop3A_980 = arith.cmpi eq, %parallel_loop3A_979, %parallel_loop3A_740 : vector<16xi32>
      %parallel_loop3A_981 = arith.extui %parallel_loop3A_980 : vector<16xi1> to vector<16xi32>
      %parallel_loop3A_982 = arith.addi %parallel_loop3A_972, %parallel_loop3A_981 : vector<16xi32>
      %parallel_loop3A_983 = arith.constant 32 : i32
      %parallel_loop3A_984 = arith.addi %parallel_loop3A_983, %parallel_loop3A_736 : i32
      %parallel_loop3A_985 = arith.constant 25 : i32
      %parallel_loop3A_986 = arith.subi %parallel_loop3A_984, %parallel_loop3A_985 : i32
      %parallel_loop3A_987 = vector.broadcast %parallel_loop3A_986 : i32 to vector<16xi32>
      %parallel_loop3A_988 = arith.addi %iota3A, %parallel_loop3A_987 : vector<16xi32>
      %parallel_loop3A_989 = tpu.vector_load_idx %arg8[%parallel_loop3A_988] : memref<2592xi32, #tpu.memory_space<vmem>>[vector<16xi32>], vector<16xi32>,
      %parallel_loop3A_990 = arith.cmpi eq, %parallel_loop3A_989, %parallel_loop3A_740 : vector<16xi32>
      %parallel_loop3A_991 = arith.extui %parallel_loop3A_990 : vector<16xi1> to vector<16xi32>
      %parallel_loop3A_992 = arith.addi %parallel_loop3A_982, %parallel_loop3A_991 : vector<16xi32>
      %parallel_loop3A_993 = arith.constant 32 : i32
      %parallel_loop3A_994 = arith.addi %parallel_loop3A_993, %parallel_loop3A_736 : i32
      %parallel_loop3A_995 = arith.constant 26 : i32
      %parallel_loop3A_996 = arith.subi %parallel_loop3A_994, %parallel_loop3A_995 : i32
      %parallel_loop3A_997 = vector.broadcast %parallel_loop3A_996 : i32 to vector<16xi32>
      %parallel_loop3A_998 = arith.addi %iota3A, %parallel_loop3A_997 : vector<16xi32>
      %parallel_loop3A_999 = tpu.vector_load_idx %arg8[%parallel_loop3A_998] : memref<2592xi32, #tpu.memory_space<vmem>>[vector<16xi32>], vector<16xi32>,
      %parallel_loop3A_1000 = arith.cmpi eq, %parallel_loop3A_999, %parallel_loop3A_740 : vector<16xi32>
      %parallel_loop3A_1001 = arith.extui %parallel_loop3A_1000 : vector<16xi1> to vector<16xi32>
      %parallel_loop3A_1002 = arith.addi %parallel_loop3A_992, %parallel_loop3A_1001 : vector<16xi32>
      %parallel_loop3A_1003 = arith.constant 32 : i32
      %parallel_loop3A_1004 = arith.addi %parallel_loop3A_1003, %parallel_loop3A_736 : i32
      %parallel_loop3A_1005 = arith.constant 27 : i32
      %parallel_loop3A_1006 = arith.subi %parallel_loop3A_1004, %parallel_loop3A_1005 : i32
      %parallel_loop3A_1007 = vector.broadcast %parallel_loop3A_1006 : i32 to vector<16xi32>
      %parallel_loop3A_1008 = arith.addi %iota3A, %parallel_loop3A_1007 : vector<16xi32>
      %parallel_loop3A_1009 = tpu.vector_load_idx %arg8[%parallel_loop3A_1008] : memref<2592xi32, #tpu.memory_space<vmem>>[vector<16xi32>], vector<16xi32>,
      %parallel_loop3A_1010 = arith.cmpi eq, %parallel_loop3A_1009, %parallel_loop3A_740 : vector<16xi32>
      %parallel_loop3A_1011 = arith.extui %parallel_loop3A_1010 : vector<16xi1> to vector<16xi32>
      %parallel_loop3A_1012 = arith.addi %parallel_loop3A_1002, %parallel_loop3A_1011 : vector<16xi32>
      %parallel_loop3A_1013 = arith.constant 32 : i32
      %parallel_loop3A_1014 = arith.addi %parallel_loop3A_1013, %parallel_loop3A_736 : i32
      %parallel_loop3A_1015 = arith.constant 28 : i32
      %parallel_loop3A_1016 = arith.subi %parallel_loop3A_1014, %parallel_loop3A_1015 : i32
      %parallel_loop3A_1017 = vector.broadcast %parallel_loop3A_1016 : i32 to vector<16xi32>
      %parallel_loop3A_1018 = arith.addi %iota3A, %parallel_loop3A_1017 : vector<16xi32>
      %parallel_loop3A_1019 = tpu.vector_load_idx %arg8[%parallel_loop3A_1018] : memref<2592xi32, #tpu.memory_space<vmem>>[vector<16xi32>], vector<16xi32>,
      %parallel_loop3A_1020 = arith.cmpi eq, %parallel_loop3A_1019, %parallel_loop3A_740 : vector<16xi32>
      %parallel_loop3A_1021 = arith.extui %parallel_loop3A_1020 : vector<16xi1> to vector<16xi32>
      %parallel_loop3A_1022 = arith.addi %parallel_loop3A_1012, %parallel_loop3A_1021 : vector<16xi32>
      %parallel_loop3A_1023 = arith.constant 32 : i32
      %parallel_loop3A_1024 = arith.addi %parallel_loop3A_1023, %parallel_loop3A_736 : i32
      %parallel_loop3A_1025 = arith.constant 29 : i32
      %parallel_loop3A_1026 = arith.subi %parallel_loop3A_1024, %parallel_loop3A_1025 : i32
      %parallel_loop3A_1027 = vector.broadcast %parallel_loop3A_1026 : i32 to vector<16xi32>
      %parallel_loop3A_1028 = arith.addi %iota3A, %parallel_loop3A_1027 : vector<16xi32>
      %parallel_loop3A_1029 = tpu.vector_load_idx %arg8[%parallel_loop3A_1028] : memref<2592xi32, #tpu.memory_space<vmem>>[vector<16xi32>], vector<16xi32>,
      %parallel_loop3A_1030 = arith.cmpi eq, %parallel_loop3A_1029, %parallel_loop3A_740 : vector<16xi32>
      %parallel_loop3A_1031 = arith.extui %parallel_loop3A_1030 : vector<16xi1> to vector<16xi32>
      %parallel_loop3A_1032 = arith.addi %parallel_loop3A_1022, %parallel_loop3A_1031 : vector<16xi32>
      %parallel_loop3A_1033 = arith.constant 32 : i32
      %parallel_loop3A_1034 = arith.addi %parallel_loop3A_1033, %parallel_loop3A_736 : i32
      %parallel_loop3A_1035 = arith.constant 30 : i32
      %parallel_loop3A_1036 = arith.subi %parallel_loop3A_1034, %parallel_loop3A_1035 : i32
      %parallel_loop3A_1037 = vector.broadcast %parallel_loop3A_1036 : i32 to vector<16xi32>
      %parallel_loop3A_1038 = arith.addi %iota3A, %parallel_loop3A_1037 : vector<16xi32>
      %parallel_loop3A_1039 = tpu.vector_load_idx %arg8[%parallel_loop3A_1038] : memref<2592xi32, #tpu.memory_space<vmem>>[vector<16xi32>], vector<16xi32>,
      %parallel_loop3A_1040 = arith.cmpi eq, %parallel_loop3A_1039, %parallel_loop3A_740 : vector<16xi32>
      %parallel_loop3A_1041 = arith.extui %parallel_loop3A_1040 : vector<16xi1> to vector<16xi32>
      %parallel_loop3A_1042 = arith.addi %parallel_loop3A_1032, %parallel_loop3A_1041 : vector<16xi32>
      %parallel_loop3A_1043 = arith.constant 32 : i32
      %parallel_loop3A_1044 = arith.addi %parallel_loop3A_1043, %parallel_loop3A_736 : i32
      %parallel_loop3A_1045 = arith.constant 31 : i32
      %parallel_loop3A_1046 = arith.subi %parallel_loop3A_1044, %parallel_loop3A_1045 : i32
      %parallel_loop3A_1047 = vector.broadcast %parallel_loop3A_1046 : i32 to vector<16xi32>
      %parallel_loop3A_1048 = arith.addi %iota3A, %parallel_loop3A_1047 : vector<16xi32>
      %parallel_loop3A_1049 = tpu.vector_load_idx %arg8[%parallel_loop3A_1048] : memref<2592xi32, #tpu.memory_space<vmem>>[vector<16xi32>], vector<16xi32>,
      %parallel_loop3A_1050 = arith.cmpi eq, %parallel_loop3A_1049, %parallel_loop3A_740 : vector<16xi32>
      %parallel_loop3A_1051 = arith.extui %parallel_loop3A_1050 : vector<16xi1> to vector<16xi32>
      %parallel_loop3A_1052 = arith.addi %parallel_loop3A_1042, %parallel_loop3A_1051 : vector<16xi32>
      %parallel_loop3A_1053 = arith.constant 30720 : i32
      %parallel_loop3A_1054 = vector.broadcast %parallel_loop3A_1053 : i32 to vector<16xi32>
      %parallel_loop3A_1055 = arith.muli %parallel_loop3A_1052, %parallel_loop3A_1054 : vector<16xi32>
      %parallel_loop3A_1056 = arith.addi %parallel_loop3A_1055, %parallel_loop3A_740 : vector<16xi32>
      %parallel_loop3A_1057 = arith.index_cast %parallel_loop3A_736 : i32 to index
      %parallel_loop3A_1058 = tpu.vector_load %arg9[%parallel_loop3A_1057] {strides = array<i32>} : memref<2560xi32, #tpu.memory_space<vmem>>, vector<16xi32>,
      tpu.vector_store %arg9[%parallel_loop3A_1057], %parallel_loop3A_1056 {strides = array<i32>} : memref<2560xi32, #tpu.memory_space<vmem>>, vector<16xi32>,
      %parallel_loop3A_1059 = arith.addi %parallel_loop3A_1056, %broadcast_in_dim3A_3 : vector<16xi32>
      %parallel_loop3A_1060 = arith.index_cast %parallel_loop3A_736 : i32 to index
      %parallel_loop3A_1061 = tpu.vector_load %arg10[%parallel_loop3A_1060] {strides = array<i32>} : memref<2560xi32, #tpu.memory_space<vmem>>, vector<16xi32>,
      tpu.vector_store %arg10[%parallel_loop3A_1060], %parallel_loop3A_1059 {strides = array<i32>} : memref<2560xi32, #tpu.memory_space<vmem>>, vector<16xi32>,
      %parallel_loop3A_1062 = arith.addi %parallel_loop3A_1056, %broadcast_in_dim3A_5 : vector<16xi32>
      %parallel_loop3A_1063 = arith.index_cast %parallel_loop3A_736 : i32 to index
      %parallel_loop3A_1064 = tpu.vector_load %arg11[%parallel_loop3A_1063] {strides = array<i32>} : memref<2560xi32, #tpu.memory_space<vmem>>, vector<16xi32>,
      tpu.vector_store %arg11[%parallel_loop3A_1063], %parallel_loop3A_1062 {strides = array<i32>} : memref<2560xi32, #tpu.memory_space<vmem>>, vector<16xi32>,
    } {sc.loop_unroll_factor = 2 : i64, sc.parallel_access}
    %dma_start3A = arith.constant 0 : i32
    %dma_start3A_8 = tpu.memref_slice %arg12[%dma_start3A] : memref<2560xf32, #tpu.memory_space<vmem>> -> memref<128xf32, #tpu.memory_space<vmem>>
    %dma_start3A_9 = arith.constant 0 : i32
    %dma_start3A_10 = tpu.memref_slice %arg9[%dma_start3A_9] : memref<2560xi32, #tpu.memory_space<vmem>> -> memref<128xi32, #tpu.memory_space<vmem>>
    %dma_start3A_11 = arith.constant 0 : i32
    %dma_start3A_12 = tpu.memref_slice %arg4[%dma_start3A_11] : memref<983040xf32, #tpu.memory_space<hbm>> -> memref<983040xf32, #tpu.memory_space<hbm>>
    tpu.enqueue_indirect_dma source(%dma_start3A_12 : memref<983040xf32, #tpu.memory_space<hbm>>) target(%dma_start3A_8 : memref<128xf32, #tpu.memory_space<vmem>>) offsets(%dma_start3A_10 : memref<128xi32, #tpu.memory_space<vmem>>) semaphore(%arg19 : memref<!tpu.dma_semaphore, #tpu.memory_space<semaphore_mem>>)
    %dma_start3A_13 = arith.constant 128 : i32
    %dma_start3A_14 = tpu.memref_slice %arg12[%dma_start3A_13] : memref<2560xf32, #tpu.memory_space<vmem>> -> memref<128xf32, #tpu.memory_space<vmem>>
    %dma_start3A_15 = arith.constant 128 : i32
    %dma_start3A_16 = tpu.memref_slice %arg9[%dma_start3A_15] : memref<2560xi32, #tpu.memory_space<vmem>> -> memref<128xi32, #tpu.memory_space<vmem>>
    %dma_start3A_17 = arith.constant 0 : i32
    %dma_start3A_18 = tpu.memref_slice %arg4[%dma_start3A_17] : memref<983040xf32, #tpu.memory_space<hbm>> -> memref<983040xf32, #tpu.memory_space<hbm>>
    tpu.enqueue_indirect_dma source(%dma_start3A_18 : memref<983040xf32, #tpu.memory_space<hbm>>) target(%dma_start3A_14 : memref<128xf32, #tpu.memory_space<vmem>>) offsets(%dma_start3A_16 : memref<128xi32, #tpu.memory_space<vmem>>) semaphore(%arg19 : memref<!tpu.dma_semaphore, #tpu.memory_space<semaphore_mem>>)
    %dma_start3A_19 = arith.constant 256 : i32
    %dma_start3A_20 = tpu.memref_slice %arg12[%dma_start3A_19] : memref<2560xf32, #tpu.memory_space<vmem>> -> memref<128xf32, #tpu.memory_space<vmem>>
    %dma_start3A_21 = arith.constant 256 : i32
    %dma_start3A_22 = tpu.memref_slice %arg9[%dma_start3A_21] : memref<2560xi32, #tpu.memory_space<vmem>> -> memref<128xi32, #tpu.memory_space<vmem>>
    %dma_start3A_23 = arith.constant 0 : i32
    %dma_start3A_24 = tpu.memref_slice %arg4[%dma_start3A_23] : memref<983040xf32, #tpu.memory_space<hbm>> -> memref<983040xf32, #tpu.memory_space<hbm>>
    tpu.enqueue_indirect_dma source(%dma_start3A_24 : memref<983040xf32, #tpu.memory_space<hbm>>) target(%dma_start3A_20 : memref<128xf32, #tpu.memory_space<vmem>>) offsets(%dma_start3A_22 : memref<128xi32, #tpu.memory_space<vmem>>) semaphore(%arg19 : memref<!tpu.dma_semaphore, #tpu.memory_space<semaphore_mem>>)
    %dma_start3A_25 = arith.constant 384 : i32
    %dma_start3A_26 = tpu.memref_slice %arg12[%dma_start3A_25] : memref<2560xf32, #tpu.memory_space<vmem>> -> memref<128xf32, #tpu.memory_space<vmem>>
    %dma_start3A_27 = arith.constant 384 : i32
    %dma_start3A_28 = tpu.memref_slice %arg9[%dma_start3A_27] : memref<2560xi32, #tpu.memory_space<vmem>> -> memref<128xi32, #tpu.memory_space<vmem>>
    %dma_start3A_29 = arith.constant 0 : i32
    %dma_start3A_30 = tpu.memref_slice %arg4[%dma_start3A_29] : memref<983040xf32, #tpu.memory_space<hbm>> -> memref<983040xf32, #tpu.memory_space<hbm>>
    tpu.enqueue_indirect_dma source(%dma_start3A_30 : memref<983040xf32, #tpu.memory_space<hbm>>) target(%dma_start3A_26 : memref<128xf32, #tpu.memory_space<vmem>>) offsets(%dma_start3A_28 : memref<128xi32, #tpu.memory_space<vmem>>) semaphore(%arg19 : memref<!tpu.dma_semaphore, #tpu.memory_space<semaphore_mem>>)
    %dma_start3A_31 = arith.constant 512 : i32
    %dma_start3A_32 = tpu.memref_slice %arg12[%dma_start3A_31] : memref<2560xf32, #tpu.memory_space<vmem>> -> memref<128xf32, #tpu.memory_space<vmem>>
    %dma_start3A_33 = arith.constant 512 : i32
    %dma_start3A_34 = tpu.memref_slice %arg9[%dma_start3A_33] : memref<2560xi32, #tpu.memory_space<vmem>> -> memref<128xi32, #tpu.memory_space<vmem>>
    %dma_start3A_35 = arith.constant 0 : i32
    %dma_start3A_36 = tpu.memref_slice %arg4[%dma_start3A_35] : memref<983040xf32, #tpu.memory_space<hbm>> -> memref<983040xf32, #tpu.memory_space<hbm>>
    tpu.enqueue_indirect_dma source(%dma_start3A_36 : memref<983040xf32, #tpu.memory_space<hbm>>) target(%dma_start3A_32 : memref<128xf32, #tpu.memory_space<vmem>>) offsets(%dma_start3A_34 : memref<128xi32, #tpu.memory_space<vmem>>) semaphore(%arg19 : memref<!tpu.dma_semaphore, #tpu.memory_space<semaphore_mem>>)
    %dma_start3A_37 = arith.constant 640 : i32
    %dma_start3A_38 = tpu.memref_slice %arg12[%dma_start3A_37] : memref<2560xf32, #tpu.memory_space<vmem>> -> memref<128xf32, #tpu.memory_space<vmem>>
    %dma_start3A_39 = arith.constant 640 : i32
    %dma_start3A_40 = tpu.memref_slice %arg9[%dma_start3A_39] : memref<2560xi32, #tpu.memory_space<vmem>> -> memref<128xi32, #tpu.memory_space<vmem>>
    %dma_start3A_41 = arith.constant 0 : i32
    %dma_start3A_42 = tpu.memref_slice %arg4[%dma_start3A_41] : memref<983040xf32, #tpu.memory_space<hbm>> -> memref<983040xf32, #tpu.memory_space<hbm>>
    tpu.enqueue_indirect_dma source(%dma_start3A_42 : memref<983040xf32, #tpu.memory_space<hbm>>) target(%dma_start3A_38 : memref<128xf32, #tpu.memory_space<vmem>>) offsets(%dma_start3A_40 : memref<128xi32, #tpu.memory_space<vmem>>) semaphore(%arg19 : memref<!tpu.dma_semaphore, #tpu.memory_space<semaphore_mem>>)
    %dma_start3A_43 = arith.constant 768 : i32
    %dma_start3A_44 = tpu.memref_slice %arg12[%dma_start3A_43] : memref<2560xf32, #tpu.memory_space<vmem>> -> memref<128xf32, #tpu.memory_space<vmem>>
    %dma_start3A_45 = arith.constant 768 : i32
    %dma_start3A_46 = tpu.memref_slice %arg9[%dma_start3A_45] : memref<2560xi32, #tpu.memory_space<vmem>> -> memref<128xi32, #tpu.memory_space<vmem>>
    %dma_start3A_47 = arith.constant 0 : i32
    %dma_start3A_48 = tpu.memref_slice %arg4[%dma_start3A_47] : memref<983040xf32, #tpu.memory_space<hbm>> -> memref<983040xf32, #tpu.memory_space<hbm>>
    tpu.enqueue_indirect_dma source(%dma_start3A_48 : memref<983040xf32, #tpu.memory_space<hbm>>) target(%dma_start3A_44 : memref<128xf32, #tpu.memory_space<vmem>>) offsets(%dma_start3A_46 : memref<128xi32, #tpu.memory_space<vmem>>) semaphore(%arg19 : memref<!tpu.dma_semaphore, #tpu.memory_space<semaphore_mem>>)
    %dma_start3A_49 = arith.constant 896 : i32
    %dma_start3A_50 = tpu.memref_slice %arg12[%dma_start3A_49] : memref<2560xf32, #tpu.memory_space<vmem>> -> memref<128xf32, #tpu.memory_space<vmem>>
    %dma_start3A_51 = arith.constant 896 : i32
    %dma_start3A_52 = tpu.memref_slice %arg9[%dma_start3A_51] : memref<2560xi32, #tpu.memory_space<vmem>> -> memref<128xi32, #tpu.memory_space<vmem>>
    %dma_start3A_53 = arith.constant 0 : i32
    %dma_start3A_54 = tpu.memref_slice %arg4[%dma_start3A_53] : memref<983040xf32, #tpu.memory_space<hbm>> -> memref<983040xf32, #tpu.memory_space<hbm>>
    tpu.enqueue_indirect_dma source(%dma_start3A_54 : memref<983040xf32, #tpu.memory_space<hbm>>) target(%dma_start3A_50 : memref<128xf32, #tpu.memory_space<vmem>>) offsets(%dma_start3A_52 : memref<128xi32, #tpu.memory_space<vmem>>) semaphore(%arg19 : memref<!tpu.dma_semaphore, #tpu.memory_space<semaphore_mem>>)
    %dma_start3A_55 = arith.constant 1024 : i32
    %dma_start3A_56 = tpu.memref_slice %arg12[%dma_start3A_55] : memref<2560xf32, #tpu.memory_space<vmem>> -> memref<128xf32, #tpu.memory_space<vmem>>
    %dma_start3A_57 = arith.constant 1024 : i32
    %dma_start3A_58 = tpu.memref_slice %arg9[%dma_start3A_57] : memref<2560xi32, #tpu.memory_space<vmem>> -> memref<128xi32, #tpu.memory_space<vmem>>
    %dma_start3A_59 = arith.constant 0 : i32
    %dma_start3A_60 = tpu.memref_slice %arg4[%dma_start3A_59] : memref<983040xf32, #tpu.memory_space<hbm>> -> memref<983040xf32, #tpu.memory_space<hbm>>
    tpu.enqueue_indirect_dma source(%dma_start3A_60 : memref<983040xf32, #tpu.memory_space<hbm>>) target(%dma_start3A_56 : memref<128xf32, #tpu.memory_space<vmem>>) offsets(%dma_start3A_58 : memref<128xi32, #tpu.memory_space<vmem>>) semaphore(%arg19 : memref<!tpu.dma_semaphore, #tpu.memory_space<semaphore_mem>>)
    %dma_start3A_61 = arith.constant 1152 : i32
    %dma_start3A_62 = tpu.memref_slice %arg12[%dma_start3A_61] : memref<2560xf32, #tpu.memory_space<vmem>> -> memref<128xf32, #tpu.memory_space<vmem>>
    %dma_start3A_63 = arith.constant 1152 : i32
    %dma_start3A_64 = tpu.memref_slice %arg9[%dma_start3A_63] : memref<2560xi32, #tpu.memory_space<vmem>> -> memref<128xi32, #tpu.memory_space<vmem>>
    %dma_start3A_65 = arith.constant 0 : i32
    %dma_start3A_66 = tpu.memref_slice %arg4[%dma_start3A_65] : memref<983040xf32, #tpu.memory_space<hbm>> -> memref<983040xf32, #tpu.memory_space<hbm>>
    tpu.enqueue_indirect_dma source(%dma_start3A_66 : memref<983040xf32, #tpu.memory_space<hbm>>) target(%dma_start3A_62 : memref<128xf32, #tpu.memory_space<vmem>>) offsets(%dma_start3A_64 : memref<128xi32, #tpu.memory_space<vmem>>) semaphore(%arg19 : memref<!tpu.dma_semaphore, #tpu.memory_space<semaphore_mem>>)
    %dma_start3A_67 = arith.constant 1280 : i32
    %dma_start3A_68 = tpu.memref_slice %arg12[%dma_start3A_67] : memref<2560xf32, #tpu.memory_space<vmem>> -> memref<128xf32, #tpu.memory_space<vmem>>
    %dma_start3A_69 = arith.constant 1280 : i32
    %dma_start3A_70 = tpu.memref_slice %arg9[%dma_start3A_69] : memref<2560xi32, #tpu.memory_space<vmem>> -> memref<128xi32, #tpu.memory_space<vmem>>
    %dma_start3A_71 = arith.constant 0 : i32
    %dma_start3A_72 = tpu.memref_slice %arg4[%dma_start3A_71] : memref<983040xf32, #tpu.memory_space<hbm>> -> memref<983040xf32, #tpu.memory_space<hbm>>
    tpu.enqueue_indirect_dma source(%dma_start3A_72 : memref<983040xf32, #tpu.memory_space<hbm>>) target(%dma_start3A_68 : memref<128xf32, #tpu.memory_space<vmem>>) offsets(%dma_start3A_70 : memref<128xi32, #tpu.memory_space<vmem>>) semaphore(%arg19 : memref<!tpu.dma_semaphore, #tpu.memory_space<semaphore_mem>>)
    %dma_start3A_73 = arith.constant 1408 : i32
    %dma_start3A_74 = tpu.memref_slice %arg12[%dma_start3A_73] : memref<2560xf32, #tpu.memory_space<vmem>> -> memref<128xf32, #tpu.memory_space<vmem>>
    %dma_start3A_75 = arith.constant 1408 : i32
    %dma_start3A_76 = tpu.memref_slice %arg9[%dma_start3A_75] : memref<2560xi32, #tpu.memory_space<vmem>> -> memref<128xi32, #tpu.memory_space<vmem>>
    %dma_start3A_77 = arith.constant 0 : i32
    %dma_start3A_78 = tpu.memref_slice %arg4[%dma_start3A_77] : memref<983040xf32, #tpu.memory_space<hbm>> -> memref<983040xf32, #tpu.memory_space<hbm>>
    tpu.enqueue_indirect_dma source(%dma_start3A_78 : memref<983040xf32, #tpu.memory_space<hbm>>) target(%dma_start3A_74 : memref<128xf32, #tpu.memory_space<vmem>>) offsets(%dma_start3A_76 : memref<128xi32, #tpu.memory_space<vmem>>) semaphore(%arg19 : memref<!tpu.dma_semaphore, #tpu.memory_space<semaphore_mem>>)
    %dma_start3A_79 = arith.constant 1536 : i32
    %dma_start3A_80 = tpu.memref_slice %arg12[%dma_start3A_79] : memref<2560xf32, #tpu.memory_space<vmem>> -> memref<128xf32, #tpu.memory_space<vmem>>
    %dma_start3A_81 = arith.constant 1536 : i32
    %dma_start3A_82 = tpu.memref_slice %arg9[%dma_start3A_81] : memref<2560xi32, #tpu.memory_space<vmem>> -> memref<128xi32, #tpu.memory_space<vmem>>
    %dma_start3A_83 = arith.constant 0 : i32
    %dma_start3A_84 = tpu.memref_slice %arg4[%dma_start3A_83] : memref<983040xf32, #tpu.memory_space<hbm>> -> memref<983040xf32, #tpu.memory_space<hbm>>
    tpu.enqueue_indirect_dma source(%dma_start3A_84 : memref<983040xf32, #tpu.memory_space<hbm>>) target(%dma_start3A_80 : memref<128xf32, #tpu.memory_space<vmem>>) offsets(%dma_start3A_82 : memref<128xi32, #tpu.memory_space<vmem>>) semaphore(%arg19 : memref<!tpu.dma_semaphore, #tpu.memory_space<semaphore_mem>>)
    %dma_start3A_85 = arith.constant 1664 : i32
    %dma_start3A_86 = tpu.memref_slice %arg12[%dma_start3A_85] : memref<2560xf32, #tpu.memory_space<vmem>> -> memref<128xf32, #tpu.memory_space<vmem>>
    %dma_start3A_87 = arith.constant 1664 : i32
    %dma_start3A_88 = tpu.memref_slice %arg9[%dma_start3A_87] : memref<2560xi32, #tpu.memory_space<vmem>> -> memref<128xi32, #tpu.memory_space<vmem>>
    %dma_start3A_89 = arith.constant 0 : i32
    %dma_start3A_90 = tpu.memref_slice %arg4[%dma_start3A_89] : memref<983040xf32, #tpu.memory_space<hbm>> -> memref<983040xf32, #tpu.memory_space<hbm>>
    tpu.enqueue_indirect_dma source(%dma_start3A_90 : memref<983040xf32, #tpu.memory_space<hbm>>) target(%dma_start3A_86 : memref<128xf32, #tpu.memory_space<vmem>>) offsets(%dma_start3A_88 : memref<128xi32, #tpu.memory_space<vmem>>) semaphore(%arg19 : memref<!tpu.dma_semaphore, #tpu.memory_space<semaphore_mem>>)
    %dma_start3A_91 = arith.constant 1792 : i32
    %dma_start3A_92 = tpu.memref_slice %arg12[%dma_start3A_91] : memref<2560xf32, #tpu.memory_space<vmem>> -> memref<128xf32, #tpu.memory_space<vmem>>
    %dma_start3A_93 = arith.constant 1792 : i32
    %dma_start3A_94 = tpu.memref_slice %arg9[%dma_start3A_93] : memref<2560xi32, #tpu.memory_space<vmem>> -> memref<128xi32, #tpu.memory_space<vmem>>
    %dma_start3A_95 = arith.constant 0 : i32
    %dma_start3A_96 = tpu.memref_slice %arg4[%dma_start3A_95] : memref<983040xf32, #tpu.memory_space<hbm>> -> memref<983040xf32, #tpu.memory_space<hbm>>
    tpu.enqueue_indirect_dma source(%dma_start3A_96 : memref<983040xf32, #tpu.memory_space<hbm>>) target(%dma_start3A_92 : memref<128xf32, #tpu.memory_space<vmem>>) offsets(%dma_start3A_94 : memref<128xi32, #tpu.memory_space<vmem>>) semaphore(%arg19 : memref<!tpu.dma_semaphore, #tpu.memory_space<semaphore_mem>>)
    %dma_start3A_97 = arith.constant 1920 : i32
    %dma_start3A_98 = tpu.memref_slice %arg12[%dma_start3A_97] : memref<2560xf32, #tpu.memory_space<vmem>> -> memref<128xf32, #tpu.memory_space<vmem>>
    %dma_start3A_99 = arith.constant 1920 : i32
    %dma_start3A_100 = tpu.memref_slice %arg9[%dma_start3A_99] : memref<2560xi32, #tpu.memory_space<vmem>> -> memref<128xi32, #tpu.memory_space<vmem>>
    %dma_start3A_101 = arith.constant 0 : i32
    %dma_start3A_102 = tpu.memref_slice %arg4[%dma_start3A_101] : memref<983040xf32, #tpu.memory_space<hbm>> -> memref<983040xf32, #tpu.memory_space<hbm>>
    tpu.enqueue_indirect_dma source(%dma_start3A_102 : memref<983040xf32, #tpu.memory_space<hbm>>) target(%dma_start3A_98 : memref<128xf32, #tpu.memory_space<vmem>>) offsets(%dma_start3A_100 : memref<128xi32, #tpu.memory_space<vmem>>) semaphore(%arg19 : memref<!tpu.dma_semaphore, #tpu.memory_space<semaphore_mem>>)
    %dma_start3A_103 = arith.constant 2048 : i32
    %dma_start3A_104 = tpu.memref_slice %arg12[%dma_start3A_103] : memref<2560xf32, #tpu.memory_space<vmem>> -> memref<128xf32, #tpu.memory_space<vmem>>
    %dma_start3A_105 = arith.constant 2048 : i32
    %dma_start3A_106 = tpu.memref_slice %arg9[%dma_start3A_105] : memref<2560xi32, #tpu.memory_space<vmem>> -> memref<128xi32, #tpu.memory_space<vmem>>
    %dma_start3A_107 = arith.constant 0 : i32
    %dma_start3A_108 = tpu.memref_slice %arg4[%dma_start3A_107] : memref<983040xf32, #tpu.memory_space<hbm>> -> memref<983040xf32, #tpu.memory_space<hbm>>
    tpu.enqueue_indirect_dma source(%dma_start3A_108 : memref<983040xf32, #tpu.memory_space<hbm>>) target(%dma_start3A_104 : memref<128xf32, #tpu.memory_space<vmem>>) offsets(%dma_start3A_106 : memref<128xi32, #tpu.memory_space<vmem>>) semaphore(%arg19 : memref<!tpu.dma_semaphore, #tpu.memory_space<semaphore_mem>>)
    %dma_start3A_109 = arith.constant 2176 : i32
    %dma_start3A_110 = tpu.memref_slice %arg12[%dma_start3A_109] : memref<2560xf32, #tpu.memory_space<vmem>> -> memref<128xf32, #tpu.memory_space<vmem>>
    %dma_start3A_111 = arith.constant 2176 : i32
    %dma_start3A_112 = tpu.memref_slice %arg9[%dma_start3A_111] : memref<2560xi32, #tpu.memory_space<vmem>> -> memref<128xi32, #tpu.memory_space<vmem>>
    %dma_start3A_113 = arith.constant 0 : i32
    %dma_start3A_114 = tpu.memref_slice %arg4[%dma_start3A_113] : memref<983040xf32, #tpu.memory_space<hbm>> -> memref<983040xf32, #tpu.memory_space<hbm>>
    tpu.enqueue_indirect_dma source(%dma_start3A_114 : memref<983040xf32, #tpu.memory_space<hbm>>) target(%dma_start3A_110 : memref<128xf32, #tpu.memory_space<vmem>>) offsets(%dma_start3A_112 : memref<128xi32, #tpu.memory_space<vmem>>) semaphore(%arg19 : memref<!tpu.dma_semaphore, #tpu.memory_space<semaphore_mem>>)
    %dma_start3A_115 = arith.constant 2304 : i32
    %dma_start3A_116 = tpu.memref_slice %arg12[%dma_start3A_115] : memref<2560xf32, #tpu.memory_space<vmem>> -> memref<128xf32, #tpu.memory_space<vmem>>
    %dma_start3A_117 = arith.constant 2304 : i32
    %dma_start3A_118 = tpu.memref_slice %arg9[%dma_start3A_117] : memref<2560xi32, #tpu.memory_space<vmem>> -> memref<128xi32, #tpu.memory_space<vmem>>
    %dma_start3A_119 = arith.constant 0 : i32
    %dma_start3A_120 = tpu.memref_slice %arg4[%dma_start3A_119] : memref<983040xf32, #tpu.memory_space<hbm>> -> memref<983040xf32, #tpu.memory_space<hbm>>
    tpu.enqueue_indirect_dma source(%dma_start3A_120 : memref<983040xf32, #tpu.memory_space<hbm>>) target(%dma_start3A_116 : memref<128xf32, #tpu.memory_space<vmem>>) offsets(%dma_start3A_118 : memref<128xi32, #tpu.memory_space<vmem>>) semaphore(%arg19 : memref<!tpu.dma_semaphore, #tpu.memory_space<semaphore_mem>>)
    %dma_start3A_121 = arith.constant 2432 : i32
    %dma_start3A_122 = tpu.memref_slice %arg12[%dma_start3A_121] : memref<2560xf32, #tpu.memory_space<vmem>> -> memref<128xf32, #tpu.memory_space<vmem>>
    %dma_start3A_123 = arith.constant 2432 : i32
    %dma_start3A_124 = tpu.memref_slice %arg9[%dma_start3A_123] : memref<2560xi32, #tpu.memory_space<vmem>> -> memref<128xi32, #tpu.memory_space<vmem>>
    %dma_start3A_125 = arith.constant 0 : i32
    %dma_start3A_126 = tpu.memref_slice %arg4[%dma_start3A_125] : memref<983040xf32, #tpu.memory_space<hbm>> -> memref<983040xf32, #tpu.memory_space<hbm>>
    tpu.enqueue_indirect_dma source(%dma_start3A_126 : memref<983040xf32, #tpu.memory_space<hbm>>) target(%dma_start3A_122 : memref<128xf32, #tpu.memory_space<vmem>>) offsets(%dma_start3A_124 : memref<128xi32, #tpu.memory_space<vmem>>) semaphore(%arg19 : memref<!tpu.dma_semaphore, #tpu.memory_space<semaphore_mem>>)
    %dma_start3A_127 = arith.constant 0 : i32
    %dma_start3A_128 = tpu.memref_slice %arg13[%dma_start3A_127] : memref<2560xf32, #tpu.memory_space<vmem>> -> memref<128xf32, #tpu.memory_space<vmem>>
    %dma_start3A_129 = arith.constant 0 : i32
    %dma_start3A_130 = tpu.memref_slice %arg10[%dma_start3A_129] : memref<2560xi32, #tpu.memory_space<vmem>> -> memref<128xi32, #tpu.memory_space<vmem>>
    %dma_start3A_131 = arith.constant 0 : i32
    %dma_start3A_132 = tpu.memref_slice %arg4[%dma_start3A_131] : memref<983040xf32, #tpu.memory_space<hbm>> -> memref<983040xf32, #tpu.memory_space<hbm>>
    tpu.enqueue_indirect_dma source(%dma_start3A_132 : memref<983040xf32, #tpu.memory_space<hbm>>) target(%dma_start3A_128 : memref<128xf32, #tpu.memory_space<vmem>>) offsets(%dma_start3A_130 : memref<128xi32, #tpu.memory_space<vmem>>) semaphore(%arg19 : memref<!tpu.dma_semaphore, #tpu.memory_space<semaphore_mem>>)
    %dma_start3A_133 = arith.constant 128 : i32
    %dma_start3A_134 = tpu.memref_slice %arg13[%dma_start3A_133] : memref<2560xf32, #tpu.memory_space<vmem>> -> memref<128xf32, #tpu.memory_space<vmem>>
    %dma_start3A_135 = arith.constant 128 : i32
    %dma_start3A_136 = tpu.memref_slice %arg10[%dma_start3A_135] : memref<2560xi32, #tpu.memory_space<vmem>> -> memref<128xi32, #tpu.memory_space<vmem>>
    %dma_start3A_137 = arith.constant 0 : i32
    %dma_start3A_138 = tpu.memref_slice %arg4[%dma_start3A_137] : memref<983040xf32, #tpu.memory_space<hbm>> -> memref<983040xf32, #tpu.memory_space<hbm>>
    tpu.enqueue_indirect_dma source(%dma_start3A_138 : memref<983040xf32, #tpu.memory_space<hbm>>) target(%dma_start3A_134 : memref<128xf32, #tpu.memory_space<vmem>>) offsets(%dma_start3A_136 : memref<128xi32, #tpu.memory_space<vmem>>) semaphore(%arg19 : memref<!tpu.dma_semaphore, #tpu.memory_space<semaphore_mem>>)
    %dma_start3A_139 = arith.constant 256 : i32
    %dma_start3A_140 = tpu.memref_slice %arg13[%dma_start3A_139] : memref<2560xf32, #tpu.memory_space<vmem>> -> memref<128xf32, #tpu.memory_space<vmem>>
    %dma_start3A_141 = arith.constant 256 : i32
    %dma_start3A_142 = tpu.memref_slice %arg10[%dma_start3A_141] : memref<2560xi32, #tpu.memory_space<vmem>> -> memref<128xi32, #tpu.memory_space<vmem>>
    %dma_start3A_143 = arith.constant 0 : i32
    %dma_start3A_144 = tpu.memref_slice %arg4[%dma_start3A_143] : memref<983040xf32, #tpu.memory_space<hbm>> -> memref<983040xf32, #tpu.memory_space<hbm>>
    tpu.enqueue_indirect_dma source(%dma_start3A_144 : memref<983040xf32, #tpu.memory_space<hbm>>) target(%dma_start3A_140 : memref<128xf32, #tpu.memory_space<vmem>>) offsets(%dma_start3A_142 : memref<128xi32, #tpu.memory_space<vmem>>) semaphore(%arg19 : memref<!tpu.dma_semaphore, #tpu.memory_space<semaphore_mem>>)
    %dma_start3A_145 = arith.constant 384 : i32
    %dma_start3A_146 = tpu.memref_slice %arg13[%dma_start3A_145] : memref<2560xf32, #tpu.memory_space<vmem>> -> memref<128xf32, #tpu.memory_space<vmem>>
    %dma_start3A_147 = arith.constant 384 : i32
    %dma_start3A_148 = tpu.memref_slice %arg10[%dma_start3A_147] : memref<2560xi32, #tpu.memory_space<vmem>> -> memref<128xi32, #tpu.memory_space<vmem>>
    %dma_start3A_149 = arith.constant 0 : i32
    %dma_start3A_150 = tpu.memref_slice %arg4[%dma_start3A_149] : memref<983040xf32, #tpu.memory_space<hbm>> -> memref<983040xf32, #tpu.memory_space<hbm>>
    tpu.enqueue_indirect_dma source(%dma_start3A_150 : memref<983040xf32, #tpu.memory_space<hbm>>) target(%dma_start3A_146 : memref<128xf32, #tpu.memory_space<vmem>>) offsets(%dma_start3A_148 : memref<128xi32, #tpu.memory_space<vmem>>) semaphore(%arg19 : memref<!tpu.dma_semaphore, #tpu.memory_space<semaphore_mem>>)
    %dma_start3A_151 = arith.constant 512 : i32
    %dma_start3A_152 = tpu.memref_slice %arg13[%dma_start3A_151] : memref<2560xf32, #tpu.memory_space<vmem>> -> memref<128xf32, #tpu.memory_space<vmem>>
    %dma_start3A_153 = arith.constant 512 : i32
    %dma_start3A_154 = tpu.memref_slice %arg10[%dma_start3A_153] : memref<2560xi32, #tpu.memory_space<vmem>> -> memref<128xi32, #tpu.memory_space<vmem>>
    %dma_start3A_155 = arith.constant 0 : i32
    %dma_start3A_156 = tpu.memref_slice %arg4[%dma_start3A_155] : memref<983040xf32, #tpu.memory_space<hbm>> -> memref<983040xf32, #tpu.memory_space<hbm>>
    tpu.enqueue_indirect_dma source(%dma_start3A_156 : memref<983040xf32, #tpu.memory_space<hbm>>) target(%dma_start3A_152 : memref<128xf32, #tpu.memory_space<vmem>>) offsets(%dma_start3A_154 : memref<128xi32, #tpu.memory_space<vmem>>) semaphore(%arg19 : memref<!tpu.dma_semaphore, #tpu.memory_space<semaphore_mem>>)
    %dma_start3A_157 = arith.constant 640 : i32
    %dma_start3A_158 = tpu.memref_slice %arg13[%dma_start3A_157] : memref<2560xf32, #tpu.memory_space<vmem>> -> memref<128xf32, #tpu.memory_space<vmem>>
    %dma_start3A_159 = arith.constant 640 : i32
    %dma_start3A_160 = tpu.memref_slice %arg10[%dma_start3A_159] : memref<2560xi32, #tpu.memory_space<vmem>> -> memref<128xi32, #tpu.memory_space<vmem>>
    %dma_start3A_161 = arith.constant 0 : i32
    %dma_start3A_162 = tpu.memref_slice %arg4[%dma_start3A_161] : memref<983040xf32, #tpu.memory_space<hbm>> -> memref<983040xf32, #tpu.memory_space<hbm>>
    tpu.enqueue_indirect_dma source(%dma_start3A_162 : memref<983040xf32, #tpu.memory_space<hbm>>) target(%dma_start3A_158 : memref<128xf32, #tpu.memory_space<vmem>>) offsets(%dma_start3A_160 : memref<128xi32, #tpu.memory_space<vmem>>) semaphore(%arg19 : memref<!tpu.dma_semaphore, #tpu.memory_space<semaphore_mem>>)
    %dma_start3A_163 = arith.constant 768 : i32
    %dma_start3A_164 = tpu.memref_slice %arg13[%dma_start3A_163] : memref<2560xf32, #tpu.memory_space<vmem>> -> memref<128xf32, #tpu.memory_space<vmem>>
    %dma_start3A_165 = arith.constant 768 : i32
    %dma_start3A_166 = tpu.memref_slice %arg10[%dma_start3A_165] : memref<2560xi32, #tpu.memory_space<vmem>> -> memref<128xi32, #tpu.memory_space<vmem>>
    %dma_start3A_167 = arith.constant 0 : i32
    %dma_start3A_168 = tpu.memref_slice %arg4[%dma_start3A_167] : memref<983040xf32, #tpu.memory_space<hbm>> -> memref<983040xf32, #tpu.memory_space<hbm>>
    tpu.enqueue_indirect_dma source(%dma_start3A_168 : memref<983040xf32, #tpu.memory_space<hbm>>) target(%dma_start3A_164 : memref<128xf32, #tpu.memory_space<vmem>>) offsets(%dma_start3A_166 : memref<128xi32, #tpu.memory_space<vmem>>) semaphore(%arg19 : memref<!tpu.dma_semaphore, #tpu.memory_space<semaphore_mem>>)
    %dma_start3A_169 = arith.constant 896 : i32
    %dma_start3A_170 = tpu.memref_slice %arg13[%dma_start3A_169] : memref<2560xf32, #tpu.memory_space<vmem>> -> memref<128xf32, #tpu.memory_space<vmem>>
    %dma_start3A_171 = arith.constant 896 : i32
    %dma_start3A_172 = tpu.memref_slice %arg10[%dma_start3A_171] : memref<2560xi32, #tpu.memory_space<vmem>> -> memref<128xi32, #tpu.memory_space<vmem>>
    %dma_start3A_173 = arith.constant 0 : i32
    %dma_start3A_174 = tpu.memref_slice %arg4[%dma_start3A_173] : memref<983040xf32, #tpu.memory_space<hbm>> -> memref<983040xf32, #tpu.memory_space<hbm>>
    tpu.enqueue_indirect_dma source(%dma_start3A_174 : memref<983040xf32, #tpu.memory_space<hbm>>) target(%dma_start3A_170 : memref<128xf32, #tpu.memory_space<vmem>>) offsets(%dma_start3A_172 : memref<128xi32, #tpu.memory_space<vmem>>) semaphore(%arg19 : memref<!tpu.dma_semaphore, #tpu.memory_space<semaphore_mem>>)
    %dma_start3A_175 = arith.constant 1024 : i32
    %dma_start3A_176 = tpu.memref_slice %arg13[%dma_start3A_175] : memref<2560xf32, #tpu.memory_space<vmem>> -> memref<128xf32, #tpu.memory_space<vmem>>
    %dma_start3A_177 = arith.constant 1024 : i32
    %dma_start3A_178 = tpu.memref_slice %arg10[%dma_start3A_177] : memref<2560xi32, #tpu.memory_space<vmem>> -> memref<128xi32, #tpu.memory_space<vmem>>
    %dma_start3A_179 = arith.constant 0 : i32
    %dma_start3A_180 = tpu.memref_slice %arg4[%dma_start3A_179] : memref<983040xf32, #tpu.memory_space<hbm>> -> memref<983040xf32, #tpu.memory_space<hbm>>
    tpu.enqueue_indirect_dma source(%dma_start3A_180 : memref<983040xf32, #tpu.memory_space<hbm>>) target(%dma_start3A_176 : memref<128xf32, #tpu.memory_space<vmem>>) offsets(%dma_start3A_178 : memref<128xi32, #tpu.memory_space<vmem>>) semaphore(%arg19 : memref<!tpu.dma_semaphore, #tpu.memory_space<semaphore_mem>>)
    %dma_start3A_181 = arith.constant 1152 : i32
    %dma_start3A_182 = tpu.memref_slice %arg13[%dma_start3A_181] : memref<2560xf32, #tpu.memory_space<vmem>> -> memref<128xf32, #tpu.memory_space<vmem>>
    %dma_start3A_183 = arith.constant 1152 : i32
    %dma_start3A_184 = tpu.memref_slice %arg10[%dma_start3A_183] : memref<2560xi32, #tpu.memory_space<vmem>> -> memref<128xi32, #tpu.memory_space<vmem>>
    %dma_start3A_185 = arith.constant 0 : i32
    %dma_start3A_186 = tpu.memref_slice %arg4[%dma_start3A_185] : memref<983040xf32, #tpu.memory_space<hbm>> -> memref<983040xf32, #tpu.memory_space<hbm>>
    tpu.enqueue_indirect_dma source(%dma_start3A_186 : memref<983040xf32, #tpu.memory_space<hbm>>) target(%dma_start3A_182 : memref<128xf32, #tpu.memory_space<vmem>>) offsets(%dma_start3A_184 : memref<128xi32, #tpu.memory_space<vmem>>) semaphore(%arg19 : memref<!tpu.dma_semaphore, #tpu.memory_space<semaphore_mem>>)
    %dma_start3A_187 = arith.constant 1280 : i32
    %dma_start3A_188 = tpu.memref_slice %arg13[%dma_start3A_187] : memref<2560xf32, #tpu.memory_space<vmem>> -> memref<128xf32, #tpu.memory_space<vmem>>
    %dma_start3A_189 = arith.constant 1280 : i32
    %dma_start3A_190 = tpu.memref_slice %arg10[%dma_start3A_189] : memref<2560xi32, #tpu.memory_space<vmem>> -> memref<128xi32, #tpu.memory_space<vmem>>
    %dma_start3A_191 = arith.constant 0 : i32
    %dma_start3A_192 = tpu.memref_slice %arg4[%dma_start3A_191] : memref<983040xf32, #tpu.memory_space<hbm>> -> memref<983040xf32, #tpu.memory_space<hbm>>
    tpu.enqueue_indirect_dma source(%dma_start3A_192 : memref<983040xf32, #tpu.memory_space<hbm>>) target(%dma_start3A_188 : memref<128xf32, #tpu.memory_space<vmem>>) offsets(%dma_start3A_190 : memref<128xi32, #tpu.memory_space<vmem>>) semaphore(%arg19 : memref<!tpu.dma_semaphore, #tpu.memory_space<semaphore_mem>>)
    %dma_start3A_193 = arith.constant 1408 : i32
    %dma_start3A_194 = tpu.memref_slice %arg13[%dma_start3A_193] : memref<2560xf32, #tpu.memory_space<vmem>> -> memref<128xf32, #tpu.memory_space<vmem>>
    %dma_start3A_195 = arith.constant 1408 : i32
    %dma_start3A_196 = tpu.memref_slice %arg10[%dma_start3A_195] : memref<2560xi32, #tpu.memory_space<vmem>> -> memref<128xi32, #tpu.memory_space<vmem>>
    %dma_start3A_197 = arith.constant 0 : i32
    %dma_start3A_198 = tpu.memref_slice %arg4[%dma_start3A_197] : memref<983040xf32, #tpu.memory_space<hbm>> -> memref<983040xf32, #tpu.memory_space<hbm>>
    tpu.enqueue_indirect_dma source(%dma_start3A_198 : memref<983040xf32, #tpu.memory_space<hbm>>) target(%dma_start3A_194 : memref<128xf32, #tpu.memory_space<vmem>>) offsets(%dma_start3A_196 : memref<128xi32, #tpu.memory_space<vmem>>) semaphore(%arg19 : memref<!tpu.dma_semaphore, #tpu.memory_space<semaphore_mem>>)
    %dma_start3A_199 = arith.constant 1536 : i32
    %dma_start3A_200 = tpu.memref_slice %arg13[%dma_start3A_199] : memref<2560xf32, #tpu.memory_space<vmem>> -> memref<128xf32, #tpu.memory_space<vmem>>
    %dma_start3A_201 = arith.constant 1536 : i32
    %dma_start3A_202 = tpu.memref_slice %arg10[%dma_start3A_201] : memref<2560xi32, #tpu.memory_space<vmem>> -> memref<128xi32, #tpu.memory_space<vmem>>
    %dma_start3A_203 = arith.constant 0 : i32
    %dma_start3A_204 = tpu.memref_slice %arg4[%dma_start3A_203] : memref<983040xf32, #tpu.memory_space<hbm>> -> memref<983040xf32, #tpu.memory_space<hbm>>
    tpu.enqueue_indirect_dma source(%dma_start3A_204 : memref<983040xf32, #tpu.memory_space<hbm>>) target(%dma_start3A_200 : memref<128xf32, #tpu.memory_space<vmem>>) offsets(%dma_start3A_202 : memref<128xi32, #tpu.memory_space<vmem>>) semaphore(%arg19 : memref<!tpu.dma_semaphore, #tpu.memory_space<semaphore_mem>>)
    %dma_start3A_205 = arith.constant 1664 : i32
    %dma_start3A_206 = tpu.memref_slice %arg13[%dma_start3A_205] : memref<2560xf32, #tpu.memory_space<vmem>> -> memref<128xf32, #tpu.memory_space<vmem>>
    %dma_start3A_207 = arith.constant 1664 : i32
    %dma_start3A_208 = tpu.memref_slice %arg10[%dma_start3A_207] : memref<2560xi32, #tpu.memory_space<vmem>> -> memref<128xi32, #tpu.memory_space<vmem>>
    %dma_start3A_209 = arith.constant 0 : i32
    %dma_start3A_210 = tpu.memref_slice %arg4[%dma_start3A_209] : memref<983040xf32, #tpu.memory_space<hbm>> -> memref<983040xf32, #tpu.memory_space<hbm>>
    tpu.enqueue_indirect_dma source(%dma_start3A_210 : memref<983040xf32, #tpu.memory_space<hbm>>) target(%dma_start3A_206 : memref<128xf32, #tpu.memory_space<vmem>>) offsets(%dma_start3A_208 : memref<128xi32, #tpu.memory_space<vmem>>) semaphore(%arg19 : memref<!tpu.dma_semaphore, #tpu.memory_space<semaphore_mem>>)
    %dma_start3A_211 = arith.constant 1792 : i32
    %dma_start3A_212 = tpu.memref_slice %arg13[%dma_start3A_211] : memref<2560xf32, #tpu.memory_space<vmem>> -> memref<128xf32, #tpu.memory_space<vmem>>
    %dma_start3A_213 = arith.constant 1792 : i32
    %dma_start3A_214 = tpu.memref_slice %arg10[%dma_start3A_213] : memref<2560xi32, #tpu.memory_space<vmem>> -> memref<128xi32, #tpu.memory_space<vmem>>
    %dma_start3A_215 = arith.constant 0 : i32
    %dma_start3A_216 = tpu.memref_slice %arg4[%dma_start3A_215] : memref<983040xf32, #tpu.memory_space<hbm>> -> memref<983040xf32, #tpu.memory_space<hbm>>
    tpu.enqueue_indirect_dma source(%dma_start3A_216 : memref<983040xf32, #tpu.memory_space<hbm>>) target(%dma_start3A_212 : memref<128xf32, #tpu.memory_space<vmem>>) offsets(%dma_start3A_214 : memref<128xi32, #tpu.memory_space<vmem>>) semaphore(%arg19 : memref<!tpu.dma_semaphore, #tpu.memory_space<semaphore_mem>>)
    %dma_start3A_217 = arith.constant 1920 : i32
    %dma_start3A_218 = tpu.memref_slice %arg13[%dma_start3A_217] : memref<2560xf32, #tpu.memory_space<vmem>> -> memref<128xf32, #tpu.memory_space<vmem>>
    %dma_start3A_219 = arith.constant 1920 : i32
    %dma_start3A_220 = tpu.memref_slice %arg10[%dma_start3A_219] : memref<2560xi32, #tpu.memory_space<vmem>> -> memref<128xi32, #tpu.memory_space<vmem>>
    %dma_start3A_221 = arith.constant 0 : i32
    %dma_start3A_222 = tpu.memref_slice %arg4[%dma_start3A_221] : memref<983040xf32, #tpu.memory_space<hbm>> -> memref<983040xf32, #tpu.memory_space<hbm>>
    tpu.enqueue_indirect_dma source(%dma_start3A_222 : memref<983040xf32, #tpu.memory_space<hbm>>) target(%dma_start3A_218 : memref<128xf32, #tpu.memory_space<vmem>>) offsets(%dma_start3A_220 : memref<128xi32, #tpu.memory_space<vmem>>) semaphore(%arg19 : memref<!tpu.dma_semaphore, #tpu.memory_space<semaphore_mem>>)
    %dma_start3A_223 = arith.constant 2048 : i32
    %dma_start3A_224 = tpu.memref_slice %arg13[%dma_start3A_223] : memref<2560xf32, #tpu.memory_space<vmem>> -> memref<128xf32, #tpu.memory_space<vmem>>
    %dma_start3A_225 = arith.constant 2048 : i32
    %dma_start3A_226 = tpu.memref_slice %arg10[%dma_start3A_225] : memref<2560xi32, #tpu.memory_space<vmem>> -> memref<128xi32, #tpu.memory_space<vmem>>
    %dma_start3A_227 = arith.constant 0 : i32
    %dma_start3A_228 = tpu.memref_slice %arg4[%dma_start3A_227] : memref<983040xf32, #tpu.memory_space<hbm>> -> memref<983040xf32, #tpu.memory_space<hbm>>
    tpu.enqueue_indirect_dma source(%dma_start3A_228 : memref<983040xf32, #tpu.memory_space<hbm>>) target(%dma_start3A_224 : memref<128xf32, #tpu.memory_space<vmem>>) offsets(%dma_start3A_226 : memref<128xi32, #tpu.memory_space<vmem>>) semaphore(%arg19 : memref<!tpu.dma_semaphore, #tpu.memory_space<semaphore_mem>>)
    %dma_start3A_229 = arith.constant 2176 : i32
    %dma_start3A_230 = tpu.memref_slice %arg13[%dma_start3A_229] : memref<2560xf32, #tpu.memory_space<vmem>> -> memref<128xf32, #tpu.memory_space<vmem>>
    %dma_start3A_231 = arith.constant 2176 : i32
    %dma_start3A_232 = tpu.memref_slice %arg10[%dma_start3A_231] : memref<2560xi32, #tpu.memory_space<vmem>> -> memref<128xi32, #tpu.memory_space<vmem>>
    %dma_start3A_233 = arith.constant 0 : i32
    %dma_start3A_234 = tpu.memref_slice %arg4[%dma_start3A_233] : memref<983040xf32, #tpu.memory_space<hbm>> -> memref<983040xf32, #tpu.memory_space<hbm>>
    tpu.enqueue_indirect_dma source(%dma_start3A_234 : memref<983040xf32, #tpu.memory_space<hbm>>) target(%dma_start3A_230 : memref<128xf32, #tpu.memory_space<vmem>>) offsets(%dma_start3A_232 : memref<128xi32, #tpu.memory_space<vmem>>) semaphore(%arg19 : memref<!tpu.dma_semaphore, #tpu.memory_space<semaphore_mem>>)
    %dma_start3A_235 = arith.constant 2304 : i32
    %dma_start3A_236 = tpu.memref_slice %arg13[%dma_start3A_235] : memref<2560xf32, #tpu.memory_space<vmem>> -> memref<128xf32, #tpu.memory_space<vmem>>
    %dma_start3A_237 = arith.constant 2304 : i32
    %dma_start3A_238 = tpu.memref_slice %arg10[%dma_start3A_237] : memref<2560xi32, #tpu.memory_space<vmem>> -> memref<128xi32, #tpu.memory_space<vmem>>
    %dma_start3A_239 = arith.constant 0 : i32
    %dma_start3A_240 = tpu.memref_slice %arg4[%dma_start3A_239] : memref<983040xf32, #tpu.memory_space<hbm>> -> memref<983040xf32, #tpu.memory_space<hbm>>
    tpu.enqueue_indirect_dma source(%dma_start3A_240 : memref<983040xf32, #tpu.memory_space<hbm>>) target(%dma_start3A_236 : memref<128xf32, #tpu.memory_space<vmem>>) offsets(%dma_start3A_238 : memref<128xi32, #tpu.memory_space<vmem>>) semaphore(%arg19 : memref<!tpu.dma_semaphore, #tpu.memory_space<semaphore_mem>>)
    %dma_start3A_241 = arith.constant 2432 : i32
    %dma_start3A_242 = tpu.memref_slice %arg13[%dma_start3A_241] : memref<2560xf32, #tpu.memory_space<vmem>> -> memref<128xf32, #tpu.memory_space<vmem>>
    %dma_start3A_243 = arith.constant 2432 : i32
    %dma_start3A_244 = tpu.memref_slice %arg10[%dma_start3A_243] : memref<2560xi32, #tpu.memory_space<vmem>> -> memref<128xi32, #tpu.memory_space<vmem>>
    %dma_start3A_245 = arith.constant 0 : i32
    %dma_start3A_246 = tpu.memref_slice %arg4[%dma_start3A_245] : memref<983040xf32, #tpu.memory_space<hbm>> -> memref<983040xf32, #tpu.memory_space<hbm>>
    tpu.enqueue_indirect_dma source(%dma_start3A_246 : memref<983040xf32, #tpu.memory_space<hbm>>) target(%dma_start3A_242 : memref<128xf32, #tpu.memory_space<vmem>>) offsets(%dma_start3A_244 : memref<128xi32, #tpu.memory_space<vmem>>) semaphore(%arg19 : memref<!tpu.dma_semaphore, #tpu.memory_space<semaphore_mem>>)
    %dma_start3A_247 = arith.constant 0 : i32
    %dma_start3A_248 = tpu.memref_slice %arg14[%dma_start3A_247] : memref<2560xf32, #tpu.memory_space<vmem>> -> memref<128xf32, #tpu.memory_space<vmem>>
    %dma_start3A_249 = arith.constant 0 : i32
    %dma_start3A_250 = tpu.memref_slice %arg11[%dma_start3A_249] : memref<2560xi32, #tpu.memory_space<vmem>> -> memref<128xi32, #tpu.memory_space<vmem>>
    %dma_start3A_251 = arith.constant 0 : i32
    %dma_start3A_252 = tpu.memref_slice %arg4[%dma_start3A_251] : memref<983040xf32, #tpu.memory_space<hbm>> -> memref<983040xf32, #tpu.memory_space<hbm>>
    tpu.enqueue_indirect_dma source(%dma_start3A_252 : memref<983040xf32, #tpu.memory_space<hbm>>) target(%dma_start3A_248 : memref<128xf32, #tpu.memory_space<vmem>>) offsets(%dma_start3A_250 : memref<128xi32, #tpu.memory_space<vmem>>) semaphore(%arg19 : memref<!tpu.dma_semaphore, #tpu.memory_space<semaphore_mem>>)
    %dma_start3A_253 = arith.constant 128 : i32
    %dma_start3A_254 = tpu.memref_slice %arg14[%dma_start3A_253] : memref<2560xf32, #tpu.memory_space<vmem>> -> memref<128xf32, #tpu.memory_space<vmem>>
    %dma_start3A_255 = arith.constant 128 : i32
    %dma_start3A_256 = tpu.memref_slice %arg11[%dma_start3A_255] : memref<2560xi32, #tpu.memory_space<vmem>> -> memref<128xi32, #tpu.memory_space<vmem>>
    %dma_start3A_257 = arith.constant 0 : i32
    %dma_start3A_258 = tpu.memref_slice %arg4[%dma_start3A_257] : memref<983040xf32, #tpu.memory_space<hbm>> -> memref<983040xf32, #tpu.memory_space<hbm>>
    tpu.enqueue_indirect_dma source(%dma_start3A_258 : memref<983040xf32, #tpu.memory_space<hbm>>) target(%dma_start3A_254 : memref<128xf32, #tpu.memory_space<vmem>>) offsets(%dma_start3A_256 : memref<128xi32, #tpu.memory_space<vmem>>) semaphore(%arg19 : memref<!tpu.dma_semaphore, #tpu.memory_space<semaphore_mem>>)
    %dma_start3A_259 = arith.constant 256 : i32
    %dma_start3A_260 = tpu.memref_slice %arg14[%dma_start3A_259] : memref<2560xf32, #tpu.memory_space<vmem>> -> memref<128xf32, #tpu.memory_space<vmem>>
    %dma_start3A_261 = arith.constant 256 : i32
    %dma_start3A_262 = tpu.memref_slice %arg11[%dma_start3A_261] : memref<2560xi32, #tpu.memory_space<vmem>> -> memref<128xi32, #tpu.memory_space<vmem>>
    %dma_start3A_263 = arith.constant 0 : i32
    %dma_start3A_264 = tpu.memref_slice %arg4[%dma_start3A_263] : memref<983040xf32, #tpu.memory_space<hbm>> -> memref<983040xf32, #tpu.memory_space<hbm>>
    tpu.enqueue_indirect_dma source(%dma_start3A_264 : memref<983040xf32, #tpu.memory_space<hbm>>) target(%dma_start3A_260 : memref<128xf32, #tpu.memory_space<vmem>>) offsets(%dma_start3A_262 : memref<128xi32, #tpu.memory_space<vmem>>) semaphore(%arg19 : memref<!tpu.dma_semaphore, #tpu.memory_space<semaphore_mem>>)
    %dma_start3A_265 = arith.constant 384 : i32
    %dma_start3A_266 = tpu.memref_slice %arg14[%dma_start3A_265] : memref<2560xf32, #tpu.memory_space<vmem>> -> memref<128xf32, #tpu.memory_space<vmem>>
    %dma_start3A_267 = arith.constant 384 : i32
    %dma_start3A_268 = tpu.memref_slice %arg11[%dma_start3A_267] : memref<2560xi32, #tpu.memory_space<vmem>> -> memref<128xi32, #tpu.memory_space<vmem>>
    %dma_start3A_269 = arith.constant 0 : i32
    %dma_start3A_270 = tpu.memref_slice %arg4[%dma_start3A_269] : memref<983040xf32, #tpu.memory_space<hbm>> -> memref<983040xf32, #tpu.memory_space<hbm>>
    tpu.enqueue_indirect_dma source(%dma_start3A_270 : memref<983040xf32, #tpu.memory_space<hbm>>) target(%dma_start3A_266 : memref<128xf32, #tpu.memory_space<vmem>>) offsets(%dma_start3A_268 : memref<128xi32, #tpu.memory_space<vmem>>) semaphore(%arg19 : memref<!tpu.dma_semaphore, #tpu.memory_space<semaphore_mem>>)
    %dma_start3A_271 = arith.constant 512 : i32
    %dma_start3A_272 = tpu.memref_slice %arg14[%dma_start3A_271] : memref<2560xf32, #tpu.memory_space<vmem>> -> memref<128xf32, #tpu.memory_space<vmem>>
    %dma_start3A_273 = arith.constant 512 : i32
    %dma_start3A_274 = tpu.memref_slice %arg11[%dma_start3A_273] : memref<2560xi32, #tpu.memory_space<vmem>> -> memref<128xi32, #tpu.memory_space<vmem>>
    %dma_start3A_275 = arith.constant 0 : i32
    %dma_start3A_276 = tpu.memref_slice %arg4[%dma_start3A_275] : memref<983040xf32, #tpu.memory_space<hbm>> -> memref<983040xf32, #tpu.memory_space<hbm>>
    tpu.enqueue_indirect_dma source(%dma_start3A_276 : memref<983040xf32, #tpu.memory_space<hbm>>) target(%dma_start3A_272 : memref<128xf32, #tpu.memory_space<vmem>>) offsets(%dma_start3A_274 : memref<128xi32, #tpu.memory_space<vmem>>) semaphore(%arg19 : memref<!tpu.dma_semaphore, #tpu.memory_space<semaphore_mem>>)
    %dma_start3A_277 = arith.constant 640 : i32
    %dma_start3A_278 = tpu.memref_slice %arg14[%dma_start3A_277] : memref<2560xf32, #tpu.memory_space<vmem>> -> memref<128xf32, #tpu.memory_space<vmem>>
    %dma_start3A_279 = arith.constant 640 : i32
    %dma_start3A_280 = tpu.memref_slice %arg11[%dma_start3A_279] : memref<2560xi32, #tpu.memory_space<vmem>> -> memref<128xi32, #tpu.memory_space<vmem>>
    %dma_start3A_281 = arith.constant 0 : i32
    %dma_start3A_282 = tpu.memref_slice %arg4[%dma_start3A_281] : memref<983040xf32, #tpu.memory_space<hbm>> -> memref<983040xf32, #tpu.memory_space<hbm>>
    tpu.enqueue_indirect_dma source(%dma_start3A_282 : memref<983040xf32, #tpu.memory_space<hbm>>) target(%dma_start3A_278 : memref<128xf32, #tpu.memory_space<vmem>>) offsets(%dma_start3A_280 : memref<128xi32, #tpu.memory_space<vmem>>) semaphore(%arg19 : memref<!tpu.dma_semaphore, #tpu.memory_space<semaphore_mem>>)
    %dma_start3A_283 = arith.constant 768 : i32
    %dma_start3A_284 = tpu.memref_slice %arg14[%dma_start3A_283] : memref<2560xf32, #tpu.memory_space<vmem>> -> memref<128xf32, #tpu.memory_space<vmem>>
    %dma_start3A_285 = arith.constant 768 : i32
    %dma_start3A_286 = tpu.memref_slice %arg11[%dma_start3A_285] : memref<2560xi32, #tpu.memory_space<vmem>> -> memref<128xi32, #tpu.memory_space<vmem>>
    %dma_start3A_287 = arith.constant 0 : i32
    %dma_start3A_288 = tpu.memref_slice %arg4[%dma_start3A_287] : memref<983040xf32, #tpu.memory_space<hbm>> -> memref<983040xf32, #tpu.memory_space<hbm>>
    tpu.enqueue_indirect_dma source(%dma_start3A_288 : memref<983040xf32, #tpu.memory_space<hbm>>) target(%dma_start3A_284 : memref<128xf32, #tpu.memory_space<vmem>>) offsets(%dma_start3A_286 : memref<128xi32, #tpu.memory_space<vmem>>) semaphore(%arg19 : memref<!tpu.dma_semaphore, #tpu.memory_space<semaphore_mem>>)
    %dma_start3A_289 = arith.constant 896 : i32
    %dma_start3A_290 = tpu.memref_slice %arg14[%dma_start3A_289] : memref<2560xf32, #tpu.memory_space<vmem>> -> memref<128xf32, #tpu.memory_space<vmem>>
    %dma_start3A_291 = arith.constant 896 : i32
    %dma_start3A_292 = tpu.memref_slice %arg11[%dma_start3A_291] : memref<2560xi32, #tpu.memory_space<vmem>> -> memref<128xi32, #tpu.memory_space<vmem>>
    %dma_start3A_293 = arith.constant 0 : i32
    %dma_start3A_294 = tpu.memref_slice %arg4[%dma_start3A_293] : memref<983040xf32, #tpu.memory_space<hbm>> -> memref<983040xf32, #tpu.memory_space<hbm>>
    tpu.enqueue_indirect_dma source(%dma_start3A_294 : memref<983040xf32, #tpu.memory_space<hbm>>) target(%dma_start3A_290 : memref<128xf32, #tpu.memory_space<vmem>>) offsets(%dma_start3A_292 : memref<128xi32, #tpu.memory_space<vmem>>) semaphore(%arg19 : memref<!tpu.dma_semaphore, #tpu.memory_space<semaphore_mem>>)
    %dma_start3A_295 = arith.constant 1024 : i32
    %dma_start3A_296 = tpu.memref_slice %arg14[%dma_start3A_295] : memref<2560xf32, #tpu.memory_space<vmem>> -> memref<128xf32, #tpu.memory_space<vmem>>
    %dma_start3A_297 = arith.constant 1024 : i32
    %dma_start3A_298 = tpu.memref_slice %arg11[%dma_start3A_297] : memref<2560xi32, #tpu.memory_space<vmem>> -> memref<128xi32, #tpu.memory_space<vmem>>
    %dma_start3A_299 = arith.constant 0 : i32
    %dma_start3A_300 = tpu.memref_slice %arg4[%dma_start3A_299] : memref<983040xf32, #tpu.memory_space<hbm>> -> memref<983040xf32, #tpu.memory_space<hbm>>
    tpu.enqueue_indirect_dma source(%dma_start3A_300 : memref<983040xf32, #tpu.memory_space<hbm>>) target(%dma_start3A_296 : memref<128xf32, #tpu.memory_space<vmem>>) offsets(%dma_start3A_298 : memref<128xi32, #tpu.memory_space<vmem>>) semaphore(%arg19 : memref<!tpu.dma_semaphore, #tpu.memory_space<semaphore_mem>>)
    %dma_start3A_301 = arith.constant 1152 : i32
    %dma_start3A_302 = tpu.memref_slice %arg14[%dma_start3A_301] : memref<2560xf32, #tpu.memory_space<vmem>> -> memref<128xf32, #tpu.memory_space<vmem>>
    %dma_start3A_303 = arith.constant 1152 : i32
    %dma_start3A_304 = tpu.memref_slice %arg11[%dma_start3A_303] : memref<2560xi32, #tpu.memory_space<vmem>> -> memref<128xi32, #tpu.memory_space<vmem>>
    %dma_start3A_305 = arith.constant 0 : i32
    %dma_start3A_306 = tpu.memref_slice %arg4[%dma_start3A_305] : memref<983040xf32, #tpu.memory_space<hbm>> -> memref<983040xf32, #tpu.memory_space<hbm>>
    tpu.enqueue_indirect_dma source(%dma_start3A_306 : memref<983040xf32, #tpu.memory_space<hbm>>) target(%dma_start3A_302 : memref<128xf32, #tpu.memory_space<vmem>>) offsets(%dma_start3A_304 : memref<128xi32, #tpu.memory_space<vmem>>) semaphore(%arg19 : memref<!tpu.dma_semaphore, #tpu.memory_space<semaphore_mem>>)
    %dma_start3A_307 = arith.constant 1280 : i32
    %dma_start3A_308 = tpu.memref_slice %arg14[%dma_start3A_307] : memref<2560xf32, #tpu.memory_space<vmem>> -> memref<128xf32, #tpu.memory_space<vmem>>
    %dma_start3A_309 = arith.constant 1280 : i32
    %dma_start3A_310 = tpu.memref_slice %arg11[%dma_start3A_309] : memref<2560xi32, #tpu.memory_space<vmem>> -> memref<128xi32, #tpu.memory_space<vmem>>
    %dma_start3A_311 = arith.constant 0 : i32
    %dma_start3A_312 = tpu.memref_slice %arg4[%dma_start3A_311] : memref<983040xf32, #tpu.memory_space<hbm>> -> memref<983040xf32, #tpu.memory_space<hbm>>
    tpu.enqueue_indirect_dma source(%dma_start3A_312 : memref<983040xf32, #tpu.memory_space<hbm>>) target(%dma_start3A_308 : memref<128xf32, #tpu.memory_space<vmem>>) offsets(%dma_start3A_310 : memref<128xi32, #tpu.memory_space<vmem>>) semaphore(%arg19 : memref<!tpu.dma_semaphore, #tpu.memory_space<semaphore_mem>>)
    %dma_start3A_313 = arith.constant 1408 : i32
    %dma_start3A_314 = tpu.memref_slice %arg14[%dma_start3A_313] : memref<2560xf32, #tpu.memory_space<vmem>> -> memref<128xf32, #tpu.memory_space<vmem>>
    %dma_start3A_315 = arith.constant 1408 : i32
    %dma_start3A_316 = tpu.memref_slice %arg11[%dma_start3A_315] : memref<2560xi32, #tpu.memory_space<vmem>> -> memref<128xi32, #tpu.memory_space<vmem>>
    %dma_start3A_317 = arith.constant 0 : i32
    %dma_start3A_318 = tpu.memref_slice %arg4[%dma_start3A_317] : memref<983040xf32, #tpu.memory_space<hbm>> -> memref<983040xf32, #tpu.memory_space<hbm>>
    tpu.enqueue_indirect_dma source(%dma_start3A_318 : memref<983040xf32, #tpu.memory_space<hbm>>) target(%dma_start3A_314 : memref<128xf32, #tpu.memory_space<vmem>>) offsets(%dma_start3A_316 : memref<128xi32, #tpu.memory_space<vmem>>) semaphore(%arg19 : memref<!tpu.dma_semaphore, #tpu.memory_space<semaphore_mem>>)
    %dma_start3A_319 = arith.constant 1536 : i32
    %dma_start3A_320 = tpu.memref_slice %arg14[%dma_start3A_319] : memref<2560xf32, #tpu.memory_space<vmem>> -> memref<128xf32, #tpu.memory_space<vmem>>
    %dma_start3A_321 = arith.constant 1536 : i32
    %dma_start3A_322 = tpu.memref_slice %arg11[%dma_start3A_321] : memref<2560xi32, #tpu.memory_space<vmem>> -> memref<128xi32, #tpu.memory_space<vmem>>
    %dma_start3A_323 = arith.constant 0 : i32
    %dma_start3A_324 = tpu.memref_slice %arg4[%dma_start3A_323] : memref<983040xf32, #tpu.memory_space<hbm>> -> memref<983040xf32, #tpu.memory_space<hbm>>
    tpu.enqueue_indirect_dma source(%dma_start3A_324 : memref<983040xf32, #tpu.memory_space<hbm>>) target(%dma_start3A_320 : memref<128xf32, #tpu.memory_space<vmem>>) offsets(%dma_start3A_322 : memref<128xi32, #tpu.memory_space<vmem>>) semaphore(%arg19 : memref<!tpu.dma_semaphore, #tpu.memory_space<semaphore_mem>>)
    %dma_start3A_325 = arith.constant 1664 : i32
    %dma_start3A_326 = tpu.memref_slice %arg14[%dma_start3A_325] : memref<2560xf32, #tpu.memory_space<vmem>> -> memref<128xf32, #tpu.memory_space<vmem>>
    %dma_start3A_327 = arith.constant 1664 : i32
    %dma_start3A_328 = tpu.memref_slice %arg11[%dma_start3A_327] : memref<2560xi32, #tpu.memory_space<vmem>> -> memref<128xi32, #tpu.memory_space<vmem>>
    %dma_start3A_329 = arith.constant 0 : i32
    %dma_start3A_330 = tpu.memref_slice %arg4[%dma_start3A_329] : memref<983040xf32, #tpu.memory_space<hbm>> -> memref<983040xf32, #tpu.memory_space<hbm>>
    tpu.enqueue_indirect_dma source(%dma_start3A_330 : memref<983040xf32, #tpu.memory_space<hbm>>) target(%dma_start3A_326 : memref<128xf32, #tpu.memory_space<vmem>>) offsets(%dma_start3A_328 : memref<128xi32, #tpu.memory_space<vmem>>) semaphore(%arg19 : memref<!tpu.dma_semaphore, #tpu.memory_space<semaphore_mem>>)
    %dma_start3A_331 = arith.constant 1792 : i32
    %dma_start3A_332 = tpu.memref_slice %arg14[%dma_start3A_331] : memref<2560xf32, #tpu.memory_space<vmem>> -> memref<128xf32, #tpu.memory_space<vmem>>
    %dma_start3A_333 = arith.constant 1792 : i32
    %dma_start3A_334 = tpu.memref_slice %arg11[%dma_start3A_333] : memref<2560xi32, #tpu.memory_space<vmem>> -> memref<128xi32, #tpu.memory_space<vmem>>
    %dma_start3A_335 = arith.constant 0 : i32
    %dma_start3A_336 = tpu.memref_slice %arg4[%dma_start3A_335] : memref<983040xf32, #tpu.memory_space<hbm>> -> memref<983040xf32, #tpu.memory_space<hbm>>
    tpu.enqueue_indirect_dma source(%dma_start3A_336 : memref<983040xf32, #tpu.memory_space<hbm>>) target(%dma_start3A_332 : memref<128xf32, #tpu.memory_space<vmem>>) offsets(%dma_start3A_334 : memref<128xi32, #tpu.memory_space<vmem>>) semaphore(%arg19 : memref<!tpu.dma_semaphore, #tpu.memory_space<semaphore_mem>>)
    %dma_start3A_337 = arith.constant 1920 : i32
    %dma_start3A_338 = tpu.memref_slice %arg14[%dma_start3A_337] : memref<2560xf32, #tpu.memory_space<vmem>> -> memref<128xf32, #tpu.memory_space<vmem>>
    %dma_start3A_339 = arith.constant 1920 : i32
    %dma_start3A_340 = tpu.memref_slice %arg11[%dma_start3A_339] : memref<2560xi32, #tpu.memory_space<vmem>> -> memref<128xi32, #tpu.memory_space<vmem>>
    %dma_start3A_341 = arith.constant 0 : i32
    %dma_start3A_342 = tpu.memref_slice %arg4[%dma_start3A_341] : memref<983040xf32, #tpu.memory_space<hbm>> -> memref<983040xf32, #tpu.memory_space<hbm>>
    tpu.enqueue_indirect_dma source(%dma_start3A_342 : memref<983040xf32, #tpu.memory_space<hbm>>) target(%dma_start3A_338 : memref<128xf32, #tpu.memory_space<vmem>>) offsets(%dma_start3A_340 : memref<128xi32, #tpu.memory_space<vmem>>) semaphore(%arg19 : memref<!tpu.dma_semaphore, #tpu.memory_space<semaphore_mem>>)
    %dma_start3A_343 = arith.constant 2048 : i32
    %dma_start3A_344 = tpu.memref_slice %arg14[%dma_start3A_343] : memref<2560xf32, #tpu.memory_space<vmem>> -> memref<128xf32, #tpu.memory_space<vmem>>
    %dma_start3A_345 = arith.constant 2048 : i32
    %dma_start3A_346 = tpu.memref_slice %arg11[%dma_start3A_345] : memref<2560xi32, #tpu.memory_space<vmem>> -> memref<128xi32, #tpu.memory_space<vmem>>
    %dma_start3A_347 = arith.constant 0 : i32
    %dma_start3A_348 = tpu.memref_slice %arg4[%dma_start3A_347] : memref<983040xf32, #tpu.memory_space<hbm>> -> memref<983040xf32, #tpu.memory_space<hbm>>
    tpu.enqueue_indirect_dma source(%dma_start3A_348 : memref<983040xf32, #tpu.memory_space<hbm>>) target(%dma_start3A_344 : memref<128xf32, #tpu.memory_space<vmem>>) offsets(%dma_start3A_346 : memref<128xi32, #tpu.memory_space<vmem>>) semaphore(%arg19 : memref<!tpu.dma_semaphore, #tpu.memory_space<semaphore_mem>>)
    %dma_start3A_349 = arith.constant 2176 : i32
    %dma_start3A_350 = tpu.memref_slice %arg14[%dma_start3A_349] : memref<2560xf32, #tpu.memory_space<vmem>> -> memref<128xf32, #tpu.memory_space<vmem>>
    %dma_start3A_351 = arith.constant 2176 : i32
    %dma_start3A_352 = tpu.memref_slice %arg11[%dma_start3A_351] : memref<2560xi32, #tpu.memory_space<vmem>> -> memref<128xi32, #tpu.memory_space<vmem>>
    %dma_start3A_353 = arith.constant 0 : i32
    %dma_start3A_354 = tpu.memref_slice %arg4[%dma_start3A_353] : memref<983040xf32, #tpu.memory_space<hbm>> -> memref<983040xf32, #tpu.memory_space<hbm>>
    tpu.enqueue_indirect_dma source(%dma_start3A_354 : memref<983040xf32, #tpu.memory_space<hbm>>) target(%dma_start3A_350 : memref<128xf32, #tpu.memory_space<vmem>>) offsets(%dma_start3A_352 : memref<128xi32, #tpu.memory_space<vmem>>) semaphore(%arg19 : memref<!tpu.dma_semaphore, #tpu.memory_space<semaphore_mem>>)
    %dma_start3A_355 = arith.constant 2304 : i32
    %dma_start3A_356 = tpu.memref_slice %arg14[%dma_start3A_355] : memref<2560xf32, #tpu.memory_space<vmem>> -> memref<128xf32, #tpu.memory_space<vmem>>
    %dma_start3A_357 = arith.constant 2304 : i32
    %dma_start3A_358 = tpu.memref_slice %arg11[%dma_start3A_357] : memref<2560xi32, #tpu.memory_space<vmem>> -> memref<128xi32, #tpu.memory_space<vmem>>
    %dma_start3A_359 = arith.constant 0 : i32
    %dma_start3A_360 = tpu.memref_slice %arg4[%dma_start3A_359] : memref<983040xf32, #tpu.memory_space<hbm>> -> memref<983040xf32, #tpu.memory_space<hbm>>
    tpu.enqueue_indirect_dma source(%dma_start3A_360 : memref<983040xf32, #tpu.memory_space<hbm>>) target(%dma_start3A_356 : memref<128xf32, #tpu.memory_space<vmem>>) offsets(%dma_start3A_358 : memref<128xi32, #tpu.memory_space<vmem>>) semaphore(%arg19 : memref<!tpu.dma_semaphore, #tpu.memory_space<semaphore_mem>>)
    %dma_start3A_361 = arith.constant 2432 : i32
    %dma_start3A_362 = tpu.memref_slice %arg14[%dma_start3A_361] : memref<2560xf32, #tpu.memory_space<vmem>> -> memref<128xf32, #tpu.memory_space<vmem>>
    %dma_start3A_363 = arith.constant 2432 : i32
    %dma_start3A_364 = tpu.memref_slice %arg11[%dma_start3A_363] : memref<2560xi32, #tpu.memory_space<vmem>> -> memref<128xi32, #tpu.memory_space<vmem>>
    %dma_start3A_365 = arith.constant 0 : i32
    %dma_start3A_366 = tpu.memref_slice %arg4[%dma_start3A_365] : memref<983040xf32, #tpu.memory_space<hbm>> -> memref<983040xf32, #tpu.memory_space<hbm>>
    tpu.enqueue_indirect_dma source(%dma_start3A_366 : memref<983040xf32, #tpu.memory_space<hbm>>) target(%dma_start3A_362 : memref<128xf32, #tpu.memory_space<vmem>>) offsets(%dma_start3A_364 : memref<128xi32, #tpu.memory_space<vmem>>) semaphore(%arg19 : memref<!tpu.dma_semaphore, #tpu.memory_space<semaphore_mem>>)
    %dma_wait3A = arith.constant 0 : i32
    %dma_wait3A_367 = tpu.memref_slice %arg12[%dma_wait3A] : memref<2560xf32, #tpu.memory_space<vmem>> -> memref<128xf32, #tpu.memory_space<vmem>>
    %dma_wait3A_368 = arith.constant 0 : i32
    %dma_wait3A_369 = tpu.memref_slice %arg9[%dma_wait3A_368] : memref<2560xi32, #tpu.memory_space<vmem>> -> memref<128xi32, #tpu.memory_space<vmem>>
    %dma_wait3A_370 = arith.constant 0 : i32
    %dma_wait3A_371 = tpu.memref_slice %arg4[%dma_wait3A_370] : memref<983040xf32, #tpu.memory_space<hbm>> -> memref<983040xf32, #tpu.memory_space<hbm>>
    tpu.wait_indirect_dma semaphore(%arg19 : memref<!tpu.dma_semaphore, #tpu.memory_space<semaphore_mem>>) src(%dma_wait3A_371 : memref<983040xf32, #tpu.memory_space<hbm>>) dst(%dma_wait3A_367 : memref<128xf32, #tpu.memory_space<vmem>>)
    %dma_wait3A_372 = arith.constant 128 : i32
    %dma_wait3A_373 = tpu.memref_slice %arg12[%dma_wait3A_372] : memref<2560xf32, #tpu.memory_space<vmem>> -> memref<128xf32, #tpu.memory_space<vmem>>
    %dma_wait3A_374 = arith.constant 128 : i32
    %dma_wait3A_375 = tpu.memref_slice %arg9[%dma_wait3A_374] : memref<2560xi32, #tpu.memory_space<vmem>> -> memref<128xi32, #tpu.memory_space<vmem>>
    %dma_wait3A_376 = arith.constant 0 : i32
    %dma_wait3A_377 = tpu.memref_slice %arg4[%dma_wait3A_376] : memref<983040xf32, #tpu.memory_space<hbm>> -> memref<983040xf32, #tpu.memory_space<hbm>>
    tpu.wait_indirect_dma semaphore(%arg19 : memref<!tpu.dma_semaphore, #tpu.memory_space<semaphore_mem>>) src(%dma_wait3A_377 : memref<983040xf32, #tpu.memory_space<hbm>>) dst(%dma_wait3A_373 : memref<128xf32, #tpu.memory_space<vmem>>)
    %dma_wait3A_378 = arith.constant 256 : i32
    %dma_wait3A_379 = tpu.memref_slice %arg12[%dma_wait3A_378] : memref<2560xf32, #tpu.memory_space<vmem>> -> memref<128xf32, #tpu.memory_space<vmem>>
    %dma_wait3A_380 = arith.constant 256 : i32
    %dma_wait3A_381 = tpu.memref_slice %arg9[%dma_wait3A_380] : memref<2560xi32, #tpu.memory_space<vmem>> -> memref<128xi32, #tpu.memory_space<vmem>>
    %dma_wait3A_382 = arith.constant 0 : i32
    %dma_wait3A_383 = tpu.memref_slice %arg4[%dma_wait3A_382] : memref<983040xf32, #tpu.memory_space<hbm>> -> memref<983040xf32, #tpu.memory_space<hbm>>
    tpu.wait_indirect_dma semaphore(%arg19 : memref<!tpu.dma_semaphore, #tpu.memory_space<semaphore_mem>>) src(%dma_wait3A_383 : memref<983040xf32, #tpu.memory_space<hbm>>) dst(%dma_wait3A_379 : memref<128xf32, #tpu.memory_space<vmem>>)
    %dma_wait3A_384 = arith.constant 384 : i32
    %dma_wait3A_385 = tpu.memref_slice %arg12[%dma_wait3A_384] : memref<2560xf32, #tpu.memory_space<vmem>> -> memref<128xf32, #tpu.memory_space<vmem>>
    %dma_wait3A_386 = arith.constant 384 : i32
    %dma_wait3A_387 = tpu.memref_slice %arg9[%dma_wait3A_386] : memref<2560xi32, #tpu.memory_space<vmem>> -> memref<128xi32, #tpu.memory_space<vmem>>
    %dma_wait3A_388 = arith.constant 0 : i32
    %dma_wait3A_389 = tpu.memref_slice %arg4[%dma_wait3A_388] : memref<983040xf32, #tpu.memory_space<hbm>> -> memref<983040xf32, #tpu.memory_space<hbm>>
    tpu.wait_indirect_dma semaphore(%arg19 : memref<!tpu.dma_semaphore, #tpu.memory_space<semaphore_mem>>) src(%dma_wait3A_389 : memref<983040xf32, #tpu.memory_space<hbm>>) dst(%dma_wait3A_385 : memref<128xf32, #tpu.memory_space<vmem>>)
    %dma_wait3A_390 = arith.constant 512 : i32
    %dma_wait3A_391 = tpu.memref_slice %arg12[%dma_wait3A_390] : memref<2560xf32, #tpu.memory_space<vmem>> -> memref<128xf32, #tpu.memory_space<vmem>>
    %dma_wait3A_392 = arith.constant 512 : i32
    %dma_wait3A_393 = tpu.memref_slice %arg9[%dma_wait3A_392] : memref<2560xi32, #tpu.memory_space<vmem>> -> memref<128xi32, #tpu.memory_space<vmem>>
    %dma_wait3A_394 = arith.constant 0 : i32
    %dma_wait3A_395 = tpu.memref_slice %arg4[%dma_wait3A_394] : memref<983040xf32, #tpu.memory_space<hbm>> -> memref<983040xf32, #tpu.memory_space<hbm>>
    tpu.wait_indirect_dma semaphore(%arg19 : memref<!tpu.dma_semaphore, #tpu.memory_space<semaphore_mem>>) src(%dma_wait3A_395 : memref<983040xf32, #tpu.memory_space<hbm>>) dst(%dma_wait3A_391 : memref<128xf32, #tpu.memory_space<vmem>>)
    %dma_wait3A_396 = arith.constant 640 : i32
    %dma_wait3A_397 = tpu.memref_slice %arg12[%dma_wait3A_396] : memref<2560xf32, #tpu.memory_space<vmem>> -> memref<128xf32, #tpu.memory_space<vmem>>
    %dma_wait3A_398 = arith.constant 640 : i32
    %dma_wait3A_399 = tpu.memref_slice %arg9[%dma_wait3A_398] : memref<2560xi32, #tpu.memory_space<vmem>> -> memref<128xi32, #tpu.memory_space<vmem>>
    %dma_wait3A_400 = arith.constant 0 : i32
    %dma_wait3A_401 = tpu.memref_slice %arg4[%dma_wait3A_400] : memref<983040xf32, #tpu.memory_space<hbm>> -> memref<983040xf32, #tpu.memory_space<hbm>>
    tpu.wait_indirect_dma semaphore(%arg19 : memref<!tpu.dma_semaphore, #tpu.memory_space<semaphore_mem>>) src(%dma_wait3A_401 : memref<983040xf32, #tpu.memory_space<hbm>>) dst(%dma_wait3A_397 : memref<128xf32, #tpu.memory_space<vmem>>)
    %dma_wait3A_402 = arith.constant 768 : i32
    %dma_wait3A_403 = tpu.memref_slice %arg12[%dma_wait3A_402] : memref<2560xf32, #tpu.memory_space<vmem>> -> memref<128xf32, #tpu.memory_space<vmem>>
    %dma_wait3A_404 = arith.constant 768 : i32
    %dma_wait3A_405 = tpu.memref_slice %arg9[%dma_wait3A_404] : memref<2560xi32, #tpu.memory_space<vmem>> -> memref<128xi32, #tpu.memory_space<vmem>>
    %dma_wait3A_406 = arith.constant 0 : i32
    %dma_wait3A_407 = tpu.memref_slice %arg4[%dma_wait3A_406] : memref<983040xf32, #tpu.memory_space<hbm>> -> memref<983040xf32, #tpu.memory_space<hbm>>
    tpu.wait_indirect_dma semaphore(%arg19 : memref<!tpu.dma_semaphore, #tpu.memory_space<semaphore_mem>>) src(%dma_wait3A_407 : memref<983040xf32, #tpu.memory_space<hbm>>) dst(%dma_wait3A_403 : memref<128xf32, #tpu.memory_space<vmem>>)
    %dma_wait3A_408 = arith.constant 896 : i32
    %dma_wait3A_409 = tpu.memref_slice %arg12[%dma_wait3A_408] : memref<2560xf32, #tpu.memory_space<vmem>> -> memref<128xf32, #tpu.memory_space<vmem>>
    %dma_wait3A_410 = arith.constant 896 : i32
    %dma_wait3A_411 = tpu.memref_slice %arg9[%dma_wait3A_410] : memref<2560xi32, #tpu.memory_space<vmem>> -> memref<128xi32, #tpu.memory_space<vmem>>
    %dma_wait3A_412 = arith.constant 0 : i32
    %dma_wait3A_413 = tpu.memref_slice %arg4[%dma_wait3A_412] : memref<983040xf32, #tpu.memory_space<hbm>> -> memref<983040xf32, #tpu.memory_space<hbm>>
    tpu.wait_indirect_dma semaphore(%arg19 : memref<!tpu.dma_semaphore, #tpu.memory_space<semaphore_mem>>) src(%dma_wait3A_413 : memref<983040xf32, #tpu.memory_space<hbm>>) dst(%dma_wait3A_409 : memref<128xf32, #tpu.memory_space<vmem>>)
    %dma_wait3A_414 = arith.constant 1024 : i32
    %dma_wait3A_415 = tpu.memref_slice %arg12[%dma_wait3A_414] : memref<2560xf32, #tpu.memory_space<vmem>> -> memref<128xf32, #tpu.memory_space<vmem>>
    %dma_wait3A_416 = arith.constant 1024 : i32
    %dma_wait3A_417 = tpu.memref_slice %arg9[%dma_wait3A_416] : memref<2560xi32, #tpu.memory_space<vmem>> -> memref<128xi32, #tpu.memory_space<vmem>>
    %dma_wait3A_418 = arith.constant 0 : i32
    %dma_wait3A_419 = tpu.memref_slice %arg4[%dma_wait3A_418] : memref<983040xf32, #tpu.memory_space<hbm>> -> memref<983040xf32, #tpu.memory_space<hbm>>
    tpu.wait_indirect_dma semaphore(%arg19 : memref<!tpu.dma_semaphore, #tpu.memory_space<semaphore_mem>>) src(%dma_wait3A_419 : memref<983040xf32, #tpu.memory_space<hbm>>) dst(%dma_wait3A_415 : memref<128xf32, #tpu.memory_space<vmem>>)
    %dma_wait3A_420 = arith.constant 1152 : i32
    %dma_wait3A_421 = tpu.memref_slice %arg12[%dma_wait3A_420] : memref<2560xf32, #tpu.memory_space<vmem>> -> memref<128xf32, #tpu.memory_space<vmem>>
    %dma_wait3A_422 = arith.constant 1152 : i32
    %dma_wait3A_423 = tpu.memref_slice %arg9[%dma_wait3A_422] : memref<2560xi32, #tpu.memory_space<vmem>> -> memref<128xi32, #tpu.memory_space<vmem>>
    %dma_wait3A_424 = arith.constant 0 : i32
    %dma_wait3A_425 = tpu.memref_slice %arg4[%dma_wait3A_424] : memref<983040xf32, #tpu.memory_space<hbm>> -> memref<983040xf32, #tpu.memory_space<hbm>>
    tpu.wait_indirect_dma semaphore(%arg19 : memref<!tpu.dma_semaphore, #tpu.memory_space<semaphore_mem>>) src(%dma_wait3A_425 : memref<983040xf32, #tpu.memory_space<hbm>>) dst(%dma_wait3A_421 : memref<128xf32, #tpu.memory_space<vmem>>)
    %dma_wait3A_426 = arith.constant 1280 : i32
    %dma_wait3A_427 = tpu.memref_slice %arg12[%dma_wait3A_426] : memref<2560xf32, #tpu.memory_space<vmem>> -> memref<128xf32, #tpu.memory_space<vmem>>
    %dma_wait3A_428 = arith.constant 1280 : i32
    %dma_wait3A_429 = tpu.memref_slice %arg9[%dma_wait3A_428] : memref<2560xi32, #tpu.memory_space<vmem>> -> memref<128xi32, #tpu.memory_space<vmem>>
    %dma_wait3A_430 = arith.constant 0 : i32
    %dma_wait3A_431 = tpu.memref_slice %arg4[%dma_wait3A_430] : memref<983040xf32, #tpu.memory_space<hbm>> -> memref<983040xf32, #tpu.memory_space<hbm>>
    tpu.wait_indirect_dma semaphore(%arg19 : memref<!tpu.dma_semaphore, #tpu.memory_space<semaphore_mem>>) src(%dma_wait3A_431 : memref<983040xf32, #tpu.memory_space<hbm>>) dst(%dma_wait3A_427 : memref<128xf32, #tpu.memory_space<vmem>>)
    %dma_wait3A_432 = arith.constant 1408 : i32
    %dma_wait3A_433 = tpu.memref_slice %arg12[%dma_wait3A_432] : memref<2560xf32, #tpu.memory_space<vmem>> -> memref<128xf32, #tpu.memory_space<vmem>>
    %dma_wait3A_434 = arith.constant 1408 : i32
    %dma_wait3A_435 = tpu.memref_slice %arg9[%dma_wait3A_434] : memref<2560xi32, #tpu.memory_space<vmem>> -> memref<128xi32, #tpu.memory_space<vmem>>
    %dma_wait3A_436 = arith.constant 0 : i32
    %dma_wait3A_437 = tpu.memref_slice %arg4[%dma_wait3A_436] : memref<983040xf32, #tpu.memory_space<hbm>> -> memref<983040xf32, #tpu.memory_space<hbm>>
    tpu.wait_indirect_dma semaphore(%arg19 : memref<!tpu.dma_semaphore, #tpu.memory_space<semaphore_mem>>) src(%dma_wait3A_437 : memref<983040xf32, #tpu.memory_space<hbm>>) dst(%dma_wait3A_433 : memref<128xf32, #tpu.memory_space<vmem>>)
    %dma_wait3A_438 = arith.constant 1536 : i32
    %dma_wait3A_439 = tpu.memref_slice %arg12[%dma_wait3A_438] : memref<2560xf32, #tpu.memory_space<vmem>> -> memref<128xf32, #tpu.memory_space<vmem>>
    %dma_wait3A_440 = arith.constant 1536 : i32
    %dma_wait3A_441 = tpu.memref_slice %arg9[%dma_wait3A_440] : memref<2560xi32, #tpu.memory_space<vmem>> -> memref<128xi32, #tpu.memory_space<vmem>>
    %dma_wait3A_442 = arith.constant 0 : i32
    %dma_wait3A_443 = tpu.memref_slice %arg4[%dma_wait3A_442] : memref<983040xf32, #tpu.memory_space<hbm>> -> memref<983040xf32, #tpu.memory_space<hbm>>
    tpu.wait_indirect_dma semaphore(%arg19 : memref<!tpu.dma_semaphore, #tpu.memory_space<semaphore_mem>>) src(%dma_wait3A_443 : memref<983040xf32, #tpu.memory_space<hbm>>) dst(%dma_wait3A_439 : memref<128xf32, #tpu.memory_space<vmem>>)
    %dma_wait3A_444 = arith.constant 1664 : i32
    %dma_wait3A_445 = tpu.memref_slice %arg12[%dma_wait3A_444] : memref<2560xf32, #tpu.memory_space<vmem>> -> memref<128xf32, #tpu.memory_space<vmem>>
    %dma_wait3A_446 = arith.constant 1664 : i32
    %dma_wait3A_447 = tpu.memref_slice %arg9[%dma_wait3A_446] : memref<2560xi32, #tpu.memory_space<vmem>> -> memref<128xi32, #tpu.memory_space<vmem>>
    %dma_wait3A_448 = arith.constant 0 : i32
    %dma_wait3A_449 = tpu.memref_slice %arg4[%dma_wait3A_448] : memref<983040xf32, #tpu.memory_space<hbm>> -> memref<983040xf32, #tpu.memory_space<hbm>>
    tpu.wait_indirect_dma semaphore(%arg19 : memref<!tpu.dma_semaphore, #tpu.memory_space<semaphore_mem>>) src(%dma_wait3A_449 : memref<983040xf32, #tpu.memory_space<hbm>>) dst(%dma_wait3A_445 : memref<128xf32, #tpu.memory_space<vmem>>)
    %dma_wait3A_450 = arith.constant 1792 : i32
    %dma_wait3A_451 = tpu.memref_slice %arg12[%dma_wait3A_450] : memref<2560xf32, #tpu.memory_space<vmem>> -> memref<128xf32, #tpu.memory_space<vmem>>
    %dma_wait3A_452 = arith.constant 1792 : i32
    %dma_wait3A_453 = tpu.memref_slice %arg9[%dma_wait3A_452] : memref<2560xi32, #tpu.memory_space<vmem>> -> memref<128xi32, #tpu.memory_space<vmem>>
    %dma_wait3A_454 = arith.constant 0 : i32
    %dma_wait3A_455 = tpu.memref_slice %arg4[%dma_wait3A_454] : memref<983040xf32, #tpu.memory_space<hbm>> -> memref<983040xf32, #tpu.memory_space<hbm>>
    tpu.wait_indirect_dma semaphore(%arg19 : memref<!tpu.dma_semaphore, #tpu.memory_space<semaphore_mem>>) src(%dma_wait3A_455 : memref<983040xf32, #tpu.memory_space<hbm>>) dst(%dma_wait3A_451 : memref<128xf32, #tpu.memory_space<vmem>>)
    %dma_wait3A_456 = arith.constant 1920 : i32
    %dma_wait3A_457 = tpu.memref_slice %arg12[%dma_wait3A_456] : memref<2560xf32, #tpu.memory_space<vmem>> -> memref<128xf32, #tpu.memory_space<vmem>>
    %dma_wait3A_458 = arith.constant 1920 : i32
    %dma_wait3A_459 = tpu.memref_slice %arg9[%dma_wait3A_458] : memref<2560xi32, #tpu.memory_space<vmem>> -> memref<128xi32, #tpu.memory_space<vmem>>
    %dma_wait3A_460 = arith.constant 0 : i32
    %dma_wait3A_461 = tpu.memref_slice %arg4[%dma_wait3A_460] : memref<983040xf32, #tpu.memory_space<hbm>> -> memref<983040xf32, #tpu.memory_space<hbm>>
    tpu.wait_indirect_dma semaphore(%arg19 : memref<!tpu.dma_semaphore, #tpu.memory_space<semaphore_mem>>) src(%dma_wait3A_461 : memref<983040xf32, #tpu.memory_space<hbm>>) dst(%dma_wait3A_457 : memref<128xf32, #tpu.memory_space<vmem>>)
    %dma_wait3A_462 = arith.constant 2048 : i32
    %dma_wait3A_463 = tpu.memref_slice %arg12[%dma_wait3A_462] : memref<2560xf32, #tpu.memory_space<vmem>> -> memref<128xf32, #tpu.memory_space<vmem>>
    %dma_wait3A_464 = arith.constant 2048 : i32
    %dma_wait3A_465 = tpu.memref_slice %arg9[%dma_wait3A_464] : memref<2560xi32, #tpu.memory_space<vmem>> -> memref<128xi32, #tpu.memory_space<vmem>>
    %dma_wait3A_466 = arith.constant 0 : i32
    %dma_wait3A_467 = tpu.memref_slice %arg4[%dma_wait3A_466] : memref<983040xf32, #tpu.memory_space<hbm>> -> memref<983040xf32, #tpu.memory_space<hbm>>
    tpu.wait_indirect_dma semaphore(%arg19 : memref<!tpu.dma_semaphore, #tpu.memory_space<semaphore_mem>>) src(%dma_wait3A_467 : memref<983040xf32, #tpu.memory_space<hbm>>) dst(%dma_wait3A_463 : memref<128xf32, #tpu.memory_space<vmem>>)
    %dma_wait3A_468 = arith.constant 2176 : i32
    %dma_wait3A_469 = tpu.memref_slice %arg12[%dma_wait3A_468] : memref<2560xf32, #tpu.memory_space<vmem>> -> memref<128xf32, #tpu.memory_space<vmem>>
    %dma_wait3A_470 = arith.constant 2176 : i32
    %dma_wait3A_471 = tpu.memref_slice %arg9[%dma_wait3A_470] : memref<2560xi32, #tpu.memory_space<vmem>> -> memref<128xi32, #tpu.memory_space<vmem>>
    %dma_wait3A_472 = arith.constant 0 : i32
    %dma_wait3A_473 = tpu.memref_slice %arg4[%dma_wait3A_472] : memref<983040xf32, #tpu.memory_space<hbm>> -> memref<983040xf32, #tpu.memory_space<hbm>>
    tpu.wait_indirect_dma semaphore(%arg19 : memref<!tpu.dma_semaphore, #tpu.memory_space<semaphore_mem>>) src(%dma_wait3A_473 : memref<983040xf32, #tpu.memory_space<hbm>>) dst(%dma_wait3A_469 : memref<128xf32, #tpu.memory_space<vmem>>)
    %dma_wait3A_474 = arith.constant 2304 : i32
    %dma_wait3A_475 = tpu.memref_slice %arg12[%dma_wait3A_474] : memref<2560xf32, #tpu.memory_space<vmem>> -> memref<128xf32, #tpu.memory_space<vmem>>
    %dma_wait3A_476 = arith.constant 2304 : i32
    %dma_wait3A_477 = tpu.memref_slice %arg9[%dma_wait3A_476] : memref<2560xi32, #tpu.memory_space<vmem>> -> memref<128xi32, #tpu.memory_space<vmem>>
    %dma_wait3A_478 = arith.constant 0 : i32
    %dma_wait3A_479 = tpu.memref_slice %arg4[%dma_wait3A_478] : memref<983040xf32, #tpu.memory_space<hbm>> -> memref<983040xf32, #tpu.memory_space<hbm>>
    tpu.wait_indirect_dma semaphore(%arg19 : memref<!tpu.dma_semaphore, #tpu.memory_space<semaphore_mem>>) src(%dma_wait3A_479 : memref<983040xf32, #tpu.memory_space<hbm>>) dst(%dma_wait3A_475 : memref<128xf32, #tpu.memory_space<vmem>>)
    %dma_wait3A_480 = arith.constant 2432 : i32
    %dma_wait3A_481 = tpu.memref_slice %arg12[%dma_wait3A_480] : memref<2560xf32, #tpu.memory_space<vmem>> -> memref<128xf32, #tpu.memory_space<vmem>>
    %dma_wait3A_482 = arith.constant 2432 : i32
    %dma_wait3A_483 = tpu.memref_slice %arg9[%dma_wait3A_482] : memref<2560xi32, #tpu.memory_space<vmem>> -> memref<128xi32, #tpu.memory_space<vmem>>
    %dma_wait3A_484 = arith.constant 0 : i32
    %dma_wait3A_485 = tpu.memref_slice %arg4[%dma_wait3A_484] : memref<983040xf32, #tpu.memory_space<hbm>> -> memref<983040xf32, #tpu.memory_space<hbm>>
    tpu.wait_indirect_dma semaphore(%arg19 : memref<!tpu.dma_semaphore, #tpu.memory_space<semaphore_mem>>) src(%dma_wait3A_485 : memref<983040xf32, #tpu.memory_space<hbm>>) dst(%dma_wait3A_481 : memref<128xf32, #tpu.memory_space<vmem>>)
    %dma_wait3A_486 = arith.constant 0 : i32
    %dma_wait3A_487 = tpu.memref_slice %arg13[%dma_wait3A_486] : memref<2560xf32, #tpu.memory_space<vmem>> -> memref<128xf32, #tpu.memory_space<vmem>>
    %dma_wait3A_488 = arith.constant 0 : i32
    %dma_wait3A_489 = tpu.memref_slice %arg10[%dma_wait3A_488] : memref<2560xi32, #tpu.memory_space<vmem>> -> memref<128xi32, #tpu.memory_space<vmem>>
    %dma_wait3A_490 = arith.constant 0 : i32
    %dma_wait3A_491 = tpu.memref_slice %arg4[%dma_wait3A_490] : memref<983040xf32, #tpu.memory_space<hbm>> -> memref<983040xf32, #tpu.memory_space<hbm>>
    tpu.wait_indirect_dma semaphore(%arg19 : memref<!tpu.dma_semaphore, #tpu.memory_space<semaphore_mem>>) src(%dma_wait3A_491 : memref<983040xf32, #tpu.memory_space<hbm>>) dst(%dma_wait3A_487 : memref<128xf32, #tpu.memory_space<vmem>>)
    %dma_wait3A_492 = arith.constant 128 : i32
    %dma_wait3A_493 = tpu.memref_slice %arg13[%dma_wait3A_492] : memref<2560xf32, #tpu.memory_space<vmem>> -> memref<128xf32, #tpu.memory_space<vmem>>
    %dma_wait3A_494 = arith.constant 128 : i32
    %dma_wait3A_495 = tpu.memref_slice %arg10[%dma_wait3A_494] : memref<2560xi32, #tpu.memory_space<vmem>> -> memref<128xi32, #tpu.memory_space<vmem>>
    %dma_wait3A_496 = arith.constant 0 : i32
    %dma_wait3A_497 = tpu.memref_slice %arg4[%dma_wait3A_496] : memref<983040xf32, #tpu.memory_space<hbm>> -> memref<983040xf32, #tpu.memory_space<hbm>>
    tpu.wait_indirect_dma semaphore(%arg19 : memref<!tpu.dma_semaphore, #tpu.memory_space<semaphore_mem>>) src(%dma_wait3A_497 : memref<983040xf32, #tpu.memory_space<hbm>>) dst(%dma_wait3A_493 : memref<128xf32, #tpu.memory_space<vmem>>)
    %dma_wait3A_498 = arith.constant 256 : i32
    %dma_wait3A_499 = tpu.memref_slice %arg13[%dma_wait3A_498] : memref<2560xf32, #tpu.memory_space<vmem>> -> memref<128xf32, #tpu.memory_space<vmem>>
    %dma_wait3A_500 = arith.constant 256 : i32
    %dma_wait3A_501 = tpu.memref_slice %arg10[%dma_wait3A_500] : memref<2560xi32, #tpu.memory_space<vmem>> -> memref<128xi32, #tpu.memory_space<vmem>>
    %dma_wait3A_502 = arith.constant 0 : i32
    %dma_wait3A_503 = tpu.memref_slice %arg4[%dma_wait3A_502] : memref<983040xf32, #tpu.memory_space<hbm>> -> memref<983040xf32, #tpu.memory_space<hbm>>
    tpu.wait_indirect_dma semaphore(%arg19 : memref<!tpu.dma_semaphore, #tpu.memory_space<semaphore_mem>>) src(%dma_wait3A_503 : memref<983040xf32, #tpu.memory_space<hbm>>) dst(%dma_wait3A_499 : memref<128xf32, #tpu.memory_space<vmem>>)
    %dma_wait3A_504 = arith.constant 384 : i32
    %dma_wait3A_505 = tpu.memref_slice %arg13[%dma_wait3A_504] : memref<2560xf32, #tpu.memory_space<vmem>> -> memref<128xf32, #tpu.memory_space<vmem>>
    %dma_wait3A_506 = arith.constant 384 : i32
    %dma_wait3A_507 = tpu.memref_slice %arg10[%dma_wait3A_506] : memref<2560xi32, #tpu.memory_space<vmem>> -> memref<128xi32, #tpu.memory_space<vmem>>
    %dma_wait3A_508 = arith.constant 0 : i32
    %dma_wait3A_509 = tpu.memref_slice %arg4[%dma_wait3A_508] : memref<983040xf32, #tpu.memory_space<hbm>> -> memref<983040xf32, #tpu.memory_space<hbm>>
    tpu.wait_indirect_dma semaphore(%arg19 : memref<!tpu.dma_semaphore, #tpu.memory_space<semaphore_mem>>) src(%dma_wait3A_509 : memref<983040xf32, #tpu.memory_space<hbm>>) dst(%dma_wait3A_505 : memref<128xf32, #tpu.memory_space<vmem>>)
    %dma_wait3A_510 = arith.constant 512 : i32
    %dma_wait3A_511 = tpu.memref_slice %arg13[%dma_wait3A_510] : memref<2560xf32, #tpu.memory_space<vmem>> -> memref<128xf32, #tpu.memory_space<vmem>>
    %dma_wait3A_512 = arith.constant 512 : i32
    %dma_wait3A_513 = tpu.memref_slice %arg10[%dma_wait3A_512] : memref<2560xi32, #tpu.memory_space<vmem>> -> memref<128xi32, #tpu.memory_space<vmem>>
    %dma_wait3A_514 = arith.constant 0 : i32
    %dma_wait3A_515 = tpu.memref_slice %arg4[%dma_wait3A_514] : memref<983040xf32, #tpu.memory_space<hbm>> -> memref<983040xf32, #tpu.memory_space<hbm>>
    tpu.wait_indirect_dma semaphore(%arg19 : memref<!tpu.dma_semaphore, #tpu.memory_space<semaphore_mem>>) src(%dma_wait3A_515 : memref<983040xf32, #tpu.memory_space<hbm>>) dst(%dma_wait3A_511 : memref<128xf32, #tpu.memory_space<vmem>>)
    %dma_wait3A_516 = arith.constant 640 : i32
    %dma_wait3A_517 = tpu.memref_slice %arg13[%dma_wait3A_516] : memref<2560xf32, #tpu.memory_space<vmem>> -> memref<128xf32, #tpu.memory_space<vmem>>
    %dma_wait3A_518 = arith.constant 640 : i32
    %dma_wait3A_519 = tpu.memref_slice %arg10[%dma_wait3A_518] : memref<2560xi32, #tpu.memory_space<vmem>> -> memref<128xi32, #tpu.memory_space<vmem>>
    %dma_wait3A_520 = arith.constant 0 : i32
    %dma_wait3A_521 = tpu.memref_slice %arg4[%dma_wait3A_520] : memref<983040xf32, #tpu.memory_space<hbm>> -> memref<983040xf32, #tpu.memory_space<hbm>>
    tpu.wait_indirect_dma semaphore(%arg19 : memref<!tpu.dma_semaphore, #tpu.memory_space<semaphore_mem>>) src(%dma_wait3A_521 : memref<983040xf32, #tpu.memory_space<hbm>>) dst(%dma_wait3A_517 : memref<128xf32, #tpu.memory_space<vmem>>)
    %dma_wait3A_522 = arith.constant 768 : i32
    %dma_wait3A_523 = tpu.memref_slice %arg13[%dma_wait3A_522] : memref<2560xf32, #tpu.memory_space<vmem>> -> memref<128xf32, #tpu.memory_space<vmem>>
    %dma_wait3A_524 = arith.constant 768 : i32
    %dma_wait3A_525 = tpu.memref_slice %arg10[%dma_wait3A_524] : memref<2560xi32, #tpu.memory_space<vmem>> -> memref<128xi32, #tpu.memory_space<vmem>>
    %dma_wait3A_526 = arith.constant 0 : i32
    %dma_wait3A_527 = tpu.memref_slice %arg4[%dma_wait3A_526] : memref<983040xf32, #tpu.memory_space<hbm>> -> memref<983040xf32, #tpu.memory_space<hbm>>
    tpu.wait_indirect_dma semaphore(%arg19 : memref<!tpu.dma_semaphore, #tpu.memory_space<semaphore_mem>>) src(%dma_wait3A_527 : memref<983040xf32, #tpu.memory_space<hbm>>) dst(%dma_wait3A_523 : memref<128xf32, #tpu.memory_space<vmem>>)
    %dma_wait3A_528 = arith.constant 896 : i32
    %dma_wait3A_529 = tpu.memref_slice %arg13[%dma_wait3A_528] : memref<2560xf32, #tpu.memory_space<vmem>> -> memref<128xf32, #tpu.memory_space<vmem>>
    %dma_wait3A_530 = arith.constant 896 : i32
    %dma_wait3A_531 = tpu.memref_slice %arg10[%dma_wait3A_530] : memref<2560xi32, #tpu.memory_space<vmem>> -> memref<128xi32, #tpu.memory_space<vmem>>
    %dma_wait3A_532 = arith.constant 0 : i32
    %dma_wait3A_533 = tpu.memref_slice %arg4[%dma_wait3A_532] : memref<983040xf32, #tpu.memory_space<hbm>> -> memref<983040xf32, #tpu.memory_space<hbm>>
    tpu.wait_indirect_dma semaphore(%arg19 : memref<!tpu.dma_semaphore, #tpu.memory_space<semaphore_mem>>) src(%dma_wait3A_533 : memref<983040xf32, #tpu.memory_space<hbm>>) dst(%dma_wait3A_529 : memref<128xf32, #tpu.memory_space<vmem>>)
    %dma_wait3A_534 = arith.constant 1024 : i32
    %dma_wait3A_535 = tpu.memref_slice %arg13[%dma_wait3A_534] : memref<2560xf32, #tpu.memory_space<vmem>> -> memref<128xf32, #tpu.memory_space<vmem>>
    %dma_wait3A_536 = arith.constant 1024 : i32
    %dma_wait3A_537 = tpu.memref_slice %arg10[%dma_wait3A_536] : memref<2560xi32, #tpu.memory_space<vmem>> -> memref<128xi32, #tpu.memory_space<vmem>>
    %dma_wait3A_538 = arith.constant 0 : i32
    %dma_wait3A_539 = tpu.memref_slice %arg4[%dma_wait3A_538] : memref<983040xf32, #tpu.memory_space<hbm>> -> memref<983040xf32, #tpu.memory_space<hbm>>
    tpu.wait_indirect_dma semaphore(%arg19 : memref<!tpu.dma_semaphore, #tpu.memory_space<semaphore_mem>>) src(%dma_wait3A_539 : memref<983040xf32, #tpu.memory_space<hbm>>) dst(%dma_wait3A_535 : memref<128xf32, #tpu.memory_space<vmem>>)
    %dma_wait3A_540 = arith.constant 1152 : i32
    %dma_wait3A_541 = tpu.memref_slice %arg13[%dma_wait3A_540] : memref<2560xf32, #tpu.memory_space<vmem>> -> memref<128xf32, #tpu.memory_space<vmem>>
    %dma_wait3A_542 = arith.constant 1152 : i32
    %dma_wait3A_543 = tpu.memref_slice %arg10[%dma_wait3A_542] : memref<2560xi32, #tpu.memory_space<vmem>> -> memref<128xi32, #tpu.memory_space<vmem>>
    %dma_wait3A_544 = arith.constant 0 : i32
    %dma_wait3A_545 = tpu.memref_slice %arg4[%dma_wait3A_544] : memref<983040xf32, #tpu.memory_space<hbm>> -> memref<983040xf32, #tpu.memory_space<hbm>>
    tpu.wait_indirect_dma semaphore(%arg19 : memref<!tpu.dma_semaphore, #tpu.memory_space<semaphore_mem>>) src(%dma_wait3A_545 : memref<983040xf32, #tpu.memory_space<hbm>>) dst(%dma_wait3A_541 : memref<128xf32, #tpu.memory_space<vmem>>)
    %dma_wait3A_546 = arith.constant 1280 : i32
    %dma_wait3A_547 = tpu.memref_slice %arg13[%dma_wait3A_546] : memref<2560xf32, #tpu.memory_space<vmem>> -> memref<128xf32, #tpu.memory_space<vmem>>
    %dma_wait3A_548 = arith.constant 1280 : i32
    %dma_wait3A_549 = tpu.memref_slice %arg10[%dma_wait3A_548] : memref<2560xi32, #tpu.memory_space<vmem>> -> memref<128xi32, #tpu.memory_space<vmem>>
    %dma_wait3A_550 = arith.constant 0 : i32
    %dma_wait3A_551 = tpu.memref_slice %arg4[%dma_wait3A_550] : memref<983040xf32, #tpu.memory_space<hbm>> -> memref<983040xf32, #tpu.memory_space<hbm>>
    tpu.wait_indirect_dma semaphore(%arg19 : memref<!tpu.dma_semaphore, #tpu.memory_space<semaphore_mem>>) src(%dma_wait3A_551 : memref<983040xf32, #tpu.memory_space<hbm>>) dst(%dma_wait3A_547 : memref<128xf32, #tpu.memory_space<vmem>>)
    %dma_wait3A_552 = arith.constant 1408 : i32
    %dma_wait3A_553 = tpu.memref_slice %arg13[%dma_wait3A_552] : memref<2560xf32, #tpu.memory_space<vmem>> -> memref<128xf32, #tpu.memory_space<vmem>>
    %dma_wait3A_554 = arith.constant 1408 : i32
    %dma_wait3A_555 = tpu.memref_slice %arg10[%dma_wait3A_554] : memref<2560xi32, #tpu.memory_space<vmem>> -> memref<128xi32, #tpu.memory_space<vmem>>
    %dma_wait3A_556 = arith.constant 0 : i32
    %dma_wait3A_557 = tpu.memref_slice %arg4[%dma_wait3A_556] : memref<983040xf32, #tpu.memory_space<hbm>> -> memref<983040xf32, #tpu.memory_space<hbm>>
    tpu.wait_indirect_dma semaphore(%arg19 : memref<!tpu.dma_semaphore, #tpu.memory_space<semaphore_mem>>) src(%dma_wait3A_557 : memref<983040xf32, #tpu.memory_space<hbm>>) dst(%dma_wait3A_553 : memref<128xf32, #tpu.memory_space<vmem>>)
    %dma_wait3A_558 = arith.constant 1536 : i32
    %dma_wait3A_559 = tpu.memref_slice %arg13[%dma_wait3A_558] : memref<2560xf32, #tpu.memory_space<vmem>> -> memref<128xf32, #tpu.memory_space<vmem>>
    %dma_wait3A_560 = arith.constant 1536 : i32
    %dma_wait3A_561 = tpu.memref_slice %arg10[%dma_wait3A_560] : memref<2560xi32, #tpu.memory_space<vmem>> -> memref<128xi32, #tpu.memory_space<vmem>>
    %dma_wait3A_562 = arith.constant 0 : i32
    %dma_wait3A_563 = tpu.memref_slice %arg4[%dma_wait3A_562] : memref<983040xf32, #tpu.memory_space<hbm>> -> memref<983040xf32, #tpu.memory_space<hbm>>
    tpu.wait_indirect_dma semaphore(%arg19 : memref<!tpu.dma_semaphore, #tpu.memory_space<semaphore_mem>>) src(%dma_wait3A_563 : memref<983040xf32, #tpu.memory_space<hbm>>) dst(%dma_wait3A_559 : memref<128xf32, #tpu.memory_space<vmem>>)
    %dma_wait3A_564 = arith.constant 1664 : i32
    %dma_wait3A_565 = tpu.memref_slice %arg13[%dma_wait3A_564] : memref<2560xf32, #tpu.memory_space<vmem>> -> memref<128xf32, #tpu.memory_space<vmem>>
    %dma_wait3A_566 = arith.constant 1664 : i32
    %dma_wait3A_567 = tpu.memref_slice %arg10[%dma_wait3A_566] : memref<2560xi32, #tpu.memory_space<vmem>> -> memref<128xi32, #tpu.memory_space<vmem>>
    %dma_wait3A_568 = arith.constant 0 : i32
    %dma_wait3A_569 = tpu.memref_slice %arg4[%dma_wait3A_568] : memref<983040xf32, #tpu.memory_space<hbm>> -> memref<983040xf32, #tpu.memory_space<hbm>>
    tpu.wait_indirect_dma semaphore(%arg19 : memref<!tpu.dma_semaphore, #tpu.memory_space<semaphore_mem>>) src(%dma_wait3A_569 : memref<983040xf32, #tpu.memory_space<hbm>>) dst(%dma_wait3A_565 : memref<128xf32, #tpu.memory_space<vmem>>)
    %dma_wait3A_570 = arith.constant 1792 : i32
    %dma_wait3A_571 = tpu.memref_slice %arg13[%dma_wait3A_570] : memref<2560xf32, #tpu.memory_space<vmem>> -> memref<128xf32, #tpu.memory_space<vmem>>
    %dma_wait3A_572 = arith.constant 1792 : i32
    %dma_wait3A_573 = tpu.memref_slice %arg10[%dma_wait3A_572] : memref<2560xi32, #tpu.memory_space<vmem>> -> memref<128xi32, #tpu.memory_space<vmem>>
    %dma_wait3A_574 = arith.constant 0 : i32
    %dma_wait3A_575 = tpu.memref_slice %arg4[%dma_wait3A_574] : memref<983040xf32, #tpu.memory_space<hbm>> -> memref<983040xf32, #tpu.memory_space<hbm>>
    tpu.wait_indirect_dma semaphore(%arg19 : memref<!tpu.dma_semaphore, #tpu.memory_space<semaphore_mem>>) src(%dma_wait3A_575 : memref<983040xf32, #tpu.memory_space<hbm>>) dst(%dma_wait3A_571 : memref<128xf32, #tpu.memory_space<vmem>>)
    %dma_wait3A_576 = arith.constant 1920 : i32
    %dma_wait3A_577 = tpu.memref_slice %arg13[%dma_wait3A_576] : memref<2560xf32, #tpu.memory_space<vmem>> -> memref<128xf32, #tpu.memory_space<vmem>>
    %dma_wait3A_578 = arith.constant 1920 : i32
    %dma_wait3A_579 = tpu.memref_slice %arg10[%dma_wait3A_578] : memref<2560xi32, #tpu.memory_space<vmem>> -> memref<128xi32, #tpu.memory_space<vmem>>
    %dma_wait3A_580 = arith.constant 0 : i32
    %dma_wait3A_581 = tpu.memref_slice %arg4[%dma_wait3A_580] : memref<983040xf32, #tpu.memory_space<hbm>> -> memref<983040xf32, #tpu.memory_space<hbm>>
    tpu.wait_indirect_dma semaphore(%arg19 : memref<!tpu.dma_semaphore, #tpu.memory_space<semaphore_mem>>) src(%dma_wait3A_581 : memref<983040xf32, #tpu.memory_space<hbm>>) dst(%dma_wait3A_577 : memref<128xf32, #tpu.memory_space<vmem>>)
    %dma_wait3A_582 = arith.constant 2048 : i32
    %dma_wait3A_583 = tpu.memref_slice %arg13[%dma_wait3A_582] : memref<2560xf32, #tpu.memory_space<vmem>> -> memref<128xf32, #tpu.memory_space<vmem>>
    %dma_wait3A_584 = arith.constant 2048 : i32
    %dma_wait3A_585 = tpu.memref_slice %arg10[%dma_wait3A_584] : memref<2560xi32, #tpu.memory_space<vmem>> -> memref<128xi32, #tpu.memory_space<vmem>>
    %dma_wait3A_586 = arith.constant 0 : i32
    %dma_wait3A_587 = tpu.memref_slice %arg4[%dma_wait3A_586] : memref<983040xf32, #tpu.memory_space<hbm>> -> memref<983040xf32, #tpu.memory_space<hbm>>
    tpu.wait_indirect_dma semaphore(%arg19 : memref<!tpu.dma_semaphore, #tpu.memory_space<semaphore_mem>>) src(%dma_wait3A_587 : memref<983040xf32, #tpu.memory_space<hbm>>) dst(%dma_wait3A_583 : memref<128xf32, #tpu.memory_space<vmem>>)
    %dma_wait3A_588 = arith.constant 2176 : i32
    %dma_wait3A_589 = tpu.memref_slice %arg13[%dma_wait3A_588] : memref<2560xf32, #tpu.memory_space<vmem>> -> memref<128xf32, #tpu.memory_space<vmem>>
    %dma_wait3A_590 = arith.constant 2176 : i32
    %dma_wait3A_591 = tpu.memref_slice %arg10[%dma_wait3A_590] : memref<2560xi32, #tpu.memory_space<vmem>> -> memref<128xi32, #tpu.memory_space<vmem>>
    %dma_wait3A_592 = arith.constant 0 : i32
    %dma_wait3A_593 = tpu.memref_slice %arg4[%dma_wait3A_592] : memref<983040xf32, #tpu.memory_space<hbm>> -> memref<983040xf32, #tpu.memory_space<hbm>>
    tpu.wait_indirect_dma semaphore(%arg19 : memref<!tpu.dma_semaphore, #tpu.memory_space<semaphore_mem>>) src(%dma_wait3A_593 : memref<983040xf32, #tpu.memory_space<hbm>>) dst(%dma_wait3A_589 : memref<128xf32, #tpu.memory_space<vmem>>)
    %dma_wait3A_594 = arith.constant 2304 : i32
    %dma_wait3A_595 = tpu.memref_slice %arg13[%dma_wait3A_594] : memref<2560xf32, #tpu.memory_space<vmem>> -> memref<128xf32, #tpu.memory_space<vmem>>
    %dma_wait3A_596 = arith.constant 2304 : i32
    %dma_wait3A_597 = tpu.memref_slice %arg10[%dma_wait3A_596] : memref<2560xi32, #tpu.memory_space<vmem>> -> memref<128xi32, #tpu.memory_space<vmem>>
    %dma_wait3A_598 = arith.constant 0 : i32
    %dma_wait3A_599 = tpu.memref_slice %arg4[%dma_wait3A_598] : memref<983040xf32, #tpu.memory_space<hbm>> -> memref<983040xf32, #tpu.memory_space<hbm>>
    tpu.wait_indirect_dma semaphore(%arg19 : memref<!tpu.dma_semaphore, #tpu.memory_space<semaphore_mem>>) src(%dma_wait3A_599 : memref<983040xf32, #tpu.memory_space<hbm>>) dst(%dma_wait3A_595 : memref<128xf32, #tpu.memory_space<vmem>>)
    %dma_wait3A_600 = arith.constant 2432 : i32
    %dma_wait3A_601 = tpu.memref_slice %arg13[%dma_wait3A_600] : memref<2560xf32, #tpu.memory_space<vmem>> -> memref<128xf32, #tpu.memory_space<vmem>>
    %dma_wait3A_602 = arith.constant 2432 : i32
    %dma_wait3A_603 = tpu.memref_slice %arg10[%dma_wait3A_602] : memref<2560xi32, #tpu.memory_space<vmem>> -> memref<128xi32, #tpu.memory_space<vmem>>
    %dma_wait3A_604 = arith.constant 0 : i32
    %dma_wait3A_605 = tpu.memref_slice %arg4[%dma_wait3A_604] : memref<983040xf32, #tpu.memory_space<hbm>> -> memref<983040xf32, #tpu.memory_space<hbm>>
    tpu.wait_indirect_dma semaphore(%arg19 : memref<!tpu.dma_semaphore, #tpu.memory_space<semaphore_mem>>) src(%dma_wait3A_605 : memref<983040xf32, #tpu.memory_space<hbm>>) dst(%dma_wait3A_601 : memref<128xf32, #tpu.memory_space<vmem>>)
    %dma_wait3A_606 = arith.constant 0 : i32
    %dma_wait3A_607 = tpu.memref_slice %arg14[%dma_wait3A_606] : memref<2560xf32, #tpu.memory_space<vmem>> -> memref<128xf32, #tpu.memory_space<vmem>>
    %dma_wait3A_608 = arith.constant 0 : i32
    %dma_wait3A_609 = tpu.memref_slice %arg11[%dma_wait3A_608] : memref<2560xi32, #tpu.memory_space<vmem>> -> memref<128xi32, #tpu.memory_space<vmem>>
    %dma_wait3A_610 = arith.constant 0 : i32
    %dma_wait3A_611 = tpu.memref_slice %arg4[%dma_wait3A_610] : memref<983040xf32, #tpu.memory_space<hbm>> -> memref<983040xf32, #tpu.memory_space<hbm>>
    tpu.wait_indirect_dma semaphore(%arg19 : memref<!tpu.dma_semaphore, #tpu.memory_space<semaphore_mem>>) src(%dma_wait3A_611 : memref<983040xf32, #tpu.memory_space<hbm>>) dst(%dma_wait3A_607 : memref<128xf32, #tpu.memory_space<vmem>>)
    %dma_wait3A_612 = arith.constant 128 : i32
    %dma_wait3A_613 = tpu.memref_slice %arg14[%dma_wait3A_612] : memref<2560xf32, #tpu.memory_space<vmem>> -> memref<128xf32, #tpu.memory_space<vmem>>
    %dma_wait3A_614 = arith.constant 128 : i32
    %dma_wait3A_615 = tpu.memref_slice %arg11[%dma_wait3A_614] : memref<2560xi32, #tpu.memory_space<vmem>> -> memref<128xi32, #tpu.memory_space<vmem>>
    %dma_wait3A_616 = arith.constant 0 : i32
    %dma_wait3A_617 = tpu.memref_slice %arg4[%dma_wait3A_616] : memref<983040xf32, #tpu.memory_space<hbm>> -> memref<983040xf32, #tpu.memory_space<hbm>>
    tpu.wait_indirect_dma semaphore(%arg19 : memref<!tpu.dma_semaphore, #tpu.memory_space<semaphore_mem>>) src(%dma_wait3A_617 : memref<983040xf32, #tpu.memory_space<hbm>>) dst(%dma_wait3A_613 : memref<128xf32, #tpu.memory_space<vmem>>)
    %dma_wait3A_618 = arith.constant 256 : i32
    %dma_wait3A_619 = tpu.memref_slice %arg14[%dma_wait3A_618] : memref<2560xf32, #tpu.memory_space<vmem>> -> memref<128xf32, #tpu.memory_space<vmem>>
    %dma_wait3A_620 = arith.constant 256 : i32
    %dma_wait3A_621 = tpu.memref_slice %arg11[%dma_wait3A_620] : memref<2560xi32, #tpu.memory_space<vmem>> -> memref<128xi32, #tpu.memory_space<vmem>>
    %dma_wait3A_622 = arith.constant 0 : i32
    %dma_wait3A_623 = tpu.memref_slice %arg4[%dma_wait3A_622] : memref<983040xf32, #tpu.memory_space<hbm>> -> memref<983040xf32, #tpu.memory_space<hbm>>
    tpu.wait_indirect_dma semaphore(%arg19 : memref<!tpu.dma_semaphore, #tpu.memory_space<semaphore_mem>>) src(%dma_wait3A_623 : memref<983040xf32, #tpu.memory_space<hbm>>) dst(%dma_wait3A_619 : memref<128xf32, #tpu.memory_space<vmem>>)
    %dma_wait3A_624 = arith.constant 384 : i32
    %dma_wait3A_625 = tpu.memref_slice %arg14[%dma_wait3A_624] : memref<2560xf32, #tpu.memory_space<vmem>> -> memref<128xf32, #tpu.memory_space<vmem>>
    %dma_wait3A_626 = arith.constant 384 : i32
    %dma_wait3A_627 = tpu.memref_slice %arg11[%dma_wait3A_626] : memref<2560xi32, #tpu.memory_space<vmem>> -> memref<128xi32, #tpu.memory_space<vmem>>
    %dma_wait3A_628 = arith.constant 0 : i32
    %dma_wait3A_629 = tpu.memref_slice %arg4[%dma_wait3A_628] : memref<983040xf32, #tpu.memory_space<hbm>> -> memref<983040xf32, #tpu.memory_space<hbm>>
    tpu.wait_indirect_dma semaphore(%arg19 : memref<!tpu.dma_semaphore, #tpu.memory_space<semaphore_mem>>) src(%dma_wait3A_629 : memref<983040xf32, #tpu.memory_space<hbm>>) dst(%dma_wait3A_625 : memref<128xf32, #tpu.memory_space<vmem>>)
    %dma_wait3A_630 = arith.constant 512 : i32
    %dma_wait3A_631 = tpu.memref_slice %arg14[%dma_wait3A_630] : memref<2560xf32, #tpu.memory_space<vmem>> -> memref<128xf32, #tpu.memory_space<vmem>>
    %dma_wait3A_632 = arith.constant 512 : i32
    %dma_wait3A_633 = tpu.memref_slice %arg11[%dma_wait3A_632] : memref<2560xi32, #tpu.memory_space<vmem>> -> memref<128xi32, #tpu.memory_space<vmem>>
    %dma_wait3A_634 = arith.constant 0 : i32
    %dma_wait3A_635 = tpu.memref_slice %arg4[%dma_wait3A_634] : memref<983040xf32, #tpu.memory_space<hbm>> -> memref<983040xf32, #tpu.memory_space<hbm>>
    tpu.wait_indirect_dma semaphore(%arg19 : memref<!tpu.dma_semaphore, #tpu.memory_space<semaphore_mem>>) src(%dma_wait3A_635 : memref<983040xf32, #tpu.memory_space<hbm>>) dst(%dma_wait3A_631 : memref<128xf32, #tpu.memory_space<vmem>>)
    %dma_wait3A_636 = arith.constant 640 : i32
    %dma_wait3A_637 = tpu.memref_slice %arg14[%dma_wait3A_636] : memref<2560xf32, #tpu.memory_space<vmem>> -> memref<128xf32, #tpu.memory_space<vmem>>
    %dma_wait3A_638 = arith.constant 640 : i32
    %dma_wait3A_639 = tpu.memref_slice %arg11[%dma_wait3A_638] : memref<2560xi32, #tpu.memory_space<vmem>> -> memref<128xi32, #tpu.memory_space<vmem>>
    %dma_wait3A_640 = arith.constant 0 : i32
    %dma_wait3A_641 = tpu.memref_slice %arg4[%dma_wait3A_640] : memref<983040xf32, #tpu.memory_space<hbm>> -> memref<983040xf32, #tpu.memory_space<hbm>>
    tpu.wait_indirect_dma semaphore(%arg19 : memref<!tpu.dma_semaphore, #tpu.memory_space<semaphore_mem>>) src(%dma_wait3A_641 : memref<983040xf32, #tpu.memory_space<hbm>>) dst(%dma_wait3A_637 : memref<128xf32, #tpu.memory_space<vmem>>)
    %dma_wait3A_642 = arith.constant 768 : i32
    %dma_wait3A_643 = tpu.memref_slice %arg14[%dma_wait3A_642] : memref<2560xf32, #tpu.memory_space<vmem>> -> memref<128xf32, #tpu.memory_space<vmem>>
    %dma_wait3A_644 = arith.constant 768 : i32
    %dma_wait3A_645 = tpu.memref_slice %arg11[%dma_wait3A_644] : memref<2560xi32, #tpu.memory_space<vmem>> -> memref<128xi32, #tpu.memory_space<vmem>>
    %dma_wait3A_646 = arith.constant 0 : i32
    %dma_wait3A_647 = tpu.memref_slice %arg4[%dma_wait3A_646] : memref<983040xf32, #tpu.memory_space<hbm>> -> memref<983040xf32, #tpu.memory_space<hbm>>
    tpu.wait_indirect_dma semaphore(%arg19 : memref<!tpu.dma_semaphore, #tpu.memory_space<semaphore_mem>>) src(%dma_wait3A_647 : memref<983040xf32, #tpu.memory_space<hbm>>) dst(%dma_wait3A_643 : memref<128xf32, #tpu.memory_space<vmem>>)
    %dma_wait3A_648 = arith.constant 896 : i32
    %dma_wait3A_649 = tpu.memref_slice %arg14[%dma_wait3A_648] : memref<2560xf32, #tpu.memory_space<vmem>> -> memref<128xf32, #tpu.memory_space<vmem>>
    %dma_wait3A_650 = arith.constant 896 : i32
    %dma_wait3A_651 = tpu.memref_slice %arg11[%dma_wait3A_650] : memref<2560xi32, #tpu.memory_space<vmem>> -> memref<128xi32, #tpu.memory_space<vmem>>
    %dma_wait3A_652 = arith.constant 0 : i32
    %dma_wait3A_653 = tpu.memref_slice %arg4[%dma_wait3A_652] : memref<983040xf32, #tpu.memory_space<hbm>> -> memref<983040xf32, #tpu.memory_space<hbm>>
    tpu.wait_indirect_dma semaphore(%arg19 : memref<!tpu.dma_semaphore, #tpu.memory_space<semaphore_mem>>) src(%dma_wait3A_653 : memref<983040xf32, #tpu.memory_space<hbm>>) dst(%dma_wait3A_649 : memref<128xf32, #tpu.memory_space<vmem>>)
    %dma_wait3A_654 = arith.constant 1024 : i32
    %dma_wait3A_655 = tpu.memref_slice %arg14[%dma_wait3A_654] : memref<2560xf32, #tpu.memory_space<vmem>> -> memref<128xf32, #tpu.memory_space<vmem>>
    %dma_wait3A_656 = arith.constant 1024 : i32
    %dma_wait3A_657 = tpu.memref_slice %arg11[%dma_wait3A_656] : memref<2560xi32, #tpu.memory_space<vmem>> -> memref<128xi32, #tpu.memory_space<vmem>>
    %dma_wait3A_658 = arith.constant 0 : i32
    %dma_wait3A_659 = tpu.memref_slice %arg4[%dma_wait3A_658] : memref<983040xf32, #tpu.memory_space<hbm>> -> memref<983040xf32, #tpu.memory_space<hbm>>
    tpu.wait_indirect_dma semaphore(%arg19 : memref<!tpu.dma_semaphore, #tpu.memory_space<semaphore_mem>>) src(%dma_wait3A_659 : memref<983040xf32, #tpu.memory_space<hbm>>) dst(%dma_wait3A_655 : memref<128xf32, #tpu.memory_space<vmem>>)
    %dma_wait3A_660 = arith.constant 1152 : i32
    %dma_wait3A_661 = tpu.memref_slice %arg14[%dma_wait3A_660] : memref<2560xf32, #tpu.memory_space<vmem>> -> memref<128xf32, #tpu.memory_space<vmem>>
    %dma_wait3A_662 = arith.constant 1152 : i32
    %dma_wait3A_663 = tpu.memref_slice %arg11[%dma_wait3A_662] : memref<2560xi32, #tpu.memory_space<vmem>> -> memref<128xi32, #tpu.memory_space<vmem>>
    %dma_wait3A_664 = arith.constant 0 : i32
    %dma_wait3A_665 = tpu.memref_slice %arg4[%dma_wait3A_664] : memref<983040xf32, #tpu.memory_space<hbm>> -> memref<983040xf32, #tpu.memory_space<hbm>>
    tpu.wait_indirect_dma semaphore(%arg19 : memref<!tpu.dma_semaphore, #tpu.memory_space<semaphore_mem>>) src(%dma_wait3A_665 : memref<983040xf32, #tpu.memory_space<hbm>>) dst(%dma_wait3A_661 : memref<128xf32, #tpu.memory_space<vmem>>)
    %dma_wait3A_666 = arith.constant 1280 : i32
    %dma_wait3A_667 = tpu.memref_slice %arg14[%dma_wait3A_666] : memref<2560xf32, #tpu.memory_space<vmem>> -> memref<128xf32, #tpu.memory_space<vmem>>
    %dma_wait3A_668 = arith.constant 1280 : i32
    %dma_wait3A_669 = tpu.memref_slice %arg11[%dma_wait3A_668] : memref<2560xi32, #tpu.memory_space<vmem>> -> memref<128xi32, #tpu.memory_space<vmem>>
    %dma_wait3A_670 = arith.constant 0 : i32
    %dma_wait3A_671 = tpu.memref_slice %arg4[%dma_wait3A_670] : memref<983040xf32, #tpu.memory_space<hbm>> -> memref<983040xf32, #tpu.memory_space<hbm>>
    tpu.wait_indirect_dma semaphore(%arg19 : memref<!tpu.dma_semaphore, #tpu.memory_space<semaphore_mem>>) src(%dma_wait3A_671 : memref<983040xf32, #tpu.memory_space<hbm>>) dst(%dma_wait3A_667 : memref<128xf32, #tpu.memory_space<vmem>>)
    %dma_wait3A_672 = arith.constant 1408 : i32
    %dma_wait3A_673 = tpu.memref_slice %arg14[%dma_wait3A_672] : memref<2560xf32, #tpu.memory_space<vmem>> -> memref<128xf32, #tpu.memory_space<vmem>>
    %dma_wait3A_674 = arith.constant 1408 : i32
    %dma_wait3A_675 = tpu.memref_slice %arg11[%dma_wait3A_674] : memref<2560xi32, #tpu.memory_space<vmem>> -> memref<128xi32, #tpu.memory_space<vmem>>
    %dma_wait3A_676 = arith.constant 0 : i32
    %dma_wait3A_677 = tpu.memref_slice %arg4[%dma_wait3A_676] : memref<983040xf32, #tpu.memory_space<hbm>> -> memref<983040xf32, #tpu.memory_space<hbm>>
    tpu.wait_indirect_dma semaphore(%arg19 : memref<!tpu.dma_semaphore, #tpu.memory_space<semaphore_mem>>) src(%dma_wait3A_677 : memref<983040xf32, #tpu.memory_space<hbm>>) dst(%dma_wait3A_673 : memref<128xf32, #tpu.memory_space<vmem>>)
    %dma_wait3A_678 = arith.constant 1536 : i32
    %dma_wait3A_679 = tpu.memref_slice %arg14[%dma_wait3A_678] : memref<2560xf32, #tpu.memory_space<vmem>> -> memref<128xf32, #tpu.memory_space<vmem>>
    %dma_wait3A_680 = arith.constant 1536 : i32
    %dma_wait3A_681 = tpu.memref_slice %arg11[%dma_wait3A_680] : memref<2560xi32, #tpu.memory_space<vmem>> -> memref<128xi32, #tpu.memory_space<vmem>>
    %dma_wait3A_682 = arith.constant 0 : i32
    %dma_wait3A_683 = tpu.memref_slice %arg4[%dma_wait3A_682] : memref<983040xf32, #tpu.memory_space<hbm>> -> memref<983040xf32, #tpu.memory_space<hbm>>
    tpu.wait_indirect_dma semaphore(%arg19 : memref<!tpu.dma_semaphore, #tpu.memory_space<semaphore_mem>>) src(%dma_wait3A_683 : memref<983040xf32, #tpu.memory_space<hbm>>) dst(%dma_wait3A_679 : memref<128xf32, #tpu.memory_space<vmem>>)
    %dma_wait3A_684 = arith.constant 1664 : i32
    %dma_wait3A_685 = tpu.memref_slice %arg14[%dma_wait3A_684] : memref<2560xf32, #tpu.memory_space<vmem>> -> memref<128xf32, #tpu.memory_space<vmem>>
    %dma_wait3A_686 = arith.constant 1664 : i32
    %dma_wait3A_687 = tpu.memref_slice %arg11[%dma_wait3A_686] : memref<2560xi32, #tpu.memory_space<vmem>> -> memref<128xi32, #tpu.memory_space<vmem>>
    %dma_wait3A_688 = arith.constant 0 : i32
    %dma_wait3A_689 = tpu.memref_slice %arg4[%dma_wait3A_688] : memref<983040xf32, #tpu.memory_space<hbm>> -> memref<983040xf32, #tpu.memory_space<hbm>>
    tpu.wait_indirect_dma semaphore(%arg19 : memref<!tpu.dma_semaphore, #tpu.memory_space<semaphore_mem>>) src(%dma_wait3A_689 : memref<983040xf32, #tpu.memory_space<hbm>>) dst(%dma_wait3A_685 : memref<128xf32, #tpu.memory_space<vmem>>)
    %dma_wait3A_690 = arith.constant 1792 : i32
    %dma_wait3A_691 = tpu.memref_slice %arg14[%dma_wait3A_690] : memref<2560xf32, #tpu.memory_space<vmem>> -> memref<128xf32, #tpu.memory_space<vmem>>
    %dma_wait3A_692 = arith.constant 1792 : i32
    %dma_wait3A_693 = tpu.memref_slice %arg11[%dma_wait3A_692] : memref<2560xi32, #tpu.memory_space<vmem>> -> memref<128xi32, #tpu.memory_space<vmem>>
    %dma_wait3A_694 = arith.constant 0 : i32
    %dma_wait3A_695 = tpu.memref_slice %arg4[%dma_wait3A_694] : memref<983040xf32, #tpu.memory_space<hbm>> -> memref<983040xf32, #tpu.memory_space<hbm>>
    tpu.wait_indirect_dma semaphore(%arg19 : memref<!tpu.dma_semaphore, #tpu.memory_space<semaphore_mem>>) src(%dma_wait3A_695 : memref<983040xf32, #tpu.memory_space<hbm>>) dst(%dma_wait3A_691 : memref<128xf32, #tpu.memory_space<vmem>>)
    %dma_wait3A_696 = arith.constant 1920 : i32
    %dma_wait3A_697 = tpu.memref_slice %arg14[%dma_wait3A_696] : memref<2560xf32, #tpu.memory_space<vmem>> -> memref<128xf32, #tpu.memory_space<vmem>>
    %dma_wait3A_698 = arith.constant 1920 : i32
    %dma_wait3A_699 = tpu.memref_slice %arg11[%dma_wait3A_698] : memref<2560xi32, #tpu.memory_space<vmem>> -> memref<128xi32, #tpu.memory_space<vmem>>
    %dma_wait3A_700 = arith.constant 0 : i32
    %dma_wait3A_701 = tpu.memref_slice %arg4[%dma_wait3A_700] : memref<983040xf32, #tpu.memory_space<hbm>> -> memref<983040xf32, #tpu.memory_space<hbm>>
    tpu.wait_indirect_dma semaphore(%arg19 : memref<!tpu.dma_semaphore, #tpu.memory_space<semaphore_mem>>) src(%dma_wait3A_701 : memref<983040xf32, #tpu.memory_space<hbm>>) dst(%dma_wait3A_697 : memref<128xf32, #tpu.memory_space<vmem>>)
    %dma_wait3A_702 = arith.constant 2048 : i32
    %dma_wait3A_703 = tpu.memref_slice %arg14[%dma_wait3A_702] : memref<2560xf32, #tpu.memory_space<vmem>> -> memref<128xf32, #tpu.memory_space<vmem>>
    %dma_wait3A_704 = arith.constant 2048 : i32
    %dma_wait3A_705 = tpu.memref_slice %arg11[%dma_wait3A_704] : memref<2560xi32, #tpu.memory_space<vmem>> -> memref<128xi32, #tpu.memory_space<vmem>>
    %dma_wait3A_706 = arith.constant 0 : i32
    %dma_wait3A_707 = tpu.memref_slice %arg4[%dma_wait3A_706] : memref<983040xf32, #tpu.memory_space<hbm>> -> memref<983040xf32, #tpu.memory_space<hbm>>
    tpu.wait_indirect_dma semaphore(%arg19 : memref<!tpu.dma_semaphore, #tpu.memory_space<semaphore_mem>>) src(%dma_wait3A_707 : memref<983040xf32, #tpu.memory_space<hbm>>) dst(%dma_wait3A_703 : memref<128xf32, #tpu.memory_space<vmem>>)
    %dma_wait3A_708 = arith.constant 2176 : i32
    %dma_wait3A_709 = tpu.memref_slice %arg14[%dma_wait3A_708] : memref<2560xf32, #tpu.memory_space<vmem>> -> memref<128xf32, #tpu.memory_space<vmem>>
    %dma_wait3A_710 = arith.constant 2176 : i32
    %dma_wait3A_711 = tpu.memref_slice %arg11[%dma_wait3A_710] : memref<2560xi32, #tpu.memory_space<vmem>> -> memref<128xi32, #tpu.memory_space<vmem>>
    %dma_wait3A_712 = arith.constant 0 : i32
    %dma_wait3A_713 = tpu.memref_slice %arg4[%dma_wait3A_712] : memref<983040xf32, #tpu.memory_space<hbm>> -> memref<983040xf32, #tpu.memory_space<hbm>>
    tpu.wait_indirect_dma semaphore(%arg19 : memref<!tpu.dma_semaphore, #tpu.memory_space<semaphore_mem>>) src(%dma_wait3A_713 : memref<983040xf32, #tpu.memory_space<hbm>>) dst(%dma_wait3A_709 : memref<128xf32, #tpu.memory_space<vmem>>)
    %dma_wait3A_714 = arith.constant 2304 : i32
    %dma_wait3A_715 = tpu.memref_slice %arg14[%dma_wait3A_714] : memref<2560xf32, #tpu.memory_space<vmem>> -> memref<128xf32, #tpu.memory_space<vmem>>
    %dma_wait3A_716 = arith.constant 2304 : i32
    %dma_wait3A_717 = tpu.memref_slice %arg11[%dma_wait3A_716] : memref<2560xi32, #tpu.memory_space<vmem>> -> memref<128xi32, #tpu.memory_space<vmem>>
    %dma_wait3A_718 = arith.constant 0 : i32
    %dma_wait3A_719 = tpu.memref_slice %arg4[%dma_wait3A_718] : memref<983040xf32, #tpu.memory_space<hbm>> -> memref<983040xf32, #tpu.memory_space<hbm>>
    tpu.wait_indirect_dma semaphore(%arg19 : memref<!tpu.dma_semaphore, #tpu.memory_space<semaphore_mem>>) src(%dma_wait3A_719 : memref<983040xf32, #tpu.memory_space<hbm>>) dst(%dma_wait3A_715 : memref<128xf32, #tpu.memory_space<vmem>>)
    %dma_wait3A_720 = arith.constant 2432 : i32
    %dma_wait3A_721 = tpu.memref_slice %arg14[%dma_wait3A_720] : memref<2560xf32, #tpu.memory_space<vmem>> -> memref<128xf32, #tpu.memory_space<vmem>>
    %dma_wait3A_722 = arith.constant 2432 : i32
    %dma_wait3A_723 = tpu.memref_slice %arg11[%dma_wait3A_722] : memref<2560xi32, #tpu.memory_space<vmem>> -> memref<128xi32, #tpu.memory_space<vmem>>
    %dma_wait3A_724 = arith.constant 0 : i32
    %dma_wait3A_725 = tpu.memref_slice %arg4[%dma_wait3A_724] : memref<983040xf32, #tpu.memory_space<hbm>> -> memref<983040xf32, #tpu.memory_space<hbm>>
    tpu.wait_indirect_dma semaphore(%arg19 : memref<!tpu.dma_semaphore, #tpu.memory_space<semaphore_mem>>) src(%dma_wait3A_725 : memref<983040xf32, #tpu.memory_space<hbm>>) dst(%dma_wait3A_721 : memref<128xf32, #tpu.memory_space<vmem>>)
    %parallel_loop3A_726 = arith.constant 0 : i32
    %parallel_loop3A_727 = arith.constant 160 : i32
    %parallel_loop3A_728 = arith.constant 1 : i32
    scf.for %parallel_loop3A_734 = %parallel_loop3A_726 to %parallel_loop3A_727 step %parallel_loop3A_728  : i32 {
      %parallel_loop3A_735 = arith.constant 16 : i32
      %parallel_loop3A_736 = arith.muli %parallel_loop3A_734, %parallel_loop3A_735 : i32
      %parallel_loop3A_737 = arith.constant 32 : i32
      %parallel_loop3A_738 = arith.addi %parallel_loop3A_737, %parallel_loop3A_736 : i32
      %parallel_loop3A_739 = arith.index_cast %parallel_loop3A_738 : i32 to index
      %parallel_loop3A_740 = tpu.vector_load %arg8[%parallel_loop3A_739] {strides = array<i32>} : memref<2592xi32, #tpu.memory_space<vmem>>, vector<16xi32>,
      %parallel_loop3A_741 = tpu.vector_load_idx %arg7[%parallel_loop3A_740] : memref<30720xf32, #tpu.memory_space<vmem>>[vector<16xi32>], vector<16xf32>,
      %parallel_loop3A_742 = arith.addi %parallel_loop3A_740, %broadcast_in_dim3A_3 : vector<16xi32>
      %parallel_loop3A_743 = tpu.vector_load_idx %arg7[%parallel_loop3A_742] : memref<30720xf32, #tpu.memory_space<vmem>>[vector<16xi32>], vector<16xf32>,
      %parallel_loop3A_744 = arith.addi %parallel_loop3A_740, %broadcast_in_dim3A_5 : vector<16xi32>
      %parallel_loop3A_745 = tpu.vector_load_idx %arg7[%parallel_loop3A_744] : memref<30720xf32, #tpu.memory_space<vmem>>[vector<16xi32>], vector<16xf32>,
      %parallel_loop3A_746 = arith.index_cast %parallel_loop3A_736 : i32 to index
      %parallel_loop3A_747 = tpu.vector_load %arg12[%parallel_loop3A_746] {strides = array<i32>} : memref<2560xf32, #tpu.memory_space<vmem>>, vector<16xf32>,
      %parallel_loop3A_748 = arith.addf %parallel_loop3A_747, %parallel_loop3A_741 : vector<16xf32>
      %parallel_loop3A_749 = arith.index_cast %parallel_loop3A_736 : i32 to index
      %parallel_loop3A_750 = tpu.vector_load %arg15[%parallel_loop3A_749] {strides = array<i32>} : memref<2560xf32, #tpu.memory_space<vmem>>, vector<16xf32>,
      tpu.vector_store %arg15[%parallel_loop3A_749], %parallel_loop3A_748 {strides = array<i32>} : memref<2560xf32, #tpu.memory_space<vmem>>, vector<16xf32>,
      %parallel_loop3A_751 = arith.index_cast %parallel_loop3A_736 : i32 to index
      %parallel_loop3A_752 = tpu.vector_load %arg13[%parallel_loop3A_751] {strides = array<i32>} : memref<2560xf32, #tpu.memory_space<vmem>>, vector<16xf32>,
      %parallel_loop3A_753 = arith.addf %parallel_loop3A_752, %parallel_loop3A_743 : vector<16xf32>
      %parallel_loop3A_754 = arith.index_cast %parallel_loop3A_736 : i32 to index
      %parallel_loop3A_755 = tpu.vector_load %arg16[%parallel_loop3A_754] {strides = array<i32>} : memref<2560xf32, #tpu.memory_space<vmem>>, vector<16xf32>,
      tpu.vector_store %arg16[%parallel_loop3A_754], %parallel_loop3A_753 {strides = array<i32>} : memref<2560xf32, #tpu.memory_space<vmem>>, vector<16xf32>,
      %parallel_loop3A_756 = arith.index_cast %parallel_loop3A_736 : i32 to index
      %parallel_loop3A_757 = tpu.vector_load %arg14[%parallel_loop3A_756] {strides = array<i32>} : memref<2560xf32, #tpu.memory_space<vmem>>, vector<16xf32>,
      %parallel_loop3A_758 = arith.addf %parallel_loop3A_757, %parallel_loop3A_745 : vector<16xf32>
      %parallel_loop3A_759 = arith.index_cast %parallel_loop3A_736 : i32 to index
      %parallel_loop3A_760 = tpu.vector_load %arg17[%parallel_loop3A_759] {strides = array<i32>} : memref<2560xf32, #tpu.memory_space<vmem>>, vector<16xf32>,
      tpu.vector_store %arg17[%parallel_loop3A_759], %parallel_loop3A_758 {strides = array<i32>} : memref<2560xf32, #tpu.memory_space<vmem>>, vector<16xf32>,
    } {sc.loop_unroll_factor = 4 : i64, sc.parallel_access}
    %parallel_loop3A_729 = arith.constant 0 : i32
    %parallel_loop3A_730 = arith.constant 640 : i32
    %parallel_loop3A_731 = arith.constant 1 : i32
    scf.for %parallel_loop3A_734 = %parallel_loop3A_729 to %parallel_loop3A_730 step %parallel_loop3A_731  : i32 {
      %parallel_loop3A_735 = arith.constant 16 : i32
      %parallel_loop3A_736 = arith.muli %parallel_loop3A_734, %parallel_loop3A_735 : i32
      %parallel_loop3A_737 = arith.index_cast %parallel_loop3A_736 : i32 to index
      %parallel_loop3A_738 = tpu.vector_load %arg18[%parallel_loop3A_737] {strides = array<i32>} : memref<10240xi32, #tpu.memory_space<vmem>>, vector<16xi32>,
      %parallel_loop3A_739 = vector.broadcast %mul3A_2 : i32 to vector<16xi32>
      %parallel_loop3A_740 = arith.subi %parallel_loop3A_738, %parallel_loop3A_739 : vector<16xi32>
      %parallel_loop3A_741 = arith.constant 0 : i32
      %parallel_loop3A_742 = vector.broadcast %parallel_loop3A_741 : i32 to vector<16xi32>
      %parallel_loop3A_743 = arith.cmpi sge, %parallel_loop3A_740, %parallel_loop3A_742 : vector<16xi32>
      %parallel_loop3A_744 = arith.constant 2560 : i32
      %parallel_loop3A_745 = vector.broadcast %parallel_loop3A_744 : i32 to vector<16xi32>
      %parallel_loop3A_746 = arith.cmpi slt, %parallel_loop3A_740, %parallel_loop3A_745 : vector<16xi32>
      %parallel_loop3A_747 = arith.andi %parallel_loop3A_743, %parallel_loop3A_746 : vector<16xi1>
      %parallel_loop3A_748 = arith.constant 0 : i32
      %parallel_loop3A_749 = vector.broadcast %parallel_loop3A_748 : i32 to vector<16xi32>
      %parallel_loop3A_750 = arith.select %parallel_loop3A_747, %parallel_loop3A_740, %parallel_loop3A_749 : vector<16xi1>, vector<16xi32>
      %parallel_loop3A_751 = arith.constant 32 : i32
      %parallel_loop3A_752 = vector.broadcast %parallel_loop3A_751 : i32 to vector<16xi32>
      %parallel_loop3A_753 = arith.addi %parallel_loop3A_750, %parallel_loop3A_752 : vector<16xi32>
      %parallel_loop3A_754 = tpu.vector_load_idx %arg8[%parallel_loop3A_753] : memref<2592xi32, #tpu.memory_space<vmem>>[vector<16xi32>], vector<16xi32>,
      %parallel_loop3A_755 = tpu.vector_load_idx %arg7[%parallel_loop3A_754] : memref<30720xf32, #tpu.memory_space<vmem>>[vector<16xi32>], vector<16xf32>,
      %parallel_loop3A_756 = arith.addi %parallel_loop3A_754, %broadcast_in_dim3A_3 : vector<16xi32>
      %parallel_loop3A_757 = tpu.vector_load_idx %arg7[%parallel_loop3A_756] : memref<30720xf32, #tpu.memory_space<vmem>>[vector<16xi32>], vector<16xf32>,
      %parallel_loop3A_758 = arith.addi %parallel_loop3A_754, %broadcast_in_dim3A_5 : vector<16xi32>
      %parallel_loop3A_759 = tpu.vector_load_idx %arg7[%parallel_loop3A_758] : memref<30720xf32, #tpu.memory_space<vmem>>[vector<16xi32>], vector<16xf32>,
      tpu.vector_store_idx %arg15[%parallel_loop3A_750], %parallel_loop3A_755 masked %parallel_loop3A_747 : memref<2560xf32, #tpu.memory_space<vmem>>[vector<16xi32>], vector<16xf32>, vector<16xi1>
      tpu.vector_store_idx %arg16[%parallel_loop3A_750], %parallel_loop3A_757 masked %parallel_loop3A_747 : memref<2560xf32, #tpu.memory_space<vmem>>[vector<16xi32>], vector<16xf32>, vector<16xi1>
      tpu.vector_store_idx %arg17[%parallel_loop3A_750], %parallel_loop3A_759 masked %parallel_loop3A_747 : memref<2560xf32, #tpu.memory_space<vmem>>[vector<16xi32>], vector<16xf32>, vector<16xi1>
    } {sc.loop_unroll_factor = 4 : i64, sc.parallel_access}
    %run_scoped3A = arith.constant 0 : i32
    "tpu.region"() ({
      %run_scoped3A_734 = tpu.sem_alloc : memref<!tpu.dma_semaphore, #tpu.memory_space<semaphore_mem>>
      %dma_start3A_735 = arith.constant 0 : i32
      %dma_start3A_736 = tpu.memref_slice %arg6[%add3A, %run_scoped3A, %dma_start3A_735] : memref<32x3x2560xf32, #tpu.memory_space<hbm>> -> memref<1x1x2560xf32, #tpu.memory_space<hbm>>
      %dma_start3A_737 = tpu.memref_squeeze %dma_start3A_736 : memref<1x1x2560xf32, #tpu.memory_space<hbm>> -> memref<2560xf32, #tpu.memory_space<hbm>>
      %dma_start3A_738 = arith.constant 0 : i32
      %dma_start3A_739 = tpu.memref_slice %arg6[%add3A, %run_scoped3A, %dma_start3A_738] : memref<32x3x2560xf32, #tpu.memory_space<hbm>> -> memref<1x1x2560xf32, #tpu.memory_space<hbm>>
      %dma_start3A_740 = tpu.memref_squeeze %dma_start3A_739 : memref<1x1x2560xf32, #tpu.memory_space<hbm>> -> memref<2560xf32, #tpu.memory_space<hbm>>
      tpu.enqueue_dma source(%arg15 : memref<2560xf32, #tpu.memory_space<vmem>>) target(%dma_start3A_740 : memref<2560xf32, #tpu.memory_space<hbm>>) target_semaphore(%run_scoped3A_734 : memref<!tpu.dma_semaphore, #tpu.memory_space<semaphore_mem>>)
      %dma_wait3A_741 = arith.constant 0 : i32
      %dma_wait3A_742 = tpu.memref_slice %arg6[%add3A, %run_scoped3A, %dma_wait3A_741] : memref<32x3x2560xf32, #tpu.memory_space<hbm>> -> memref<1x1x2560xf32, #tpu.memory_space<hbm>>
      %dma_wait3A_743 = tpu.memref_squeeze %dma_wait3A_742 : memref<1x1x2560xf32, #tpu.memory_space<hbm>> -> memref<2560xf32, #tpu.memory_space<hbm>>
      %dma_wait3A_744 = arith.constant 0 : i32
      %dma_wait3A_745 = tpu.memref_slice %arg6[%add3A, %run_scoped3A, %dma_wait3A_744] : memref<32x3x2560xf32, #tpu.memory_space<hbm>> -> memref<1x1x2560xf32, #tpu.memory_space<hbm>>
      %dma_wait3A_746 = tpu.memref_squeeze %dma_wait3A_745 : memref<1x1x2560xf32, #tpu.memory_space<hbm>> -> memref<2560xf32, #tpu.memory_space<hbm>>
      tpu.wait_dma2 semaphore(%run_scoped3A_734 : memref<!tpu.dma_semaphore, #tpu.memory_space<semaphore_mem>>) src(%arg15 : memref<2560xf32, #tpu.memory_space<vmem>>) dst(%dma_wait3A_746 : memref<2560xf32, #tpu.memory_space<hbm>>)
      tpu.yield
    }) : () -> ()
    %run_scoped3A_732 = arith.constant 1 : i32
    "tpu.region"() ({
      %run_scoped3A_734 = tpu.sem_alloc : memref<!tpu.dma_semaphore, #tpu.memory_space<semaphore_mem>>
      %dma_start3A_735 = arith.constant 0 : i32
      %dma_start3A_736 = tpu.memref_slice %arg6[%add3A, %run_scoped3A_732, %dma_start3A_735] : memref<32x3x2560xf32, #tpu.memory_space<hbm>> -> memref<1x1x2560xf32, #tpu.memory_space<hbm>>
      %dma_start3A_737 = tpu.memref_squeeze %dma_start3A_736 : memref<1x1x2560xf32, #tpu.memory_space<hbm>> -> memref<2560xf32, #tpu.memory_space<hbm>>
      %dma_start3A_738 = arith.constant 0 : i32
      %dma_start3A_739 = tpu.memref_slice %arg6[%add3A, %run_scoped3A_732, %dma_start3A_738] : memref<32x3x2560xf32, #tpu.memory_space<hbm>> -> memref<1x1x2560xf32, #tpu.memory_space<hbm>>
      %dma_start3A_740 = tpu.memref_squeeze %dma_start3A_739 : memref<1x1x2560xf32, #tpu.memory_space<hbm>> -> memref<2560xf32, #tpu.memory_space<hbm>>
      tpu.enqueue_dma source(%arg16 : memref<2560xf32, #tpu.memory_space<vmem>>) target(%dma_start3A_740 : memref<2560xf32, #tpu.memory_space<hbm>>) target_semaphore(%run_scoped3A_734 : memref<!tpu.dma_semaphore, #tpu.memory_space<semaphore_mem>>)
      %dma_wait3A_741 = arith.constant 0 : i32
      %dma_wait3A_742 = tpu.memref_slice %arg6[%add3A, %run_scoped3A_732, %dma_wait3A_741] : memref<32x3x2560xf32, #tpu.memory_space<hbm>> -> memref<1x1x2560xf32, #tpu.memory_space<hbm>>
      %dma_wait3A_743 = tpu.memref_squeeze %dma_wait3A_742 : memref<1x1x2560xf32, #tpu.memory_space<hbm>> -> memref<2560xf32, #tpu.memory_space<hbm>>
      %dma_wait3A_744 = arith.constant 0 : i32
      %dma_wait3A_745 = tpu.memref_slice %arg6[%add3A, %run_scoped3A_732, %dma_wait3A_744] : memref<32x3x2560xf32, #tpu.memory_space<hbm>> -> memref<1x1x2560xf32, #tpu.memory_space<hbm>>
      %dma_wait3A_746 = tpu.memref_squeeze %dma_wait3A_745 : memref<1x1x2560xf32, #tpu.memory_space<hbm>> -> memref<2560xf32, #tpu.memory_space<hbm>>
      tpu.wait_dma2 semaphore(%run_scoped3A_734 : memref<!tpu.dma_semaphore, #tpu.memory_space<semaphore_mem>>) src(%arg16 : memref<2560xf32, #tpu.memory_space<vmem>>) dst(%dma_wait3A_746 : memref<2560xf32, #tpu.memory_space<hbm>>)
      tpu.yield
    }) : () -> ()
    %run_scoped3A_733 = arith.constant 2 : i32
    "tpu.region"() ({
      %run_scoped3A_734 = tpu.sem_alloc : memref<!tpu.dma_semaphore, #tpu.memory_space<semaphore_mem>>
      %dma_start3A_735 = arith.constant 0 : i32
      %dma_start3A_736 = tpu.memref_slice %arg6[%add3A, %run_scoped3A_733, %dma_start3A_735] : memref<32x3x2560xf32, #tpu.memory_space<hbm>> -> memref<1x1x2560xf32, #tpu.memory_space<hbm>>
      %dma_start3A_737 = tpu.memref_squeeze %dma_start3A_736 : memref<1x1x2560xf32, #tpu.memory_space<hbm>> -> memref<2560xf32, #tpu.memory_space<hbm>>
      %dma_start3A_738 = arith.constant 0 : i32
      %dma_start3A_739 = tpu.memref_slice %arg6[%add3A, %run_scoped3A_733, %dma_start3A_738] : memref<32x3x2560xf32, #tpu.memory_space<hbm>> -> memref<1x1x2560xf32, #tpu.memory_space<hbm>>
      %dma_start3A_740 = tpu.memref_squeeze %dma_start3A_739 : memref<1x1x2560xf32, #tpu.memory_space<hbm>> -> memref<2560xf32, #tpu.memory_space<hbm>>
      tpu.enqueue_dma source(%arg17 : memref<2560xf32, #tpu.memory_space<vmem>>) target(%dma_start3A_740 : memref<2560xf32, #tpu.memory_space<hbm>>) target_semaphore(%run_scoped3A_734 : memref<!tpu.dma_semaphore, #tpu.memory_space<semaphore_mem>>)
      %dma_wait3A_741 = arith.constant 0 : i32
      %dma_wait3A_742 = tpu.memref_slice %arg6[%add3A, %run_scoped3A_733, %dma_wait3A_741] : memref<32x3x2560xf32, #tpu.memory_space<hbm>> -> memref<1x1x2560xf32, #tpu.memory_space<hbm>>
      %dma_wait3A_743 = tpu.memref_squeeze %dma_wait3A_742 : memref<1x1x2560xf32, #tpu.memory_space<hbm>> -> memref<2560xf32, #tpu.memory_space<hbm>>
      %dma_wait3A_744 = arith.constant 0 : i32
      %dma_wait3A_745 = tpu.memref_slice %arg6[%add3A, %run_scoped3A_733, %dma_wait3A_744] : memref<32x3x2560xf32, #tpu.memory_space<hbm>> -> memref<1x1x2560xf32, #tpu.memory_space<hbm>>
      %dma_wait3A_746 = tpu.memref_squeeze %dma_wait3A_745 : memref<1x1x2560xf32, #tpu.memory_space<hbm>> -> memref<2560xf32, #tpu.memory_space<hbm>>
      tpu.wait_dma2 semaphore(%run_scoped3A_734 : memref<!tpu.dma_semaphore, #tpu.memory_space<semaphore_mem>>) src(%arg17 : memref<2560xf32, #tpu.memory_space<vmem>>) dst(%dma_wait3A_746 : memref<2560xf32, #tpu.memory_space<hbm>>)
      tpu.yield
    }) : () -> ()
    return
  }
}

module attributes {stable_mosaic.version = 14 : i64} {
  func.func @_gate_body(%arg0: i32, %arg1: memref<1x1x1280xi32, #tpu.memory_space<vmem>>, %arg2: memref<128x128xf32, #tpu.memory_space<vmem>>, %arg3: memref<128x128xf32, #tpu.memory_space<vmem>>, %arg4: memref<32x128xf32, #tpu.memory_space<vmem>>, %arg5: memref<32x1280xf32, #tpu.memory_space<vmem>>) attributes {dimension_semantics = [#tpu.dimension_semantics<arbitrary>], iteration_bounds = array<i64: 8>, scalar_prefetch = 0 : i64, scratch_operands = 0 : i64, tpu.core_type = #tpu.core_type<tc>, window_params = [{transform_indices = @transform_0, window_bounds = array<i64: 1, 1, 1280>}, {pipeline_mode = #tpu.pipeline_mode<synchronous>, transform_indices = @transform_1, window_bounds = array<i64: 128, 128>}, {pipeline_mode = #tpu.pipeline_mode<synchronous>, transform_indices = @transform_2, window_bounds = array<i64: 128, 128>}, {pipeline_mode = #tpu.pipeline_mode<synchronous>, transform_indices = @transform_3, window_bounds = array<i64: 32, 128>}, {transform_indices = @transform_4, window_bounds = array<i64: 32, 1280>}]} {
    %get3A = arith.constant 0 : index
    %get3A_0 = arith.constant 0 : index
    %get3A_1 = arith.constant 0 : index
    %get3A_2 = vector.load %arg1[%get3A, %get3A_0, %get3A_1] : memref<1x1x1280xi32, #tpu.memory_space<vmem>>, vector<1x1x1280xi32>
    %get3A_3 = vector.shape_cast %get3A_2 : vector<1x1x1280xi32> to vector<1280xi32>
    %iota3A = tpu.iota {dimensions = array<i32: 0>} : vector<128x1280xi32>
    %broadcast_in_dim3A = vector.shape_cast %get3A_3 : vector<1280xi32> to vector<1x1280xi32>
    %eq3A = vector.broadcast %broadcast_in_dim3A : vector<1x1280xi32> to vector<128x1280xi32>
    %eq3A_4 = arith.cmpi eq, %iota3A, %eq3A : vector<128x1280xi32>
    %convert_element_type3A = arith.extui %eq3A_4 : vector<128x1280xi1> to vector<128x1280xi32>
    %convert_element_type3A_5 = arith.sitofp %convert_element_type3A : vector<128x1280xi32> to vector<128x1280xf32>
    %get3A_6 = arith.constant 0 : index
    %get3A_7 = arith.constant 0 : index
    %get3A_8 = vector.load %arg2[%get3A_6, %get3A_7] : memref<128x128xf32, #tpu.memory_space<vmem>>, vector<128x128xf32>
    %dot_general3A = arith.constant dense<0.000000e+00> : vector<128x1280xf32>
    %dot_general3A_9 = tpu.matmul %get3A_8, %convert_element_type3A_5, %dot_general3A {dimension_numbers = #tpu.dot_dimension_numbers<[1], [0], [0], [1], [0, 0, 1, 1], [], []>, transpose_lhs_hint = false} : vector<128x128xf32>, vector<128x1280xf32>, vector<128x1280xf32> -> vector<128x1280xf32>
    %get3A_10 = arith.constant 0 : index
    %get3A_11 = arith.constant 0 : index
    %get3A_12 = vector.load %arg3[%get3A_10, %get3A_11] : memref<128x128xf32, #tpu.memory_space<vmem>>, vector<128x128xf32>
    %dot_general3A_13 = arith.constant dense<0.000000e+00> : vector<128x1280xf32>
    %dot_general3A_14 = tpu.matmul %get3A_12, %dot_general3A_9, %dot_general3A_13 {dimension_numbers = #tpu.dot_dimension_numbers<[1], [0], [0], [1], [0, 0, 1, 1], [], []>, transpose_lhs_hint = false} : vector<128x128xf32>, vector<128x1280xf32>, vector<128x1280xf32> -> vector<128x1280xf32>
    %max3A = arith.constant 0.000000e+00 : f32
    %max3A_15 = vector.broadcast %max3A : f32 to vector<128x1280xf32>
    %max3A_16 = arith.maximumf %dot_general3A_14, %max3A_15 : vector<128x1280xf32>
    %get3A_17 = arith.constant 0 : index
    %get3A_18 = arith.constant 0 : index
    %get3A_19 = vector.load %arg4[%get3A_17, %get3A_18] : memref<32x128xf32, #tpu.memory_space<vmem>>, vector<32x128xf32>
    %dot_general3A_20 = arith.constant dense<0.000000e+00> : vector<32x1280xf32>
    %dot_general3A_21 = tpu.matmul %get3A_19, %max3A_16, %dot_general3A_20 {dimension_numbers = #tpu.dot_dimension_numbers<[1], [0], [0], [1], [0, 0, 1, 1], [], []>, transpose_lhs_hint = false} : vector<32x128xf32>, vector<128x1280xf32>, vector<32x1280xf32> -> vector<32x1280xf32>
    %swap3A = arith.constant 0 : index
    %swap3A_22 = arith.constant 0 : index
    %swap3A_23 = vector.load %arg5[%swap3A, %swap3A_22] : memref<32x1280xf32, #tpu.memory_space<vmem>>, vector<32x1280xf32>
    tpu.vector_store %arg5[%swap3A, %swap3A_22], %dot_general3A_21 {strides = array<i32>} : memref<32x1280xf32, #tpu.memory_space<vmem>>, vector<32x1280xf32>,
    return
  }
  func.func @transform_0(%arg0: i32) -> (i32, i32, i32) {
    %c0_i32 = arith.constant 0 : i32
    %c0_i32_0 = arith.constant 0 : i32
    %c0_i32_1 = arith.constant 0 : i32
    return %arg0, %c0_i32, %c0_i32_0 : i32, i32, i32
  }
  func.func @transform_1(%arg0: i32) -> (i32, i32) {
    %c0_i32 = arith.constant 0 : i32
    %c0_i32_0 = arith.constant 0 : i32
    %c0_i32_1 = arith.constant 0 : i32
    return %c0_i32, %c0_i32_0 : i32, i32
  }
  func.func @transform_2(%arg0: i32) -> (i32, i32) {
    %c0_i32 = arith.constant 0 : i32
    %c0_i32_0 = arith.constant 0 : i32
    %c0_i32_1 = arith.constant 0 : i32
    return %c0_i32, %c0_i32_0 : i32, i32
  }
  func.func @transform_3(%arg0: i32) -> (i32, i32) {
    %c0_i32 = arith.constant 0 : i32
    %c0_i32_0 = arith.constant 0 : i32
    %c0_i32_1 = arith.constant 0 : i32
    return %c0_i32, %c0_i32_0 : i32, i32
  }
  func.func @transform_4(%arg0: i32) -> (i32, i32) {
    %c0_i32 = arith.constant 0 : i32
    %c0_i32_0 = arith.constant 0 : i32
    return %c0_i32, %arg0 : i32, i32
  }
}

</mosaic_0001>

<sc_bundles>
// kernel: kernel.12.cloned.1.call-start
scs
__scs_entry_jumppad:
0x0: {  	(pc) =	sbr.rel $0x88, $3  }
0x1: {  	(tag) =	ssettag $0x0;
	lr =	simm.s32 $0x1  }
0x2: {  	[smem:$0x3F98] =	sst lr;
	_ =	strace $0xD0000000  }
0x3: {  	_ = 	snop  }
0x4: {  	_ = 	snop  }
0x5: {  	_ = 	snop  }
0x6: {  	_ = 	snop  }
0x7: {  	_ = 	snop  }
__scs_overlays_trampoline_lowered:
0x8: {  	[smem:$0x3FA7] =	sst s0  }
0x9: {  	[smem:$0x3FA8] =	sst s1  }
0xa: {  	[smem:$0x3FA9] =	sst s2  }
0xb: {  	[smem:$0x3FAA] =	sst s3  }
0xc: {  	[smem:$0x3FAB] =	sst s4  }
0xd: {  	[smem:$0x3FAC] =	sst s5  }
0xe: {  	[smem:$0x3FAD] =	sst s6  }
0xf: {  	[smem:$0x3FAE] =	sst s7  }
0x10: {  	[smem:$0x3FAF] =	sst s8  }
0x11: {  	[smem:$0x3FB0] =	sst s9;
	s0 =	simm.s32 @!p0 $0x0  }
0x12: {  	s1 =	sld [smem:$0x3F96];
	s0 =	simm.s32 @p0 $0x1  }
0x13: {  	[smem:$0x3FB1] =	sst s0;
	s0 =	simm.s32 @!p1 $0x0  }
0x14: {  	s2 =	sld [smem:$0x3F95];
	s0 =	simm.s32 @p1 $0x1  }
0x15: {  	[smem:$0x3FB2] =	sst s0;
	s0 =	simm.s32 @!p2 $0x0  }
0x16: {  	s3 =	sld [smem:$0x3FDB];
	s0 =	simm.s32 @p2 $0x1  }
0x17: {  	s4 =	simm.s32 $0x1BF5;
	[smem:$0x3FB4] =	sst s0  }
0x18: {  	s0 =	sld [smem:$0x3F97];
	_ =	swait.ge [sflag:s4], $0x0  }
0x19: {  	s7 =	sld [smem:$0x3F98]  }
0x1a: {  	s8 =	sadd.s32 $0xFFFFE003, lr  }
0x1b: {  	s9 =	sadd.s32 $0xFFFFFEF7, lr;
	s5 =	simm.s32 $0xFFFFFFFF;
	p2 =	slt.u32 s8, $0xFFFFF086  }
0x1c: {  	p1 =	slt.u32 s9, $0xF7A;
	s5 =	simm.s32 @!p2 $0x0  }
0x1d: {  	s5 =	simm.s32 @p1 $0x1;
	p0 =	seq.s32 s7, s2  }
0x1e: {  	s7 =	smul.u32 @!p0 $0xF7A, s2;
	p2 =	seq.s32 @!p0 s5, $0x0  }
0x1f: {  	s9 =	smul.u32 $0xF7A, s1;
	s8 =	simm.s32 @!p0 $0x1BF5;
	p2 =	por !p2, p0  }
0x20: {  	[sflag:s8] =	ssyncset.s32 @!p0 $0xFFFFF086;
	s6 =	sadd.s32 @!p0 s3, s7;
	s7 =	simm.s32 @!p0 $0x108  }
0x21: {  	s3 =	sadd.s32 s3, s9;
	s6 =	sadd.s32 @!p0 $0x88, s6;
	s7 =	simm.s32 @p2 $0x1082  }
0x22: {  	[simem:s7], [sflag:s8] =	dma.local @!p0 [hbm:s6], $0xF7A  }
0x23: {  	s9 =	sor.u32 $0xD0000000, s2;
	s6 =	simm.s32 $0x108;
	_ =	swait.ge @!p0 [sflag:s8], $0x0  }
0x24: {  	s3 =	sadd.s32 $0x88, s3;
	s6 =	simm.s32 @!p1 $0x1082;
	[sflag:s4] =	ssyncset.s32 $0xFFFFF086  }
0x25: {  	[simem:s6], [sflag:s4] =	dma.local [hbm:s3], $0xF7A  }
0x26: {  	[smem:$0x3F98] =	sst s1;
	(tag) =	ssettag s2;
	_ =	strace s9  }
0x27: {  	s1 =	sld [smem:$0x3FA8]  }
0x28: {  	s2 =	sld [smem:$0x3FA9]  }
0x29: {  	s4 =	sld [smem:$0x3FAB]  }
0x2a: {  	p0 =	seq.s32 s5, $0x0;
	s5 =	sld [smem:$0x3FAC]  }
0x2b: {  	s6 =	sld [smem:$0x3FAD]  }
0x2c: {  	s7 =	sld [smem:$0x3FAE]  }
0x2d: {  	s3 =	simm.s32 $0x108;
	s8 =	sld [smem:$0x3FAF]  }
0x2e: {  	s3 =	simm.s32 @!p0 $0x1082;
	s9 =	sld [smem:$0x3FB0]  }
0x2f: {  	lr =	sadd.s32 s0, s3;
	s0 =	sld [smem:$0x3FA7]  }
0x30: {  	s3 =	sld [smem:$0x3FAA]  }
0x31: {  	[smem:$0x3FB3] =	sst s10  }
0x32: {  	s10 =	sld [smem:$0x3FB1];
	_ =	sdelay $0x3  }
0x33: {  	p0 =	seq.s32 s10, $0x1;
	s10 =	sld [smem:$0x3FB3];
	_ =	sdelay $0x3  }
0x34: {  	[smem:$0x3FB3] =	sst s10  }
0x35: {  	s10 =	sld [smem:$0x3FB2];
	_ =	sdelay $0x3  }
0x36: {  	p1 =	seq.s32 s10, $0x1;
	s10 =	sld [smem:$0x3FB3];
	_ =	sdelay $0x3  }
0x37: {  	[smem:$0x3FB3] =	sst s10  }
0x38: {  	s10 =	sld [smem:$0x3FB4]  }
0x39: {  	_ = 	snop;
	(pc) =	sbr.ind lr, $3  }
0x3a: {  	_ = 	snop  }
0x3b: {  	_ = 	snop  }
0x3c: {  	p2 =	seq.s32 s10, $0x1;
	s10 =	sld [smem:$0x3FB3]  }
0x3d: {  	_ =	shalt  }
0x3e: {  	_ =	shalt  }
0x3f: {  	_ =	shalt  }
0x40: {  	_ =	shalt  }
0x41: {  	_ =	shalt  }
0x42: {  	_ =	shalt  }
0x43: {  	_ =	shalt  }
0x44: {  	_ =	shalt  }
0x45: {  	_ =	shalt  }
0x46: {  	_ =	shalt  }
0x47: {  	_ =	shalt  }
0x48: {  	_ =	shalt  }
0x49: {  	_ =	shalt  }
0x4a: {  	_ =	shalt  }
0x4b: {  	_ =	shalt  }
0x4c: {  	_ =	shalt  }
0x4d: {  	_ =	shalt  }
0x4e: {  	_ =	shalt  }
0x4f: {  	_ =	shalt  }
0x50: {  	_ =	shalt  }
0x51: {  	_ =	shalt  }
0x52: {  	_ =	shalt  }
0x53: {  	_ =	shalt  }
0x54: {  	_ =	shalt  }
0x55: {  	_ =	shalt  }
0x56: {  	_ =	shalt  }
0x57: {  	_ =	shalt  }
0x58: {  	_ =	shalt  }
0x59: {  	_ =	shalt  }
0x5a: {  	_ =	shalt  }
0x5b: {  	_ =	shalt  }
0x5c: {  	_ =	shalt  }
0x5d: {  	_ =	shalt  }
0x5e: {  	_ =	shalt  }
0x5f: {  	_ =	shalt  }
0x60: {  	_ =	shalt  }
0x61: {  	_ =	shalt  }
0x62: {  	_ =	shalt  }
0x63: {  	_ =	shalt  }
0x64: {  	_ =	shalt  }
0x65: {  	_ =	shalt  }
0x66: {  	_ =	shalt  }
0x67: {  	_ =	shalt  }
0x68: {  	_ =	shalt  }
0x69: {  	_ =	shalt  }
0x6a: {  	_ =	shalt  }
0x6b: {  	_ =	shalt  }
0x6c: {  	_ =	shalt  }
0x6d: {  	_ =	shalt  }
0x6e: {  	_ =	shalt  }
0x6f: {  	_ =	shalt  }
0x70: {  	_ =	shalt  }
0x71: {  	_ =	shalt  }
0x72: {  	_ =	shalt  }
0x73: {  	_ =	shalt  }
0x74: {  	_ =	shalt  }
0x75: {  	_ =	shalt  }
0x76: {  	_ =	shalt  }
0x77: {  	_ =	shalt  }
0x78: {  	_ =	shalt  }
0x79: {  	_ =	shalt  }
0x7a: {  	_ =	shalt  }
0x7b: {  	_ =	shalt  }
0x7c: {  	_ =	shalt  }
0x7d: {  	_ =	shalt  }
0x7e: {  	_ =	shalt  }
0x7f: {  	_ =	shalt  }
0x80: {  	_ =	shalt  }
0x81: {  	_ =	shalt  }
0x82: {  	_ =	shalt  }
0x83: {  	_ =	shalt  }
0x84: {  	_ =	shalt  }
0x85: {  	_ =	shalt  }
0x86: {  	_ =	shalt  }
0x87: {  	_ =	shalt  }
.Lfunc_end0:
.L_simem_size_0:
called_computation.2_lowered:
.L_overlay_start_0:
0x88: {  	s2 =	sld [smem:$0x3FD9]  }
0x89: {  	s3 =	sld [smem:$0x3FFE];
	_ =	sdelay $0x1  }
0x8a: {  	s1 =	srdreg.scid  }
0x8b: {  	s0 =	sand.u32 $0x1, s1  }
0x8c: {  	s14 =	sshll.u32 s0, $0xA;
	s2 =	sadd.s32 s3, s2  }
0x8d: {  	s2 =	sadd.s32 s2, s14  }
0x8e: {  	[smem:$0x3FBF] =	sst s2  }
0x8f: {  	_ = 	snop  }
0x90: {  	s2 =	sld [smem:$0x3FD0];
	_ =	sdelay $0x2  }
0x91: {  	s15 =	simm.s32 $0xA;
	s4 =	simm.s32 $0x10  }
0x92: {  	[smem:s4], [sflag:s15] =	dma.local [hbm:s2], $0x1  }
0x93: {  	_ =	swait.eq [sflag:s15], $0x1  }
0x94: {  	[sflag:s15] =	ssyncset.done $0x0  }
0x95: {  	s16 =	sld [smem:$0x10];
	[sflag:s15] =	ssyncadd.s32 $0xFFFFFFFF  }
0x96: {  	s17 =	sld [smem:$0x11];
	(tm) =	ssettm $0x1  }
0x97: {  	s18 =	sld [smem:$0x3FFB];
	_ =	sdelay $0x3  }
0x98: {  	_ =	strace s18  }
0x99: {  	s4 =	sld [smem:$0x3FFC];
	_ =	sdelay $0x3  }
0x9a: {  	_ =	strace s4  }
0x9b: {  	s4 =	sld [smem:$0x3FFD];
	_ =	sdelay $0x3  }
0x9c: {  	_ =	strace s4  }
0x9d: {  	_ =	strace $0x8FFFFFFF  }
0x9e: {  	s19 =	sld [smem:$0x3FDB];
	_ =	sdelay $0x1  }
0x9f: {  	s5 =	simm.s32 $_scs_section_size  }
0xa0: {  	s6 =	simm.s32 $_size__tile_overlayer_lowered;
	s7 =	simm.s32 $_tile_overlayer_lowered  }
0xa1: {  	s22 =	simm.s32 $0x1BFF;
	s21 =	sshll.u32 s7, $0x1;
	s4 =	sadd.s32 s5, s19  }
0xa2: {  	s8 =	simm.s32 $0x0;
	s20 =	sshll.u32 s6, $0x1;
	s6 =	sadd.s32 s21, s4  }
0xa3: {  	[timem:s8], [sflag:s22] =	dma.local [hbm:s6], s20  }
0xa4: {  	_ =	swait.ge [sflag:s22], s20  }
0xa5: {  	s5 =	ssub.s32 $0x0, s20;
	[sflag:s22] =	ssyncset.done $0x0  }
0xa6: {  	[sflag:s22] =	ssyncadd.s32 s5;
	_ =	sdelay $0x1  }
0xa7: {  	s23 =	simm.s32 $0x1B8B  }
0xa8: {  	_ =	swait.ge [sflag:s23], $0x1  }
0xa9: {  	[sflag:s23] =	ssyncset.done $0x0  }
0xaa: {  	s25 =	simm.s32 $0x1B8E;
	s24 =	sld [smem:$0x3FFE];
	[sflag:s23] =	ssyncadd.s32 $0xFFFFFFFF  }
0xab: {  	s26 =	simm.s32 $execute0_lowered;
	[smem:$0x3FD2] =	sst s25  }
0xac: {  	s6 =	sshll.u32 s26, $0x1;
	_ =	strace $0x8000004C;
	[dreg:$0x1] =	wrdreg $0xFFFFFFFF  }
0xad: {  	s28 =	simm.s32 $_size_execute0_lowered;
	s4 =	sadd.s32 s4, s6;
	[dreg:$0x0] =	wrdreg $0x0  }
0xae: {  	s6 =	sshll.u32 s28, $0x1;
	[dreg:$0x2] =	wrdreg s4  }
0xaf: {  	[dreg:$0x3] =	wrdreg s6  }
0xb0: {  	[dreg:$0x4] =	wrdreg $0xC0  }
0xb1: {  	_ =	task [dreg:s8], $0x5FFFF  }
0xb2: {  	[dreg:$0x1] =	wrdreg $0xFFFFFFFF  }
0xb3: {  	[dreg:$0x0] =	wrdreg $0x60  }
0xb4: {  	[dreg:$0x2] =	wrdreg s24  }
0xb5: {  	[dreg:$0x3] =	wrdreg s16  }
0xb6: {  	[dreg:$0x4] =	wrdreg s17  }
0xb7: {  	[dreg:$0x5] =	wrdreg $0x9  }
0xb8: {  	_ =	task.clear_ibuf [dreg:s8], $0x6FFFF;
	_ =	strace $0x9000004C  }
0xb9: {  	s29 =	simm.s32 $0x9;
	_ =	strace $0x8000004E  }
0xba: {  	_ =	swait.ge [sflag:s29], $0x1  }
0xbb: {  	[sflag:s29] =	ssyncadd.s32 $0xFFFFFFFF  }
0xbc: {  	_ =	strace $0x9000004E  }
0xbd: {  	_ =	sfence  }
0xbe: {  	s30 =	sld [smem:$0x0];
	_ =	sdelay $0x2  }
0xbf: {  	s31 =	sshll.u32 s1, $0xD;
	s1 =	sshrl.u32 s1, $0x2  }
0xc0: {  	s3 =	sand.u32 $0x4000, s31;
	s1 =	sadd.s32 s1, s30  }
0xc1: {  	s0 =	sor.u32 s3, s0;
	s1 =	sshll.u32 s1, $0x11  }
0xc2: {  	s0 =	sor.u32 s1, s0  }
0xc3: {  	s0 =	sadd.s32 $0x8F2B, s0  }
0xc4: {  	[sflag:s0] =	ssyncadd.remote.s32 $0x1  }
0xc5: {  	_ =	sfence.sel $0xFFFF  }
0xc6: {  	[dreg:$0x0] =	wrdreg $0xFFFFFFFF;
	(pc) =	sbr.abs _section_cstart, $3  }
0xc7: {  	[dreg:$0x1] =	wrdreg $0xFFFFFFFF  }
0xc8: {  	_ =	task.clear_ibuf [dreg:s8], $0x2FFFF;
	_ =	strace $0x9FFFFFFF  }
0xc9: {  	(tm) =	ssettm $0x7FFFFFFF  }
tec
execute0_lowered:
.L_overlay_start_1:
0x0: {  	(tag) =	ssettag $0x1  }
0x1: {  	s1 =	rddreg [dreg:$0x0]  }
0x2: {  	s3 =	rddreg [dreg:$0x1];
	s0 =	srdreg.scid  }
0x3: {  	s2 =	stileid.u32;
	s4 =	rddreg [dreg:$0x2]  }
0x4: {  	s12 =	simm.s32 $0x7800;
	s21 =	simm.s32 $0x1;
	s5 =	sand.u32 $0x1, s0  }
0x5: {  	s26 =	sshll.u32 s2, $0x1;
	s2 =	simm.s32 $0x0;
	s7 =	sadd.s32 $0xAA00, s1  }
0x6: {  	s28 =	sadd.s32 $0x33000, s1;
	s1 =	sadd.s32 $0x51000, s1;
	s6 =	sor.u32 s5, s26  }
0x7: {  	[smem:$0x7FF] =	sst s2;
	s29 =	ssub.s32 $0x2, s5;
	s0 =	smul.u32 $0xA00, s6  }
0x8: {  	_ =	strace $0x8000004D;
	[dreg:$0x4] =	wrdreg s7;
	s5 =	sshrl.u32 s29, $0x1  }
0x9: {  	s6 =	smul.u32 $0x1E00, s6;
	[dreg:$0x6] =	wrdreg s1;
	s1 =	ssub.s32 s29, s5  }
0xa: {  	[dreg:$0x5] =	wrdreg s28;
	s30 =	sshrl.u32 s0, $0x3;
	s1 =	smax.u32 s1, $0x1  }
0xb: {  	s6 =	sshrl.u32 s6, $0x3;
	s3 =	sadd.s32 s3, s30;
	[dreg:$0xb] =	wrdreg s1  }
0xc: {  	s22 =	simm.s32 $0xBE20;
	s31 =	sadd.s32 s4, s6;
	[dreg:$0x7] =	wrdreg s3  }
0xd: {  	s23 =	simm.s32 $0xC820;
	s4 =	sadd.s32 $0x140, s31;
	[dreg:$0x8] =	wrdreg s31  }
0xe: {  	v0 =	vlaneseq.u32;
	s24 =	simm.s32 $0xD220;
	s3 =	sadd.s32 $0x280, s31;
	[dreg:$0x9] =	wrdreg s4  }
0xf: {  	v2 =	vimm.s32 $0x0;
	v3 =	vand.u32 $0x7, v0;
	v1 =	vmov s0;
	s1 =	simm.s32 $0x2;
	[dreg:$0xa] =	wrdreg s3;
	s3 =	simm.s32 $0x0  }
.LBB2_1:
0x10: {  	[dreg:$0xc] =	wrdreg s3  }
0x11: {  	s0 =	rddreg [dreg:$0x4]  }
0x12: {  	[tilespmem:s2], [sflag:$0x2] =	stream.linear.gather [hbm4b:s0+s2], $0x7800, $0x38;
	[tilespmem:$0x10420] =	vst v63  }
0x13: {  	_ =	swait.ge [sflag:s1], $0x7800  }
0x14: {  	[sflag:s1] =	ssyncset.done $0x0  }
0x15: {  	s9 =	rddreg [dreg:$0x7];
	[sflag:s1] =	ssyncadd.s32 $0xFFFF8800  }
0x16: {  	[tilespmem:s12], [sflag:$0x2] =	stream.linear.gather [hbm4b:s9+s2], $0xA20, $0x38;
	[tilespmem:$0x10420] =	vst v63  }
0x17: {  	s11 =	simm.s32 $0xDC20;
	s13 =	simm.s32 $0x2F;
	_ =	swait.ge [sflag:s1], $0xA20  }
0x18: {  	s14 =	simm.s32 $0x1F;
	s4 =	simm.s32 $0x20;
	[sflag:s1] =	ssyncset.done $0x0  }
0x19: {  	s15 =	simm.s32 $0x1E;
	s10 =	rddreg [dreg:$0x6];
	[sflag:s1] =	ssyncadd.s32 $0xFFFFF5E0  }
0x1a: {  	v6 =	vadd.s32 s14, v0;
	[tilespmem:s11], [sflag:$0x2] =	stream.linear.gather [hbm4b:s10+s2], $0x2800, $0x38;
	[tilespmem:$0x10420] =	vst v63  }
0x1b: {  	s5 =	simm.s32 $0x22;
	s16 =	simm.s32 $0x1D;
	v7 =	vadd.s32 s15, v0;
	_ =	swait.ge [sflag:s1], $0x2800  }
0x1c: {  	s6 =	simm.s32 $0x21;
	s18 =	simm.s32 $0x1C;
	v9 =	vadd.s32 s16, v0;
	[sflag:s1] =	ssyncset.done $0x0  }
0x1d: {  	s20 =	simm.s32 $0x1B;
	s0 =	simm.s32 $0x7830;
	v25 =	vadd.s32 s13, v0;
	v5 =	vor.u32 s4, v0;
	v11 =	vadd.s32 s18, v0;
	[sflag:s1] =	ssyncadd.s32 $0xFFFFD800  }
0x1e: {  	s17 =	simm.s32 $0x23;
	s19 =	simm.s32 $0x24;
	v10 =	vadd.s32 s5, v0;
	v8 =	vadd.s32 s6, v0;
	v12 =	vadd.s32 s20, v0;
	s4 =	simm.s32 $0x1A;
	v4 =	vld [tilespmem:s0+$0x0]  }
0x1f: {  	s25 =	simm.s32 $0x26;
	s26 =	simm.s32 $0x25;
	s7 =	simm.s32 $0x18;
	v24 =	vadd.s32 s19, v0;
	v23 =	vadd.s32 s17, v0;
	v14 =	vadd.s32 s4, v0;
	v6 =	vld.idx.msk [tilespmem:v6+s12+$0x0], $0xffff  }
0x20: {  	s8 =	simm.s32 $0x27;
	v26 =	vadd.s32 s25, v0;
	v27 =	vadd.s32 s26, v0;
	v13 =	vadd.s32 s7, v0;
	s9 =	simm.s32 $0x19;
	v7 =	vld.idx.msk [tilespmem:v7+s12+$0x0], $0xffff  }
0x21: {  	v28 =	vadd.s32 s8, v0;
	s13 =	simm.s32 $0x28;
	s14 =	simm.s32 $0x17;
	v13 =	vand.u32 $0x1FF8, v13;
	v16 =	vadd.s32 s9, v0;
	v9 =	vld.idx.msk [tilespmem:v9+s12+$0x0], $0xffff  }
0x22: {  	s15 =	simm.s32 $0x2C;
	s16 =	simm.s32 $0x2B;
	s17 =	simm.s32 $0x16;
	v18 =	vadd.s32 s13, v0;
	v19 =	vadd.s32 s14, v0;
	v17 =	vor.u32 v3, v13;
	v11 =	vld.idx.msk [tilespmem:v11+s12+$0x0], $0xffff  }
0x23: {  	s18 =	simm.s32 $0x2E;
	s19 =	simm.s32 $0x2D;
	s20 =	simm.s32 $0x15;
	v31 =	vadd.s32 s15, v0;
	v32 =	vadd.s32 s16, v0;
	v22 =	vadd.s32 s17, v0;
	v13 =	vld.idx.msk [tilespmem:v12+s12+$0x0], $0xffff  }
0x24: {  	s25 =	simm.s32 $0x12;
	s26 =	simm.s32 $0x11;
	v33 =	vadd.s32 s18, v0;
	v34 =	vadd.s32 s19, v0;
	v49 =	vadd.s32 s20, v0;
	v15 =	vld.idx.msk [tilespmem:v14+s12+$0x0], $0xffff  }
0x25: {  	s7 =	simm.s32 $0x14;
	s8 =	simm.s32 $0x13;
	v35 =	vadd.s32 s25, v0;
	v36 =	vadd.s32 s26, v0;
	v20 =	vand.u32 $0x1FF8, v18;
	v25 =	vld.idx.msk [tilespmem:v25+s12+$0x0], $0xffff  }
0x26: {  	v50 =	vadd.s32 s7, v0;
	v37 =	vadd.s32 s8, v0;
	v38 =	vor.u32 v3, v20;
	s10 =	simm.s32 $0x29;
	v18 =	vld.idx.msk [tilespmem:v16+s12+$0x0], $0xffff  }
0x27: {  	v29 =	vadd.s32 s10, v0;
	v20 =	vld.idx.msk [tilespmem:v17+s12+$0x0], $0xffff;
	vm0 =	veq.s32 v6, v4;
	vm1 =	veq.s32 v7, v4  }
0x28: {  	s11 =	simm.s32 $0x2A;
	v21 =	vld.idx.msk [tilespmem:v19+s12+$0x0], $0xffff;
	v51 =	vsel vm0, $0x1, v2;
	v52 =	vsel vm1, $0x1, v2;
	vm0 =	veq.s32 v9, v4  }
0x29: {  	v30 =	vadd.s32 s11, v0;
	v22 =	vld.idx.msk [tilespmem:v22+s12+$0x0], $0xffff;
	v53 =	vsel vm0, $0x1, v2;
	v16 =	vadd.s32 v51, v52  }
0x2a: {  	vm1 =	veq.s32 v25, v4;
	vm0 =	veq.s32 v11, v4;
	v19 =	vadd.s32 v53, v16;
	v16 =	vld.idx.msk [tilespmem:v49+s12+$0x0], $0xffff  }
0x2b: {  	v45 =	vsel vm1, $0x1, v2;
	v54 =	vsel vm0, $0x1, v2;
	vm0 =	veq.s32 v13, v4;
	v49 =	vld.idx.msk [tilespmem:v5+s12+$0x0], $0xffff  }
0x2c: {  	v5 =	vld [tilespmem:s0+$0xFFFFFFF0];
	v55 =	vsel vm0, $0x1, v2;
	vm0 =	veq.s32 v15, v4;
	v17 =	vadd.s32 v54, v19  }
0x2d: {  	v56 =	vsel vm0, $0x1, v2;
	vm0 =	veq.s32 v18, v4;
	v12 =	vadd.s32 v55, v17  }
0x2e: {  	s13 =	simm.s32 $0xD;
	v19 =	vld.idx.msk [tilespmem:v50+s12+$0x0], $0xffff;
	v58 =	vsel vm0, $0x1, v2;
	vm0 =	veq.s32 v20, v4;
	v12 =	vadd.s32 v56, v12  }
0x2f: {  	v57 =	vld.idx.msk [tilespmem:v37+s12+$0x0], $0xffff;
	v56 =	vadd.s32 s13, v0;
	v60 =	vsel vm0, $0x1, v2;
	vm0 =	veq.s32 v21, v4  }
0x30: {  	s17 =	simm.s32 $0x9;
	v59 =	vld.idx.msk [tilespmem:v35+s12+$0x0], $0xffff;
	v37 =	vadd.s32 v58, v12;
	v62 =	vsel vm0, $0x1, v2;
	vm0 =	veq.s32 v22, v4  }
0x31: {  	v61 =	vld.idx.msk [tilespmem:v36+s12+$0x0], $0xffff;
	v35 =	vadd.s32 v60, v37;
	vm1 =	veq.s32 v6, v5;
	v60 =	vadd.s32 s17, v0  }
0x32: {  	v63 =	vsel vm0, $0x1, v2;
	vm0 =	veq.s32 v16, v4;
	v35 =	vadd.s32 v62, v35  }
0x33: {  	v33 =	vld.idx.msk [tilespmem:v33+s12+$0x0], $0xffff;
	v40 =	vsel vm0, $0x1, v2;
	vm0 =	veq.s32 v19, v4;
	v35 =	vadd.s32 v63, v35  }
0x34: {  	v34 =	vld.idx.msk [tilespmem:v34+s12+$0x0], $0xffff;
	v41 =	vsel vm0, $0x1, v2;
	vm0 =	veq.s32 v57, v4;
	v35 =	vadd.s32 v40, v35  }
0x35: {  	v31 =	vld.idx.msk [tilespmem:v31+s12+$0x0], $0xffff;
	v42 =	vsel vm0, $0x1, v2;
	vm0 =	veq.s32 v59, v4;
	v35 =	vadd.s32 v41, v35  }
0x36: {  	s19 =	simm.s32 $0x7;
	v32 =	vld.idx.msk [tilespmem:v32+s12+$0x0], $0xffff;
	v43 =	vsel vm0, $0x1, v2;
	vm0 =	veq.s32 v61, v4;
	v35 =	vadd.s32 v42, v35  }
0x37: {  	s20 =	simm.s32 $0x6;
	v30 =	vld.idx.msk [tilespmem:v30+s12+$0x0], $0xffff;
	v62 =	vadd.s32 s19, v0;
	v44 =	vsel vm0, $0x1, v2;
	v35 =	vadd.s32 v43, v35  }
0x38: {  	v29 =	vld.idx.msk [tilespmem:v29+s12+$0x0], $0xffff;
	v63 =	vadd.s32 s20, v0;
	vm0 =	veq.s32 v33, v4;
	v25 =	vadd.s32 v44, v35  }
0x39: {  	v46 =	vld.idx.msk [tilespmem:v38+s12+$0x0], $0xffff;
	v47 =	vsel vm0, $0x1, v2;
	vm0 =	veq.s32 v34, v4;
	v25 =	vadd.s32 v45, v25  }
0x3a: {  	v28 =	vld.idx.msk [tilespmem:v28+s12+$0x0], $0xffff;
	v34 =	vsel vm0, $0x1, v2;
	vm0 =	veq.s32 v31, v4;
	v25 =	vadd.s32 v47, v25  }
0x3b: {  	v26 =	vld.idx.msk [tilespmem:v26+s12+$0x0], $0xffff;
	v31 =	vsel vm0, $0x1, v2;
	vm0 =	veq.s32 v32, v4;
	v25 =	vadd.s32 v34, v25  }
0x3c: {  	v32 =	vsel vm0, $0x1, v2;
	vm0 =	veq.s32 v30, v4;
	v25 =	vadd.s32 v31, v25  }
0x3d: {  	v27 =	vld.idx.msk [tilespmem:v27+s12+$0x0], $0xffff;
	v30 =	vsel vm0, $0x1, v2;
	vm0 =	veq.s32 v29, v4;
	v25 =	vadd.s32 v32, v25  }
0x3e: {  	v24 =	vld.idx.msk [tilespmem:v24+s12+$0x0], $0xffff;
	v29 =	vsel vm0, $0x1, v2;
	vm0 =	veq.s32 v46, v4;
	v25 =	vadd.s32 v30, v25  }
0x3f: {  	s5 =	simm.s32 $0x3;
	v23 =	vld.idx.msk [tilespmem:v23+s12+$0x0], $0xffff;
	v48 =	vsel vm0, $0x1, v2;
	vm0 =	veq.s32 v28, v4;
	v25 =	vadd.s32 v29, v25  }
0x40: {  	s7 =	simm.s32 $0x1;
	v28 =	vsel vm0, $0x1, v2;
	vm0 =	veq.s32 v26, v4;
	v26 =	vadd.s32 s5, v0  }
0x41: {  	v10 =	vld.idx.msk [tilespmem:v10+s12+$0x0], $0xffff;
	s19 =	simm.s32 $0x3A;
	v29 =	vadd.s32 s7, v0;
	v25 =	vadd.s32 v48, v25;
	v50 =	vsel vm0, $0x1, v2  }
0x42: {  	s25 =	simm.s32 $0x5;
	v8 =	vld.idx.msk [tilespmem:v8+s12+$0x0], $0xffff;
	vm0 =	veq.s32 v27, v4;
	v48 =	vadd.s32 s19, v0;
	v25 =	vadd.s32 v28, v25  }
0x43: {  	v27 =	vsel vm0, $0x1, v2;
	vm0 =	veq.s32 v24, v4;
	v24 =	vadd.s32 s25, v0  }
0x44: {  	s26 =	simm.s32 $0x4;
	s4 =	simm.s32 $0x39;
	v51 =	vadd.s32 v50, v25;
	v52 =	vsel vm0, $0x1, v2;
	vm0 =	veq.s32 v23, v4  }
0x45: {  	s6 =	simm.s32 $0x2;
	v25 =	vadd.s32 s26, v0;
	v50 =	vadd.s32 s4, v0;
	v53 =	vadd.s32 v27, v51  }
0x46: {  	v54 =	vsel vm0, $0x1, v2;
	vm0 =	veq.s32 v10, v4;
	v27 =	vadd.s32 s6, v0  }
0x47: {  	s7 =	simm.s32 $0x48;
	v10 =	vadd.s32 v52, v53;
	v55 =	vsel vm0, $0x1, v2;
	vm0 =	veq.s32 v8, v4  }
0x48: {  	s20 =	simm.s32 $0x38;
	v52 =	vadd.s32 s7, v0;
	v8 =	vadd.s32 v54, v10;
	v10 =	vsel vm0, $0x1, v2  }
0x49: {  	vm0 =	veq.s32 v49, v4;
	v49 =	vadd.s32 s20, v0;
	v8 =	vadd.s32 v55, v8  }
0x4a: {  	v6 =	vsel vm0, $0x1, v2;
	vm0 =	veq.s32 v7, v5;
	v8 =	vadd.s32 v10, v8  }
0x4b: {  	v10 =	vsel vm1, $0x1, v2;
	v7 =	vsel vm0, $0x1, v2;
	vm0 =	veq.s32 v9, v5  }
0x4c: {  	s11 =	simm.s32 $0xE;
	v6 =	vadd.s32 v6, v8;
	v7 =	vadd.s32 v10, v7;
	v8 =	vsel vm0, $0x1, v2  }
0x4d: {  	vm0 =	veq.s32 v11, v5;
	v11 =	vadd.s32 s11, v0;
	s11 =	simm.s32 $0x3E;
	v6 =	vmul.u32 $0x7800, v6  }
0x4e: {  	v8 =	vadd.s32 v8, v7;
	v9 =	vsel vm0, $0x1, v2;
	v44 =	vadd.s32 s11, v0;
	s11 =	simm.s32 $0x36  }
0x4f: {  	vm0 =	veq.s32 v13, v5;
	v55 =	vadd.s32 s11, v0;
	v7 =	vadd.s32 v4, v6  }
0x50: {  	s9 =	simm.s32 $0x10;
	v4 =	vadd.s32 v9, v8;
	v8 =	vsel vm0, $0x1, v2;
	vm0 =	veq.s32 v15, v5  }
0x51: {  	v9 =	vor.u32 s9, v0;
	s9 =	simm.s32 $0x3F;
	v6 =	vadd.s32 $0x2800, v7;
	v4 =	vadd.s32 v8, v4  }
0x52: {  	v8 =	vsel vm0, $0x1, v2;
	vm0 =	veq.s32 v18, v5;
	v43 =	vadd.s32 s9, v0  }
0x53: {  	s9 =	simm.s32 $0x4C;
	v4 =	vadd.s32 v8, v4;
	v8 =	vsel vm0, $0x1, v2;
	vm0 =	veq.s32 v20, v5  }
0x54: {  	s13 =	simm.s32 $0x42;
	v54 =	vadd.s32 s9, v0;
	v4 =	vadd.s32 v8, v4;
	v8 =	vsel vm0, $0x1, v2  }
0x55: {  	vm0 =	veq.s32 v21, v5;
	v21 =	vadd.s32 s13, v0;
	s13 =	simm.s32 $0x4E;
	v4 =	vadd.s32 v8, v4  }
0x56: {  	v13 =	vld.idx.msk [tilespmem:v56+s12+$0x0], $0xffff;
	v8 =	vsel vm0, $0x1, v2;
	vm0 =	veq.s32 v22, v5;
	v56 =	vadd.s32 s13, v0  }
0x57: {  	s10 =	simm.s32 $0xF;
	v4 =	vadd.s32 v8, v4;
	v8 =	vsel vm0, $0x1, v2;
	vm0 =	veq.s32 v16, v5  }
0x58: {  	v4 =	vadd.s32 v8, v4;
	v8 =	vadd.s32 s10, v0;
	v10 =	vsel vm0, $0x1, v2  }
0x59: {  	s15 =	simm.s32 $0xB;
	vm0 =	veq.s32 v19, v5;
	v19 =	vand.u32 $0x1FF8, v49;
	v4 =	vadd.s32 v10, v4  }
0x5a: {  	v10 =	vsel vm0, $0x1, v2;
	vm0 =	veq.s32 v57, v5;
	v57 =	vadd.s32 s15, v0  }
0x5b: {  	s14 =	simm.s32 $0xC;
	v9 =	vld.idx.msk [tilespmem:v9+s12+$0x0], $0xffff;
	v51 =	vor.u32 v3, v19;
	v4 =	vadd.s32 v10, v4;
	v10 =	vsel vm0, $0x1, v2  }
0x5c: {  	s16 =	simm.s32 $0xA;
	s15 =	simm.s32 $0x3D;
	vm0 =	veq.s32 v59, v5;
	v4 =	vadd.s32 v10, v4;
	v10 =	vadd.s32 s14, v0  }
0x5d: {  	s18 =	simm.s32 $0x8;
	v59 =	vadd.s32 s16, v0;
	v45 =	vadd.s32 s15, v0;
	s16 =	simm.s32 $0x3C;
	v14 =	vsel vm0, $0x1, v2;
	v8 =	vld.idx.msk [tilespmem:v8+s12+$0x0], $0xffff  }
0x5e: {  	vm0 =	veq.s32 v61, v5;
	v61 =	vadd.s32 s18, v0;
	v46 =	vadd.s32 s16, v0  }
0x5f: {  	v11 =	vld.idx.msk [tilespmem:v11+s12+$0x0], $0xffff;
	s14 =	simm.s32 $0x41;
	v4 =	vadd.s32 v14, v4;
	v58 =	vsel vm0, $0x1, v2;
	v16 =	vand.u32 $0xFF8, v61  }
0x60: {  	v17 =	vld.idx.msk [tilespmem:v62+s12+$0x0], $0xffff;
	s18 =	simm.s32 $0x3B;
	vm0 =	veq.s32 v9, v5;
	v18 =	vadd.s32 s14, v0;
	v16 =	vor.u32 v3, v16  }
0x61: {  	s15 =	simm.s32 $0x35;
	v47 =	vadd.s32 s18, v0;
	v4 =	vadd.s32 v58, v4;
	v28 =	vsel vm0, $0x1, v2;
	v10 =	vld.idx.msk [tilespmem:v10+s12+$0x0], $0xffff  }
0x62: {  	s14 =	simm.s32 $0x4D;
	s18 =	simm.s32 $0x34;
	v58 =	vadd.s32 s15, v0;
	v9 =	vld.idx.msk [tilespmem:v57+s12+$0x0], $0xffff;
	v4 =	vadd.s32 v28, v4;
	vm0 =	veq.s32 v8, v5  }
0x63: {  	v57 =	vadd.s32 s14, v0;
	v8 =	vld.idx.msk [tilespmem:v59+s12+$0x0], $0xffff;
	v59 =	vadd.s32 s18, v0;
	v30 =	vsel vm0, $0x1, v2  }
0x64: {  	s17 =	simm.s32 $0x44;
	vm0 =	veq.s32 v11, v5;
	v11 =	vld.idx.msk [tilespmem:v60+s12+$0x0], $0xffff;
	v60 =	vand.u32 $0x1FF8, v52;
	v4 =	vadd.s32 v30, v4  }
0x65: {  	s26 =	simm.s32 $0x7850;
	v32 =	vld.idx.msk [tilespmem:v16+s12+$0x0], $0xffff;
	v31 =	vsel vm0, $0x1, v2;
	vm0 =	veq.s32 v13, v5;
	v30 =	vadd.s32 s17, v0  }
0x66: {  	s8 =	simm.s32 $0x4F;
	v12 =	vld [tilespmem:s26+$0x0];
	v4 =	vadd.s32 v31, v4;
	v33 =	vsel vm0, $0x1, v2;
	vm0 =	veq.s32 v10, v5  }
0x67: {  	s5 =	simm.s32 $0x49;
	v14 =	vld.idx.msk [tilespmem:v44+s12+$0x0], $0xffff;
	v31 =	vadd.s32 s8, v0;
	s8 =	simm.s32 $0x37;
	v4 =	vadd.s32 v33, v4;
	v34 =	vsel vm0, $0x1, v2  }
0x68: {  	v41 =	vld.idx.msk [tilespmem:v29+s12+$0x0], $0xffff;
	vm0 =	veq.s32 v9, v5;
	v33 =	vadd.s32 s5, v0;
	v53 =	vadd.s32 s8, v0  }
0x69: {  	s25 =	simm.s32 $0x47;
	v36 =	vld.idx.msk [tilespmem:v25+s12+$0x0], $0xffff;
	v4 =	vadd.s32 v34, v4;
	v35 =	vsel vm0, $0x1, v2;
	vm0 =	veq.s32 v8, v5  }
0x6a: {  	s6 =	simm.s32 $0x4A;
	v10 =	vld.idx.msk [tilespmem:v63+s12+$0x0], $0xffff;
	v8 =	vadd.s32 $0x5000, v7;
	vm1 =	veq.s32 v32, v5;
	v32 =	vadd.s32 s25, v0  }
0x6b: {  	v9 =	vld.idx.msk [tilespmem:v24+s12+$0x0], $0xffff;
	v34 =	vadd.s32 s6, v0;
	v4 =	vadd.s32 v35, v4;
	v37 =	vsel vm0, $0x1, v2  }
0x6c: {  	s20 =	simm.s32 $0x46;
	vm0 =	veq.s32 v11, v5;
	v11 =	vld.idx.msk [tilespmem:v26+s12+$0x0], $0xffff;
	v42 =	vsel vm1, $0x1, v2;
	vm1 =	veq.s32 v14, v12  }
0x6d: {  	s25 =	simm.s32 $0x45;
	v35 =	vld.idx.msk [tilespmem:v54+s12+$0x0], $0xffff;
	v54 =	vadd.s32 s20, v0;
	v4 =	vadd.s32 v37, v4;
	v38 =	vsel vm0, $0x1, v2  }
0x6e: {  	vm0 =	veq.s32 v17, v5;
	v62 =	vsel vm1, $0x1, v2;
	v37 =	vld.idx.msk [tilespmem:v56+s12+$0x0], $0xffff;
	v56 =	vadd.s32 s25, v0  }
0x6f: {  	s3 =	simm.s32 $0x43;
	v39 =	vld.idx.msk [tilespmem:v27+s12+$0x0], $0xffff;
	v4 =	vadd.s32 v38, v4;
	v40 =	vsel vm0, $0x1, v2;
	vm0 =	veq.s32 v10, v5  }
0x70: {  	v38 =	vld.idx.msk [tilespmem:v57+s12+$0x0], $0xffff;
	v57 =	vadd.s32 s3, v0;
	v4 =	vadd.s32 v42, v4;
	v10 =	vsel vm0, $0x1, v2  }
0x71: {  	v22 =	vld.idx.msk [tilespmem:v48+s12+$0x0], $0xffff;
	s17 =	simm.s32 $0x31;
	vm0 =	veq.s32 v9, v5;
	v42 =	vor.u32 v3, v60;
	v4 =	vadd.s32 v40, v4  }
0x72: {  	v13 =	vld.idx.msk [tilespmem:v43+s12+$0x0], $0xffff;
	v9 =	vsel vm0, $0x1, v2;
	vm0 =	veq.s32 v36, v5;
	v40 =	vadd.s32 s17, v0  }
0x73: {  	v15 =	vld.idx.msk [tilespmem:v45+s12+$0x0], $0xffff;
	v4 =	vadd.s32 v10, v4;
	v10 =	vsel vm0, $0x1, v2;
	vm0 =	veq.s32 v11, v5  }
0x74: {  	s16 =	simm.s32 $0x32;
	v16 =	vld.idx.msk [tilespmem:v46+s12+$0x0], $0xffff;
	v4 =	vadd.s32 v9, v4;
	v9 =	vsel vm0, $0x1, v2;
	vm0 =	veq.s32 v39, v5  }
0x75: {  	s19 =	simm.s32 $0x33;
	v19 =	vld.idx.msk [tilespmem:v47+s12+$0x0], $0xffff;
	v39 =	vadd.s32 s16, v0;
	vm1 =	veq.s32 v37, v12;
	v4 =	vadd.s32 v10, v4  }
0x76: {  	v27 =	vld.idx.msk [tilespmem:v51+s12+$0x0], $0xffff;
	v10 =	vsel vm0, $0x1, v2;
	vm0 =	veq.s32 v41, v5;
	v41 =	vadd.s32 s19, v0  }
0x77: {  	v24 =	vld.idx.msk [tilespmem:v50+s12+$0x0], $0xffff;
	v11 =	vadd.s32 v9, v4;
	v9 =	vsel vm0, $0x1, v2;
	vm0 =	veq.s32 v13, v12  }
0x78: {  	s10 =	simm.s32 $0x40;
	v25 =	vld.idx.msk [tilespmem:v59+s12+$0x0], $0xffff;
	v59 =	vsel vm1, $0x1, v2;
	v61 =	vsel vm0, $0x1, v2;
	vm0 =	veq.s32 v15, v12  }
0x79: {  	v28 =	vld.idx.msk [tilespmem:v53+s12+$0x0], $0xffff;
	v4 =	vor.u32 s10, v0;
	v63 =	vsel vm0, $0x1, v2;
	vm0 =	veq.s32 v16, v12  }
0x7a: {  	v23 =	vadd.s32 v61, v62;
	v43 =	vsel vm0, $0x1, v2;
	vm0 =	veq.s32 v19, v12  }
0x7b: {  	v29 =	vld.idx.msk [tilespmem:v55+s12+$0x0], $0xffff;
	v26 =	vadd.s32 v63, v23;
	v44 =	vsel vm0, $0x1, v2;
	vm0 =	veq.s32 v22, v12  }
0x7c: {  	v23 =	vld.idx.msk [tilespmem:v58+s12+$0x0], $0xffff;
	v26 =	vadd.s32 v43, v26;
	v45 =	vsel vm0, $0x1, v2;
	vm0 =	veq.s32 v24, v12  }
0x7d: {  	v17 =	vadd.s32 v44, v26;
	v46 =	vsel vm0, $0x1, v2;
	vm0 =	veq.s32 v27, v12  }
0x7e: {  	s10 =	simm.s32 $0x4B;
	v26 =	vld.idx.msk [tilespmem:v41+s12+$0x0], $0xffff;
	v17 =	vadd.s32 v45, v17;
	v47 =	vsel vm0, $0x1, v2;
	vm0 =	veq.s32 v28, v12  }
0x7f: {  	s11 =	simm.s32 $0x28;
	v36 =	vadd.s32 s10, v0;
	v20 =	vld.idx.msk [tilespmem:v39+s12+$0x0], $0xffff;
	v41 =	vadd.s32 v46, v17;
	v48 =	vsel vm0, $0x1, v2  }
0x80: {  	v17 =	vld.idx.msk [tilespmem:v40+s12+$0x0], $0xffff;
	vm0 =	veq.s32 v29, v12;
	v39 =	vadd.s32 v47, v41;
	v41 =	vadd.s32 s11, v0  }
0x81: {  	v31 =	vld.idx.msk [tilespmem:v31+s12+$0x0], $0xffff;
	v49 =	vsel vm0, $0x1, v2;
	vm0 =	veq.s32 v23, v12;
	v39 =	vadd.s32 v48, v39  }
0x82: {  	v50 =	vsel vm0, $0x1, v2;
	vm0 =	veq.s32 v25, v12;
	v39 =	vadd.s32 v49, v39;
	v49 =	vld.idx.msk [tilespmem:v4+s12+$0x0], $0xffff  }
0x83: {  	v4 =	vld [tilespmem:s26+$0xFFFFFFF0];
	v51 =	vsel vm0, $0x1, v2;
	vm0 =	veq.s32 v26, v12;
	v39 =	vadd.s32 v50, v39  }
0x84: {  	v52 =	vsel vm0, $0x1, v2;
	vm0 =	veq.s32 v20, v12;
	v39 =	vadd.s32 v51, v39  }
0x85: {  	v36 =	vld.idx.msk [tilespmem:v36+s12+$0x0], $0xffff;
	v53 =	vsel vm0, $0x1, v2;
	vm0 =	veq.s32 v17, v12;
	v39 =	vadd.s32 v52, v39  }
0x86: {  	v34 =	vld.idx.msk [tilespmem:v34+s12+$0x0], $0xffff;
	v39 =	vadd.s32 v53, v39;
	v55 =	vsel vm0, $0x1, v2;
	vm0 =	veq.s32 v31, v12  }
0x87: {  	s9 =	simm.s32 $0x2B;
	v33 =	vld.idx.msk [tilespmem:v33+s12+$0x0], $0xffff;
	v39 =	vadd.s32 v55, v39;
	v58 =	vsel vm0, $0x1, v2;
	vm0 =	veq.s32 v38, v12  }
0x88: {  	vm1 =	veq.s32 v13, v4;
	v38 =	vadd.s32 s9, v0;
	v37 =	vadd.s32 v58, v39  }
0x89: {  	s8 =	simm.s32 $0x2C;
	v42 =	vld.idx.msk [tilespmem:v42+s12+$0x0], $0xffff;
	v60 =	vsel vm0, $0x1, v2;
	vm0 =	veq.s32 v35, v12;
	v61 =	vadd.s32 v59, v37  }
0x8a: {  	v32 =	vld.idx.msk [tilespmem:v32+s12+$0x0], $0xffff;
	v63 =	vsel vm0, $0x1, v2;
	vm0 =	veq.s32 v36, v12;
	v37 =	vadd.s32 s8, v0  }
0x8b: {  	v35 =	vadd.s32 v60, v61;
	v36 =	vsel vm0, $0x1, v2;
	vm0 =	veq.s32 v34, v12  }
0x8c: {  	v62 =	vld.idx.msk [tilespmem:v54+s12+$0x0], $0xffff;
	v39 =	vadd.s32 v63, v35;
	v40 =	vsel vm0, $0x1, v2;
	vm0 =	veq.s32 v33, v12  }
0x8d: {  	s7 =	simm.s32 $0x2D;
	s13 =	simm.s32 $0x29;
	v61 =	vsel vm1, $0x1, v2;
	v43 =	vadd.s32 v36, v39;
	v45 =	vsel vm0, $0x1, v2  }
0x8e: {  	v31 =	vld.idx.msk [tilespmem:v56+s12+$0x0], $0xffff;
	vm0 =	veq.s32 v42, v12;
	v36 =	vadd.s32 s7, v0;
	v42 =	vadd.s32 s13, v0  }
0x8f: {  	s14 =	simm.s32 $0x27;
	v30 =	vld.idx.msk [tilespmem:v30+s12+$0x0], $0xffff;
	s10 =	simm.s32 $0x2A;
	v33 =	vadd.s32 v40, v43;
	v46 =	vsel vm0, $0x1, v2;
	vm0 =	veq.s32 v32, v12  }
0x90: {  	v44 =	vld.idx.msk [tilespmem:v57+s12+$0x0], $0xffff;
	v40 =	vadd.s32 s10, v0;
	v43 =	vadd.s32 s14, v0;
	v47 =	vadd.s32 v45, v33  }
0x91: {  	v21 =	vld.idx.msk [tilespmem:v21+s12+$0x0], $0xffff;
	s16 =	simm.s32 $0x25;
	v48 =	vsel vm0, $0x1, v2;
	vm0 =	veq.s32 v62, v12;
	v62 =	vadd.s32 v10, v11  }
0x92: {  	v18 =	vld.idx.msk [tilespmem:v18+s12+$0x0], $0xffff;
	s17 =	simm.s32 $0x24;
	v45 =	vadd.s32 s16, v0;
	v32 =	vadd.s32 v46, v47;
	v50 =	vsel vm0, $0x1, v2  }
0x93: {  	vm0 =	veq.s32 v31, v12;
	v46 =	vadd.s32 s17, v0;
	v51 =	vadd.s32 v48, v32  }
0x94: {  	v52 =	vsel vm0, $0x1, v2;
	vm0 =	veq.s32 v30, v12;
	v53 =	vadd.s32 v50, v51  }
0x95: {  	v54 =	vsel vm0, $0x1, v2;
	vm0 =	veq.s32 v44, v12;
	v30 =	vadd.s32 v52, v53  }
0x96: {  	v55 =	vsel vm0, $0x1, v2;
	vm0 =	veq.s32 v21, v12;
	v56 =	vadd.s32 v54, v30  }
0x97: {  	v57 =	vsel vm0, $0x1, v2;
	vm0 =	veq.s32 v18, v12;
	v58 =	vadd.s32 v55, v56  }
0x98: {  	v59 =	vsel vm0, $0x1, v2;
	vm0 =	veq.s32 v49, v12;
	v18 =	vadd.s32 v57, v58  }
0x99: {  	v60 =	vsel vm0, $0x1, v2;
	vm0 =	veq.s32 v14, v4;
	v18 =	vadd.s32 v59, v18  }
0x9a: {  	v14 =	vsel vm0, $0x1, v2;
	vm0 =	veq.s32 v15, v4;
	v13 =	vadd.s32 v60, v18  }
0x9b: {  	v14 =	vadd.s32 v61, v14;
	v15 =	vsel vm0, $0x1, v2;
	vm0 =	veq.s32 v16, v4  }
0x9c: {  	s18 =	simm.s32 $0x23;
	v13 =	vmul.u32 $0x7800, v13;
	v10 =	vadd.s32 v15, v14;
	v63 =	vsel vm0, $0x1, v2  }
0x9d: {  	v47 =	vadd.s32 s18, v0;
	vm0 =	veq.s32 v19, v4;
	v18 =	vadd.s32 v63, v10  }
0x9e: {  	v19 =	vsel vm0, $0x1, v2;
	vm0 =	veq.s32 v22, v4;
	v11 =	vadd.s32 v12, v13  }
0x9f: {  	v12 =	vadd.s32 v19, v18;
	v21 =	vsel vm0, $0x1, v2;
	vm0 =	veq.s32 v24, v4  }
0xa0: {  	v12 =	vadd.s32 v21, v12;
	v22 =	vsel vm0, $0x1, v2;
	vm0 =	veq.s32 v27, v4  }
0xa1: {  	s4 =	simm.s32 $0x30;
	v12 =	vadd.s32 v22, v12;
	v24 =	vsel vm0, $0x1, v2;
	vm0 =	veq.s32 v28, v4  }
0xa2: {  	s5 =	simm.s32 $0x2F;
	s6 =	simm.s32 $0x2E;
	v27 =	vsel vm0, $0x1, v2;
	vm0 =	veq.s32 v29, v4;
	v29 =	vor.u32 s4, v0  }
0xa3: {  	v32 =	vadd.s32 s6, v0;
	v30 =	vadd.s32 s5, v0;
	v12 =	vadd.s32 v24, v12  }
0xa4: {  	v12 =	vadd.s32 v27, v12;
	v28 =	vsel vm0, $0x1, v2;
	vm0 =	veq.s32 v23, v4  }
0xa5: {  	v12 =	vadd.s32 v28, v12;
	v31 =	vsel vm0, $0x1, v2;
	vm0 =	veq.s32 v25, v4  }
0xa6: {  	v12 =	vadd.s32 v31, v12;
	v33 =	vsel vm0, $0x1, v2;
	vm0 =	veq.s32 v26, v4  }
0xa7: {  	v12 =	vadd.s32 v33, v12;
	v35 =	vsel vm0, $0x1, v2;
	vm0 =	veq.s32 v20, v4;
	v14 =	vld.idx.msk [tilespmem:v29+s12+$0x0], $0xffff  }
0xa8: {  	v9 =	vadd.s32 v9, v62;
	v13 =	vld.idx.msk [tilespmem:v30+s12+$0x0], $0xffff;
	v12 =	vadd.s32 v35, v12;
	v20 =	vsel vm0, $0x1, v2  }
0xa9: {  	s15 =	simm.s32 $0x26;
	s19 =	simm.s32 $0x22;
	v9 =	vmul.u32 $0x7800, v9;
	v18 =	vld.idx.msk [tilespmem:v32+s12+$0x0], $0xffff;
	v12 =	vadd.s32 v20, v12;
	v20 =	vand.u32 $0xFF8, v41  }
0xaa: {  	s20 =	simm.s32 $0x21;
	v48 =	vadd.s32 s19, v0;
	v44 =	vadd.s32 s15, v0;
	v21 =	vld.idx.msk [tilespmem:v36+s12+$0x0], $0xffff;
	v20 =	vor.u32 v3, v20  }
0xab: {  	v52 =	vadd.s32 s20, v0;
	v9 =	vadd.s32 v5, v9;
	v15 =	vld.idx.msk [tilespmem:v37+s12+$0x0], $0xffff;
	vm0 =	veq.s32 v17, v4  }
0xac: {  	v10 =	vadd.s32 $0x2800, v11;
	v17 =	vld.idx.msk [tilespmem:v38+s12+$0x0], $0xffff;
	v39 =	vsel vm0, $0x1, v2;
	vm0 =	veq.s32 v14, v4  }
0xad: {  	v50 =	vld.idx.msk [tilespmem:v40+s12+$0x0], $0xffff;
	v12 =	vadd.s32 v39, v12;
	v49 =	vsel vm0, $0x1, v2;
	vm0 =	veq.s32 v13, v4  }
0xae: {  	v23 =	vld.idx.msk [tilespmem:v42+s12+$0x0], $0xffff;
	v12 =	vadd.s32 v49, v12;
	v51 =	vsel vm0, $0x1, v2;
	vm0 =	veq.s32 v18, v4  }
0xaf: {  	v54 =	vld.idx.msk [tilespmem:v20+s12+$0x0], $0xffff;
	v12 =	vadd.s32 v51, v12;
	v53 =	vsel vm0, $0x1, v2;
	vm0 =	veq.s32 v21, v4  }
0xb0: {  	v24 =	vld.idx.msk [tilespmem:v43+s12+$0x0], $0xffff;
	v12 =	vadd.s32 v53, v12;
	v55 =	vsel vm0, $0x1, v2;
	vm0 =	veq.s32 v15, v4  }
0xb1: {  	v56 =	vld.idx.msk [tilespmem:v44+s12+$0x0], $0xffff;
	v12 =	vadd.s32 v55, v12;
	v57 =	vsel vm0, $0x1, v2;
	vm0 =	veq.s32 v17, v4  }
0xb2: {  	s25 =	simm.s32 $0x8230;
	v58 =	vld.idx.msk [tilespmem:v45+s12+$0x0], $0xffff;
	v12 =	vadd.s32 v57, v12;
	v59 =	vsel vm0, $0x1, v2;
	vm0 =	veq.s32 v50, v4  }
0xb3: {  	[tilespmem:s25+$0x0] =	vst v7;
	v60 =	vld.idx.msk [tilespmem:v46+s12+$0x0], $0xffff;
	v34 =	vadd.s32 $0x5000, v11;
	v12 =	vadd.s32 v59, v12;
	v61 =	vsel vm0, $0x1, v2  }
0xb4: {  	s15 =	simm.s32 $0x8C30;
	v14 =	vld.idx.msk [tilespmem:v47+s12+$0x0], $0xffff;
	vm0 =	veq.s32 v23, v4;
	vm1 =	veq.s32 v54, v4;
	v12 =	vadd.s32 v61, v12  }
0xb5: {  	[tilespmem:s15+$0x0] =	vst v6;
	v7 =	vld.idx.msk [tilespmem:v48+s12+$0x0], $0xffff;
	v62 =	vsel vm0, $0x1, v2;
	vm0 =	veq.s32 v24, v4;
	v6 =	vsel vm1, $0x1, v2  }
0xb6: {  	s13 =	simm.s32 $0x9630;
	v18 =	vld.idx.msk [tilespmem:v52+s12+$0x0], $0xffff;
	v12 =	vadd.s32 v62, v12;
	v63 =	vsel vm0, $0x1, v2;
	vm0 =	veq.s32 v56, v4  }
0xb7: {  	[tilespmem:s13+$0x0] =	vst v8;
	v5 =	vadd.s32 v6, v12;
	v6 =	vsel vm0, $0x1, v2;
	vm0 =	veq.s32 v58, v4  }
0xb8: {  	s30 =	simm.s32 $0x8250;
	[tilespmem:s25+$0xFFFFFFF0] =	vst v9;
	v5 =	vadd.s32 v63, v5;
	v8 =	vsel vm0, $0x1, v2;
	vm0 =	veq.s32 v60, v4  }
0xb9: {  	s28 =	simm.s32 $0x8C50;
	[tilespmem:s30+$0x0] =	vst v11;
	v5 =	vadd.s32 v6, v5;
	v6 =	vsel vm0, $0x1, v2;
	vm0 =	veq.s32 v14, v4  }
0xba: {  	s29 =	simm.s32 $0x9650;
	[tilespmem:s28+$0x0] =	vst v10;
	v8 =	vadd.s32 v8, v5;
	v5 =	vsel vm0, $0x1, v2;
	vm0 =	veq.s32 v7, v4  }
0xbb: {  	s31 =	simm.s32 $0x8250;
	s1 =	simm.s32 $0x2;
	s0 =	simm.s32 $0x6F;
	[tilespmem:s29+$0x0] =	vst v34;
	v6 =	vadd.s32 v6, v8;
	v7 =	vsel vm0, $0x1, v2;
	vm0 =	veq.s32 v18, v4  }
.LBB2_2:
0xbc: {  	s3 =	sadd.s32 $0xFFFFFFF0, s0;
	s4 =	sadd.s32 $0xFFFFFFF1, s0;
	v8 =	vadd.s32 v5, v6;
	v6 =	vsel vm0, $0x1, v2;
	s26 =	sadd.s32 $0x20, s26;
	v10 =	vadd.s32 $0x2800, v9  }
0xbd: {  	s5 =	sadd.s32 $0xFFFFFFF3, s0;
	s6 =	sadd.s32 $0xFFFFFFF2, s0;
	v5 =	vld [tilespmem:s26+$0xFFFFFFF0];
	v11 =	vadd.s32 s3, v0;
	s3 =	sadd.s32 $0xFFFFFFEF, s0;
	v7 =	vadd.s32 v7, v8;
	[tilespmem:s15+$0xFFFFFFF0] =	vst v10;
	v8 =	vadd.s32 $0x5000, v9  }
0xbe: {  	v32 =	vadd.s32 s0, v0;
	s7 =	sadd.s32 $0xFFFFFFF4, s0;
	s1 =	sadd.s32 $0x2, s1;
	v10 =	vor.u32 s4, v0;
	v12 =	vadd.s32 s3, v0;
	s3 =	sadd.s32 $0xFFFFFFEE, s0;
	[tilespmem:s13+$0xFFFFFFF0] =	vst v8  }
0xbf: {  	s4 =	sadd.s32 $0xFFFFFFF5, s0;
	v19 =	vadd.s32 s5, v0;
	v17 =	vadd.s32 s6, v0;
	p0 =	slt.u32 s1, $0x9E;
	v13 =	vadd.s32 s3, v0;
	s3 =	sadd.s32 $0xFFFFFFED, s0  }
0xc0: {  	s5 =	sadd.s32 $0xFFFFFFF7, s0;
	s6 =	sadd.s32 $0xFFFFFFF6, s0;
	v27 =	vadd.s32 s7, v0;
	v28 =	vadd.s32 s4, v0;
	v14 =	vadd.s32 s3, v0;
	s3 =	sadd.s32 $0xFFFFFFEC, s0  }
0xc1: {  	s7 =	sadd.s32 $0xFFFFFFF8, s0;
	s4 =	sadd.s32 $0xFFFFFFE9, s0;
	v30 =	vadd.s32 s5, v0;
	v29 =	vadd.s32 s6, v0;
	v15 =	vadd.s32 s3, v0;
	s3 =	sadd.s32 $0xFFFFFFEB, s0;
	v8 =	vld [tilespmem:s26+$0x0]  }
0xc2: {  	s16 =	sadd.s32 $0xFFFFFFE1, s0;
	v31 =	vadd.s32 s7, v0;
	v18 =	vadd.s32 s4, v0;
	s4 =	sadd.s32 $0xFFFFFFFA, s0;
	v9 =	vld.idx.msk [tilespmem:v11+s12+$0x0], $0xffff;
	v16 =	vadd.s32 s3, v0;
	s3 =	sadd.s32 $0xFFFFFFEA, s0  }
0xc3: {  	s17 =	sadd.s32 $0xFFFFFFE0, s0;
	v18 =	vand.u32 $0x1FF8, v18;
	v33 =	vadd.s32 s4, v0;
	s4 =	sadd.s32 $0xFFFFFFF9, s0;
	v11 =	vld.idx.msk [tilespmem:v12+s12+$0x0], $0xffff;
	v20 =	vadd.s32 s3, v0;
	s3 =	sadd.s32 $0xFFFFFFFB, s0  }
0xc4: {  	s5 =	sadd.s32 $0xFFFFFFE8, s0;
	s6 =	sadd.s32 $0xFFFFFFFD, s0;
	s7 =	sadd.s32 $0xFFFFFFFC, s0;
	v18 =	vor.u32 v3, v18;
	v21 =	vadd.s32 s4, v0;
	v12 =	vld.idx.msk [tilespmem:v13+s12+$0x0], $0xffff;
	v34 =	vadd.s32 s3, v0  }
0xc5: {  	v22 =	vadd.s32 s5, v0;
	s5 =	sadd.s32 $0xFFFFFFFE, s0;
	v35 =	vadd.s32 s6, v0;
	v36 =	vadd.s32 s7, v0;
	s4 =	sadd.s32 $0xFFFFFFFF, s0;
	s3 =	sadd.s32 $0xFFFFFFE7, s0;
	v13 =	vld.idx.msk [tilespmem:v14+s12+$0x0], $0xffff  }
0xc6: {  	s6 =	sadd.s32 $0xFFFFFFE3, s0;
	s7 =	sadd.s32 $0xFFFFFFE2, s0;
	v38 =	vadd.s32 s5, v0;
	v37 =	vadd.s32 s4, v0;
	v23 =	vadd.s32 s3, v0;
	s3 =	sadd.s32 $0xFFFFFFE6, s0;
	v14 =	vld.idx.msk [tilespmem:v15+s12+$0x0], $0xffff  }
0xc7: {  	s5 =	sadd.s32 $0xFFFFFFE4, s0;
	v39 =	vadd.s32 s6, v0;
	v40 =	vadd.s32 s7, v0;
	s4 =	sadd.s32 $0xFFFFFFDF, s0;
	v24 =	vadd.s32 s3, v0;
	s3 =	sadd.s32 $0xFFFFFFE5, s0;
	v15 =	vld.idx.msk [tilespmem:v16+s12+$0x0], $0xffff  }
0xc8: {  	s14 =	sadd.s32 $0xFFFFFFDE, s0;
	s11 =	sadd.s32 $0xFFFFFFDD, s0;
	s7 =	sadd.s32 $0xFFFFFFDC, s0;
	v26 =	vadd.s32 s5, v0;
	v25 =	vadd.s32 s3, v0;
	v16 =	vld.idx.msk [tilespmem:v20+s12+$0x0], $0xffff;
	v20 =	vand.u32 $0x1FF8, v21  }
0xc9: {  	s19 =	sadd.s32 $0xFFFFFFDA, s0;
	s20 =	sadd.s32 $0xFFFFFFD9, s0;
	s6 =	sadd.s32 $0xFFFFFFDB, s0;
	vm0 =	veq.s32 v9, v8;
	vm1 =	veq.s32 v11, v8;
	v18 =	vld.idx.msk [tilespmem:v18+s12+$0x0], $0xffff;
	v41 =	vor.u32 v3, v20  }
0xca: {  	s8 =	sadd.s32 $0xFFFFFFD8, s0;
	s9 =	sadd.s32 $0xFFFFFFD7, s0;
	s18 =	sadd.s32 $0xFFFFFFD6, s0;
	v42 =	vsel vm1, $0x1, v2;
	v20 =	vld.idx.msk [tilespmem:v22+s12+$0x0], $0xffff;
	v22 =	vsel vm0, $0x1, v2;
	vm0 =	veq.s32 v12, v8  }
0xcb: {  	s25 =	sadd.s32 $0xFFFFFFD5, s0;
	s5 =	sadd.s32 $0xFFFFFFD3, s0;
	s3 =	sadd.s32 $0xFFFFFFD4, s0;
	v21 =	vld.idx.msk [tilespmem:v23+s12+$0x0], $0xffff;
	v23 =	vsel vm0, $0x1, v2;
	vm0 =	veq.s32 v13, v8;
	v42 =	vadd.s32 v22, v42  }
0xcc: {  	s10 =	sadd.s32 $0xFFFFFFD2, s0;
	s15 =	smov.u32 s28;
	s13 =	smov.u32 s29;
	v22 =	vld.idx.msk [tilespmem:v24+s12+$0x0], $0xffff;
	v24 =	vsel vm0, $0x1, v2;
	vm0 =	veq.s32 v14, v8;
	v23 =	vadd.s32 v23, v42  }
0xcd: {  	v25 =	vld.idx.msk [tilespmem:v25+s12+$0x0], $0xffff;
	v42 =	vsel vm0, $0x1, v2;
	vm0 =	veq.s32 v15, v8;
	v23 =	vadd.s32 v24, v23  }
0xce: {  	v26 =	vld.idx.msk [tilespmem:v26+s12+$0x0], $0xffff;
	v24 =	vsel vm0, $0x1, v2;
	vm0 =	veq.s32 v16, v8;
	v42 =	vadd.s32 v42, v23  }
0xcf: {  	v23 =	vld.idx.msk [tilespmem:v39+s12+$0x0], $0xffff;
	v39 =	vsel vm0, $0x1, v2;
	vm0 =	veq.s32 v18, v8;
	v42 =	vadd.s32 v24, v42  }
0xd0: {  	v24 =	vld.idx.msk [tilespmem:v40+s12+$0x0], $0xffff;
	v40 =	vsel vm0, $0x1, v2;
	vm0 =	veq.s32 v20, v8;
	v39 =	vadd.s32 v39, v42  }
0xd1: {  	v32 =	vld.idx.msk [tilespmem:v32+s12+$0x0], $0xffff;
	v42 =	vsel vm0, $0x1, v2;
	vm0 =	veq.s32 v21, v8;
	v39 =	vadd.s32 v40, v39  }
0xd2: {  	v37 =	vld.idx.msk [tilespmem:v37+s12+$0x0], $0xffff;
	v40 =	vsel vm0, $0x1, v2;
	vm0 =	veq.s32 v22, v8;
	v39 =	vadd.s32 v42, v39  }
0xd3: {  	v38 =	vld.idx.msk [tilespmem:v38+s12+$0x0], $0xffff;
	v42 =	vsel vm0, $0x1, v2;
	vm0 =	veq.s32 v25, v8;
	v39 =	vadd.s32 v40, v39  }
0xd4: {  	v35 =	vld.idx.msk [tilespmem:v35+s12+$0x0], $0xffff;
	v40 =	vsel vm0, $0x1, v2;
	vm0 =	veq.s32 v26, v8;
	v39 =	vadd.s32 v42, v39  }
0xd5: {  	v36 =	vld.idx.msk [tilespmem:v36+s12+$0x0], $0xffff;
	v42 =	vsel vm0, $0x1, v2;
	vm0 =	veq.s32 v23, v8;
	v39 =	vadd.s32 v40, v39  }
0xd6: {  	v34 =	vld.idx.msk [tilespmem:v34+s12+$0x0], $0xffff;
	v40 =	vsel vm0, $0x1, v2;
	vm0 =	veq.s32 v24, v8;
	v39 =	vadd.s32 v42, v39  }
0xd7: {  	vm1 =	veq.s32 v32, v8;
	v32 =	vld.idx.msk [tilespmem:v33+s12+$0x0], $0xffff;
	v33 =	vsel vm0, $0x1, v2;
	v39 =	vadd.s32 v40, v39  }
0xd8: {  	v40 =	vsel vm1, $0x1, v2;
	vm0 =	veq.s32 v37, v8;
	v37 =	vld.idx.msk [tilespmem:v41+s12+$0x0], $0xffff;
	v33 =	vadd.s32 v33, v39  }
0xd9: {  	v39 =	vsel vm0, $0x1, v2;
	vm0 =	veq.s32 v38, v8;
	v31 =	vld.idx.msk [tilespmem:v31+s12+$0x0], $0xffff;
	v33 =	vadd.s32 v40, v33  }
0xda: {  	v38 =	vsel vm0, $0x1, v2;
	vm0 =	veq.s32 v35, v8;
	v30 =	vld.idx.msk [tilespmem:v30+s12+$0x0], $0xffff;
	v33 =	vadd.s32 v39, v33  }
0xdb: {  	v35 =	vsel vm0, $0x1, v2;
	vm0 =	veq.s32 v36, v8;
	v29 =	vld.idx.msk [tilespmem:v29+s12+$0x0], $0xffff;
	v33 =	vadd.s32 v38, v33  }
0xdc: {  	v36 =	vsel vm0, $0x1, v2;
	vm0 =	veq.s32 v34, v8;
	v28 =	vld.idx.msk [tilespmem:v28+s12+$0x0], $0xffff;
	v33 =	vadd.s32 v35, v33  }
0xdd: {  	v34 =	vsel vm0, $0x1, v2;
	vm0 =	veq.s32 v32, v8;
	v27 =	vld.idx.msk [tilespmem:v27+s12+$0x0], $0xffff;
	v32 =	vadd.s32 v36, v33  }
0xde: {  	v33 =	vsel vm0, $0x1, v2;
	vm0 =	veq.s32 v37, v8;
	v19 =	vld.idx.msk [tilespmem:v19+s12+$0x0], $0xffff;
	v32 =	vadd.s32 v34, v32  }
0xdf: {  	v34 =	vsel vm0, $0x1, v2;
	vm0 =	veq.s32 v31, v8;
	v17 =	vld.idx.msk [tilespmem:v17+s12+$0x0], $0xffff;
	v31 =	vadd.s32 v33, v32  }
0xe0: {  	v32 =	vsel vm0, $0x1, v2;
	vm0 =	veq.s32 v30, v8;
	v10 =	vld.idx.msk [tilespmem:v10+s12+$0x0], $0xffff;
	v30 =	vadd.s32 v34, v31  }
0xe1: {  	v31 =	vsel vm0, $0x1, v2;
	vm0 =	veq.s32 v29, v8;
	v29 =	vadd.s32 v32, v30  }
0xe2: {  	v30 =	vsel vm0, $0x1, v2;
	vm0 =	veq.s32 v28, v8;
	v28 =	vadd.s32 v31, v29  }
0xe3: {  	v29 =	vsel vm0, $0x1, v2;
	vm0 =	veq.s32 v27, v8;
	v27 =	vadd.s32 v30, v28  }
0xe4: {  	v28 =	vsel vm0, $0x1, v2;
	vm0 =	veq.s32 v19, v8;
	v19 =	vadd.s32 v29, v27  }
0xe5: {  	v27 =	vsel vm0, $0x1, v2;
	vm0 =	veq.s32 v17, v8;
	v17 =	vadd.s32 v28, v19  }
0xe6: {  	v19 =	vsel vm0, $0x1, v2;
	vm0 =	veq.s32 v10, v8;
	v10 =	vadd.s32 v27, v17  }
0xe7: {  	vm1 =	veq.s32 v9, v5;
	v9 =	vsel vm0, $0x1, v2;
	v10 =	vadd.s32 v19, v10  }
0xe8: {  	v17 =	vsel vm1, $0x1, v2;
	vm0 =	veq.s32 v11, v5;
	v9 =	vadd.s32 v9, v10  }
0xe9: {  	v10 =	vsel vm0, $0x1, v2;
	vm0 =	veq.s32 v12, v5;
	v9 =	vmul.u32 $0x7800, v9  }
0xea: {  	v10 =	vadd.s32 v17, v10;
	v11 =	vsel vm0, $0x1, v2;
	vm0 =	veq.s32 v13, v5  }
0xeb: {  	s30 =	sadd.s32 $0x20, s30;
	v10 =	vadd.s32 v11, v10;
	v11 =	vsel vm0, $0x1, v2;
	v8 =	vadd.s32 v8, v9  }
0xec: {  	s28 =	sadd.s32 $0x20, s28;
	vm0 =	veq.s32 v14, v5;
	v9 =	vadd.s32 v11, v10;
	[tilespmem:s30+$0x0] =	vst v8;
	v10 =	vadd.s32 $0x2800, v8  }
0xed: {  	s29 =	sadd.s32 $0x20, s29;
	v11 =	vsel vm0, $0x1, v2;
	vm0 =	veq.s32 v15, v5;
	v8 =	vadd.s32 $0x5000, v8;
	[tilespmem:s28+$0x0] =	vst v10  }
0xee: {  	v9 =	vadd.s32 v11, v9;
	v10 =	vsel vm0, $0x1, v2;
	vm0 =	veq.s32 v16, v5;
	[tilespmem:s29+$0x0] =	vst v8  }
0xef: {  	v8 =	vadd.s32 v10, v9;
	v9 =	vsel vm0, $0x1, v2;
	vm0 =	veq.s32 v18, v5  }
0xf0: {  	v8 =	vadd.s32 v9, v8;
	v9 =	vsel vm0, $0x1, v2;
	vm0 =	veq.s32 v20, v5  }
0xf1: {  	v8 =	vadd.s32 v9, v8;
	v9 =	vsel vm0, $0x1, v2;
	vm0 =	veq.s32 v21, v5  }
0xf2: {  	v10 =	vor.u32 s16, v0;
	v8 =	vadd.s32 v9, v8;
	v9 =	vsel vm0, $0x1, v2  }
0xf3: {  	vm0 =	veq.s32 v22, v5;
	v8 =	vadd.s32 v9, v8;
	v9 =	vadd.s32 s17, v0  }
0xf4: {  	v12 =	vadd.s32 s4, v0;
	v11 =	vsel vm0, $0x1, v2;
	vm0 =	veq.s32 v25, v5  }
0xf5: {  	v8 =	vadd.s32 v11, v8;
	v11 =	vsel vm0, $0x1, v2;
	vm0 =	veq.s32 v26, v5  }
0xf6: {  	v13 =	vadd.s32 s14, v0;
	v8 =	vadd.s32 v11, v8;
	v11 =	vsel vm0, $0x1, v2  }
0xf7: {  	vm0 =	veq.s32 v23, v5;
	v8 =	vadd.s32 v11, v8;
	v11 =	vadd.s32 s11, v0;
	v10 =	vld.idx.msk [tilespmem:v10+s12+$0x0], $0xffff  }
0xf8: {  	v15 =	vadd.s32 s7, v0;
	v14 =	vsel vm0, $0x1, v2;
	vm0 =	veq.s32 v24, v5;
	v9 =	vld.idx.msk [tilespmem:v9+s12+$0x0], $0xffff  }
0xf9: {  	v16 =	vadd.s32 s6, v0;
	v8 =	vadd.s32 v14, v8;
	v14 =	vsel vm0, $0x1, v2;
	v12 =	vld.idx.msk [tilespmem:v12+s12+$0x0], $0xffff  }
0xfa: {  	v17 =	vadd.s32 s20, v0;
	v8 =	vadd.s32 v14, v8;
	v14 =	vadd.s32 s19, v0  }
0xfb: {  	v19 =	vadd.s32 s9, v0;
	v17 =	vand.u32 $0xFF8, v17;
	v18 =	vadd.s32 s8, v0;
	v13 =	vld.idx.msk [tilespmem:v13+s12+$0x0], $0xffff  }
0xfc: {  	v17 =	vor.u32 v3, v17;
	v20 =	vadd.s32 s18, v0;
	v21 =	vadd.s32 s25, v0;
	v11 =	vld.idx.msk [tilespmem:v11+s12+$0x0], $0xffff  }
0xfd: {  	v22 =	vadd.s32 s5, v0;
	vm0 =	veq.s32 v10, v5;
	v10 =	vld.idx.msk [tilespmem:v15+s12+$0x0], $0xffff;
	v15 =	vadd.s32 s3, v0  }
0xfe: {  	v23 =	vsel vm0, $0x1, v2;
	vm0 =	veq.s32 v9, v5;
	v9 =	vld.idx.msk [tilespmem:v16+s12+$0x0], $0xffff;
	v16 =	vadd.s32 s10, v0  }
0xff: {  	v8 =	vadd.s32 v23, v8;
	v23 =	vsel vm0, $0x1, v2;
	vm0 =	veq.s32 v12, v5;
	v12 =	vld.idx.msk [tilespmem:v14+s12+$0x0], $0xffff  }
0x100: {  	v6 =	vadd.s32 v6, v7;
	v8 =	vadd.s32 v23, v8;
	v14 =	vsel vm0, $0x1, v2;
	v18 =	vld.idx.msk [tilespmem:v18+s12+$0x0], $0xffff  }
0x101: {  	v6 =	vmul.u32 $0x7800, v6;
	v7 =	vadd.s32 v14, v8;
	vm0 =	veq.s32 v13, v5;
	v8 =	vld.idx.msk [tilespmem:v17+s12+$0x0], $0xffff  }
0x102: {  	v13 =	vsel vm0, $0x1, v2;
	vm0 =	veq.s32 v11, v5;
	v11 =	vld.idx.msk [tilespmem:v19+s12+$0x0], $0xffff  }
0x103: {  	v7 =	vadd.s32 v13, v7;
	v13 =	vsel vm0, $0x1, v2;
	vm0 =	veq.s32 v10, v5;
	v10 =	vld.idx.msk [tilespmem:v20+s12+$0x0], $0xffff  }
0x104: {  	v7 =	vadd.s32 v13, v7;
	v13 =	vsel vm0, $0x1, v2;
	vm0 =	veq.s32 v9, v5;
	v14 =	vld.idx.msk [tilespmem:v21+s12+$0x0], $0xffff  }
0x105: {  	v7 =	vadd.s32 v13, v7;
	v9 =	vsel vm0, $0x1, v2;
	vm0 =	veq.s32 v12, v5;
	v12 =	vld.idx.msk [tilespmem:v15+s12+$0x0], $0xffff  }
0x106: {  	v7 =	vadd.s32 v9, v7;
	v9 =	vsel vm0, $0x1, v2;
	vm0 =	veq.s32 v18, v5;
	v13 =	vld.idx.msk [tilespmem:v22+s12+$0x0], $0xffff  }
0x107: {  	v7 =	vadd.s32 v9, v7;
	vm1 =	veq.s32 v8, v5;
	v8 =	vsel vm0, $0x1, v2;
	v15 =	vld.idx.msk [tilespmem:v16+s12+$0x0], $0xffff  }
0x108: {  	v9 =	vadd.s32 v4, v6;
	v4 =	vmovc v5;
	v16 =	vsel vm1, $0x1, v2;
	vm0 =	veq.s32 v11, v5  }
.Ltmp0:
0x109: {  	v5 =	vadd.s32 v16, v7;
	v6 =	vsel vm0, $0x1, v2;
	vm0 =	veq.s32 v10, v4;
	[tilespmem:s31+$0xFFFFFFF0] =	vst v9;
	s31 =	smov.u32 s30;
	(pc) =	sbr.rel @p0 .LBB2_2-.Ltmp0, $4  }
0x10a: {  	v5 =	vadd.s32 v8, v5;
	v7 =	vsel vm0, $0x1, v2;
	vm0 =	veq.s32 v14, v4  }
0x10b: {  	v5 =	vadd.s32 v6, v5;
	v6 =	vsel vm0, $0x1, v2;
	vm0 =	veq.s32 v12, v4  }
0x10c: {  	v7 =	vadd.s32 v7, v5;
	v5 =	vsel vm0, $0x1, v2;
	vm0 =	veq.s32 v13, v4  }
0x10d: {  	s0 =	sadd.s32 $0x20, s0;
	v6 =	vadd.s32 v6, v7;
	v7 =	vsel vm0, $0x1, v2;
	vm0 =	veq.s32 v15, v4  }
0x10e: {  	v5 =	vadd.s32 v5, v6  }
0x10f: {  	v6 =	vsel vm0, $0x1, v2;
	v5 =	vadd.s32 v7, v5  }
0x110: {  	v5 =	vadd.s32 v6, v5  }
0x111: {  	v6 =	vadd.s32 $0x2800, v9;
	v5 =	vmul.u32 $0x7800, v5  }
0x112: {  	[tilespmem:s15+$0xFFFFFFF0] =	vst v6;
	v6 =	vadd.s32 $0x5000, v9  }
0x113: {  	[tilespmem:s13+$0xFFFFFFF0] =	vst v6;
	v4 =	vadd.s32 v4, v5  }
0x114: {  	[tilespmem:s31+$0xFFFFFFF0] =	vst v4;
	v5 =	vadd.s32 $0x2800, v4  }
0x115: {  	v4 =	vadd.s32 $0x5000, v4;
	[tilespmem:s28+$0xFFFFFFF0] =	vst v5  }
0x116: {  	s1 =	simm.s32 $0x80;
	[tilespmem:s29+$0xFFFFFFF0] =	vst v4  }
0x117: {  	s3 =	simm.s32 $0x8220;
	s4 =	simm.s32 $0xA020;
	s0 =	rddreg [dreg:$0x5]  }
0x118: {  	[tilespmem:s4], [sflag:$0x1] =	stream.indirect.gather [hbm4b:s0+s1], $0x1, s3, s1, $0xb8;
	[tilespmem:$0x10420] =	vst v63  }
0x119: {  	s14 =	simm.s32 $0xA0A0;
	s13 =	simm.s32 $0x82A0  }
0x11a: {  	[tilespmem:s14], [sflag:$0x1] =	stream.indirect.gather [hbm4b:s0+s1], $0x1, s13, s1, $0xb8;
	[tilespmem:$0x10420] =	vst v63  }
0x11b: {  	s16 =	simm.s32 $0xA120;
	s15 =	simm.s32 $0x8320  }
0x11c: {  	[tilespmem:s16], [sflag:$0x1] =	stream.indirect.gather [hbm4b:s0+s1], $0x1, s15, s1, $0xb8;
	[tilespmem:$0x10420] =	vst v63  }
0x11d: {  	s17 =	simm.s32 $0x83A0;
	s18 =	simm.s32 $0xA1A0  }
0x11e: {  	[tilespmem:s18], [sflag:$0x1] =	stream.indirect.gather [hbm4b:s0+s1], $0x1, s17, s1, $0xb8;
	[tilespmem:$0x10420] =	vst v63  }
0x11f: {  	s19 =	simm.s32 $0x8420;
	s20 =	simm.s32 $0xA220  }
0x120: {  	[tilespmem:s20], [sflag:$0x1] =	stream.indirect.gather [hbm4b:s0+s1], $0x1, s19, s1, $0xb8;
	[tilespmem:$0x10420] =	vst v63  }
0x121: {  	s25 =	simm.s32 $0x84A0;
	s26 =	simm.s32 $0xA2A0  }
0x122: {  	[tilespmem:s26], [sflag:$0x1] =	stream.indirect.gather [hbm4b:s0+s1], $0x1, s25, s1, $0xb8;
	[tilespmem:$0x10420] =	vst v63  }
0x123: {  	s28 =	simm.s32 $0x8520;
	s29 =	simm.s32 $0xA320  }
0x124: {  	[tilespmem:s29], [sflag:$0x1] =	stream.indirect.gather [hbm4b:s0+s1], $0x1, s28, s1, $0xb8;
	[tilespmem:$0x10420] =	vst v63  }
0x125: {  	s30 =	simm.s32 $0x85A0;
	s31 =	simm.s32 $0xA3A0  }
0x126: {  	[tilespmem:s31], [sflag:$0x1] =	stream.indirect.gather [hbm4b:s0+s1], $0x1, s30, s1, $0xb8;
	[tilespmem:$0x10420] =	vst v63  }
0x127: {  	s5 =	simm.s32 $0xA420;
	s4 =	simm.s32 $0x8620  }
0x128: {  	[tilespmem:s5], [sflag:$0x1] =	stream.indirect.gather [hbm4b:s0+s1], $0x1, s4, s1, $0xb8;
	[tilespmem:$0x10420] =	vst v63  }
0x129: {  	s6 =	simm.s32 $0x86A0;
	s7 =	simm.s32 $0xA4A0  }
0x12a: {  	[tilespmem:s7], [sflag:$0x1] =	stream.indirect.gather [hbm4b:s0+s1], $0x1, s6, s1, $0xb8;
	[tilespmem:$0x10420] =	vst v63  }
0x12b: {  	s8 =	simm.s32 $0x8720;
	s9 =	simm.s32 $0xA520  }
0x12c: {  	[tilespmem:s9], [sflag:$0x1] =	stream.indirect.gather [hbm4b:s0+s1], $0x1, s8, s1, $0xb8;
	[tilespmem:$0x10420] =	vst v63  }
0x12d: {  	s10 =	simm.s32 $0x87A0;
	s11 =	simm.s32 $0xA5A0  }
0x12e: {  	[tilespmem:s11], [sflag:$0x1] =	stream.indirect.gather [hbm4b:s0+s1], $0x1, s10, s1, $0xb8;
	[tilespmem:$0x10420] =	vst v63  }
0x12f: {  	s13 =	simm.s32 $0x8820;
	s14 =	simm.s32 $0xA620  }
0x130: {  	[tilespmem:s14], [sflag:$0x1] =	stream.indirect.gather [hbm4b:s0+s1], $0x1, s13, s1, $0xb8;
	[tilespmem:$0x10420] =	vst v63  }
0x131: {  	s15 =	simm.s32 $0x88A0;
	s16 =	simm.s32 $0xA6A0  }
0x132: {  	[tilespmem:s16], [sflag:$0x1] =	stream.indirect.gather [hbm4b:s0+s1], $0x1, s15, s1, $0xb8;
	[tilespmem:$0x10420] =	vst v63  }
0x133: {  	s17 =	simm.s32 $0x8920;
	s18 =	simm.s32 $0xA720  }
0x134: {  	[tilespmem:s18], [sflag:$0x1] =	stream.indirect.gather [hbm4b:s0+s1], $0x1, s17, s1, $0xb8;
	[tilespmem:$0x10420] =	vst v63  }
0x135: {  	s19 =	simm.s32 $0x89A0;
	s20 =	simm.s32 $0xA7A0  }
0x136: {  	[tilespmem:s20], [sflag:$0x1] =	stream.indirect.gather [hbm4b:s0+s1], $0x1, s19, s1, $0xb8;
	[tilespmem:$0x10420] =	vst v63  }
0x137: {  	s25 =	simm.s32 $0x8A20;
	s26 =	simm.s32 $0xA820  }
0x138: {  	[tilespmem:s26], [sflag:$0x1] =	stream.indirect.gather [hbm4b:s0+s1], $0x1, s25, s1, $0xb8;
	[tilespmem:$0x10420] =	vst v63  }
0x139: {  	s28 =	simm.s32 $0x8AA0;
	s29 =	simm.s32 $0xA8A0  }
0x13a: {  	[tilespmem:s29], [sflag:$0x1] =	stream.indirect.gather [hbm4b:s0+s1], $0x1, s28, s1, $0xb8;
	[tilespmem:$0x10420] =	vst v63  }
0x13b: {  	s30 =	simm.s32 $0x8B20;
	s31 =	simm.s32 $0xA920  }
0x13c: {  	[tilespmem:s31], [sflag:$0x1] =	stream.indirect.gather [hbm4b:s0+s1], $0x1, s30, s1, $0xb8;
	[tilespmem:$0x10420] =	vst v63  }
0x13d: {  	s4 =	simm.s32 $0x8BA0;
	s5 =	simm.s32 $0xA9A0  }
0x13e: {  	[tilespmem:s5], [sflag:$0x1] =	stream.indirect.gather [hbm4b:s0+s1], $0x1, s4, s1, $0xb8;
	[tilespmem:$0x10420] =	vst v63  }
0x13f: {  	s6 =	simm.s32 $0x8C20;
	s7 =	simm.s32 $0xAA20  }
0x140: {  	[tilespmem:s7], [sflag:$0x1] =	stream.indirect.gather [hbm4b:s0+s1], $0x1, s6, s1, $0xb8;
	[tilespmem:$0x10420] =	vst v63  }
0x141: {  	s8 =	simm.s32 $0x8CA0;
	s9 =	simm.s32 $0xAAA0  }
0x142: {  	[tilespmem:s9], [sflag:$0x1] =	stream.indirect.gather [hbm4b:s0+s1], $0x1, s8, s1, $0xb8;
	[tilespmem:$0x10420] =	vst v63  }
0x143: {  	s10 =	simm.s32 $0x8D20;
	s11 =	simm.s32 $0xAB20  }
0x144: {  	[tilespmem:s11], [sflag:$0x1] =	stream.indirect.gather [hbm4b:s0+s1], $0x1, s10, s1, $0xb8;
	[tilespmem:$0x10420] =	vst v63  }
0x145: {  	s13 =	simm.s32 $0x8DA0;
	s14 =	simm.s32 $0xABA0  }
0x146: {  	[tilespmem:s14], [sflag:$0x1] =	stream.indirect.gather [hbm4b:s0+s1], $0x1, s13, s1, $0xb8;
	[tilespmem:$0x10420] =	vst v63  }
0x147: {  	s15 =	simm.s32 $0x8E20;
	s16 =	simm.s32 $0xAC20  }
0x148: {  	[tilespmem:s16], [sflag:$0x1] =	stream.indirect.gather [hbm4b:s0+s1], $0x1, s15, s1, $0xb8;
	[tilespmem:$0x10420] =	vst v63  }
0x149: {  	s17 =	simm.s32 $0x8EA0;
	s18 =	simm.s32 $0xACA0  }
0x14a: {  	[tilespmem:s18], [sflag:$0x1] =	stream.indirect.gather [hbm4b:s0+s1], $0x1, s17, s1, $0xb8;
	[tilespmem:$0x10420] =	vst v63  }
0x14b: {  	s19 =	simm.s32 $0x8F20;
	s20 =	simm.s32 $0xAD20  }
0x14c: {  	[tilespmem:s20], [sflag:$0x1] =	stream.indirect.gather [hbm4b:s0+s1], $0x1, s19, s1, $0xb8;
	[tilespmem:$0x10420] =	vst v63  }
0x14d: {  	s25 =	simm.s32 $0x8FA0;
	s26 =	simm.s32 $0xADA0  }
0x14e: {  	[tilespmem:s26], [sflag:$0x1] =	stream.indirect.gather [hbm4b:s0+s1], $0x1, s25, s1, $0xb8;
	[tilespmem:$0x10420] =	vst v63  }
0x14f: {  	s28 =	simm.s32 $0x9020;
	s29 =	simm.s32 $0xAE20  }
0x150: {  	[tilespmem:s29], [sflag:$0x1] =	stream.indirect.gather [hbm4b:s0+s1], $0x1, s28, s1, $0xb8;
	[tilespmem:$0x10420] =	vst v63  }
0x151: {  	s30 =	simm.s32 $0x90A0;
	s31 =	simm.s32 $0xAEA0  }
0x152: {  	[tilespmem:s31], [sflag:$0x1] =	stream.indirect.gather [hbm4b:s0+s1], $0x1, s30, s1, $0xb8;
	[tilespmem:$0x10420] =	vst v63  }
0x153: {  	s4 =	simm.s32 $0x9120;
	s5 =	simm.s32 $0xAF20  }
0x154: {  	[tilespmem:s5], [sflag:$0x1] =	stream.indirect.gather [hbm4b:s0+s1], $0x1, s4, s1, $0xb8;
	[tilespmem:$0x10420] =	vst v63  }
0x155: {  	s6 =	simm.s32 $0x91A0;
	s7 =	simm.s32 $0xAFA0  }
0x156: {  	[tilespmem:s7], [sflag:$0x1] =	stream.indirect.gather [hbm4b:s0+s1], $0x1, s6, s1, $0xb8;
	[tilespmem:$0x10420] =	vst v63  }
0x157: {  	s8 =	simm.s32 $0x9220;
	s9 =	simm.s32 $0xB020  }
0x158: {  	[tilespmem:s9], [sflag:$0x1] =	stream.indirect.gather [hbm4b:s0+s1], $0x1, s8, s1, $0xb8;
	[tilespmem:$0x10420] =	vst v63  }
0x159: {  	s10 =	simm.s32 $0x92A0;
	s11 =	simm.s32 $0xB0A0  }
0x15a: {  	[tilespmem:s11], [sflag:$0x1] =	stream.indirect.gather [hbm4b:s0+s1], $0x1, s10, s1, $0xb8;
	[tilespmem:$0x10420] =	vst v63  }
0x15b: {  	s13 =	simm.s32 $0x9320;
	s14 =	simm.s32 $0xB120  }
0x15c: {  	[tilespmem:s14], [sflag:$0x1] =	stream.indirect.gather [hbm4b:s0+s1], $0x1, s13, s1, $0xb8;
	[tilespmem:$0x10420] =	vst v63  }
0x15d: {  	s15 =	simm.s32 $0x93A0;
	s16 =	simm.s32 $0xB1A0  }
0x15e: {  	[tilespmem:s16], [sflag:$0x1] =	stream.indirect.gather [hbm4b:s0+s1], $0x1, s15, s1, $0xb8;
	[tilespmem:$0x10420] =	vst v63  }
0x15f: {  	s17 =	simm.s32 $0x9420;
	s18 =	simm.s32 $0xB220  }
0x160: {  	[tilespmem:s18], [sflag:$0x1] =	stream.indirect.gather [hbm4b:s0+s1], $0x1, s17, s1, $0xb8;
	[tilespmem:$0x10420] =	vst v63  }
0x161: {  	s19 =	simm.s32 $0x94A0;
	s20 =	simm.s32 $0xB2A0  }
0x162: {  	[tilespmem:s20], [sflag:$0x1] =	stream.indirect.gather [hbm4b:s0+s1], $0x1, s19, s1, $0xb8;
	[tilespmem:$0x10420] =	vst v63  }
0x163: {  	s25 =	simm.s32 $0x9520;
	s26 =	simm.s32 $0xB320  }
0x164: {  	[tilespmem:s26], [sflag:$0x1] =	stream.indirect.gather [hbm4b:s0+s1], $0x1, s25, s1, $0xb8;
	[tilespmem:$0x10420] =	vst v63  }
0x165: {  	s28 =	simm.s32 $0x95A0;
	s29 =	simm.s32 $0xB3A0  }
0x166: {  	[tilespmem:s29], [sflag:$0x1] =	stream.indirect.gather [hbm4b:s0+s1], $0x1, s28, s1, $0xb8;
	[tilespmem:$0x10420] =	vst v63  }
0x167: {  	s30 =	simm.s32 $0x9620;
	s31 =	simm.s32 $0xB420  }
0x168: {  	[tilespmem:s31], [sflag:$0x1] =	stream.indirect.gather [hbm4b:s0+s1], $0x1, s30, s1, $0xb8;
	[tilespmem:$0x10420] =	vst v63  }
0x169: {  	s4 =	simm.s32 $0x96A0;
	s5 =	simm.s32 $0xB4A0  }
0x16a: {  	[tilespmem:s5], [sflag:$0x1] =	stream.indirect.gather [hbm4b:s0+s1], $0x1, s4, s1, $0xb8;
	[tilespmem:$0x10420] =	vst v63  }
0x16b: {  	s6 =	simm.s32 $0x9720;
	s7 =	simm.s32 $0xB520  }
0x16c: {  	[tilespmem:s7], [sflag:$0x1] =	stream.indirect.gather [hbm4b:s0+s1], $0x1, s6, s1, $0xb8;
	[tilespmem:$0x10420] =	vst v63  }
0x16d: {  	s8 =	simm.s32 $0x97A0;
	s9 =	simm.s32 $0xB5A0  }
0x16e: {  	[tilespmem:s9], [sflag:$0x1] =	stream.indirect.gather [hbm4b:s0+s1], $0x1, s8, s1, $0xb8;
	[tilespmem:$0x10420] =	vst v63  }
0x16f: {  	s10 =	simm.s32 $0x9820;
	s11 =	simm.s32 $0xB620  }
0x170: {  	[tilespmem:s11], [sflag:$0x1] =	stream.indirect.gather [hbm4b:s0+s1], $0x1, s10, s1, $0xb8;
	[tilespmem:$0x10420] =	vst v63  }
0x171: {  	s13 =	simm.s32 $0x98A0;
	s14 =	simm.s32 $0xB6A0  }
0x172: {  	[tilespmem:s14], [sflag:$0x1] =	stream.indirect.gather [hbm4b:s0+s1], $0x1, s13, s1, $0xb8;
	[tilespmem:$0x10420] =	vst v63  }
0x173: {  	s15 =	simm.s32 $0x9920;
	s16 =	simm.s32 $0xB720  }
0x174: {  	[tilespmem:s16], [sflag:$0x1] =	stream.indirect.gather [hbm4b:s0+s1], $0x1, s15, s1, $0xb8;
	[tilespmem:$0x10420] =	vst v63  }
0x175: {  	s17 =	simm.s32 $0x99A0;
	s18 =	simm.s32 $0xB7A0  }
0x176: {  	[tilespmem:s18], [sflag:$0x1] =	stream.indirect.gather [hbm4b:s0+s1], $0x1, s17, s1, $0xb8;
	[tilespmem:$0x10420] =	vst v63  }
0x177: {  	s19 =	simm.s32 $0x9A20;
	s20 =	simm.s32 $0xB820  }
0x178: {  	[tilespmem:s20], [sflag:$0x1] =	stream.indirect.gather [hbm4b:s0+s1], $0x1, s19, s1, $0xb8;
	[tilespmem:$0x10420] =	vst v63  }
0x179: {  	s25 =	simm.s32 $0x9AA0;
	s26 =	simm.s32 $0xB8A0  }
0x17a: {  	[tilespmem:s26], [sflag:$0x1] =	stream.indirect.gather [hbm4b:s0+s1], $0x1, s25, s1, $0xb8;
	[tilespmem:$0x10420] =	vst v63  }
0x17b: {  	s28 =	simm.s32 $0x9B20;
	s29 =	simm.s32 $0xB920  }
0x17c: {  	[tilespmem:s29], [sflag:$0x1] =	stream.indirect.gather [hbm4b:s0+s1], $0x1, s28, s1, $0xb8;
	[tilespmem:$0x10420] =	vst v63  }
0x17d: {  	s30 =	simm.s32 $0x9BA0;
	s31 =	simm.s32 $0xB9A0  }
0x17e: {  	[tilespmem:s31], [sflag:$0x1] =	stream.indirect.gather [hbm4b:s0+s1], $0x1, s30, s1, $0xb8;
	[tilespmem:$0x10420] =	vst v63  }
0x17f: {  	s5 =	simm.s32 $0x9C20;
	s6 =	simm.s32 $0xBA20  }
0x180: {  	[tilespmem:s6], [sflag:$0x1] =	stream.indirect.gather [hbm4b:s0+s1], $0x1, s5, s1, $0xb8;
	[tilespmem:$0x10420] =	vst v63  }
0x181: {  	s7 =	simm.s32 $0x9CA0;
	s8 =	simm.s32 $0xBAA0  }
0x182: {  	[tilespmem:s8], [sflag:$0x1] =	stream.indirect.gather [hbm4b:s0+s1], $0x1, s7, s1, $0xb8;
	[tilespmem:$0x10420] =	vst v63  }
0x183: {  	s9 =	simm.s32 $0x9D20;
	s10 =	simm.s32 $0xBB20  }
0x184: {  	[tilespmem:s10], [sflag:$0x1] =	stream.indirect.gather [hbm4b:s0+s1], $0x1, s9, s1, $0xb8;
	[tilespmem:$0x10420] =	vst v63  }
0x185: {  	s11 =	simm.s32 $0x9DA0;
	s13 =	simm.s32 $0xBBA0  }
0x186: {  	[tilespmem:s13], [sflag:$0x1] =	stream.indirect.gather [hbm4b:s0+s1], $0x1, s11, s1, $0xb8;
	[tilespmem:$0x10420] =	vst v63  }
0x187: {  	s14 =	simm.s32 $0x9E20;
	s15 =	simm.s32 $0xBC20  }
0x188: {  	[tilespmem:s15], [sflag:$0x1] =	stream.indirect.gather [hbm4b:s0+s1], $0x1, s14, s1, $0xb8;
	[tilespmem:$0x10420] =	vst v63  }
0x189: {  	s16 =	simm.s32 $0x9EA0;
	s17 =	simm.s32 $0xBCA0  }
0x18a: {  	[tilespmem:s17], [sflag:$0x1] =	stream.indirect.gather [hbm4b:s0+s1], $0x1, s16, s1, $0xb8;
	[tilespmem:$0x10420] =	vst v63  }
0x18b: {  	s18 =	simm.s32 $0x9F20;
	s19 =	simm.s32 $0xBD20  }
0x18c: {  	[tilespmem:s19], [sflag:$0x1] =	stream.indirect.gather [hbm4b:s0+s1], $0x1, s18, s1, $0xb8;
	[tilespmem:$0x10420] =	vst v63  }
0x18d: {  	s20 =	simm.s32 $0x9FA0;
	s25 =	simm.s32 $0xBDA0  }
0x18e: {  	[tilespmem:s25], [sflag:$0x1] =	stream.indirect.gather [hbm4b:s0+s1], $0x1, s20, s1, $0xb8;
	[tilespmem:$0x10420] =	vst v63  }
0x18f: {  	_ =	swait.ge [sflag:s21], $0x80  }
0x190: {  	[sflag:s21] =	ssyncset.done $0x0  }
0x191: {  	[sflag:s21] =	ssyncadd.s32 $0xFFFFFF80  }
0x192: {  	_ =	swait.ge [sflag:s21], $0x80  }
0x193: {  	[sflag:s21] =	ssyncset.done $0x0  }
0x194: {  	[sflag:s21] =	ssyncadd.s32 $0xFFFFFF80  }
0x195: {  	_ =	swait.ge [sflag:s21], $0x80  }
0x196: {  	[sflag:s21] =	ssyncset.done $0x0  }
0x197: {  	[sflag:s21] =	ssyncadd.s32 $0xFFFFFF80  }
0x198: {  	_ =	swait.ge [sflag:s21], $0x80  }
0x199: {  	[sflag:s21] =	ssyncset.done $0x0  }
0x19a: {  	[sflag:s21] =	ssyncadd.s32 $0xFFFFFF80  }
0x19b: {  	_ =	swait.ge [sflag:s21], $0x80  }
0x19c: {  	[sflag:s21] =	ssyncset.done $0x0  }
0x19d: {  	[sflag:s21] =	ssyncadd.s32 $0xFFFFFF80  }
0x19e: {  	_ =	swait.ge [sflag:s21], $0x80  }
0x19f: {  	[sflag:s21] =	ssyncset.done $0x0  }
0x1a0: {  	[sflag:s21] =	ssyncadd.s32 $0xFFFFFF80  }
0x1a1: {  	_ =	swait.ge [sflag:s21], $0x80  }
0x1a2: {  	[sflag:s21] =	ssyncset.done $0x0  }
0x1a3: {  	[sflag:s21] =	ssyncadd.s32 $0xFFFFFF80  }
0x1a4: {  	_ =	swait.ge [sflag:s21], $0x80  }
0x1a5: {  	[sflag:s21] =	ssyncset.done $0x0  }
0x1a6: {  	[sflag:s21] =	ssyncadd.s32 $0xFFFFFF80  }
0x1a7: {  	_ =	swait.ge [sflag:s21], $0x80  }
0x1a8: {  	[sflag:s21] =	ssyncset.done $0x0  }
0x1a9: {  	[sflag:s21] =	ssyncadd.s32 $0xFFFFFF80  }
0x1aa: {  	_ =	swait.ge [sflag:s21], $0x80  }
0x1ab: {  	[sflag:s21] =	ssyncset.done $0x0  }
0x1ac: {  	[sflag:s21] =	ssyncadd.s32 $0xFFFFFF80  }
0x1ad: {  	_ =	swait.ge [sflag:s21], $0x80  }
0x1ae: {  	[sflag:s21] =	ssyncset.done $0x0  }
0x1af: {  	[sflag:s21] =	ssyncadd.s32 $0xFFFFFF80  }
0x1b0: {  	_ =	swait.ge [sflag:s21], $0x80  }
0x1b1: {  	[sflag:s21] =	ssyncset.done $0x0  }
0x1b2: {  	[sflag:s21] =	ssyncadd.s32 $0xFFFFFF80  }
0x1b3: {  	_ =	swait.ge [sflag:s21], $0x80  }
0x1b4: {  	[sflag:s21] =	ssyncset.done $0x0  }
0x1b5: {  	[sflag:s21] =	ssyncadd.s32 $0xFFFFFF80  }
0x1b6: {  	_ =	swait.ge [sflag:s21], $0x80  }
0x1b7: {  	[sflag:s21] =	ssyncset.done $0x0  }
0x1b8: {  	[sflag:s21] =	ssyncadd.s32 $0xFFFFFF80  }
0x1b9: {  	_ =	swait.ge [sflag:s21], $0x80  }
0x1ba: {  	[sflag:s21] =	ssyncset.done $0x0  }
0x1bb: {  	[sflag:s21] =	ssyncadd.s32 $0xFFFFFF80  }
0x1bc: {  	_ =	swait.ge [sflag:s21], $0x80  }
0x1bd: {  	[sflag:s21] =	ssyncset.done $0x0  }
0x1be: {  	[sflag:s21] =	ssyncadd.s32 $0xFFFFFF80  }
0x1bf: {  	_ =	swait.ge [sflag:s21], $0x80  }
0x1c0: {  	[sflag:s21] =	ssyncset.done $0x0  }
0x1c1: {  	[sflag:s21] =	ssyncadd.s32 $0xFFFFFF80  }
0x1c2: {  	_ =	swait.ge [sflag:s21], $0x80  }
0x1c3: {  	[sflag:s21] =	ssyncset.done $0x0  }
0x1c4: {  	[sflag:s21] =	ssyncadd.s32 $0xFFFFFF80  }
0x1c5: {  	_ =	swait.ge [sflag:s21], $0x80  }
0x1c6: {  	[sflag:s21] =	ssyncset.done $0x0  }
0x1c7: {  	[sflag:s21] =	ssyncadd.s32 $0xFFFFFF80  }
0x1c8: {  	_ =	swait.ge [sflag:s21], $0x80  }
0x1c9: {  	[sflag:s21] =	ssyncset.done $0x0  }
0x1ca: {  	[sflag:s21] =	ssyncadd.s32 $0xFFFFFF80  }
0x1cb: {  	_ =	swait.ge [sflag:s21], $0x80  }
0x1cc: {  	[sflag:s21] =	ssyncset.done $0x0  }
0x1cd: {  	[sflag:s21] =	ssyncadd.s32 $0xFFFFFF80  }
0x1ce: {  	_ =	swait.ge [sflag:s21], $0x80  }
0x1cf: {  	[sflag:s21] =	ssyncset.done $0x0  }
0x1d0: {  	[sflag:s21] =	ssyncadd.s32 $0xFFFFFF80  }
0x1d1: {  	_ =	swait.ge [sflag:s21], $0x80  }
0x1d2: {  	[sflag:s21] =	ssyncset.done $0x0  }
0x1d3: {  	[sflag:s21] =	ssyncadd.s32 $0xFFFFFF80  }
0x1d4: {  	_ =	swait.ge [sflag:s21], $0x80  }
0x1d5: {  	[sflag:s21] =	ssyncset.done $0x0  }
0x1d6: {  	[sflag:s21] =	ssyncadd.s32 $0xFFFFFF80  }
0x1d7: {  	_ =	swait.ge [sflag:s21], $0x80  }
0x1d8: {  	[sflag:s21] =	ssyncset.done $0x0  }
0x1d9: {  	[sflag:s21] =	ssyncadd.s32 $0xFFFFFF80  }
0x1da: {  	_ =	swait.ge [sflag:s21], $0x80  }
0x1db: {  	[sflag:s21] =	ssyncset.done $0x0  }
0x1dc: {  	[sflag:s21] =	ssyncadd.s32 $0xFFFFFF80  }
0x1dd: {  	_ =	swait.ge [sflag:s21], $0x80  }
0x1de: {  	[sflag:s21] =	ssyncset.done $0x0  }
0x1df: {  	[sflag:s21] =	ssyncadd.s32 $0xFFFFFF80  }
0x1e0: {  	_ =	swait.ge [sflag:s21], $0x80  }
0x1e1: {  	[sflag:s21] =	ssyncset.done $0x0  }
0x1e2: {  	[sflag:s21] =	ssyncadd.s32 $0xFFFFFF80  }
0x1e3: {  	_ =	swait.ge [sflag:s21], $0x80  }
0x1e4: {  	[sflag:s21] =	ssyncset.done $0x0  }
0x1e5: {  	[sflag:s21] =	ssyncadd.s32 $0xFFFFFF80  }
0x1e6: {  	_ =	swait.ge [sflag:s21], $0x80  }
0x1e7: {  	[sflag:s21] =	ssyncset.done $0x0  }
0x1e8: {  	[sflag:s21] =	ssyncadd.s32 $0xFFFFFF80  }
0x1e9: {  	_ =	swait.ge [sflag:s21], $0x80  }
0x1ea: {  	[sflag:s21] =	ssyncset.done $0x0  }
0x1eb: {  	[sflag:s21] =	ssyncadd.s32 $0xFFFFFF80  }
0x1ec: {  	_ =	swait.ge [sflag:s21], $0x80  }
0x1ed: {  	[sflag:s21] =	ssyncset.done $0x0  }
0x1ee: {  	[sflag:s21] =	ssyncadd.s32 $0xFFFFFF80  }
0x1ef: {  	_ =	swait.ge [sflag:s21], $0x80  }
0x1f0: {  	[sflag:s21] =	ssyncset.done $0x0  }
0x1f1: {  	[sflag:s21] =	ssyncadd.s32 $0xFFFFFF80  }
0x1f2: {  	_ =	swait.ge [sflag:s21], $0x80  }
0x1f3: {  	[sflag:s21] =	ssyncset.done $0x0  }
0x1f4: {  	[sflag:s21] =	ssyncadd.s32 $0xFFFFFF80  }
0x1f5: {  	_ =	swait.ge [sflag:s21], $0x80  }
0x1f6: {  	[sflag:s21] =	ssyncset.done $0x0  }
0x1f7: {  	[sflag:s21] =	ssyncadd.s32 $0xFFFFFF80  }
0x1f8: {  	_ =	swait.ge [sflag:s21], $0x80  }
0x1f9: {  	[sflag:s21] =	ssyncset.done $0x0  }
0x1fa: {  	[sflag:s21] =	ssyncadd.s32 $0xFFFFFF80  }
0x1fb: {  	_ =	swait.ge [sflag:s21], $0x80  }
0x1fc: {  	[sflag:s21] =	ssyncset.done $0x0  }
0x1fd: {  	[sflag:s21] =	ssyncadd.s32 $0xFFFFFF80  }
0x1fe: {  	_ =	swait.ge [sflag:s21], $0x80  }
0x1ff: {  	[sflag:s21] =	ssyncset.done $0x0  }
0x200: {  	[sflag:s21] =	ssyncadd.s32 $0xFFFFFF80  }
0x201: {  	_ =	swait.ge [sflag:s21], $0x80  }
0x202: {  	[sflag:s21] =	ssyncset.done $0x0  }
0x203: {  	[sflag:s21] =	ssyncadd.s32 $0xFFFFFF80  }
0x204: {  	_ =	swait.ge [sflag:s21], $0x80  }
0x205: {  	[sflag:s21] =	ssyncset.done $0x0  }
0x206: {  	[sflag:s21] =	ssyncadd.s32 $0xFFFFFF80  }
0x207: {  	_ =	swait.ge [sflag:s21], $0x80  }
0x208: {  	[sflag:s21] =	ssyncset.done $0x0  }
0x209: {  	[sflag:s21] =	ssyncadd.s32 $0xFFFFFF80  }
0x20a: {  	_ =	swait.ge [sflag:s21], $0x80  }
0x20b: {  	[sflag:s21] =	ssyncset.done $0x0  }
0x20c: {  	[sflag:s21] =	ssyncadd.s32 $0xFFFFFF80  }
0x20d: {  	_ =	swait.ge [sflag:s21], $0x80  }
0x20e: {  	[sflag:s21] =	ssyncset.done $0x0  }
0x20f: {  	[sflag:s21] =	ssyncadd.s32 $0xFFFFFF80  }
0x210: {  	_ =	swait.ge [sflag:s21], $0x80  }
0x211: {  	[sflag:s21] =	ssyncset.done $0x0  }
0x212: {  	[sflag:s21] =	ssyncadd.s32 $0xFFFFFF80  }
0x213: {  	_ =	swait.ge [sflag:s21], $0x80  }
0x214: {  	[sflag:s21] =	ssyncset.done $0x0  }
0x215: {  	[sflag:s21] =	ssyncadd.s32 $0xFFFFFF80  }
0x216: {  	_ =	swait.ge [sflag:s21], $0x80  }
0x217: {  	[sflag:s21] =	ssyncset.done $0x0  }
0x218: {  	[sflag:s21] =	ssyncadd.s32 $0xFFFFFF80  }
0x219: {  	_ =	swait.ge [sflag:s21], $0x80  }
0x21a: {  	[sflag:s21] =	ssyncset.done $0x0  }
0x21b: {  	[sflag:s21] =	ssyncadd.s32 $0xFFFFFF80  }
0x21c: {  	_ =	swait.ge [sflag:s21], $0x80  }
0x21d: {  	[sflag:s21] =	ssyncset.done $0x0  }
0x21e: {  	[sflag:s21] =	ssyncadd.s32 $0xFFFFFF80  }
0x21f: {  	_ =	swait.ge [sflag:s21], $0x80  }
0x220: {  	[sflag:s21] =	ssyncset.done $0x0  }
0x221: {  	[sflag:s21] =	ssyncadd.s32 $0xFFFFFF80  }
0x222: {  	_ =	swait.ge [sflag:s21], $0x80  }
0x223: {  	[sflag:s21] =	ssyncset.done $0x0  }
0x224: {  	[sflag:s21] =	ssyncadd.s32 $0xFFFFFF80  }
0x225: {  	_ =	swait.ge [sflag:s21], $0x80  }
0x226: {  	[sflag:s21] =	ssyncset.done $0x0  }
0x227: {  	[sflag:s21] =	ssyncadd.s32 $0xFFFFFF80  }
0x228: {  	_ =	swait.ge [sflag:s21], $0x80  }
0x229: {  	[sflag:s21] =	ssyncset.done $0x0  }
0x22a: {  	[sflag:s21] =	ssyncadd.s32 $0xFFFFFF80  }
0x22b: {  	_ =	swait.ge [sflag:s21], $0x80  }
0x22c: {  	[sflag:s21] =	ssyncset.done $0x0  }
0x22d: {  	[sflag:s21] =	ssyncadd.s32 $0xFFFFFF80  }
0x22e: {  	_ =	swait.ge [sflag:s21], $0x80  }
0x22f: {  	[sflag:s21] =	ssyncset.done $0x0  }
0x230: {  	[sflag:s21] =	ssyncadd.s32 $0xFFFFFF80  }
0x231: {  	_ =	swait.ge [sflag:s21], $0x80  }
0x232: {  	[sflag:s21] =	ssyncset.done $0x0  }
0x233: {  	[sflag:s21] =	ssyncadd.s32 $0xFFFFFF80  }
0x234: {  	_ =	swait.ge [sflag:s21], $0x80  }
0x235: {  	[sflag:s21] =	ssyncset.done $0x0  }
0x236: {  	[sflag:s21] =	ssyncadd.s32 $0xFFFFFF80  }
0x237: {  	_ =	swait.ge [sflag:s21], $0x80  }
0x238: {  	[sflag:s21] =	ssyncset.done $0x0  }
0x239: {  	[sflag:s21] =	ssyncadd.s32 $0xFFFFFF80  }
0x23a: {  	_ =	swait.ge [sflag:s21], $0x80  }
0x23b: {  	[sflag:s21] =	ssyncset.done $0x0  }
0x23c: {  	[sflag:s21] =	ssyncadd.s32 $0xFFFFFF80  }
0x23d: {  	_ =	swait.ge [sflag:s21], $0x80  }
0x23e: {  	[sflag:s21] =	ssyncset.done $0x0  }
0x23f: {  	[sflag:s21] =	ssyncadd.s32 $0xFFFFFF80  }
0x240: {  	_ =	swait.ge [sflag:s21], $0x80  }
0x241: {  	[sflag:s21] =	ssyncset.done $0x0  }
0x242: {  	s26 =	simm.s32 $0x7850;
	[sflag:s21] =	ssyncadd.s32 $0xFFFFFF80  }
0x243: {  	v4 =	vld [tilespmem:s26+$0x0]  }
0x244: {  	v5 =	vld [tilespmem:s26+$0xFFFFFFE0]  }
0x245: {  	v6 =	vld [tilespmem:s26+$0xFFFFFFD0]  }
0x246: {  	s28 =	simm.s32 $0xA040;
	v7 =	vld [tilespmem:s26+$0xFFFFFFF0]  }
0x247: {  	v9 =	vld [tilespmem:s28+$0x10]  }
0x248: {  	v14 =	vld [tilespmem:s28+$0xFFFFFFE0]  }
0x249: {  	v16 =	vld [tilespmem:s28+$0xFFFFFFF0]  }
0x24a: {  	v18 =	vld [tilespmem:s28+$0x0]  }
0x24b: {  	s31 =	simm.s32 $0x7890;
	v10 =	vadd.s32 $0x2800, v4;
	v8 =	vld.idx.msk [tilespmem:v4+s2+$0x0], $0xffff  }
0x24c: {  	s1 =	simm.s32 $0xA080;
	v60 =	vld [tilespmem:s31+$0xFFFFFFD0];
	v4 =	vadd.s32 $0x5000, v4  }
0x24d: {  	v62 =	vld [tilespmem:s1+$0x10]  }
0x24e: {  	v23 =	vld [tilespmem:s1+$0xFFFFFFE0]  }
0x24f: {  	v11 =	vld.idx.msk [tilespmem:v5+s2+$0x0], $0xffff  }
0x250: {  	v8 =	vadd.f32 v9, v8;
	v9 =	vld.idx.msk [tilespmem:v10+s2+$0x0], $0xffff  }
0x251: {  	v10 =	vld.idx.msk [tilespmem:v4+s2+$0x0], $0xffff;
	v4 =	vadd.s32 $0x2800, v5  }
0x252: {  	s29 =	simm.s32 $0xBE40;
	v12 =	vld.idx.msk [tilespmem:v6+s2+$0x0], $0xffff;
	v5 =	vadd.s32 $0x5000, v5  }
0x253: {  	s30 =	simm.s32 $0xAA40;
	v26 =	vld [tilespmem:s1+$0xFFFFFFF0];
	v15 =	vadd.s32 $0x2800, v6;
	[tilespmem:s29+$0x10] =	vst v8  }
0x254: {  	v6 =	vadd.s32 $0x5000, v6;
	v8 =	vld [tilespmem:s30+$0x10]  }
0x255: {  	v17 =	vadd.s32 $0x2800, v7;
	v13 =	vld.idx.msk [tilespmem:v7+s2+$0x0], $0xffff;
	v7 =	vadd.s32 $0x5000, v7  }
0x256: {  	v19 =	vld.idx.msk [tilespmem:v4+s2+$0x0], $0xffff  }
0x257: {  	v4 =	vadd.f32 v14, v12;
	v12 =	vld.idx.msk [tilespmem:v5+s2+$0x0], $0xffff;
	v5 =	vadd.f32 v16, v11  }
0x258: {  	v15 =	vld.idx.msk [tilespmem:v15+s2+$0x0], $0xffff  }
0x259: {  	v6 =	vld.idx.msk [tilespmem:v6+s2+$0x0], $0xffff;
	[tilespmem:s29+$0xFFFFFFF0] =	vst v5;
	v5 =	vadd.f32 v8, v9  }
0x25a: {  	s6 =	simm.s32 $0xC840;
	[tilespmem:s29+$0xFFFFFFE0] =	vst v4;
	v4 =	vld.idx.msk [tilespmem:v7+s2+$0x0], $0xffff  }
0x25b: {  	[tilespmem:s6+$0x10] =	vst v5;
	v5 =	vld [tilespmem:s31+$0x0]  }
0x25c: {  	v7 =	vld [tilespmem:s30+$0xFFFFFFE0]  }
0x25d: {  	v27 =	vld [tilespmem:s1+$0x0]  }
0x25e: {  	v14 =	vld [tilespmem:s31+$0xFFFFFFE0]  }
0x25f: {  	v21 =	vld.idx.msk [tilespmem:v60+s2+$0x0], $0xffff  }
0x260: {  	v13 =	vadd.f32 v18, v13;
	v8 =	vld [tilespmem:s30+$0xFFFFFFF0]  }
0x261: {  	v11 =	vld.idx.msk [tilespmem:v17+s2+$0x0], $0xffff;
	v7 =	vadd.f32 v7, v15  }
0x262: {  	[tilespmem:s29+$0x0] =	vst v13;
	v13 =	vld [tilespmem:s31+$0xFFFFFFF0]  }
0x263: {  	s0 =	simm.s32 $0xB440;
	[tilespmem:s6+$0xFFFFFFE0] =	vst v7;
	v7 =	vld.idx.msk [tilespmem:v5+s2+$0x0], $0xffff  }
0x264: {  	v9 =	vld [tilespmem:s0+$0x10];
	v63 =	vadd.s32 $0x2800, v5  }
0x265: {  	v8 =	vadd.f32 v8, v19;
	v15 =	vld [tilespmem:s30+$0x0];
	v5 =	vadd.s32 $0x5000, v5  }
0x266: {  	v20 =	vld.idx.msk [tilespmem:v14+s2+$0x0], $0xffff  }
0x267: {  	[tilespmem:s6+$0xFFFFFFF0] =	vst v8;
	v61 =	vld [tilespmem:s0+$0xFFFFFFE0]  }
0x268: {  	v25 =	vadd.s32 $0x2800, v14;
	v8 =	vld [tilespmem:s0+$0xFFFFFFF0];
	v18 =	vadd.f32 v62, v7  }
0x269: {  	s4 =	simm.s32 $0xBE80;
	v24 =	vadd.s32 $0x2800, v60;
	v19 =	vld.idx.msk [tilespmem:v63+s2+$0x0], $0xffff  }
0x26a: {  	s5 =	simm.s32 $0xAA80;
	v14 =	vadd.s32 $0x5000, v14;
	v7 =	vld.idx.msk [tilespmem:v5+s2+$0x0], $0xffff;
	[tilespmem:s4+$0x10] =	vst v18  }
0x26b: {  	v16 =	vadd.s32 $0x5000, v60;
	v11 =	vadd.f32 v15, v11;
	v18 =	vld [tilespmem:s5+$0x10]  }
0x26c: {  	v22 =	vld.idx.msk [tilespmem:v13+s2+$0x0], $0xffff;
	v5 =	vadd.f32 v9, v10;
	v9 =	vadd.s32 $0x2800, v13  }
0x26d: {  	[tilespmem:s6+$0x0] =	vst v11;
	v11 =	vld.idx.msk [tilespmem:v25+s2+$0x0], $0xffff;
	v6 =	vadd.f32 v61, v6;
	v13 =	vadd.s32 $0x5000, v13  }
0x26e: {  	s3 =	simm.s32 $0xD240;
	v10 =	vld.idx.msk [tilespmem:v24+s2+$0x0], $0xffff  }
0x26f: {  	v8 =	vadd.f32 v8, v12;
	[tilespmem:s3+$0xFFFFFFE0] =	vst v6;
	v6 =	vld.idx.msk [tilespmem:v14+s2+$0x0], $0xffff  }
0x270: {  	[tilespmem:s3+$0x10] =	vst v5;
	v5 =	vld.idx.msk [tilespmem:v16+s2+$0x0], $0xffff;
	v12 =	vadd.f32 v18, v19  }
0x271: {  	s6 =	simm.s32 $0xC880;
	[tilespmem:s3+$0xFFFFFFF0] =	vst v8;
	v14 =	vadd.f32 v23, v21;
	v9 =	vld.idx.msk [tilespmem:v9+s2+$0x0], $0xffff  }
0x272: {  	s7 =	simm.s32 $0xB480;
	v15 =	vadd.f32 v26, v20;
	v8 =	vld.idx.msk [tilespmem:v13+s2+$0x0], $0xffff;
	[tilespmem:s6+$0x10] =	vst v12  }
0x273: {  	[tilespmem:s4+$0xFFFFFFE0] =	vst v14;
	v14 =	vadd.f32 v27, v22;
	v12 =	vld [tilespmem:s7+$0x10]  }
0x274: {  	[tilespmem:s4+$0xFFFFFFF0] =	vst v15;
	v13 =	vld [tilespmem:s5+$0xFFFFFFE0]  }
0x275: {  	s8 =	simm.s32 $0xD240;
	s9 =	simm.s32 $0x4;
	s10 =	simm.s32 $0x78D0;
	[tilespmem:s4+$0x0] =	vst v14;
	v14 =	vld [tilespmem:s5+$0xFFFFFFF0]  }
.LBB2_4:
0x276: {  	v15 =	vld [tilespmem:s10+$0x0];
	s9 =	sadd.s32 $0x4, s9  }
0x277: {  	v16 =	vld [tilespmem:s10+$0xFFFFFFE0];
	p0 =	slt.u32 s9, $0x9C  }
0x278: {  	v17 =	vld [tilespmem:s10+$0xFFFFFFF0];
	v7 =	vadd.f32 v12, v7  }
0x279: {  	s3 =	sadd.s32 $0x40, s3;
	v12 =	vld [tilespmem:s10+$0xFFFFFFD0];
	v10 =	vadd.f32 v13, v10  }
0x27a: {  	v11 =	vadd.f32 v14, v11;
	v13 =	vld [tilespmem:s5+$0x0];
	[tilespmem:s3+$0x10] =	vst v7  }
0x27b: {  	[tilespmem:s6+$0xFFFFFFE0] =	vst v10;
	v7 =	vld [tilespmem:s0+$0x0];
	s0 =	smov.u32 s7  }
0x27c: {  	v14 =	vadd.s32 $0x2800, v16;
	v18 =	vadd.s32 $0x5000, v16;
	v10 =	vld [tilespmem:s7+$0xFFFFFFE0];
	[tilespmem:s6+$0xFFFFFFF0] =	vst v11  }
0x27d: {  	v19 =	vadd.s32 $0x2800, v17;
	v20 =	vadd.s32 $0x5000, v17;
	v11 =	vld [tilespmem:s7+$0xFFFFFFF0]  }
0x27e: {  	s1 =	sadd.s32 $0x40, s1;
	v21 =	vadd.s32 $0x2800, v12;
	v22 =	vadd.s32 $0x5000, v12;
	v23 =	vld.idx.msk [tilespmem:v15+s2+$0x0], $0xffff  }
0x27f: {  	v24 =	vld [tilespmem:s1+$0x10];
	v9 =	vadd.f32 v13, v9  }
0x280: {  	v13 =	vld.idx.msk [tilespmem:v16+s2+$0x0], $0xffff;
	v16 =	vadd.s32 $0x2800, v15;
	v7 =	vadd.f32 v7, v4;
	v4 =	vmov v8  }
0x281: {  	v8 =	vld.idx.msk [tilespmem:v12+s2+$0x0], $0xffff;
	v12 =	vadd.s32 $0x5000, v15;
	v5 =	vadd.f32 v10, v5;
	[tilespmem:s6+$0x0] =	vst v9  }
0x282: {  	v15 =	vld.idx.msk [tilespmem:v17+s2+$0x0], $0xffff;
	v6 =	vadd.f32 v11, v6;
	[tilespmem:s8+$0x0] =	vst v7;
	s8 =	smov.u32 s3  }
0x283: {  	v9 =	vld [tilespmem:s1+$0xFFFFFFE0];
	[tilespmem:s3+$0xFFFFFFE0] =	vst v5  }
0x284: {  	v5 =	vld [tilespmem:s1+$0xFFFFFFF0];
	v10 =	vadd.f32 v24, v23;
	[tilespmem:s3+$0xFFFFFFF0] =	vst v6  }
0x285: {  	s4 =	sadd.s32 $0x40, s4;
	v16 =	vld.idx.msk [tilespmem:v16+s2+$0x0], $0xffff  }
0x286: {  	s5 =	sadd.s32 $0x40, s5;
	v7 =	vld.idx.msk [tilespmem:v12+s2+$0x0], $0xffff;
	[tilespmem:s4+$0x10] =	vst v10  }
0x287: {  	v12 =	vld [tilespmem:s5+$0x10]  }
0x288: {  	v6 =	vadd.f32 v9, v8;
	v8 =	vld [tilespmem:s1+$0x0]  }
0x289: {  	v10 =	vld.idx.msk [tilespmem:v21+s2+$0x0], $0xffff;
	v9 =	vadd.f32 v5, v13  }
0x28a: {  	v5 =	vld.idx.msk [tilespmem:v22+s2+$0x0], $0xffff;
	[tilespmem:s4+$0xFFFFFFE0] =	vst v6  }
0x28b: {  	v11 =	vld.idx.msk [tilespmem:v14+s2+$0x0], $0xffff  }
0x28c: {  	v6 =	vld.idx.msk [tilespmem:v18+s2+$0x0], $0xffff;
	[tilespmem:s4+$0xFFFFFFF0] =	vst v9;
	v12 =	vadd.f32 v12, v16  }
.Ltmp1:
0x28d: {  	s6 =	sadd.s32 $0x40, s6;
	v9 =	vld.idx.msk [tilespmem:v19+s2+$0x0], $0xffff;
	v13 =	vadd.f32 v8, v15;
	(pc) =	sbr.rel @p0 .LBB2_4-.Ltmp1, $4  }
0x28e: {  	s7 =	sadd.s32 $0x40, s7;
	v8 =	vld.idx.msk [tilespmem:v20+s2+$0x0], $0xffff;
	[tilespmem:s6+$0x10] =	vst v12  }
0x28f: {  	[tilespmem:s4+$0x0] =	vst v13;
	v12 =	vld [tilespmem:s7+$0x10]  }
0x290: {  	v13 =	vld [tilespmem:s5+$0xFFFFFFE0]  }
0x291: {  	s10 =	sadd.s32 $0x40, s10;
	v14 =	vld [tilespmem:s5+$0xFFFFFFF0]  }
0x292: {  	v15 =	vld [tilespmem:s5+$0x0];
	_ =	sdelay $0x2  }
0x293: {  	v10 =	vadd.f32 v13, v10  }
0x294: {  	v11 =	vadd.f32 v14, v11  }
0x295: {  	[tilespmem:s6+$0xFFFFFFE0] =	vst v10;
	v10 =	vld [tilespmem:s0+$0x0];
	v9 =	vadd.f32 v15, v9  }
0x296: {  	v13 =	vld [tilespmem:s7+$0xFFFFFFE0];
	[tilespmem:s6+$0xFFFFFFF0] =	vst v11  }
0x297: {  	v11 =	vld [tilespmem:s7+$0xFFFFFFF0];
	[tilespmem:s6+$0x0] =	vst v9  }
0x298: {  	v9 =	vld [tilespmem:s7+$0x0]  }
0x299: {  	v7 =	vadd.f32 v12, v7  }
0x29a: {  	s31 =	sadd.s32 $0x40, s3;
	v4 =	vadd.f32 v10, v4  }
0x29b: {  	[tilespmem:s31+$0x10] =	vst v7;
	v5 =	vadd.f32 v13, v5  }
0x29c: {  	v6 =	vadd.f32 v11, v6;
	[tilespmem:s8+$0x0] =	vst v4  }
0x29d: {  	[tilespmem:s31+$0xFFFFFFE0] =	vst v5;
	v4 =	vadd.f32 v9, v8  }
0x29e: {  	[tilespmem:s31+$0xFFFFFFF0] =	vst v6  }
0x29f: {  	s1 =	simm.s32 $0xDC40;
	[tilespmem:s31+$0x0] =	vst v4  }
0x2a0: {  	v4 =	vld [tilespmem:s1+$0xFFFFFFF0]  }
0x2a1: {  	v5 =	vld [tilespmem:s1+$0xFFFFFFE0]  }
0x2a2: {  	v6 =	vld [tilespmem:s1+$0x10]  }
0x2a3: {  	v7 =	vld [tilespmem:s1+$0x0];
	_ =	sdelay $0x2  }
0x2a4: {  	v5 =	vsub.s32 v5, v1  }
0x2a5: {  	v8 =	vsub.s32 v4, v1;
	v4 =	vsub.s32 v6, v1;
	vm2 =	vlt.u32 v5, $0xA00  }
0x2a6: {  	vm4 =	vlt.u32 v4, $0xA00;
	v15 =	vnsel vm2, $0x0, v5;
	v5 =	vsub.s32 v7, v1  }
0x2a7: {  	v6 =	vnsel vm4, $0x0, v4;
	v7 =	vadd.s32 $0x20, v15;
	vm1 =	vlt.u32 v5, $0xA00  }
0x2a8: {  	vm0 =	vlt.u32 v8, $0xA00;
	v9 =	vadd.s32 $0x20, v6;
	v4 =	vnsel vm1, $0x0, v5  }
0x2a9: {  	v5 =	vnsel vm0, $0x0, v8;
	v8 =	vadd.s32 $0x20, v4;
	_ =	sdelay $0x2  }
0x2aa: {  	v7 =	vld.idx.msk [tilespmem:v7+s12+$0x0], $0xffff  }
0x2ab: {  	v9 =	vld.idx.msk [tilespmem:v9+s12+$0x0], $0xffff  }
0x2ac: {  	s0 =	simm.s32 $0xDC80;
	v10 =	vadd.s32 $0x20, v5;
	v8 =	vld.idx.msk [tilespmem:v8+s12+$0x0], $0xffff  }
0x2ad: {  	v11 =	vld [tilespmem:s0+$0xFFFFFFF0]  }
0x2ae: {  	v14 =	vld [tilespmem:s0+$0x0]  }
0x2af: {  	v16 =	vld [tilespmem:s0+$0x10]  }
0x2b0: {  	v17 =	vld [tilespmem:s0+$0xFFFFFFE0];
	v12 =	vadd.s32 $0x5000, v7  }
0x2b1: {  	v10 =	vld.idx.msk [tilespmem:v10+s12+$0x0], $0xffff;
	v13 =	vadd.s32 $0x2800, v7  }
0x2b2: {  	v18 =	vadd.s32 $0x5000, v9;
	v19 =	vld.idx.msk [tilespmem:v7+s2+$0x0], $0xffff  }
0x2b3: {  	v20 =	vadd.s32 $0x2800, v9;
	v21 =	vld.idx.msk [tilespmem:v9+s2+$0x0], $0xffff  }
0x2b4: {  	v9 =	vld.idx.msk [tilespmem:v8+s2+$0x0], $0xffff  }
0x2b5: {  	vm3 =	vmmov vm2;
	vm2 =	vmmov vm4;
	v23 =	vld.idx.msk [tilespmem:v12+s2+$0x0], $0xffff  }
0x2b6: {  	vm1 =	vmmov vm1;
	v22 =	vadd.s32 $0x2800, v8;
	v7 =	vsub.s32 v17, v1;
	v25 =	vld.idx.msk [tilespmem:v13+s2+$0x0], $0xffff  }
0x2b7: {  	v24 =	vadd.s32 $0x2800, v10;
	v26 =	vadd.s32 $0x5000, v10;
	vm7 =	vlt.u32 v7, $0xA00;
	v13 =	vld.idx.msk [tilespmem:v18+s2+$0x0], $0xffff  }
0x2b8: {  	v18 =	vadd.s32 $0x5000, v8;
	v7 =	vnsel vm7, $0x0, v7;
	v27 =	vld.idx.msk [tilespmem:v20+s2+$0x0], $0xffff;
	v8 =	vsub.s32 v16, v1  }
0x2b9: {  	v20 =	vsub.s32 v11, v1;
	v17 =	vld.idx.msk [tilespmem:v10+s2+$0x0], $0xffff;
	v10 =	vsub.s32 v14, v1;
	vm6 =	vlt.u32 v8, $0xA00  }
0x2ba: {  	v28 =	vadd.s32 $0x20, v7;
	v11 =	vnsel vm6, $0x0, v8;
	[tilespmem:v6+s22+$0x0] =	vst.idx.msk vm4, v21;
	vm4 =	vlt.u32 v10, $0xA00  }
0x2bb: {  	vm5 =	vlt.u32 v20, $0xA00;
	v12 =	vld.idx.msk [tilespmem:v22+s2+$0x0], $0xffff;
	[tilespmem:v15+s22+$0x0] =	vst.idx.msk vm3, v19;
	v19 =	vadd.s32 $0x20, v11;
	v8 =	vnsel vm4, $0x0, v10  }
0x2bc: {  	vm0 =	vmmov vm0;
	v14 =	vld.idx.msk [tilespmem:v24+s2+$0x0], $0xffff;
	v10 =	vnsel vm5, $0x0, v20;
	v21 =	vadd.s32 $0x20, v8  }
0x2bd: {  	v16 =	vld.idx.msk [tilespmem:v26+s2+$0x0], $0xffff;
	[tilespmem:v15+s23+$0x0] =	vst.idx.msk vm3, v25;
	v20 =	vadd.s32 $0x20, v10  }
0x2be: {  	[tilespmem:v15+s24+$0x0] =	vst.idx.msk vm3, v23;
	v15 =	vld.idx.msk [tilespmem:v18+s2+$0x0], $0xffff  }
0x2bf: {  	s1 =	simm.s32 $0x4;
	[tilespmem:v6+s23+$0x0] =	vst.idx.msk vm2, v27;
	vm3 =	vmmov vm7;
	v18 =	vld.idx.msk [tilespmem:v28+s12+$0x0], $0xffff  }
.LBB2_6:
0x2c0: {  	s1 =	sadd.s32 $0x4, s1;
	v19 =	vld.idx.msk [tilespmem:v19+s12+$0x0], $0xffff;
	[tilespmem:v4+s22+$0x0] =	vst.idx.msk vm1, v9  }
0x2c1: {  	p0 =	slt.u32 s1, $0x27C;
	v21 =	vld.idx.msk [tilespmem:v21+s12+$0x0], $0xffff;
	[tilespmem:v6+s24+$0x0] =	vst.idx.msk vm2, v13;
	v6 =	vmov v11;
	vm2 =	vmmov vm6  }
0x2c2: {  	s0 =	sadd.s32 $0x40, s0;
	v20 =	vld.idx.msk [tilespmem:v20+s12+$0x0], $0xffff;
	[tilespmem:v5+s22+$0x0] =	vst.idx.msk vm0, v17  }
0x2c3: {  	v11 =	vld [tilespmem:s0+$0xFFFFFFF0];
	[tilespmem:v4+s23+$0x0] =	vst.idx.msk vm1, v12  }
0x2c4: {  	v12 =	vld [tilespmem:s0+$0x0];
	[tilespmem:v5+s23+$0x0] =	vst.idx.msk vm0, v14  }
0x2c5: {  	v14 =	vadd.s32 $0x2800, v18;
	v17 =	vadd.s32 $0x5000, v18;
	v13 =	vld [tilespmem:s0+$0x10];
	[tilespmem:v5+s24+$0x0] =	vst.idx.msk vm0, v16;
	v5 =	vmovc v10;
	vm0 =	vmmov vm5  }
0x2c6: {  	v16 =	vadd.s32 $0x2800, v19;
	v22 =	vadd.s32 $0x5000, v19;
	v10 =	vld [tilespmem:s0+$0xFFFFFFE0];
	[tilespmem:v4+s24+$0x0] =	vst.idx.msk vm1, v15;
	v4 =	vmovc v8;
	vm1 =	vmmov vm4  }
0x2c7: {  	v15 =	vadd.s32 $0x2800, v21;
	v8 =	vld.idx.msk [tilespmem:v18+s2+$0x0], $0xffff  }
0x2c8: {  	v18 =	vadd.s32 $0x2800, v20;
	v23 =	vadd.s32 $0x5000, v20;
	v19 =	vld.idx.msk [tilespmem:v19+s2+$0x0], $0xffff  }
0x2c9: {  	v24 =	vadd.s32 $0x5000, v21;
	v9 =	vld.idx.msk [tilespmem:v21+s2+$0x0], $0xffff  }
0x2ca: {  	v25 =	vld.idx.msk [tilespmem:v17+s2+$0x0], $0xffff  }
0x2cb: {  	v10 =	vsub.s32 v10, v1;
	v26 =	vld.idx.msk [tilespmem:v14+s2+$0x0], $0xffff  }
0x2cc: {  	v14 =	vsub.s32 v11, v1;
	v11 =	vsub.s32 v13, v1;
	vm7 =	vlt.u32 v10, $0xA00;
	v13 =	vld.idx.msk [tilespmem:v22+s2+$0x0], $0xffff  }
0x2cd: {  	vm6 =	vlt.u32 v11, $0xA00;
	v22 =	vnsel vm7, $0x0, v10;
	v10 =	vsub.s32 v12, v1;
	[tilespmem:v7+s22+$0x0] =	vst.idx.msk vm3, v8;
	v27 =	vld.idx.msk [tilespmem:v16+s2+$0x0], $0xffff  }
0x2ce: {  	v11 =	vnsel vm6, $0x0, v11;
	v28 =	vadd.s32 $0x20, v22;
	vm4 =	vlt.u32 v10, $0xA00;
	v12 =	vld.idx.msk [tilespmem:v15+s2+$0x0], $0xffff;
	[tilespmem:v6+s22+$0x0] =	vst.idx.msk vm2, v19  }
.Ltmp2:
0x2cf: {  	vm5 =	vlt.u32 v14, $0xA00;
	v19 =	vadd.s32 $0x20, v11;
	v8 =	vnsel vm4, $0x0, v10;
	v17 =	vld.idx.msk [tilespmem:v20+s2+$0x0], $0xffff;
	(pc) =	sbr.rel @p0 .LBB2_6-.Ltmp2, $4  }
0x2d0: {  	v10 =	vnsel vm5, $0x0, v14;
	v21 =	vadd.s32 $0x20, v8;
	v14 =	vld.idx.msk [tilespmem:v18+s2+$0x0], $0xffff  }
0x2d1: {  	v20 =	vadd.s32 $0x20, v10;
	[tilespmem:v7+s23+$0x0] =	vst.idx.msk vm3, v26;
	v16 =	vld.idx.msk [tilespmem:v23+s2+$0x0], $0xffff  }
0x2d2: {  	[tilespmem:v7+s24+$0x0] =	vst.idx.msk vm3, v25;
	v15 =	vld.idx.msk [tilespmem:v24+s2+$0x0], $0xffff;
	v7 =	vmov v22;
	vm3 =	vmmov vm7  }
0x2d3: {  	v18 =	vld.idx.msk [tilespmem:v28+s12+$0x0], $0xffff;
	[tilespmem:v6+s23+$0x0] =	vst.idx.msk vm2, v27  }
0x2d4: {  	_ =	sdelay $0x3  }
0x2d5: {  	v19 =	vld.idx.msk [tilespmem:v19+s12+$0x0], $0xffff  }
0x2d6: {  	v21 =	vld.idx.msk [tilespmem:v21+s12+$0x0], $0xffff  }
0x2d7: {  	v53 =	vld.idx.msk [tilespmem:v20+s12+$0x0], $0xffff;
	_ =	sdelay $0x3  }
0x2d8: {  	[tilespmem:v6+s24+$0x0] =	vst.idx.msk vm2, v13;
	v22 =	vadd.s32 $0x2800, v18  }
0x2d9: {  	[tilespmem:v4+s22+$0x0] =	vst.idx.msk vm1, v9;
	v54 =	vadd.s32 $0x5000, v18;
	v56 =	vld.idx.msk [tilespmem:v18+s2+$0x0], $0xffff  }
0x2da: {  	[tilespmem:v5+s22+$0x0] =	vst.idx.msk vm0, v17;
	v55 =	vadd.s32 $0x2800, v19;
	v57 =	vadd.s32 $0x5000, v19;
	v19 =	vld.idx.msk [tilespmem:v19+s2+$0x0], $0xffff  }
0x2db: {  	[tilespmem:v4+s23+$0x0] =	vst.idx.msk vm1, v12;
	v59 =	vld.idx.msk [tilespmem:v21+s2+$0x0], $0xffff  }
0x2dc: {  	[tilespmem:v5+s23+$0x0] =	vst.idx.msk vm0, v14;
	v58 =	vadd.s32 $0x2800, v21;
	v6 =	vld.idx.msk [tilespmem:v53+s2+$0x0], $0xffff  }
0x2dd: {  	[tilespmem:v5+s24+$0x0] =	vst.idx.msk vm0, v16;
	v5 =	vadd.s32 $0x2800, v53;
	v60 =	vld.idx.msk [tilespmem:v22+s2+$0x0], $0xffff  }
0x2de: {  	[tilespmem:v4+s24+$0x0] =	vst.idx.msk vm1, v15;
	v4 =	vadd.s32 $0x5000, v21;
	v13 =	vld.idx.msk [tilespmem:v54+s2+$0x0], $0xffff  }
0x2df: {  	v61 =	vadd.s32 $0x5000, v53;
	v9 =	vld.idx.msk [tilespmem:v55+s2+$0x0], $0xffff  }
0x2e0: {  	v62 =	vld.idx.msk [tilespmem:v57+s2+$0x0], $0xffff  }
0x2e1: {  	[tilespmem:v7+s22+$0x0] =	vst.idx.msk vm3, v56;
	v12 =	vld.idx.msk [tilespmem:v58+s2+$0x0], $0xffff  }
0x2e2: {  	v5 =	vld.idx.msk [tilespmem:v5+s2+$0x0], $0xffff;
	[tilespmem:v11+s22+$0x0] =	vst.idx.msk vm6, v19  }
0x2e3: {  	v4 =	vld.idx.msk [tilespmem:v4+s2+$0x0], $0xffff;
	[tilespmem:v8+s22+$0x0] =	vst.idx.msk vm4, v59  }
0x2e4: {  	v63 =	vld.idx.msk [tilespmem:v61+s2+$0x0], $0xffff;
	[tilespmem:v10+s22+$0x0] =	vst.idx.msk vm5, v6  }
0x2e5: {  	[tilespmem:v7+s23+$0x0] =	vst.idx.msk vm3, v60  }
0x2e6: {  	[tilespmem:v7+s24+$0x0] =	vst.idx.msk vm3, v13  }
0x2e7: {  	[tilespmem:v11+s23+$0x0] =	vst.idx.msk vm6, v9  }
0x2e8: {  	[tilespmem:v8+s23+$0x0] =	vst.idx.msk vm4, v12  }
0x2e9: {  	[tilespmem:v10+s23+$0x0] =	vst.idx.msk vm5, v5  }
0x2ea: {  	[tilespmem:v11+s24+$0x0] =	vst.idx.msk vm6, v62  }
0x2eb: {  	[tilespmem:v10+s24+$0x0] =	vst.idx.msk vm5, v63  }
0x2ec: {  	[tilespmem:v8+s24+$0x0] =	vst.idx.msk vm4, v4  }
0x2ed: {  	s1 =	simm.s32 $0x2;
	s0 =	rddreg [dreg:$0x8]  }
0x2ee: {  	[hbm4b:s0+s2] =	stream.linear.scatter [tilespmem:s22], [sflag:$0x2], $0xA00, $0x38;
	[tilespmem:$0x10420] =	vst v63  }
0x2ef: {  	_ =	swait.ge [sflag:s1], $0xA00  }
0x2f0: {  	[sflag:s1] =	ssyncset.done $0x0  }
0x2f1: {  	s29 =	rddreg [dreg:$0x9];
	[sflag:s1] =	ssyncadd.s32 $0xFFFFF600  }
0x2f2: {  	[hbm4b:s29+s2] =	stream.linear.scatter [tilespmem:s23], [sflag:$0x2], $0xA00, $0x38;
	[tilespmem:$0x10420] =	vst v63  }
0x2f3: {  	_ =	swait.ge [sflag:s1], $0xA00  }
0x2f4: {  	[sflag:s1] =	ssyncset.done $0x0  }
0x2f5: {  	s30 =	rddreg [dreg:$0xa];
	[sflag:s1] =	ssyncadd.s32 $0xFFFFF600  }
0x2f6: {  	[hbm4b:s30+s2] =	stream.linear.scatter [tilespmem:s24], [sflag:$0x2], $0xA00, $0x38;
	[tilespmem:$0x10420] =	vst v63  }
0x2f7: {  	_ =	swait.ge [sflag:s1], $0xA00  }
0x2f8: {  	s3 =	rddreg [dreg:$0xc]  }
0x2f9: {  	s31 =	rddreg [dreg:$0xb];
	s3 =	sadd.s32 $0x1, s3  }
0x2fa: {  	p0 =	sne.s32 s3, s31  }
.Ltmp3:
0x2fb: {  	_ = 	snop;
	(pc) =	sbr.rel @p0 .LBB2_1-.Ltmp3, $3  }
0x2fc: {  	_ =	sdelay $0x1  }
0x2fd: {  	[sflag:s1] =	ssyncset.done $0x0  }
0x2fe: {  	vm13 =	vmmov vm6;
	vm14 =	vmmov vm4;
	vm15 =	vmmov vm5;
	[sflag:s1] =	ssyncadd.s32 $0xFFFFF600  }
0x2ff: {  	_ =	sfence.sel $0x180000  }
0x300: {  	[bflag:$0x0] =	sbarrier.arrive $0xFFFF  }
0x301: {  	_ =	strace $0x9000004D  }
0x302: {  	s0 =	stileid.u32;
	[bflag:$0x2] =	sbarrier.arrive $0xFFFF  }
0x303: {  	p0 =	sne.s32 s0, $0x0;
	s0 =	rddreg [dreg:$0x3]  }
0x304: {  	s0 =	sadd.s32 @!p0 $0x100000, s0  }
0x305: {  	[sflag:s0] =	ssyncadd.tile.s32 @!p0 $0x1;
	_ =	shalt  }
.Lfunc_end2:
_tile_overlayer_lowered:
.L_overlay_start_2:
0x306: {  	(tag) =	ssettag $0x2  }
0x307: {  	s0 =	rddreg [dreg:$0x0];
	s2 =	stileid.u32  }
0x308: {  	s1 =	rddreg [dreg:$0x1];
	p0 =	sne.s32 s2, $0x0  }
0x309: {  	s3 =	rddreg [dreg:$0x2];
	[bflag:$0x3] =	sbarrier.arrive $0xFFFF;
	s2 =	simm.s32 @!p0 $0x1C02  }
0x30a: {  	[timem:s3], [sflag:s2] =	dma.local @!p0 [hbm:s0], s1  }
0x30b: {  	s0 =	simm.s32 @!p0 $0x2  }
0x30c: {  	_ =	swait.ge @!p0 [sflag:s0], s1  }
0x30d: {  	s1 =	ssub.s32 @!p0 $0x0, s1;
	[sflag:s0] =	ssyncset.done @!p0 $0x0  }
0x30e: {  	[sflag:s0] =	ssyncadd.s32 @!p0 s1  }
0x30f: {  	[bflag:$0x3] =	sbarrier.arrive $0xFFFF  }
0x310: {  	_ =	shalt  }

// kernel: kernel.6.cloned.1.call-start
scs
__scs_entry_jumppad:
0x0: {  	(pc) =	sbr.rel $0x88, $3  }
0x1: {  	(tag) =	ssettag $0x0;
	lr =	simm.s32 $0x1  }
0x2: {  	[smem:$0x3F98] =	sst lr;
	_ =	strace $0xD0000000  }
0x3: {  	_ = 	snop  }
0x4: {  	_ = 	snop  }
0x5: {  	_ = 	snop  }
0x6: {  	_ = 	snop  }
0x7: {  	_ = 	snop  }
__scs_overlays_trampoline_lowered:
0x8: {  	[smem:$0x3FA7] =	sst s0  }
0x9: {  	[smem:$0x3FA8] =	sst s1  }
0xa: {  	[smem:$0x3FA9] =	sst s2  }
0xb: {  	[smem:$0x3FAA] =	sst s3  }
0xc: {  	[smem:$0x3FAB] =	sst s4  }
0xd: {  	[smem:$0x3FAC] =	sst s5  }
0xe: {  	[smem:$0x3FAD] =	sst s6  }
0xf: {  	[smem:$0x3FAE] =	sst s7  }
0x10: {  	[smem:$0x3FAF] =	sst s8  }
0x11: {  	[smem:$0x3FB0] =	sst s9;
	s0 =	simm.s32 @!p0 $0x0  }
0x12: {  	s1 =	sld [smem:$0x3F96];
	s0 =	simm.s32 @p0 $0x1  }
0x13: {  	[smem:$0x3FB1] =	sst s0;
	s0 =	simm.s32 @!p1 $0x0  }
0x14: {  	s2 =	sld [smem:$0x3F95];
	s0 =	simm.s32 @p1 $0x1  }
0x15: {  	[smem:$0x3FB2] =	sst s0;
	s0 =	simm.s32 @!p2 $0x0  }
0x16: {  	s3 =	sld [smem:$0x3FDB];
	s0 =	simm.s32 @p2 $0x1  }
0x17: {  	s4 =	simm.s32 $0x1BF5;
	[smem:$0x3FB4] =	sst s0  }
0x18: {  	s0 =	sld [smem:$0x3F97];
	_ =	swait.ge [sflag:s4], $0x0  }
0x19: {  	s7 =	sld [smem:$0x3F98]  }
0x1a: {  	s8 =	sadd.s32 $0xFFFFE003, lr  }
0x1b: {  	s9 =	sadd.s32 $0xFFFFFEF7, lr;
	s5 =	simm.s32 $0xFFFFFFFF;
	p2 =	slt.u32 s8, $0xFFFFF086  }
0x1c: {  	p1 =	slt.u32 s9, $0xF7A;
	s5 =	simm.s32 @!p2 $0x0  }
0x1d: {  	s5 =	simm.s32 @p1 $0x1;
	p0 =	seq.s32 s7, s2  }
0x1e: {  	s7 =	smul.u32 @!p0 $0xF7A, s2;
	p2 =	seq.s32 @!p0 s5, $0x0  }
0x1f: {  	s9 =	smul.u32 $0xF7A, s1;
	s8 =	simm.s32 @!p0 $0x1BF5;
	p2 =	por !p2, p0  }
0x20: {  	[sflag:s8] =	ssyncset.s32 @!p0 $0xFFFFF086;
	s6 =	sadd.s32 @!p0 s3, s7;
	s7 =	simm.s32 @!p0 $0x108  }
0x21: {  	s3 =	sadd.s32 s3, s9;
	s6 =	sadd.s32 @!p0 $0x88, s6;
	s7 =	simm.s32 @p2 $0x1082  }
0x22: {  	[simem:s7], [sflag:s8] =	dma.local @!p0 [hbm:s6], $0xF7A  }
0x23: {  	s9 =	sor.u32 $0xD0000000, s2;
	s6 =	simm.s32 $0x108;
	_ =	swait.ge @!p0 [sflag:s8], $0x0  }
0x24: {  	s3 =	sadd.s32 $0x88, s3;
	s6 =	simm.s32 @!p1 $0x1082;
	[sflag:s4] =	ssyncset.s32 $0xFFFFF086  }
0x25: {  	[simem:s6], [sflag:s4] =	dma.local [hbm:s3], $0xF7A  }
0x26: {  	[smem:$0x3F98] =	sst s1;
	(tag) =	ssettag s2;
	_ =	strace s9  }
0x27: {  	s1 =	sld [smem:$0x3FA8]  }
0x28: {  	s2 =	sld [smem:$0x3FA9]  }
0x29: {  	s4 =	sld [smem:$0x3FAB]  }
0x2a: {  	p0 =	seq.s32 s5, $0x0;
	s5 =	sld [smem:$0x3FAC]  }
0x2b: {  	s6 =	sld [smem:$0x3FAD]  }
0x2c: {  	s7 =	sld [smem:$0x3FAE]  }
0x2d: {  	s3 =	simm.s32 $0x108;
	s8 =	sld [smem:$0x3FAF]  }
0x2e: {  	s3 =	simm.s32 @!p0 $0x1082;
	s9 =	sld [smem:$0x3FB0]  }
0x2f: {  	lr =	sadd.s32 s0, s3;
	s0 =	sld [smem:$0x3FA7]  }
0x30: {  	s3 =	sld [smem:$0x3FAA]  }
0x31: {  	[smem:$0x3FB3] =	sst s10  }
0x32: {  	s10 =	sld [smem:$0x3FB1];
	_ =	sdelay $0x3  }
0x33: {  	p0 =	seq.s32 s10, $0x1;
	s10 =	sld [smem:$0x3FB3];
	_ =	sdelay $0x3  }
0x34: {  	[smem:$0x3FB3] =	sst s10  }
0x35: {  	s10 =	sld [smem:$0x3FB2];
	_ =	sdelay $0x3  }
0x36: {  	p1 =	seq.s32 s10, $0x1;
	s10 =	sld [smem:$0x3FB3];
	_ =	sdelay $0x3  }
0x37: {  	[smem:$0x3FB3] =	sst s10  }
0x38: {  	s10 =	sld [smem:$0x3FB4]  }
0x39: {  	_ = 	snop;
	(pc) =	sbr.ind lr, $3  }
0x3a: {  	_ = 	snop  }
0x3b: {  	_ = 	snop  }
0x3c: {  	p2 =	seq.s32 s10, $0x1;
	s10 =	sld [smem:$0x3FB3]  }
0x3d: {  	_ =	shalt  }
0x3e: {  	_ =	shalt  }
0x3f: {  	_ =	shalt  }
0x40: {  	_ =	shalt  }
0x41: {  	_ =	shalt  }
0x42: {  	_ =	shalt  }
0x43: {  	_ =	shalt  }
0x44: {  	_ =	shalt  }
0x45: {  	_ =	shalt  }
0x46: {  	_ =	shalt  }
0x47: {  	_ =	shalt  }
0x48: {  	_ =	shalt  }
0x49: {  	_ =	shalt  }
0x4a: {  	_ =	shalt  }
0x4b: {  	_ =	shalt  }
0x4c: {  	_ =	shalt  }
0x4d: {  	_ =	shalt  }
0x4e: {  	_ =	shalt  }
0x4f: {  	_ =	shalt  }
0x50: {  	_ =	shalt  }
0x51: {  	_ =	shalt  }
0x52: {  	_ =	shalt  }
0x53: {  	_ =	shalt  }
0x54: {  	_ =	shalt  }
0x55: {  	_ =	shalt  }
0x56: {  	_ =	shalt  }
0x57: {  	_ =	shalt  }
0x58: {  	_ =	shalt  }
0x59: {  	_ =	shalt  }
0x5a: {  	_ =	shalt  }
0x5b: {  	_ =	shalt  }
0x5c: {  	_ =	shalt  }
0x5d: {  	_ =	shalt  }
0x5e: {  	_ =	shalt  }
0x5f: {  	_ =	shalt  }
0x60: {  	_ =	shalt  }
0x61: {  	_ =	shalt  }
0x62: {  	_ =	shalt  }
0x63: {  	_ =	shalt  }
0x64: {  	_ =	shalt  }
0x65: {  	_ =	shalt  }
0x66: {  	_ =	shalt  }
0x67: {  	_ =	shalt  }
0x68: {  	_ =	shalt  }
0x69: {  	_ =	shalt  }
0x6a: {  	_ =	shalt  }
0x6b: {  	_ =	shalt  }
0x6c: {  	_ =	shalt  }
0x6d: {  	_ =	shalt  }
0x6e: {  	_ =	shalt  }
0x6f: {  	_ =	shalt  }
0x70: {  	_ =	shalt  }
0x71: {  	_ =	shalt  }
0x72: {  	_ =	shalt  }
0x73: {  	_ =	shalt  }
0x74: {  	_ =	shalt  }
0x75: {  	_ =	shalt  }
0x76: {  	_ =	shalt  }
0x77: {  	_ =	shalt  }
0x78: {  	_ =	shalt  }
0x79: {  	_ =	shalt  }
0x7a: {  	_ =	shalt  }
0x7b: {  	_ =	shalt  }
0x7c: {  	_ =	shalt  }
0x7d: {  	_ =	shalt  }
0x7e: {  	_ =	shalt  }
0x7f: {  	_ =	shalt  }
0x80: {  	_ =	shalt  }
0x81: {  	_ =	shalt  }
0x82: {  	_ =	shalt  }
0x83: {  	_ =	shalt  }
0x84: {  	_ =	shalt  }
0x85: {  	_ =	shalt  }
0x86: {  	_ =	shalt  }
0x87: {  	_ =	shalt  }
.Lfunc_end0:
.L_simem_size_0:
called_computation_lowered:
.L_overlay_start_0:
0x88: {  	s2 =	sld [smem:$0x3FD9]  }
0x89: {  	s3 =	sld [smem:$0x3FFE];
	_ =	sdelay $0x1  }
0x8a: {  	s1 =	srdreg.scid  }
0x8b: {  	s0 =	sand.u32 $0x1, s1  }
0x8c: {  	s16 =	sshll.u32 s0, $0xA;
	s2 =	sadd.s32 s3, s2  }
0x8d: {  	s2 =	sadd.s32 s2, s16  }
0x8e: {  	[smem:$0x3FBF] =	sst s2  }
0x8f: {  	_ = 	snop  }
0x90: {  	(tm) =	ssettm $0x1  }
0x91: {  	s17 =	sld [smem:$0x3FFB];
	_ =	sdelay $0x3  }
0x92: {  	_ =	strace s17  }
0x93: {  	s2 =	sld [smem:$0x3FFC];
	_ =	sdelay $0x3  }
0x94: {  	_ =	strace s2  }
0x95: {  	s2 =	sld [smem:$0x3FFD];
	_ =	sdelay $0x3  }
0x96: {  	_ =	strace s2  }
0x97: {  	_ =	strace $0x8FFFFFFF  }
0x98: {  	s18 =	sld [smem:$0x3FDB];
	_ =	sdelay $0x1  }
0x99: {  	s19 =	simm.s32 $_scs_section_size  }
0x9a: {  	s4 =	simm.s32 $_size__tile_overlayer_lowered;
	s5 =	simm.s32 $_tile_overlayer_lowered  }
0x9b: {  	s22 =	simm.s32 $0x1BFF;
	s21 =	sshll.u32 s5, $0x1;
	s2 =	sadd.s32 s19, s18  }
0x9c: {  	s6 =	simm.s32 $0x0;
	s20 =	sshll.u32 s4, $0x1;
	s4 =	sadd.s32 s21, s2  }
0x9d: {  	[timem:s6], [sflag:s22] =	dma.local [hbm:s4], s20  }
0x9e: {  	_ =	swait.ge [sflag:s22], s20  }
0x9f: {  	s3 =	ssub.s32 $0x0, s20;
	[sflag:s22] =	ssyncset.done $0x0  }
0xa0: {  	[sflag:s22] =	ssyncadd.s32 s3;
	_ =	sdelay $0x1  }
0xa1: {  	s23 =	simm.s32 $0x1B8B  }
0xa2: {  	_ =	swait.ge [sflag:s23], $0x1  }
0xa3: {  	[sflag:s23] =	ssyncset.done $0x0  }
0xa4: {  	s25 =	simm.s32 $0x1B8E;
	s24 =	sld [smem:$0x3FFE];
	[sflag:s23] =	ssyncadd.s32 $0xFFFFFFFF  }
0xa5: {  	s26 =	simm.s32 $execute0_lowered;
	[smem:$0x3FD2] =	sst s25  }
0xa6: {  	s4 =	sshll.u32 s26, $0x1;
	_ =	strace $0x80000046;
	[dreg:$0x1] =	wrdreg $0xFFFFFFFF  }
0xa7: {  	s28 =	simm.s32 $_size_execute0_lowered;
	s2 =	sadd.s32 s2, s4;
	[dreg:$0x0] =	wrdreg $0x0  }
0xa8: {  	s4 =	sshll.u32 s28, $0x1;
	[dreg:$0x2] =	wrdreg s2  }
0xa9: {  	[dreg:$0x3] =	wrdreg s4  }
0xaa: {  	[dreg:$0x4] =	wrdreg $0xC0  }
0xab: {  	_ =	task [dreg:s6], $0x5FFFF  }
0xac: {  	[dreg:$0x1] =	wrdreg $0xFFFFFFFF  }
0xad: {  	[dreg:$0x0] =	wrdreg $0x60  }
0xae: {  	[dreg:$0x2] =	wrdreg s24  }
0xaf: {  	[dreg:$0x3] =	wrdreg $0x9  }
0xb0: {  	_ =	task.clear_ibuf [dreg:s6], $0x4FFFF;
	_ =	strace $0x90000046  }
0xb1: {  	s29 =	simm.s32 $0x9;
	_ =	strace $0x80000048  }
0xb2: {  	_ =	swait.ge [sflag:s29], $0x1  }
0xb3: {  	[sflag:s29] =	ssyncadd.s32 $0xFFFFFFFF  }
0xb4: {  	_ =	strace $0x90000048  }
0xb5: {  	_ =	sfence  }
0xb6: {  	s30 =	sld [smem:$0x0];
	_ =	sdelay $0x2  }
0xb7: {  	s31 =	sshll.u32 s1, $0xD;
	s1 =	sshrl.u32 s1, $0x2  }
0xb8: {  	s3 =	sand.u32 $0x4000, s31;
	s1 =	sadd.s32 s1, s30  }
0xb9: {  	s0 =	sor.u32 s3, s0;
	s1 =	sshll.u32 s1, $0x11  }
0xba: {  	s0 =	sor.u32 s1, s0  }
0xbb: {  	s0 =	sadd.s32 $0x8F2B, s0  }
0xbc: {  	[sflag:s0] =	ssyncadd.remote.s32 $0x1  }
0xbd: {  	_ =	sfence.sel $0xFFFF  }
0xbe: {  	[dreg:$0x0] =	wrdreg $0xFFFFFFFF;
	(pc) =	sbr.abs _section_cstart, $3  }
0xbf: {  	[dreg:$0x1] =	wrdreg $0xFFFFFFFF  }
0xc0: {  	_ =	task.clear_ibuf [dreg:s6], $0x2FFFF;
	_ =	strace $0x9FFFFFFF  }
0xc1: {  	(tm) =	ssettm $0x7FFFFFFF  }
tec
execute0_lowered:
.L_overlay_start_1:
0x0: {  	(tag) =	ssettag $0x1  }
0x1: {  	s1 =	srdreg.scid  }
0x2: {  	s0 =	stileid.u32;
	s4 =	rddreg [dreg:$0x0];
	s2 =	simm.s32 $0x0  }
0x3: {  	s9 =	simm.s32 $0x1;
	s3 =	sand.u32 $0x1, s1;
	s30 =	sshll.u32 s0, $0x1  }
0x4: {  	s10 =	simm.s32 $0x7800;
	s11 =	simm.s32 $0x9F10;
	s5 =	sor.u32 s3, s30  }
0x5: {  	s12 =	simm.s32 $0xC620;
	s13 =	simm.s32 $0xED30;
	s5 =	smul.u32 $0x2710, s5  }
0x6: {  	s14 =	simm.s32 $0x0;
	s1 =	rddreg [dreg:$0x1];
	s6 =	ssub.s32 $0x2, s3  }
0x7: {  	[smem:$0x7FF] =	sst s2;
	s31 =	sshrl.u32 s6, $0x1;
	s5 =	sshrl.u32 s5, $0x3  }
0x8: {  	_ =	strace $0x80000047;
	s8 =	ssub.s32 s6, s31;
	s7 =	sadd.s32 s5, s4  }
0x9: {  	s3 =	sadd.s32 $0xAA00, s4;
	s8 =	smax.u32 s8, $0x1;
	s4 =	sadd.s32 $0xC00, s7  }
0xa: {  	s5 =	sadd.s32 $0xBA00, s7;
	s6 =	sadd.s32 $0x15640, s7;
	s7 =	sadd.s32 $0x1F280, s7  }
.LBB2_1:
0xb: {  	[tilespmem:s2], [sflag:$0x1] =	stream.linear.gather [hbm4b:s3+s2], $0x7800, $0x38;
	[tilespmem:$0x11440] =	vst v63  }
0xc: {  	_ =	swait.ge [sflag:s9], $0x7800  }
0xd: {  	[sflag:s9] =	ssyncset.done $0x0  }
0xe: {  	[sflag:s9] =	ssyncadd.s32 $0xFFFF8800  }
0xf: {  	[tilespmem:s10], [sflag:$0x1] =	stream.linear.gather [hbm4b:s4+s2], $0x2710, $0x38;
	[tilespmem:$0x11440] =	vst v63  }
0x10: {  	_ =	swait.ge [sflag:s9], $0x2710  }
0x11: {  	[sflag:s9] =	ssyncset.done $0x0  }
0x12: {  	s15 =	simm.s32 $0x7820;
	[sflag:s9] =	ssyncadd.s32 $0xFFFFD8F0  }
0x13: {  	v0 =	vld [tilespmem:s15+$0xFFFFFFF0]  }
0x14: {  	v1 =	vld [tilespmem:s15+$0x10];
	_ =	sdelay $0x1  }
0x15: {  	v3 =	vld [tilespmem:s15+$0x0]  }
0x16: {  	v4 =	vld [tilespmem:s15+$0xFFFFFFE0]  }
0x17: {  	v2 =	vand.u32 $0xFFFF, v0  }
0x18: {  	v5 =	vand.u32 $0xFFFF, v1  }
0x19: {  	v6 =	vshra.s32 v0, $0x10  }
0x1a: {  	v10 =	vshra.s32 v3, $0x10  }
0x1b: {  	v11 =	vand.u32 $0xFFFF, v4  }
0x1c: {  	v15 =	vand.u32 $0xFFFF, v3;
	v9 =	vld.idx.msk [tilespmem:v2+s2+$0x0], $0xffff  }
0x1d: {  	v16 =	vshra.s32 v1, $0x10;
	v21 =	vand.u32 $0x7, v4;
	v12 =	vld.idx.msk [tilespmem:v5+s2+$0x0], $0xffff  }
0x1e: {  	v4 =	vshra.s32 v4, $0x10;
	v7 =	vadd.s32 $0x2800, v6;
	v8 =	vadd.s32 $0x5000, v6;
	v6 =	vld.idx.msk [tilespmem:v6+s2+$0x0], $0xffff  }
0x1f: {  	v17 =	vld.idx.msk [tilespmem:v10+s2+$0x0], $0xffff  }
0x20: {  	v0 =	vand.u32 $0x7, v0;
	v1 =	vand.u32 $0x7, v1;
	v13 =	vadd.s32 $0x2800, v2;
	v20 =	vld.idx.msk [tilespmem:v11+s2+$0x0], $0xffff  }
0x21: {  	v14 =	vadd.s32 $0x2800, v5;
	v19 =	vadd.s32 $0x2800, v10;
	v13 =	vand.u32 $0x1FFF8, v13;
	v22 =	vld.idx.msk [tilespmem:v15+s2+$0x0], $0xffff  }
0x22: {  	v18 =	vadd.s32 $0x5000, v11;
	v14 =	vand.u32 $0x1FFF8, v14;
	v13 =	vor.u32 v0, v13;
	v24 =	vld.idx.msk [tilespmem:v16+s2+$0x0], $0xffff  }
0x23: {  	v18 =	vand.u32 $0x1FFF8, v18;
	v14 =	vor.u32 v1, v14;
	v26 =	vld.idx.msk [tilespmem:v4+s2+$0x0], $0xffff  }
0x24: {  	v3 =	vand.u32 $0x7, v3;
	v52 =	vadd.s32 $0x2800, v11;
	v18 =	vor.u32 v21, v18;
	v7 =	vld.idx.msk [tilespmem:v7+s2+$0x0], $0xffff  }
0x25: {  	v23 =	vadd.s32 $0x2800, v4;
	v25 =	vadd.s32 $0x2800, v15;
	v2 =	vadd.s32 $0x5000, v2;
	v8 =	vld.idx.msk [tilespmem:v8+s2+$0x0], $0xffff  }
0x26: {  	v10 =	vadd.s32 $0x5000, v10;
	v15 =	vadd.s32 $0x5000, v15;
	v4 =	vadd.s32 $0x5000, v4;
	v19 =	vld.idx.msk [tilespmem:v19+s2+$0x0], $0xffff  }
0x27: {  	v5 =	vadd.s32 $0x5000, v5;
	v2 =	vand.u32 $0x1FFF8, v2;
	v15 =	vand.u32 $0x1FFF8, v15;
	v13 =	vld.idx.msk [tilespmem:v13+s2+$0x0], $0xffff  }
0x28: {  	v5 =	vand.u32 $0x1FFF8, v5;
	v0 =	vor.u32 v0, v2;
	v2 =	vand.u32 $0x1FFF8, v52;
	v11 =	vld.idx.msk [tilespmem:v14+s2+$0x0], $0xffff  }
0x29: {  	v5 =	vor.u32 v1, v5;
	v2 =	vor.u32 v21, v2;
	v21 =	vand.u32 $0x1FFF8, v25;
	v18 =	vld.idx.msk [tilespmem:v18+s2+$0x0], $0xffff  }
0x2a: {  	v14 =	vadd.s32 $0x2800, v16;
	v25 =	vor.u32 v3, v21;
	v3 =	vor.u32 v3, v15;
	v15 =	vld.idx.msk [tilespmem:v23+s2+$0x0], $0xffff  }
0x2b: {  	v10 =	vld.idx.msk [tilespmem:v10+s2+$0x0], $0xffff  }
0x2c: {  	v4 =	vld.idx.msk [tilespmem:v4+s2+$0x0], $0xffff  }
0x2d: {  	v0 =	vld.idx.msk [tilespmem:v0+s2+$0x0], $0xffff  }
0x2e: {  	v21 =	vsub.f32 v6, v9;
	v9 =	vadd.s32 $0x5000, v16;
	v5 =	vld.idx.msk [tilespmem:v5+s2+$0x0], $0xffff  }
0x2f: {  	v14 =	vld.idx.msk [tilespmem:v14+s2+$0x0], $0xffff  }
0x30: {  	v2 =	vld.idx.msk [tilespmem:v2+s2+$0x0], $0xffff  }
0x31: {  	v6 =	vld.idx.msk [tilespmem:v25+s2+$0x0], $0xffff  }
0x32: {  	v30 =	vsub.f32 v17, v22;
	v33 =	vsub.f32 v24, v12;
	v3 =	vld.idx.msk [tilespmem:v3+s2+$0x0], $0xffff  }
0x33: {  	v34 =	vsub.f32 v26, v20;
	v23 =	vsub.f32 v7, v13;
	v9 =	vld.idx.msk [tilespmem:v9+s2+$0x0], $0xffff  }
0x34: {  	v16 =	vmul.f32 v21, v21;
	v7 =	vmul.f32 v30, v30;
	v38 =	vsub.f32 v4, v18  }
0x35: {  	v31 =	vsub.f32 v8, v0;
	v8 =	vmul.f32 v23, v23;
	v35 =	vsub.f32 v15, v2  }
0x36: {  	v63 =	vsub.f32 v14, v11;
	v11 =	vmul.f32 v34, v34;
	v54 =	vsub.f32 v19, v6  }
0x37: {  	v53 =	vmul.f32 v31, v31;
	v6 =	vadd.f32 v8, v16;
	v8 =	vmul.f32 v35, v35  }
0x38: {  	s30 =	simm.s32 $0x7860;
	v32 =	vsub.f32 v10, v3;
	v37 =	vsub.f32 v9, v5;
	[tilespmem:$0x1FF90] =	vst v54;
	v55 =	vmul.f32 v54, v54  }
0x39: {  	v4 =	vmul.f32 v38, v38;
	v18 =	vadd.f32 v53, v6;
	v56 =	vadd.f32 v8, v11;
	v10 =	vld [tilespmem:s30+$0xFFFFFFF0]  }
0x3a: {  	v6 =	vmul.f32 v32, v32;
	v8 =	vmul.f32 v63, v63;
	v57 =	vld [tilespmem:s30+$0x10];
	v3 =	vadd.f32 v55, v7  }
0x3b: {  	v13 =	vld [tilespmem:s30+$0x0];
	v7 =	vmul.f32 v33, v33;
	v11 =	vmax.f32 v18, $1.000000000e-30;
	v24 =	vadd.f32 v4, v56  }
0x3c: {  	v22 =	vadd.f32 v6, v3;
	v3 =	vmul.f32 $5.000000000e-01, v11  }
0x3d: {  	v58 =	vadd.f32 v8, v7;
	v7 =	vmul.f32 v37, v37;
	v59 =	vmax.f32 v24, $1.000000000e-30  }
0x3e: {  	v11 =	vshra.s32 v11, $0x1;
	v6 =	vmax.f32 v22, $1.000000000e-30;
	v8 =	vshra.s32 v59, $0x1  }
0x3f: {  	v12 =	vand.u32 $0xFFFF, v10;
	v17 =	vand.u32 $0xFFFF, v57;
	v25 =	vadd.f32 v7, v58  }
0x40: {  	v7 =	vshra.s32 v10, $0x10;
	v16 =	vmul.f32 $5.000000000e-01, v59;
	v28 =	vshra.s32 v13, $0x10  }
0x41: {  	v41 =	vand.u32 $0xFFFF, v13;
	v10 =	vand.u32 $0x7, v10;
	v42 =	vshra.s32 v57, $0x10  }
0x42: {  	v2 =	vand.u32 $0x7, v57;
	v13 =	vand.u32 $0x7, v13;
	v9 =	vshra.s32 v6, $0x1  }
0x43: {  	v15 =	vmul.f32 $5.000000000e-01, v6;
	v6 =	vsub.s32 $0x5F3759DF, v11;
	v19 =	vadd.s32 $0x2800, v7  }
0x44: {  	v20 =	vadd.s32 $0x5000, v7;
	v39 =	vadd.s32 $0x2800, v12;
	v40 =	vadd.s32 $0x2800, v17  }
0x45: {  	v11 =	vld [tilespmem:s30+$0xFFFFFFE0];
	v45 =	vadd.s32 $0x2800, v41;
	v9 =	vsub.s32 $0x5F3759DF, v9;
	v60 =	vmul.f32 v6, v3  }
0x46: {  	v14 =	vmax.f32 v25, $1.000000000e-30;
	v39 =	vand.u32 $0x1FFF8, v39;
	v40 =	vand.u32 $0x1FFF8, v40;
	v27 =	vld.idx.msk [tilespmem:v12+s2+$0x0], $0xffff  }
0x47: {  	v62 =	vand.u32 $0x1FFF8, v45;
	v61 =	vmul.f32 v9, v15;
	v26 =	vshra.s32 v14, $0x1;
	v36 =	vld.idx.msk [tilespmem:v17+s2+$0x0], $0xffff  }
0x48: {  	v14 =	vmul.f32 $5.000000000e-01, v14;
	v39 =	vor.u32 v10, v39;
	v4 =	vmul.f32 v6, v60;
	v7 =	vld.idx.msk [tilespmem:v7+s2+$0x0], $0xffff  }
0x49: {  	v40 =	vor.u32 v2, v40;
	v5 =	vmul.f32 v9, v61;
	v17 =	vadd.s32 $0x5000, v17;
	v43 =	vld.idx.msk [tilespmem:v28+s2+$0x0], $0xffff  }
0x4a: {  	v12 =	vadd.s32 $0x5000, v12;
	v46 =	vld.idx.msk [tilespmem:v41+s2+$0x0], $0xffff;
	v4 =	vsub.f32 $1.500000000e+00, v4;
	v29 =	vand.u32 $0xFFFF, v11  }
0x4b: {  	v47 =	vld.idx.msk [tilespmem:v42+s2+$0x0], $0xffff;
	v57 =	vshra.s32 v11, $0x10;
	v11 =	vand.u32 $0x7, v11;
	v5 =	vsub.f32 $1.500000000e+00, v5  }
0x4c: {  	v19 =	vld.idx.msk [tilespmem:v19+s2+$0x0], $0xffff;
	v50 =	vadd.s32 $0x2800, v29;
	v58 =	vadd.s32 $0x2800, v57;
	v59 =	vadd.s32 $0x5000, v29  }
0x4d: {  	v20 =	vld.idx.msk [tilespmem:v20+s2+$0x0], $0xffff;
	v4 =	vmul.f32 v6, v4;
	v6 =	vand.u32 $0x1FFF8, v17;
	v17 =	vadd.s32 $0x2800, v28  }
0x4e: {  	v39 =	vld.idx.msk [tilespmem:v39+s2+$0x0], $0xffff;
	v52 =	vand.u32 $0x1FFF8, v59;
	v2 =	vor.u32 v2, v6;
	v6 =	vadd.s32 $0x5000, v41  }
0x4f: {  	v40 =	vld.idx.msk [tilespmem:v40+s2+$0x0], $0xffff;
	v48 =	vand.u32 $0x1FFF8, v6;
	v6 =	vand.u32 $0x1FFF8, v12;
	v12 =	vadd.s32 $0x5000, v42  }
0x50: {  	v28 =	vadd.s32 $0x5000, v28;
	v5 =	vmul.f32 v9, v5;
	v42 =	vadd.s32 $0x2800, v42;
	v44 =	vld.idx.msk [tilespmem:v29+s2+$0x0], $0xffff  }
0x51: {  	v41 =	vor.u32 v13, v62;
	v49 =	vmul.f32 v4, v3;
	v10 =	vor.u32 v10, v6;
	v51 =	vld.idx.msk [tilespmem:v57+s2+$0x0], $0xffff  }
0x52: {  	v60 =	vsub.f32 v7, v27;
	v61 =	vsub.f32 v43, v46;
	v6 =	vand.u32 $0x1FFF8, v50;
	v17 =	vld.idx.msk [tilespmem:v17+s2+$0x0], $0xffff  }
0x53: {  	v53 =	vmul.f32 v5, v15;
	v29 =	vor.u32 v11, v6;
	v49 =	vmul.f32 v49, v4;
	v54 =	vld.idx.msk [tilespmem:v2+s2+$0x0], $0xffff  }
0x54: {  	v13 =	vor.u32 v13, v48;
	v11 =	vor.u32 v11, v52;
	v52 =	vsub.f32 v47, v36;
	v12 =	vld.idx.msk [tilespmem:v12+s2+$0x0], $0xffff  }
0x55: {  	v47 =	vsub.s32 $0x5F3759DF, v8;
	v27 =	vmul.f32 v53, v5;
	v7 =	vsub.f32 $1.500000000e+00, v49;
	v42 =	vld.idx.msk [tilespmem:v42+s2+$0x0], $0xffff  }
0x56: {  	v62 =	vmul.f32 v60, v60;
	v8 =	vmul.f32 v47, v16;
	v10 =	vld.idx.msk [tilespmem:v10+s2+$0x0], $0xffff;
	[tilespmem:$0x1FFA0] =	vst v60  }
0x57: {  	v50 =	vsub.f32 v19, v39;
	v27 =	vsub.f32 $1.500000000e+00, v27;
	v46 =	vmul.f32 v7, v4;
	v4 =	vld.idx.msk [tilespmem:v58+s2+$0x0], $0xffff;
	[tilespmem:$0x1FFB0] =	vst v61  }
0x58: {  	v19 =	vmul.f32 v61, v61;
	v53 =	vadd.s32 $0x5000, v57;
	v59 =	vmul.f32 v47, v8;
	v29 =	vld.idx.msk [tilespmem:v29+s2+$0x0], $0xffff  }
0x59: {  	v56 =	vmul.f32 v50, v50;
	v49 =	vmul.f32 v27, v5;
	v41 =	vld.idx.msk [tilespmem:v41+s2+$0x0], $0xffff;
	[tilespmem:$0x1FFC0] =	vst v50  }
0x5a: {  	v51 =	vsub.f32 v51, v44;
	v39 =	vsub.f32 $1.500000000e+00, v59;
	v55 =	vmul.f32 v46, v3;
	v27 =	vld.idx.msk [tilespmem:v28+s2+$0x0], $0xffff  }
0x5b: {  	v60 =	vadd.f32 v56, v62;
	v62 =	vsub.s32 $0x5F3759DF, v26;
	v13 =	vld.idx.msk [tilespmem:v13+s2+$0x0], $0xffff;
	v15 =	vmul.f32 v49, v15  }
0x5c: {  	[tilespmem:$0x1FFD0] =	vst v52;
	v39 =	vmul.f32 v47, v39;
	v0 =	vsub.f32 v12, v54;
	v12 =	vmul.f32 v55, v46  }
0x5d: {  	v58 =	vsub.f32 v42, v40;
	v36 =	vld.idx.msk [tilespmem:v53+s2+$0x0], $0xffff;
	v53 =	vmul.f32 v62, v14;
	v57 =	vsub.f32 v20, v10  }
0x5e: {  	v20 =	vmul.f32 v52, v52;
	v15 =	vmul.f32 v15, v49;
	v26 =	vsub.f32 $1.500000000e+00, v12  }
0x5f: {  	v28 =	vld.idx.msk [tilespmem:v11+s2+$0x0], $0xffff;
	v40 =	vmul.f32 v62, v53;
	v61 =	vmul.f32 v57, v57;
	v45 =	vsub.f32 v17, v41  }
0x60: {  	v11 =	vmovc v57;
	v50 =	vsub.f32 v4, v29;
	v29 =	vmul.f32 v58, v58;
	v57 =	vmul.f32 v0, v0  }
0x61: {  	v15 =	vsub.f32 $1.500000000e+00, v15;
	v52 =	vsub.f32 v27, v13;
	v55 =	vmul.f32 v26, v46  }
0x62: {  	v40 =	vsub.f32 $1.500000000e+00, v40;
	v13 =	vmul.f32 v45, v45;
	v17 =	vadd.f32 v61, v60  }
0x63: {  	[tilespmem:$0x1FFE0] =	vst v58;
	v27 =	vmul.f32 v50, v50;
	v20 =	vadd.f32 v29, v20;
	v29 =	vmul.f32 v15, v49  }
0x64: {  	s31 =	simm.s32 $0x78A0;
	[tilespmem:$0x1FFF0] =	vst v45;
	v54 =	vmul.f32 v52, v52;
	v18 =	vmul.f32 v55, v18;
	v19 =	vadd.f32 v13, v19  }
0x65: {  	v59 =	vld [tilespmem:s31+$0xFFFFFFF0];
	v13 =	vsub.f32 v36, v28;
	v28 =	vmul.f32 v51, v51;
	v42 =	vmax.f32 v17, $1.000000000e-30  }
0x66: {  	v48 =	vld [tilespmem:s31+$0x10];
	v20 =	vadd.f32 v57, v20;
	v22 =	vmul.f32 v29, v22;
	v18 =	vadd.f32 $9.999999930e-09, v18  }
0x67: {  	v41 =	vld [tilespmem:s31+$0xFFFFFFE0];
	v19 =	vadd.f32 v54, v19;
	v28 =	vadd.f32 v27, v28;
	v56 =	vmul.f32 v13, v13  }
0x68: {  	v8 =	vmovc v0;
	v0 =	vld [tilespmem:s31+$0x0];
	v27 =	vmul.f32 $5.000000000e-01, v42;
	v42 =	vshra.s32 v42, $0x1;
	v22 =	vadd.f32 $9.999999930e-09, v22  }
0x69: {  	v42 =	vsub.s32 $0x5F3759DF, v42;
	(erf) = vrcp.f32 v18;
	v26 =	vmax.f32 v19, $1.000000000e-30  }
0x6a: {  	v60 =	vmul.f32 v42, v27;
	v15 =	vadd.f32 v56, v28;
	v28 =	vmul.f32 v62, v40  }
0x6b: {  	v40 =	vand.u32 $0xFFFF, v59;
	v43 =	vshra.s32 v59, $0x10;
	v44 =	vand.u32 $0xFFFF, v48  }
0x6c: {  	v3 =	vand.u32 $0x7, v59;
	v4 =	vand.u32 $0x7, v48;
	v5 =	vand.u32 $0xFFFF, v41  }
0x6d: {  	v10 =	vmovc v51;
	v55 =	vand.u32 $0xFFFF, v0;
	v56 =	vshra.s32 v0, $0x10;
	v51 =	vand.u32 $0x7, v0  }
0x6e: {  	v48 =	vshra.s32 v48, $0x10;
	(erf) = vrcp.f32 v22;
	v58 =	vshra.s32 v26, $0x1  }
0x6f: {  	v9 =	vmovc v50;
	v26 =	vmul.f32 $5.000000000e-01, v26;
	v62 =	vadd.s32 $0x2800, v40;
	v50 =	vadd.s32 $0x2800, v43  }
0x70: {  	v1 =	vadd.s32 $0x2800, v44;
	v2 =	vadd.s32 $0x5000, v44;
	v57 =	vadd.s32 $0x5000, v55  }
0x71: {  	v59 =	vadd.s32 $0x2800, v5;
	v45 =	vsub.s32 $0x5F3759DF, v58;
	v29 =	vmul.f32 v42, v60  }
0x72: {  	v12 =	vmovc v52;
	v61 =	vmul.f32 v28, v14;
	v49 =	vand.u32 $0x1FFF8, v62;
	v52 =	vand.u32 $0x1FFF8, v1  }
0x73: {  	v53 =	vand.u32 $0x1FFF8, v2;
	v57 =	vand.u32 $0x1FFF8, v57;
	v62 =	vand.u32 $0x7, v41  }
0x74: {  	v59 =	vand.u32 $0x1FFF8, v59;
	v0 =	vmax.f32 v15, $1.000000000e-30;
	v2 =	vadd.s32 $0x5000, v48  }
0x75: {  	v41 =	vshra.s32 v41, $0x10;
	v47 =	vmul.f32 v45, v26;
	v36 =	vmul.f32 v61, v28  }
0x76: {  	v52 =	vor.u32 v4, v52;
	v46 =	vor.u32 v4, v53;
	v57 =	vor.u32 v51, v57  }
0x77: {  	v49 =	vor.u32 v3, v49;
	v59 =	vor.u32 v62, v59;
	v58 =	vld.idx.msk [tilespmem:v40+s2+$0x0], $0xffff;
	v18 =	vsub.f32 $1.500000000e+00, v36  }
0x78: {  	v29 =	vsub.f32 $1.500000000e+00, v29;
	v61 =	vmul.f32 v39, v16;
	v60 =	vld.idx.msk [tilespmem:v43+s2+$0x0], $0xffff;
	v47 =	vmul.f32 v45, v47  }
0x79: {  	v43 =	vadd.s32 $0x5000, v43;
	v1 =	vld.idx.msk [tilespmem:v56+s2+$0x0], $0xffff;
	v18 =	vmul.f32 v18, v28;
	v28 =	vadd.s32 $0x2800, v55  }
0x7a: {  	v40 =	vadd.s32 $0x5000, v40;
	v44 =	vld.idx.msk [tilespmem:v44+s2+$0x0], $0xffff;
	v29 =	vmul.f32 v42, v29;
	v28 =	vand.u32 $0x1FFF8, v28  }
0x7b: {  	v22 =	vld.idx.msk [tilespmem:v48+s2+$0x0], $0xffff;
	v51 =	vor.u32 v51, v28;
	v28 =	vadd.s32 $0x5000, v5;
	v14 =	vmul.f32 v18, v14  }
0x7c: {  	v54 =	vmul.f32 v61, v39;
	v50 =	vld.idx.msk [tilespmem:v50+s2+$0x0], $0xffff;
	v40 =	vand.u32 $0x1FFF8, v40;
	v28 =	vand.u32 $0x1FFF8, v28  }
0x7d: {  	v47 =	vsub.f32 $1.500000000e+00, v47;
	v42 =	vld.idx.msk [tilespmem:v2+s2+$0x0], $0xffff;
	v53 =	vor.u32 v62, v28;
	v28 =	vmul.f32 v14, v18  }
0x7e: {  	v48 =	vadd.s32 $0x2800, v48;
	v40 =	vor.u32 v3, v40;
	v54 =	vsub.f32 $1.500000000e+00, v54;
	v55 =	vld.idx.msk [tilespmem:v55+s2+$0x0], $0xffff  }
0x7f: {  	v2 =	vadd.s32 $0x2800, v41;
	v49 =	vld.idx.msk [tilespmem:v49+s2+$0x0], $0xffff;
	v45 =	vmul.f32 v45, v47;
	v28 =	vsub.f32 $1.500000000e+00, v28  }
0x80: {  	v47 =	vadd.s32 $0x2800, v56;
	v39 =	vmul.f32 v54, v39;
	v22 =	vsub.f32 v22, v44  }
0x81: {  	v4 =	vmul.f32 v45, v26;
	v14 =	vsub.f32 v60, v58;
	v60 =	vmul.f32 v28, v18  }
0x82: {  	v44 =	vld.idx.msk [tilespmem:v41+s2+$0x0], $0xffff;
	v41 =	vadd.s32 $0x5000, v41;
	v18 =	vmul.f32 v29, v27;
	v28 =	vmul.f32 v39, v16  }
0x83: {  	v46 =	vld.idx.msk [tilespmem:v46+s2+$0x0], $0xffff;
	v62 =	vmul.f32 v4, v45;
	v16 =	vsub.f32 v1, v55;
	v1 =	vmax.f32 v20, $1.000000000e-30  }
0x84: {  	v61 =	vld.idx.msk [tilespmem:v5+s2+$0x0], $0xffff;
	v3 =	vmul.f32 v18, v29;
	v5 =	vmul.f32 v28, v39;
	v18 =	vsub.f32 v50, v49  }
0x85: {  	v52 =	vld.idx.msk [tilespmem:v52+s2+$0x0], $0xffff;
	v49 =	vshra.s32 v0, $0x1;
	v28 =	vmul.f32 $5.000000000e-01, v0;
	v50 =	vsub.f32 $1.500000000e+00, v62  }
0x86: {  	v43 =	vld.idx.msk [tilespmem:v43+s2+$0x0], $0xffff;
	v25 =	vmul.f32 v60, v25;
	v36 =	vsub.f32 $1.500000000e+00, v3;
	v0 =	vsub.f32 $1.500000000e+00, v5  }
0x87: {  	v4 =	vld.idx.msk [tilespmem:v48+s2+$0x0], $0xffff;
	v58 =	vmul.f32 v50, v45;
	v45 =	vpop (erf);
	v3 =	vadd.s32 $0x5000, v56;
	v5 =	vmul.f32 v18, v18  }
0x88: {  	v40 =	vld.idx.msk [tilespmem:v40+s2+$0x0], $0xffff;
	v56 =	vmul.f32 v45, v21;
	v21 =	vsub.f32 v42, v46;
	v42 =	vmul.f32 v16, v16  }
0x89: {  	v47 =	vld.idx.msk [tilespmem:v47+s2+$0x0], $0xffff;
	v25 =	vadd.f32 $9.999999930e-09, v25;
	v60 =	vmul.f32 v45, v23;
	v45 =	vmul.f32 v45, v31  }
0x8a: {  	v62 =	vld.idx.msk [tilespmem:v59+s2+$0x0], $0xffff;
	v59 =	vsub.s32 $0x5F3759DF, v49;
	v55 =	vmul.f32 v36, v29;
	v39 =	vmul.f32 v0, v39  }
0x8b: {  	v41 =	vld.idx.msk [tilespmem:v41+s2+$0x0], $0xffff;
	v29 =	vmul.f32 $5.000000000e-01, v1;
	(erf) = vrcp.f32 v25;
	v0 =	vshra.s32 v1, $0x1  }
0x8c: {  	v1 =	vld.idx.msk [tilespmem:v51+s2+$0x0], $0xffff;
	v36 =	vsub.f32 v4, v52;
	v52 =	vmul.f32 v22, v22;
	v24 =	vmul.f32 v39, v24  }
0x8d: {  	v4 =	vld.idx.msk [tilespmem:v57+s2+$0x0], $0xffff;
	v48 =	vsub.s32 $0x5F3759DF, v0;
	v39 =	vmul.f32 v14, v14;
	v23 =	vmul.f32 v55, v27  }
0x8e: {  	v25 =	vsub.f32 v43, v40;
	v27 =	vld.idx.msk [tilespmem:v2+s2+$0x0], $0xffff;
	v54 =	vmul.f32 v36, v36;
	v57 =	vmul.f32 v48, v29  }
0x8f: {  	v49 =	vld.idx.msk [tilespmem:v3+s2+$0x0], $0xffff;
	v3 =	vmul.f32 v58, v26;
	v26 =	vsub.f32 v44, v61;
	v24 =	vadd.f32 $9.999999930e-09, v24  }
0x90: {  	v53 =	vld.idx.msk [tilespmem:v53+s2+$0x0], $0xffff;
	v44 =	vpop (erf);
	v2 =	vmul.f32 v23, v55;
	v39 =	vadd.f32 v5, v39;
	v5 =	vmul.f32 v25, v25  }
0x91: {  	v52 =	vadd.f32 v54, v52;
	v30 =	vmul.f32 v44, v30;
	v54 =	vmul.f32 v48, v57  }
0x92: {  	(erf) = vrcp.f32 v24;
	v24 =	vmul.f32 v59, v28  }
0x93: {  	v40 =	vsub.f32 v47, v1;
	v51 =	vmul.f32 v3, v58;
	v43 =	vadd.f32 v5, v39  }
0x94: {  	v23 =	vsub.f32 v27, v62;
	v62 =	vsub.f32 $1.500000000e+00, v2;
	v24 =	vmul.f32 v59, v24  }
0x95: {  	v27 =	vsub.f32 v41, v53;
	v2 =	vmul.f32 v26, v26;
	v3 =	vmul.f32 v40, v40  }
0x96: {  	v0 =	vmul.f32 v23, v23;
	v1 =	vsub.f32 $1.500000000e+00, v24;
	v24 =	vsub.f32 v49, v4  }
0x97: {  	v5 =	vadd.f32 v3, v42;
	v46 =	vpop (erf);
	v49 =	vmul.f32 v62, v55;
	v4 =	vmul.f32 v27, v27  }
0x98: {  	v37 =	vmul.f32 v46, v37;
	v39 =	vadd.f32 v0, v2;
	v61 =	vmul.f32 v24, v24  }
0x99: {  	v50 =	vmax.f32 v43, $1.000000000e-30;
	v2 =	vmul.f32 v21, v21;
	v42 =	vmul.f32 v59, v1  }
0x9a: {  	s23 =	simm.s32 $0x9F30;
	v31 =	vadd.f32 v4, v39;
	v39 =	vmul.f32 $5.000000000e-01, v50;
	v47 =	vadd.f32 v61, v5  }
0x9b: {  	s20 =	simm.s32 $0xC640;
	[tilespmem:s23+$0xFFFFFFF0] =	vst v56;
	v61 =	vshra.s32 v50, $0x1;
	v50 =	vmul.f32 v46, v33;
	v33 =	vmul.f32 v44, v32;
	v62 =	vpop (erf)  }
0x9c: {  	s21 =	simm.s32 $0xED50;
	[tilespmem:s20+$0xFFFFFFF0] =	vst v60;
	v1 =	vmax.f32 v31, $1.000000000e-30;
	v0 =	vmul.f32 v62, v38;
	v3 =	vmul.f32 v62, v35  }
0x9d: {  	[tilespmem:s21+$0xFFFFFFF0] =	vst v45;
	v38 =	vshra.s32 v1, $0x1;
	v4 =	vmul.f32 v62, v34;
	v5 =	vmax.f32 v47, $1.000000000e-30  }
0x9e: {  	s16 =	simm.s32 $0xED90;
	s18 =	simm.s32 $0x9F70;
	[tilespmem:s23+$0x0] =	vst v30;
	v41 =	vmul.f32 $5.000000000e-01, v1;
	v34 =	vadd.f32 v2, v52;
	v62 =	vsub.f32 $1.500000000e+00, v51  }
0x9f: {  	s17 =	simm.s32 $0xC680;
	s25 =	simm.s32 $0x78E0;
	v52 =	vsub.s32 $0x5F3759DF, v61;
	v60 =	vshra.s32 v5, $0x1;
	v35 =	vmul.f32 $5.000000000e-01, v5;
	[tilespmem:s23+$0xFFFFFFE0] =	vst v4  }
0xa0: {  	s24 =	simm.s32 $0x8;
	v45 =	vsub.s32 $0x5F3759DF, v60;
	v51 =	vmul.f32 v62, v58;
	v55 =	vmax.f32 v34, $1.000000000e-30;
	[tilespmem:s20+$0xFFFFFFE0] =	vst v3  }
0xa1: {  	s22 =	simm.s32 $0x9F70;
	s19 =	simm.s32 $0xC680;
	s15 =	simm.s32 $0xEDD0;
	v53 =	vmul.f32 v45, v35;
	v30 =	vshra.s32 v55, $0x1;
	v32 =	vmul.f32 $5.000000000e-01, v55;
	[tilespmem:s21+$0xFFFFFFE0] =	vst v0  }
.LBB2_2:
0xa2: {  	v55 =	vld [tilespmem:s25+$0xFFFFFFF0]  }
0xa3: {  	v57 =	vld [tilespmem:s25+$0x10]  }
0xa4: {  	v0 =	vld [tilespmem:$0x1FF90]  }
0xa5: {  	v1 =	vld [tilespmem:$0x1FFF0]  }
0xa6: {  	v56 =	vmul.f32 v52, v39;
	v49 =	vmul.f32 v49, v17;
	v17 =	vmov v43;
	v43 =	vld [tilespmem:s25+$0xFFFFFFE0]  }
0xa7: {  	v60 =	vld [tilespmem:$0x1FFE0];
	v53 =	vmul.f32 v45, v53;
	v54 =	vsub.f32 $1.500000000e+00, v54;
	v51 =	vmul.f32 v51, v19  }
0xa8: {  	v46 =	vmul.f32 v46, v63;
	v19 =	vmovc v47;
	v59 =	vmul.f32 v52, v56;
	v47 =	vadd.f32 $9.999999930e-09, v49  }
0xa9: {  	v61 =	vmovc v36;
	[tilespmem:s23+$0x10] =	vst v50;
	v50 =	vsub.f32 $1.500000000e+00, v53;
	v48 =	vmul.f32 v48, v54;
	v36 =	vadd.f32 $9.999999930e-09, v51  }
0xaa: {  	v58 =	vmovc v40;
	v40 =	vsub.f32 $1.500000000e+00, v59;
	(erf) = vrcp.f32 v47;
	v44 =	vmul.f32 v44, v0  }
0xab: {  	[tilespmem:$0x1FFF0] =	vst v58;
	v62 =	vmul.f32 v48, v29;
	v63 =	vand.u32 $0xFFFF, v55;
	v0 =	vshra.s32 v55, $0x10  }
0xac: {  	[tilespmem:s20+$0x10] =	vst v46;
	v1 =	vmovc v1;
	v7 =	vmovc v60;
	v2 =	vand.u32 $0xFFFF, v57;
	v59 =	vand.u32 $0xFFFF, v43;
	v60 =	vmul.f32 v42, v28  }
0xad: {  	[tilespmem:$0x1FF90] =	vst v1;
	v1 =	vadd.s32 $0x2800, v63;
	v53 =	vadd.s32 $0x2800, v0;
	v3 =	vadd.s32 $0x2800, v2  }
0xae: {  	v58 =	vadd.s32 $0x5000, v2;
	v40 =	vmul.f32 v52, v40;
	v52 =	vand.u32 $0x7, v55;
	[tilespmem:s20+$0x0] =	vst v44  }
0xaf: {  	v55 =	vand.u32 $0x7, v57;
	v56 =	vadd.s32 $0x5000, v0;
	v57 =	vshra.s32 v57, $0x10;
	[tilespmem:s21+$0x0] =	vst v33  }
0xb0: {  	[tilespmem:s21+$0x10] =	vst v37;
	v49 =	vmul.f32 v62, v48;
	v37 =	vand.u32 $0x1FFF8, v3;
	v44 =	vadd.s32 $0x5000, v63;
	v46 =	vld [tilespmem:s25+$0x0]  }
0xb1: {  	v58 =	vand.u32 $0x1FFF8, v58;
	v60 =	vmul.f32 v60, v42;
	v3 =	vadd.s32 $0x5000, v59;
	v47 =	vld.idx.msk [tilespmem:v63+s2+$0x0], $0xffff  }
0xb2: {  	v33 =	vand.u32 $0x1FFF8, v1;
	v1 =	vadd.s32 $0x2800, v59;
	v3 =	vand.u32 $0x1FFF8, v3;
	v54 =	vld.idx.msk [tilespmem:v2+s2+$0x0], $0xffff  }
0xb3: {  	v49 =	vsub.f32 $1.500000000e+00, v49;
	v1 =	vand.u32 $0x1FFF8, v1;
	v51 =	vld.idx.msk [tilespmem:v0+s2+$0x0], $0xffff;
	v2 =	vand.u32 $0x7, v43  }
0xb4: {  	v0 =	vmul.f32 v40, v39;
	v1 =	vor.u32 v2, v1;
	v2 =	vor.u32 v2, v3  }
0xb5: {  	v37 =	vor.u32 v55, v37;
	v55 =	vor.u32 v55, v58;
	v58 =	vld.idx.msk [tilespmem:v59+s2+$0x0], $0xffff;
	v48 =	vmul.f32 v49, v48  }
0xb6: {  	[tilespmem:$0x1FFE0] =	vst v61;
	v53 =	vld.idx.msk [tilespmem:v53+s2+$0x0], $0xffff;
	v0 =	vmul.f32 v0, v40;
	v61 =	vand.u32 $0xFFFF, v46;
	v62 =	vshra.s32 v46, $0x10  }
0xb7: {  	v56 =	vld.idx.msk [tilespmem:v56+s2+$0x0], $0xffff;
	v46 =	vand.u32 $0x7, v46;
	v4 =	vadd.s32 $0x2800, v61;
	v5 =	vadd.s32 $0x5000, v61  }
0xb8: {  	v3 =	vsub.f32 v51, v47;
	v47 =	vld.idx.msk [tilespmem:v57+s2+$0x0], $0xffff;
	v51 =	vand.u32 $0x1FFF8, v44;
	v44 =	vadd.s32 $0x5000, v57  }
0xb9: {  	v63 =	vand.u32 $0x1FFF8, v5;
	v5 =	vmul.f32 v48, v29;
	v29 =	vmovc v32;
	v32 =	vor.u32 v52, v33;
	v2 =	vld.idx.msk [tilespmem:v2+s2+$0x0], $0xffff  }
0xba: {  	v0 =	vsub.f32 $1.500000000e+00, v0;
	v49 =	vand.u32 $0x1FFF8, v4;
	v4 =	vadd.s32 $0x2800, v62;
	v1 =	vld.idx.msk [tilespmem:v1+s2+$0x0], $0xffff  }
0xbb: {  	v59 =	vor.u32 v46, v63;
	v46 =	vor.u32 v46, v49;
	v49 =	vsub.f32 $1.500000000e+00, v60;
	v6 =	vld.idx.msk [tilespmem:v62+s2+$0x0], $0xffff  }
0xbc: {  	v43 =	vshra.s32 v43, $0x10;
	v5 =	vmul.f32 v5, v48;
	v61 =	vld.idx.msk [tilespmem:v61+s2+$0x0], $0xffff  }
0xbd: {  	v0 =	vmul.f32 v0, v40;
	v42 =	vmul.f32 v49, v42;
	v44 =	vld.idx.msk [tilespmem:v44+s2+$0x0], $0xffff  }
0xbe: {  	v45 =	vmul.f32 v45, v50;
	v50 =	vmul.f32 v3, v3;
	v5 =	vsub.f32 $1.500000000e+00, v5;
	v49 =	vld.idx.msk [tilespmem:v32+s2+$0x0], $0xffff  }
0xbf: {  	v60 =	vadd.s32 $0x2800, v43;
	v39 =	vmul.f32 v0, v39;
	v32 =	vmul.f32 v42, v28;
	v4 =	vld.idx.msk [tilespmem:v4+s2+$0x0], $0xffff  }
0xc0: {  	v28 =	vmov v41;
	v41 =	vld.idx.msk [tilespmem:v55+s2+$0x0], $0xffff;
	v5 =	vmul.f32 v5, v48;
	v48 =	vor.u32 v52, v51  }
0xc1: {  	v39 =	vmul.f32 v39, v0;
	v52 =	vadd.s32 $0x2800, v57;
	v51 =	vmul.f32 v45, v35;
	v57 =	vld.idx.msk [tilespmem:v43+s2+$0x0], $0xffff  }
0xc2: {  	v63 =	vmovc v7;
	v43 =	vadd.s32 $0x5000, v43;
	v55 =	vmul.f32 v32, v42;
	v32 =	vsub.f32 v6, v61;
	v6 =	vld [tilespmem:$0x1FFA0]  }
0xc3: {  	v62 =	vadd.s32 $0x5000, v62;
	v7 =	vmovc v14;
	v39 =	vsub.f32 $1.500000000e+00, v39;
	v5 =	vmul.f32 v5, v20;
	v20 =	vmovc v34;
	v34 =	vld.idx.msk [tilespmem:v46+s2+$0x0], $0xffff  }
0xc4: {  	v14 =	vmovc v3;
	v61 =	vmul.f32 v51, v45;
	v55 =	vsub.f32 $1.500000000e+00, v55;
	v3 =	vsub.f32 v53, v49;
	v49 =	vld.idx.msk [tilespmem:v60+s2+$0x0], $0xffff  }
0xc5: {  	v33 =	vpop (erf);
	(erf) = vrcp.f32 v36;
	[tilespmem:$0x1FFA0] =	vst v7;
	v51 =	vsub.f32 v47, v54;
	v5 =	vadd.f32 $9.999999930e-09, v5;
	v36 =	vld.idx.msk [tilespmem:v48+s2+$0x0], $0xffff  }
0xc6: {  	v7 =	vmovc v18;
	v53 =	vmul.f32 v32, v32;
	v54 =	vsub.f32 $1.500000000e+00, v61;
	v47 =	vld.idx.msk [tilespmem:v52+s2+$0x0], $0xffff;
	v42 =	vmul.f32 v55, v42  }
0xc7: {  	v52 =	vsub.f32 v44, v41;
	v41 =	vld.idx.msk [tilespmem:v43+s2+$0x0], $0xffff;
	v48 =	vmul.f32 v3, v3;
	v18 =	vmovc v3;
	(erf) = vrcp.f32 v5  }
0xc8: {  	v3 =	vsub.s32 $0x5F3759DF, v38;
	v5 =	vld.idx.msk [tilespmem:v59+s2+$0x0], $0xffff;
	v6 =	vmul.f32 v33, v6;
	v60 =	vmul.f32 v42, v15;
	v15 =	vmovc v31  }
0xc9: {  	s23 =	smov.u32 s22;
	v31 =	vld.idx.msk [tilespmem:v62+s2+$0x0], $0xffff;
	v61 =	vmul.f32 v3, v28;
	v40 =	vsub.f32 v4, v34;
	v59 =	vadd.f32 v48, v50  }
0xca: {  	v48 =	vsub.s32 $0x5F3759DF, v30;
	v50 =	vsub.f32 v57, v58;
	[tilespmem:s23+$0xFFFFFFF0] =	vst v6;
	v6 =	vld [tilespmem:$0x1FFC0];
	v38 =	vadd.f32 $9.999999930e-09, v60  }
0xcb: {  	v62 =	vmul.f32 v3, v61;
	v1 =	vsub.f32 v49, v1;
	v55 =	vmul.f32 v48, v29  }
0xcc: {  	v37 =	vld.idx.msk [tilespmem:v37+s2+$0x0], $0xffff;
	v49 =	vmul.f32 v39, v0;
	v2 =	vsub.f32 v41, v2;
	v41 =	vmul.f32 v50, v50  }
0xcd: {  	(erf) = vrcp.f32 v38;
	v61 =	vmul.f32 v1, v1  }
0xce: {  	v62 =	vsub.f32 $1.500000000e+00, v62;
	v5 =	vsub.f32 v31, v5;
	v31 =	vmul.f32 v40, v40  }
0xcf: {  	[tilespmem:$0x1FFC0] =	vst v7;
	v42 =	vmul.f32 v2, v2;
	v7 =	vadd.f32 v61, v41;
	v6 =	vmul.f32 v33, v6  }
0xd0: {  	s20 =	smov.u32 s19;
	v33 =	vmul.f32 v33, v11;
	v57 =	vadd.f32 v31, v53;
	v58 =	vmul.f32 v5, v5  }
0xd1: {  	[tilespmem:s20+$0xFFFFFFF0] =	vst v6;
	v6 =	vmul.f32 v54, v45;
	v45 =	vsub.f32 v56, v36;
	v36 =	vsub.f32 v47, v37  }
0xd2: {  	v31 =	vadd.f32 v42, v7;
	v42 =	vmul.f32 v3, v62;
	v54 =	vmul.f32 v51, v51  }
0xd3: {  	s21 =	smov.u32 s16;
	v44 =	vpop (erf);
	v47 =	vadd.f32 v58, v57;
	v60 =	vmul.f32 v45, v45;
	v30 =	vmul.f32 v36, v36  }
0xd4: {  	v57 =	vld [tilespmem:$0x1FFD0];
	[tilespmem:s21+$0xFFFFFFF0] =	vst v33;
	v7 =	vmax.f32 v31, $1.000000000e-30;
	v33 =	vmul.f32 v44, v12;
	v35 =	vmul.f32 v6, v35  }
0xd5: {  	v46 =	vpop (erf);
	v43 =	vadd.f32 v60, v59;
	v60 =	vadd.f32 v30, v54;
	v30 =	vmul.f32 v52, v52  }
0xd6: {  	v11 =	vmovc v25;
	v12 =	vmovc v24;
	v38 =	vshra.s32 v7, $0x1;
	v37 =	vmax.f32 v47, $1.000000000e-30;
	v41 =	vmul.f32 $5.000000000e-01, v7  }
0xd7: {  	v58 =	vmov v22;
	v56 =	vmul.f32 v35, v6;
	v59 =	vpop (erf);
	v34 =	vadd.f32 v30, v60;
	v60 =	vld [tilespmem:$0x1FFB0]  }
0xd8: {  	s24 =	sadd.s32 $0x4, s24;
	v25 =	vmovc v45;
	[tilespmem:$0x1FFD0] =	vst v58;
	v54 =	vshra.s32 v37, $0x1;
	v61 =	vmul.f32 v59, v13;
	v0 =	vmul.f32 v59, v10  }
0xd9: {  	p0 =	slt.u32 s24, $0x26C;
	v62 =	vmul.f32 v59, v9;
	v10 =	vmovc v26;
	v26 =	vmovc v50;
	v45 =	vsub.s32 $0x5F3759DF, v54;
	v50 =	vmul.f32 v46, v57  }
.Ltmp0:
0xda: {  	v24 =	vmovc v5;
	v22 =	vmovc v51;
	v54 =	vmul.f32 v48, v55;
	v35 =	vmax.f32 v43, $1.000000000e-30;
	v59 =	vsub.f32 $1.500000000e+00, v56;
	[tilespmem:s23+$0xFFFFFFE0] =	vst v0;
	(pc) =	sbr.rel @p0 .LBB2_2-.Ltmp0, $4  }
0xdb: {  	v9 =	vmovc v23;
	v23 =	vmovc v1;
	v39 =	vmul.f32 $5.000000000e-01, v35;
	v53 =	vshra.s32 v35, $0x1;
	v35 =	vmul.f32 $5.000000000e-01, v37;
	[tilespmem:s20+$0xFFFFFFE0] =	vst v62  }
0xdc: {  	s18 =	sadd.s32 $0x40, s18;
	s17 =	sadd.s32 $0x40, s17;
	v13 =	vmovc v27;
	v37 =	vmul.f32 v46, v8;
	[tilespmem:s21+$0xFFFFFFE0] =	vst v61;
	v61 =	vmov v16;
	v1 =	vmul.f32 v44, v60  }
0xdd: {  	s22 =	smov.u32 s18;
	s19 =	smov.u32 s17;
	v8 =	vmovc v21;
	v21 =	vmovc v52;
	v52 =	vsub.s32 $0x5F3759DF, v53;
	v62 =	vmax.f32 v34, $1.000000000e-30;
	v51 =	vmul.f32 v59, v6;
	[tilespmem:$0x1FFB0] =	vst v61  }
0xde: {  	s16 =	smov.u32 s15;
	s15 =	sadd.s32 $0x40, s15;
	s25 =	sadd.s32 $0x40, s25;
	v27 =	vmovc v2;
	v53 =	vmul.f32 v45, v35;
	v16 =	vmovc v32;
	v30 =	vshra.s32 v62, $0x1;
	v32 =	vmul.f32 $5.000000000e-01, v62;
	[tilespmem:s23+$0x0] =	vst v1  }
0xdf: {  	v0 =	vsub.f32 $1.500000000e+00, v54  }
0xe0: {  	v2 =	vmul.f32 v52, v39;
	v3 =	vmul.f32 v49, v17  }
0xe1: {  	v4 =	vmul.f32 v42, v28;
	v0 =	vmul.f32 v48, v0  }
0xe2: {  	v6 =	vmul.f32 v51, v19;
	v55 =	vsub.s32 $0x5F3759DF, v30;
	v5 =	vmul.f32 v45, v53  }
0xe3: {  	v56 =	vsub.s32 $0x5F3759DF, v38;
	v57 =	vmul.f32 v55, v32;
	v1 =	vmul.f32 v0, v29  }
0xe4: {  	v58 =	vmul.f32 v56, v41;
	v2 =	vmul.f32 v52, v2;
	v17 =	vadd.f32 $9.999999930e-09, v3  }
0xe5: {  	v48 =	vmul.f32 v4, v42;
	v49 =	vsub.f32 $1.500000000e+00, v5;
	v1 =	vmul.f32 v1, v0  }
0xe6: {  	v6 =	vadd.f32 $9.999999930e-09, v6;
	v30 =	vmul.f32 v56, v58;
	v2 =	vsub.f32 $1.500000000e+00, v2  }
0xe7: {  	(erf) = vrcp.f32 v17;
	v4 =	vmul.f32 v45, v49;
	v1 =	vsub.f32 $1.500000000e+00, v1  }
0xe8: {  	v53 =	vsub.f32 $1.500000000e+00, v48;
	(erf) = vrcp.f32 v6;
	v2 =	vmul.f32 v52, v2  }
0xe9: {  	v30 =	vsub.f32 $1.500000000e+00, v30;
	v60 =	vmul.f32 v4, v35;
	v0 =	vmul.f32 v1, v0  }
0xea: {  	v7 =	vld [tilespmem:$0x1FF90];
	v54 =	vmul.f32 v2, v39;
	v1 =	vmul.f32 v53, v42  }
0xeb: {  	v61 =	vmul.f32 v56, v30;
	v52 =	vmul.f32 v0, v29  }
0xec: {  	v3 =	vmul.f32 v54, v2;
	v59 =	vmul.f32 v1, v28  }
0xed: {  	v29 =	vmul.f32 v55, v57;
	v5 =	vmul.f32 v52, v0  }
0xee: {  	v42 =	vmul.f32 v61, v41;
	v3 =	vsub.f32 $1.500000000e+00, v3;
	v28 =	vmul.f32 v59, v1  }
0xef: {  	v56 =	vmul.f32 v44, v7;
	v29 =	vsub.f32 $1.500000000e+00, v29;
	v5 =	vsub.f32 $1.500000000e+00, v5  }
0xf0: {  	v45 =	vmul.f32 v42, v61;
	v2 =	vmul.f32 v3, v2;
	v62 =	vsub.f32 $1.500000000e+00, v28  }
0xf1: {  	v17 =	vmul.f32 v55, v29;
	v0 =	vmul.f32 v5, v0  }
0xf2: {  	v5 =	vmul.f32 v60, v4;
	v1 =	vmul.f32 v62, v1  }
0xf3: {  	v38 =	vmul.f32 v17, v32;
	v0 =	vmul.f32 v0, v20  }
0xf4: {  	v57 =	vmul.f32 v46, v63;
	v5 =	vsub.f32 $1.500000000e+00, v5;
	v1 =	vmul.f32 v1, v15  }
0xf5: {  	v39 =	vmul.f32 v2, v39;
	v6 =	vmul.f32 v38, v17;
	v0 =	vadd.f32 $9.999999930e-09, v0  }
0xf6: {  	[tilespmem:s23+$0x10] =	vst v50;
	v51 =	vsub.f32 $1.500000000e+00, v45;
	v4 =	vmul.f32 v5, v4;
	v1 =	vadd.f32 $9.999999930e-09, v1  }
0xf7: {  	[tilespmem:s20+$0x0] =	vst v56;
	v49 =	vmul.f32 v39, v2;
	v48 =	vsub.f32 $1.500000000e+00, v6;
	(erf) = vrcp.f32 v0  }
0xf8: {  	[tilespmem:s21+$0x0] =	vst v33;
	v52 =	vmul.f32 v4, v35;
	(erf) = vrcp.f32 v1  }
0xf9: {  	[tilespmem:s20+$0x10] =	vst v57;
	v53 =	vmul.f32 v51, v61;
	v5 =	vmul.f32 v48, v17  }
0xfa: {  	v60 =	vld [tilespmem:$0x1FFA0];
	[tilespmem:s21+$0x10] =	vst v37;
	v6 =	vsub.f32 $1.500000000e+00, v49;
	v55 =	vmul.f32 v52, v4  }
0xfb: {  	v59 =	vpop (erf);
	v62 =	vld [tilespmem:$0x1FFC0];
	v15 =	vmul.f32 v53, v41;
	v54 =	vmul.f32 v5, v32  }
0xfc: {  	v19 =	vmul.f32 v59, v11;
	v2 =	vmul.f32 v6, v2;
	v3 =	vsub.f32 $1.500000000e+00, v55  }
0xfd: {  	v15 =	vmul.f32 v15, v53;
	v1 =	vmul.f32 v54, v5  }
0xfe: {  	v2 =	vmul.f32 v2, v43;
	v3 =	vmul.f32 v3, v4  }
0xff: {  	v61 =	vpop (erf);
	v58 =	vsub.f32 $1.500000000e+00, v15;
	v1 =	vsub.f32 $1.500000000e+00, v1;
	v4 =	vmul.f32 v59, v60  }
0x100: {  	v7 =	vmul.f32 v59, v62;
	v2 =	vadd.f32 $9.999999930e-09, v2;
	v3 =	vmul.f32 v3, v47;
	v63 =	vpop (erf)  }
0x101: {  	v0 =	vmul.f32 v58, v53;
	v1 =	vmul.f32 v1, v5;
	[tilespmem:s22+$0xFFFFFFF0] =	vst v4;
	v20 =	vpop (erf)  }
0x102: {  	(erf) = vrcp.f32 v2;
	[tilespmem:s19+$0xFFFFFFF0] =	vst v7;
	v3 =	vadd.f32 $9.999999930e-09, v3;
	v28 =	vmul.f32 v20, v10  }
0x103: {  	v1 =	vmul.f32 v1, v34;
	[tilespmem:s16+$0xFFFFFFF0] =	vst v19;
	v29 =	vmul.f32 v20, v9  }
0x104: {  	(erf) = vrcp.f32 v3;
	[tilespmem:s22+$0xFFFFFFE0] =	vst v28  }
0x105: {  	v0 =	vmul.f32 v0, v31;
	v1 =	vadd.f32 $9.999999930e-09, v1;
	[tilespmem:s19+$0xFFFFFFE0] =	vst v29  }
0x106: {  	v31 =	vld [tilespmem:$0x1FFB0]  }
0x107: {  	v0 =	vadd.f32 $9.999999930e-09, v0;
	(erf) = vrcp.f32 v1;
	v2 =	vld [tilespmem:$0x1FFD0];
	_ =	sdelay $0x1  }
0x108: {  	(erf) = vrcp.f32 v0  }
0x109: {  	v30 =	vmul.f32 v20, v13  }
0x10a: {  	v0 =	vmul.f32 v61, v31  }
0x10b: {  	[tilespmem:s16+$0xFFFFFFE0] =	vst v30;
	v33 =	vpop (erf);
	v2 =	vmul.f32 v63, v2  }
0x10c: {  	v35 =	vmul.f32 v33, v14;
	v37 =	vpop (erf);
	[tilespmem:s22+$0x0] =	vst v0  }
0x10d: {  	s18 =	sadd.s32 $0x40, s18;
	v44 =	vmul.f32 v37, v16;
	v0 =	vld [tilespmem:$0x1FFF0];
	[tilespmem:s22+$0x10] =	vst v2  }
0x10e: {  	v38 =	vmul.f32 v33, v18;
	v2 =	vld [tilespmem:$0x1FFE0];
	[tilespmem:s18+$0xFFFFFFF0] =	vst v35  }
0x10f: {  	s31 =	sadd.s32 $0x40, s17;
	v46 =	vmul.f32 v37, v40;
	v39 =	vpop (erf);
	[tilespmem:s18+$0x0] =	vst v44  }
0x110: {  	v45 =	vmul.f32 v39, v22;
	[tilespmem:s31+$0xFFFFFFF0] =	vst v38  }
0x111: {  	v47 =	vmul.f32 v37, v24;
	v41 =	vpop (erf);
	[tilespmem:s31+$0x0] =	vst v46  }
0x112: {  	v42 =	vmul.f32 v41, v26;
	[tilespmem:s18+$0x10] =	vst v45  }
0x113: {  	v48 =	vmul.f32 v39, v36;
	[tilespmem:s15+$0x0] =	vst v47  }
0x114: {  	v43 =	vmul.f32 v41, v23;
	[tilespmem:s18+$0xFFFFFFE0] =	vst v42  }
0x115: {  	v49 =	vmul.f32 v39, v21;
	[tilespmem:s31+$0x10] =	vst v48  }
0x116: {  	v1 =	vmul.f32 v41, v27;
	[tilespmem:s31+$0xFFFFFFE0] =	vst v43  }
0x117: {  	v0 =	vmul.f32 v61, v0;
	[tilespmem:s15+$0x10] =	vst v49  }
0x118: {  	v32 =	vmul.f32 v61, v12;
	[tilespmem:s15+$0xFFFFFFE0] =	vst v1  }
0x119: {  	v2 =	vmul.f32 v63, v2;
	[tilespmem:s19+$0x0] =	vst v0  }
0x11a: {  	v34 =	vmul.f32 v63, v8;
	[tilespmem:s16+$0x0] =	vst v32  }
0x11b: {  	v0 =	vmul.f32 v33, v25;
	[tilespmem:s19+$0x10] =	vst v2  }
0x11c: {  	[tilespmem:s16+$0x10] =	vst v34  }
0x11d: {  	[tilespmem:s15+$0xFFFFFFF0] =	vst v0  }
0x11e: {  	v0 =	vld [tilespmem:$0x9F00];
	_ =	sdelay $0x4  }
0x11f: {  	v50 =	vand.u32 $0xFFFF, v0  }
0x120: {  	v52 =	vand.u32 $0x7, v0;
	v0 =	vshra.s32 v0, $0x10;
	v51 =	vadd.s32 $0x2800, v50  }
0x121: {  	v54 =	vadd.s32 $0x2800, v0;
	v2 =	vand.u32 $0x1FFF8, v51  }
0x122: {  	v53 =	vadd.s32 $0x5000, v50;
	v2 =	vor.u32 v52, v2  }
0x123: {  	v55 =	vadd.s32 $0x5000, v0;
	v4 =	vand.u32 $0x1FFF8, v53  }
0x124: {  	v3 =	vor.u32 v52, v4;
	v1 =	vld.idx.msk [tilespmem:v50+s2+$0x0], $0xffff  }
0x125: {  	v0 =	vld.idx.msk [tilespmem:v0+s2+$0x0], $0xffff  }
0x126: {  	v5 =	vld.idx.msk [tilespmem:v54+s2+$0x0], $0xffff  }
0x127: {  	v2 =	vld.idx.msk [tilespmem:v2+s2+$0x0], $0xffff  }
0x128: {  	v4 =	vld.idx.msk [tilespmem:v55+s2+$0x0], $0xffff  }
0x129: {  	v3 =	vld.idx.msk [tilespmem:v3+s2+$0x0], $0xffff;
	_ =	sdelay $0x2  }
0x12a: {  	v0 =	vsub.f32 v0, v1;
	v56 =	vsub.f32 v5, v2;
	_ =	sdelay $0x1  }
0x12b: {  	v58 =	vmul.f32 v0, v0;
	v57 =	vsub.f32 v4, v3;
	v59 =	vmul.f32 v56, v56;
	_ =	sdelay $0x1  }
0x12c: {  	v60 =	vmul.f32 v57, v57;
	v3 =	vadd.f32 v59, v58;
	_ =	sdelay $0x1  }
0x12d: {  	v3 =	vadd.f32 v60, v3;
	_ =	sdelay $0x1  }
0x12e: {  	v4 =	vmax.f32 v3, $1.000000000e-30  }
0x12f: {  	v61 =	vshra.s32 v4, $0x1;
	v4 =	vmul.f32 $5.000000000e-01, v4  }
0x130: {  	v5 =	vsub.s32 $0x5F3759DF, v61  }
0x131: {  	v62 =	vmul.f32 v5, v4;
	_ =	sdelay $0x1  }
0x132: {  	v6 =	vmul.f32 v5, v62;
	_ =	sdelay $0x1  }
0x133: {  	v6 =	vsub.f32 $1.500000000e+00, v6;
	_ =	sdelay $0x1  }
0x134: {  	v5 =	vmul.f32 v5, v6;
	_ =	sdelay $0x1  }
0x135: {  	v6 =	vmul.f32 v5, v4;
	_ =	sdelay $0x1  }
0x136: {  	v6 =	vmul.f32 v6, v5;
	_ =	sdelay $0x1  }
0x137: {  	v6 =	vsub.f32 $1.500000000e+00, v6;
	_ =	sdelay $0x1  }
0x138: {  	v5 =	vmul.f32 v6, v5;
	_ =	sdelay $0x1  }
0x139: {  	v4 =	vmul.f32 v5, v4;
	_ =	sdelay $0x1  }
0x13a: {  	v4 =	vmul.f32 v4, v5;
	_ =	sdelay $0x1  }
0x13b: {  	v4 =	vsub.f32 $1.500000000e+00, v4;
	_ =	sdelay $0x1  }
0x13c: {  	v4 =	vmul.f32 v4, v5;
	_ =	sdelay $0x1  }
0x13d: {  	v3 =	vmul.f32 v4, v3;
	_ =	sdelay $0x1  }
0x13e: {  	v3 =	vadd.f32 $9.999999930e-09, v3;
	_ =	sdelay $0x1  }
0x13f: {  	(erf) = vrcp.f32 v3;
	_ =	sdelay $0x8  }
0x140: {  	v3 =	vpop (erf)  }
0x141: {  	v0 =	vmul.f32 v3, v0  }
0x142: {  	v1 =	vmul.f32 v3, v56  }
0x143: {  	v63 =	vmul.f32 v3, v57;
	[tilespmem:$0xC610] =	vst v0  }
0x144: {  	[tilespmem:$0xED20] =	vst v1  }
0x145: {  	[tilespmem:$0x11430] =	vst v63  }
0x146: {  	[hbm4b:s5+s2] =	stream.linear.scatter [tilespmem:s11], [sflag:$0x1], $0x2710, $0x38;
	[tilespmem:$0x11440] =	vst v63  }
0x147: {  	_ =	swait.ge [sflag:s9], $0x2710  }
0x148: {  	[sflag:s9] =	ssyncset.done $0x0  }
0x149: {  	[sflag:s9] =	ssyncadd.s32 $0xFFFFD8F0  }
0x14a: {  	[hbm4b:s6+s2] =	stream.linear.scatter [tilespmem:s12], [sflag:$0x1], $0x2710, $0x38;
	[tilespmem:$0x11440] =	vst v63  }
0x14b: {  	s14 =	sadd.s32 $0x1, s14;
	_ =	swait.ge [sflag:s9], $0x2710  }
0x14c: {  	p0 =	sne.s32 s14, s8;
	[sflag:s9] =	ssyncset.done $0x0  }
.Ltmp1:
0x14d: {  	[sflag:s9] =	ssyncadd.s32 $0xFFFFD8F0;
	(pc) =	sbr.rel @p0 .LBB2_1-.Ltmp1, $4  }
0x14e: {  	[hbm4b:s7+s2] =	stream.linear.scatter [tilespmem:s13], [sflag:$0x1], $0x2710, $0x38;
	[tilespmem:$0x11440] =	vst v63  }
0x14f: {  	_ =	swait.ge [sflag:s9], $0x2710  }
0x150: {  	[sflag:s9] =	ssyncset.done $0x0  }
0x151: {  	[sflag:s9] =	ssyncadd.s32 $0xFFFFD8F0  }
0x152: {  	_ =	sfence.sel $0x180000  }
0x153: {  	[bflag:$0x0] =	sbarrier.arrive $0xFFFF  }
0x154: {  	p0 =	sne.s32 s0, $0x0;
	_ =	strace $0x90000047  }
0x155: {  	s0 =	sadd.s32 @!p0 $0x100000, s1;
	[bflag:$0x2] =	sbarrier.arrive $0xFFFF  }
0x156: {  	[sflag:s0] =	ssyncadd.tile.s32 @!p0 $0x1;
	_ =	shalt  }
.Lfunc_end2:
_tile_overlayer_lowered:
.L_overlay_start_2:
0x157: {  	(tag) =	ssettag $0x2  }
0x158: {  	s0 =	rddreg [dreg:$0x0];
	s2 =	stileid.u32  }
0x159: {  	s1 =	rddreg [dreg:$0x1];
	p0 =	sne.s32 s2, $0x0  }
0x15a: {  	s3 =	rddreg [dreg:$0x2];
	[bflag:$0x3] =	sbarrier.arrive $0xFFFF;
	s2 =	simm.s32 @!p0 $0x1C01  }
0x15b: {  	[timem:s3], [sflag:s2] =	dma.local @!p0 [hbm:s0], s1  }
0x15c: {  	s0 =	simm.s32 @!p0 $0x1  }
0x15d: {  	_ =	swait.ge @!p0 [sflag:s0], s1  }
0x15e: {  	s1 =	ssub.s32 @!p0 $0x0, s1;
	[sflag:s0] =	ssyncset.done @!p0 $0x0  }
0x15f: {  	[sflag:s0] =	ssyncadd.s32 @!p0 s1  }
0x160: {  	[bflag:$0x3] =	sbarrier.arrive $0xFFFF  }
0x161: {  	_ =	shalt  }

// kernel: kernel.9.cloned.1.call-start
scs
__scs_entry_jumppad:
0x0: {  	(pc) =	sbr.rel $0x88, $3  }
0x1: {  	(tag) =	ssettag $0x0;
	lr =	simm.s32 $0x1  }
0x2: {  	[smem:$0x3F98] =	sst lr;
	_ =	strace $0xD0000000  }
0x3: {  	_ = 	snop  }
0x4: {  	_ = 	snop  }
0x5: {  	_ = 	snop  }
0x6: {  	_ = 	snop  }
0x7: {  	_ = 	snop  }
__scs_overlays_trampoline_lowered:
0x8: {  	[smem:$0x3FA7] =	sst s0  }
0x9: {  	[smem:$0x3FA8] =	sst s1  }
0xa: {  	[smem:$0x3FA9] =	sst s2  }
0xb: {  	[smem:$0x3FAA] =	sst s3  }
0xc: {  	[smem:$0x3FAB] =	sst s4  }
0xd: {  	[smem:$0x3FAC] =	sst s5  }
0xe: {  	[smem:$0x3FAD] =	sst s6  }
0xf: {  	[smem:$0x3FAE] =	sst s7  }
0x10: {  	[smem:$0x3FAF] =	sst s8  }
0x11: {  	[smem:$0x3FB0] =	sst s9;
	s0 =	simm.s32 @!p0 $0x0  }
0x12: {  	s1 =	sld [smem:$0x3F96];
	s0 =	simm.s32 @p0 $0x1  }
0x13: {  	[smem:$0x3FB1] =	sst s0;
	s0 =	simm.s32 @!p1 $0x0  }
0x14: {  	s2 =	sld [smem:$0x3F95];
	s0 =	simm.s32 @p1 $0x1  }
0x15: {  	[smem:$0x3FB2] =	sst s0;
	s0 =	simm.s32 @!p2 $0x0  }
0x16: {  	s3 =	sld [smem:$0x3FDB];
	s0 =	simm.s32 @p2 $0x1  }
0x17: {  	s4 =	simm.s32 $0x1BF5;
	[smem:$0x3FB4] =	sst s0  }
0x18: {  	s0 =	sld [smem:$0x3F97];
	_ =	swait.ge [sflag:s4], $0x0  }
0x19: {  	s7 =	sld [smem:$0x3F98]  }
0x1a: {  	s8 =	sadd.s32 $0xFFFFE003, lr  }
0x1b: {  	s9 =	sadd.s32 $0xFFFFFEF7, lr;
	s5 =	simm.s32 $0xFFFFFFFF;
	p2 =	slt.u32 s8, $0xFFFFF086  }
0x1c: {  	p1 =	slt.u32 s9, $0xF7A;
	s5 =	simm.s32 @!p2 $0x0  }
0x1d: {  	s5 =	simm.s32 @p1 $0x1;
	p0 =	seq.s32 s7, s2  }
0x1e: {  	s7 =	smul.u32 @!p0 $0xF7A, s2;
	p2 =	seq.s32 @!p0 s5, $0x0  }
0x1f: {  	s9 =	smul.u32 $0xF7A, s1;
	s8 =	simm.s32 @!p0 $0x1BF5;
	p2 =	por !p2, p0  }
0x20: {  	[sflag:s8] =	ssyncset.s32 @!p0 $0xFFFFF086;
	s6 =	sadd.s32 @!p0 s3, s7;
	s7 =	simm.s32 @!p0 $0x108  }
0x21: {  	s3 =	sadd.s32 s3, s9;
	s6 =	sadd.s32 @!p0 $0x88, s6;
	s7 =	simm.s32 @p2 $0x1082  }
0x22: {  	[simem:s7], [sflag:s8] =	dma.local @!p0 [hbm:s6], $0xF7A  }
0x23: {  	s9 =	sor.u32 $0xD0000000, s2;
	s6 =	simm.s32 $0x108;
	_ =	swait.ge @!p0 [sflag:s8], $0x0  }
0x24: {  	s3 =	sadd.s32 $0x88, s3;
	s6 =	simm.s32 @!p1 $0x1082;
	[sflag:s4] =	ssyncset.s32 $0xFFFFF086  }
0x25: {  	[simem:s6], [sflag:s4] =	dma.local [hbm:s3], $0xF7A  }
0x26: {  	[smem:$0x3F98] =	sst s1;
	(tag) =	ssettag s2;
	_ =	strace s9  }
0x27: {  	s1 =	sld [smem:$0x3FA8]  }
0x28: {  	s2 =	sld [smem:$0x3FA9]  }
0x29: {  	s4 =	sld [smem:$0x3FAB]  }
0x2a: {  	p0 =	seq.s32 s5, $0x0;
	s5 =	sld [smem:$0x3FAC]  }
0x2b: {  	s6 =	sld [smem:$0x3FAD]  }
0x2c: {  	s7 =	sld [smem:$0x3FAE]  }
0x2d: {  	s3 =	simm.s32 $0x108;
	s8 =	sld [smem:$0x3FAF]  }
0x2e: {  	s3 =	simm.s32 @!p0 $0x1082;
	s9 =	sld [smem:$0x3FB0]  }
0x2f: {  	lr =	sadd.s32 s0, s3;
	s0 =	sld [smem:$0x3FA7]  }
0x30: {  	s3 =	sld [smem:$0x3FAA]  }
0x31: {  	[smem:$0x3FB3] =	sst s10  }
0x32: {  	s10 =	sld [smem:$0x3FB1];
	_ =	sdelay $0x3  }
0x33: {  	p0 =	seq.s32 s10, $0x1;
	s10 =	sld [smem:$0x3FB3];
	_ =	sdelay $0x3  }
0x34: {  	[smem:$0x3FB3] =	sst s10  }
0x35: {  	s10 =	sld [smem:$0x3FB2];
	_ =	sdelay $0x3  }
0x36: {  	p1 =	seq.s32 s10, $0x1;
	s10 =	sld [smem:$0x3FB3];
	_ =	sdelay $0x3  }
0x37: {  	[smem:$0x3FB3] =	sst s10  }
0x38: {  	s10 =	sld [smem:$0x3FB4]  }
0x39: {  	_ = 	snop;
	(pc) =	sbr.ind lr, $3  }
0x3a: {  	_ = 	snop  }
0x3b: {  	_ = 	snop  }
0x3c: {  	p2 =	seq.s32 s10, $0x1;
	s10 =	sld [smem:$0x3FB3]  }
0x3d: {  	_ =	shalt  }
0x3e: {  	_ =	shalt  }
0x3f: {  	_ =	shalt  }
0x40: {  	_ =	shalt  }
0x41: {  	_ =	shalt  }
0x42: {  	_ =	shalt  }
0x43: {  	_ =	shalt  }
0x44: {  	_ =	shalt  }
0x45: {  	_ =	shalt  }
0x46: {  	_ =	shalt  }
0x47: {  	_ =	shalt  }
0x48: {  	_ =	shalt  }
0x49: {  	_ =	shalt  }
0x4a: {  	_ =	shalt  }
0x4b: {  	_ =	shalt  }
0x4c: {  	_ =	shalt  }
0x4d: {  	_ =	shalt  }
0x4e: {  	_ =	shalt  }
0x4f: {  	_ =	shalt  }
0x50: {  	_ =	shalt  }
0x51: {  	_ =	shalt  }
0x52: {  	_ =	shalt  }
0x53: {  	_ =	shalt  }
0x54: {  	_ =	shalt  }
0x55: {  	_ =	shalt  }
0x56: {  	_ =	shalt  }
0x57: {  	_ =	shalt  }
0x58: {  	_ =	shalt  }
0x59: {  	_ =	shalt  }
0x5a: {  	_ =	shalt  }
0x5b: {  	_ =	shalt  }
0x5c: {  	_ =	shalt  }
0x5d: {  	_ =	shalt  }
0x5e: {  	_ =	shalt  }
0x5f: {  	_ =	shalt  }
0x60: {  	_ =	shalt  }
0x61: {  	_ =	shalt  }
0x62: {  	_ =	shalt  }
0x63: {  	_ =	shalt  }
0x64: {  	_ =	shalt  }
0x65: {  	_ =	shalt  }
0x66: {  	_ =	shalt  }
0x67: {  	_ =	shalt  }
0x68: {  	_ =	shalt  }
0x69: {  	_ =	shalt  }
0x6a: {  	_ =	shalt  }
0x6b: {  	_ =	shalt  }
0x6c: {  	_ =	shalt  }
0x6d: {  	_ =	shalt  }
0x6e: {  	_ =	shalt  }
0x6f: {  	_ =	shalt  }
0x70: {  	_ =	shalt  }
0x71: {  	_ =	shalt  }
0x72: {  	_ =	shalt  }
0x73: {  	_ =	shalt  }
0x74: {  	_ =	shalt  }
0x75: {  	_ =	shalt  }
0x76: {  	_ =	shalt  }
0x77: {  	_ =	shalt  }
0x78: {  	_ =	shalt  }
0x79: {  	_ =	shalt  }
0x7a: {  	_ =	shalt  }
0x7b: {  	_ =	shalt  }
0x7c: {  	_ =	shalt  }
0x7d: {  	_ =	shalt  }
0x7e: {  	_ =	shalt  }
0x7f: {  	_ =	shalt  }
0x80: {  	_ =	shalt  }
0x81: {  	_ =	shalt  }
0x82: {  	_ =	shalt  }
0x83: {  	_ =	shalt  }
0x84: {  	_ =	shalt  }
0x85: {  	_ =	shalt  }
0x86: {  	_ =	shalt  }
0x87: {  	_ =	shalt  }
.Lfunc_end0:
.L_simem_size_0:
called_computation.1_lowered:
.L_overlay_start_0:
0x88: {  	s2 =	sld [smem:$0x3FD9]  }
0x89: {  	s3 =	sld [smem:$0x3FFE];
	_ =	sdelay $0x1  }
0x8a: {  	s1 =	srdreg.scid  }
0x8b: {  	s0 =	sand.u32 $0x1, s1  }
0x8c: {  	s16 =	sshll.u32 s0, $0xA;
	s2 =	sadd.s32 s3, s2  }
0x8d: {  	s2 =	sadd.s32 s2, s16  }
0x8e: {  	[smem:$0x3FBF] =	sst s2  }
0x8f: {  	_ = 	snop  }
0x90: {  	(tm) =	ssettm $0x1  }
0x91: {  	s17 =	sld [smem:$0x3FFB];
	_ =	sdelay $0x3  }
0x92: {  	_ =	strace s17  }
0x93: {  	s2 =	sld [smem:$0x3FFC];
	_ =	sdelay $0x3  }
0x94: {  	_ =	strace s2  }
0x95: {  	s2 =	sld [smem:$0x3FFD];
	_ =	sdelay $0x3  }
0x96: {  	_ =	strace s2  }
0x97: {  	_ =	strace $0x8FFFFFFF  }
0x98: {  	s18 =	sld [smem:$0x3FDB];
	_ =	sdelay $0x1  }
0x99: {  	s19 =	simm.s32 $_scs_section_size  }
0x9a: {  	s4 =	simm.s32 $_size__tile_overlayer_lowered;
	s5 =	simm.s32 $_tile_overlayer_lowered  }
0x9b: {  	s22 =	simm.s32 $0x1BFF;
	s21 =	sshll.u32 s5, $0x1;
	s2 =	sadd.s32 s19, s18  }
0x9c: {  	s6 =	simm.s32 $0x0;
	s20 =	sshll.u32 s4, $0x1;
	s4 =	sadd.s32 s21, s2  }
0x9d: {  	[timem:s6], [sflag:s22] =	dma.local [hbm:s4], s20  }
0x9e: {  	_ =	swait.ge [sflag:s22], s20  }
0x9f: {  	s3 =	ssub.s32 $0x0, s20;
	[sflag:s22] =	ssyncset.done $0x0  }
0xa0: {  	[sflag:s22] =	ssyncadd.s32 s3;
	_ =	sdelay $0x1  }
0xa1: {  	s23 =	simm.s32 $0x1B8B  }
0xa2: {  	_ =	swait.ge [sflag:s23], $0x1  }
0xa3: {  	[sflag:s23] =	ssyncset.done $0x0  }
0xa4: {  	s25 =	simm.s32 $0x1B8E;
	s24 =	sld [smem:$0x3FFE];
	[sflag:s23] =	ssyncadd.s32 $0xFFFFFFFF  }
0xa5: {  	s26 =	simm.s32 $execute0_lowered;
	[smem:$0x3FD2] =	sst s25  }
0xa6: {  	s4 =	sshll.u32 s26, $0x1;
	_ =	strace $0x80000049;
	[dreg:$0x1] =	wrdreg $0xFFFFFFFF  }
0xa7: {  	s28 =	simm.s32 $_size_execute0_lowered;
	s2 =	sadd.s32 s2, s4;
	[dreg:$0x0] =	wrdreg $0x0  }
0xa8: {  	s4 =	sshll.u32 s28, $0x1;
	[dreg:$0x2] =	wrdreg s2  }
0xa9: {  	[dreg:$0x3] =	wrdreg s4  }
0xaa: {  	[dreg:$0x4] =	wrdreg $0xC0  }
0xab: {  	_ =	task [dreg:s6], $0x5FFFF  }
0xac: {  	[dreg:$0x1] =	wrdreg $0xFFFFFFFF  }
0xad: {  	[dreg:$0x0] =	wrdreg $0x60  }
0xae: {  	[dreg:$0x2] =	wrdreg s24  }
0xaf: {  	[dreg:$0x3] =	wrdreg $0x9  }
0xb0: {  	_ =	task.clear_ibuf [dreg:s6], $0x4FFFF;
	_ =	strace $0x90000049  }
0xb1: {  	s29 =	simm.s32 $0x9;
	_ =	strace $0x8000004B  }
0xb2: {  	_ =	swait.ge [sflag:s29], $0x1  }
0xb3: {  	[sflag:s29] =	ssyncadd.s32 $0xFFFFFFFF  }
0xb4: {  	_ =	strace $0x9000004B  }
0xb5: {  	_ =	sfence  }
0xb6: {  	s30 =	sld [smem:$0x0];
	_ =	sdelay $0x2  }
0xb7: {  	s31 =	sshll.u32 s1, $0xD;
	s1 =	sshrl.u32 s1, $0x2  }
0xb8: {  	s3 =	sand.u32 $0x4000, s31;
	s1 =	sadd.s32 s1, s30  }
0xb9: {  	s0 =	sor.u32 s3, s0;
	s1 =	sshll.u32 s1, $0x11  }
0xba: {  	s0 =	sor.u32 s1, s0  }
0xbb: {  	s0 =	sadd.s32 $0x8F2B, s0  }
0xbc: {  	[sflag:s0] =	ssyncadd.remote.s32 $0x1  }
0xbd: {  	_ =	sfence.sel $0xFFFF  }
0xbe: {  	[dreg:$0x0] =	wrdreg $0xFFFFFFFF;
	(pc) =	sbr.abs _section_cstart, $3  }
0xbf: {  	[dreg:$0x1] =	wrdreg $0xFFFFFFFF  }
0xc0: {  	_ =	task.clear_ibuf [dreg:s6], $0x2FFFF;
	_ =	strace $0x9FFFFFFF  }
0xc1: {  	(tm) =	ssettm $0x7FFFFFFF  }
tec
execute0_lowered:
.L_overlay_start_1:
0x0: {  	(tag) =	ssettag $0x1  }
0x1: {  	s1 =	srdreg.scid  }
0x2: {  	s0 =	stileid.u32;
	s7 =	rddreg [dreg:$0x0];
	s2 =	simm.s32 $0x0  }
0x3: {  	s11 =	simm.s32 $0xA000;
	s12 =	simm.s32 $0xBF40;
	s13 =	simm.s32 $0xDE80  }
0x4: {  	s14 =	simm.s32 $0xFDC0;
	s15 =	simm.s32 $0x1;
	s16 =	simm.s32 $0x11D00  }
0x5: {  	s17 =	simm.s32 $0x13C40;
	s18 =	simm.s32 $0x15B80;
	s19 =	simm.s32 $0x17AC0  }
0x6: {  	s20 =	simm.s32 $0x2800;
	s3 =	sand.u32 $0x1, s1;
	s4 =	sshll.u32 s0, $0x1  }
0x7: {  	s21 =	simm.s32 $0x2;
	s1 =	rddreg [dreg:$0x1];
	s4 =	sor.u32 s3, s4  }
0x8: {  	s22 =	simm.s32 $0x0;
	[smem:$0x7FF] =	sst s2;
	s5 =	smul.u32 $0x500, s4  }
0x9: {  	_ =	strace $0x8000004A;
	s8 =	ssub.s32 $0x2, s3;
	s6 =	smul.u32 $0xF00, s4  }
0xa: {  	s3 =	sadd.s32 $0xC00, s7;
	s9 =	sshrl.u32 s8, $0x1;
	s4 =	sadd.s32 $0xBA00, s7  }
0xb: {  	s9 =	ssub.s32 s8, s9;
	s5 =	sadd.s32 s5, s7;
	s10 =	sadd.s32 s6, s7  }
0xc: {  	s6 =	sadd.s32 $0x15640, s7;
	s7 =	sadd.s32 $0x1F280, s7;
	s9 =	smax.u32 s9, $0x1  }
0xd: {  	v0 =	vimm.f32 $0.0e+00;
	s5 =	sadd.s32 $0x29000, s5;
	s8 =	sadd.s32 $0x33000, s10;
	s10 =	simm.s32 $0x3  }
.LBB2_1:
0xe: {  	[tilespmem:s2], [sflag:$0x3] =	stream.linear.gather [hbm4b:s5+s2], $0x2800, $0x38;
	[tilespmem:$0x19A00] =	vst v63  }
0xf: {  	_ =	swait.ge [sflag:s10], $0x2800  }
0x10: {  	[sflag:s10] =	ssyncset.done $0x0  }
0x11: {  	s23 =	simm.s32 $0x2840;
	[sflag:s10] =	ssyncadd.s32 $0xFFFFD800  }
0x12: {  	[tilespmem:s23+$0xFFFFFFC0] =	vst v0  }
0x13: {  	[tilespmem:s23+$0x30] =	vst v0  }
0x14: {  	[tilespmem:s23+$0x20] =	vst v0  }
0x15: {  	[tilespmem:s23+$0x10] =	vst v0  }
0x16: {  	[tilespmem:s23+$0x0] =	vst v0  }
0x17: {  	[tilespmem:s23+$0xFFFFFFF0] =	vst v0  }
0x18: {  	s24 =	simm.s32 $0x0;
	[tilespmem:s23+$0xFFFFFFE0] =	vst v0  }
.LBB2_2:
0x19: {  	s24 =	sadd.s32 $0x8, s24;
	[tilespmem:s23+$0xFFFFFFD0] =	vst v0;
	s23 =	sadd.s32 $0x80, s23  }
0x1a: {  	[tilespmem:s23+$0xFFFFFFC0] =	vst v0;
	p0 =	slt.u32 s24, $0x778  }
0x1b: {  	[tilespmem:s23+$0x30] =	vst v0  }
.Ltmp0:
0x1c: {  	[tilespmem:s23+$0x20] =	vst v0;
	(pc) =	sbr.rel @p0 .LBB2_2-.Ltmp0, $4  }
0x1d: {  	[tilespmem:s23+$0x10] =	vst v0  }
0x1e: {  	[tilespmem:s23+$0x0] =	vst v0  }
0x1f: {  	[tilespmem:s23+$0xFFFFFFF0] =	vst v0  }
0x20: {  	[tilespmem:s23+$0xFFFFFFE0] =	vst v0  }
0x21: {  	[tilespmem:s23+$0xFFFFFFD0] =	vst v0;
	s23 =	simm.s32 $0x0  }
0x22: {  	[tilespmem:s11], [sflag:$0x1] =	stream.linear.gather [hbm4b:s3+s23], $0x1F40, $0x38;
	[tilespmem:$0x19A00] =	vst v63  }
0x23: {  	_ = 	snop  }
0x24: {  	[tilespmem:s12], [sflag:$0x1] =	stream.linear.gather [hbm4b:s4+s23], $0x1F40, $0x38;
	[tilespmem:$0x19A00] =	vst v63  }
0x25: {  	_ = 	snop  }
0x26: {  	[tilespmem:s13], [sflag:$0x1] =	stream.linear.gather [hbm4b:s6+s23], $0x1F40, $0x38;
	[tilespmem:$0x19A00] =	vst v63  }
0x27: {  	_ = 	snop  }
0x28: {  	[tilespmem:s14], [sflag:$0x1] =	stream.linear.gather [hbm4b:s7+s23], $0x1F40, $0x38;
	[tilespmem:$0x19A00] =	vst v63  }
.LBB2_4:
0x29: {  	_ =	swait.ge [sflag:s15], $0x1F40  }
0x2a: {  	[sflag:s15] =	ssyncset.done $0x0  }
0x2b: {  	[sflag:s15] =	ssyncadd.s32 $0xFFFFE0C0  }
0x2c: {  	_ =	swait.ge [sflag:s15], $0x1F40  }
0x2d: {  	[sflag:s15] =	ssyncset.done $0x0  }
0x2e: {  	[sflag:s15] =	ssyncadd.s32 $0xFFFFE0C0  }
0x2f: {  	_ =	swait.ge [sflag:s15], $0x1F40  }
0x30: {  	s24 =	smul.u32 $0x3E80, s23;
	[sflag:s15] =	ssyncset.done $0x0  }
0x31: {  	[sflag:s15] =	ssyncadd.s32 $0xFFFFE0C0  }
0x32: {  	s25 =	sshrl.u32 s24, $0x3;
	_ =	swait.ge [sflag:s15], $0x1F40  }
0x33: {  	s26 =	sadd.s32 $0x3E8, s25;
	[sflag:s15] =	ssyncset.done $0x0  }
0x34: {  	s28 =	sadd.s32 s3, s26;
	[sflag:s15] =	ssyncadd.s32 $0xFFFFE0C0  }
0x35: {  	[tilespmem:s16], [sflag:$0x2] =	stream.linear.gather [hbm4b:s28+s2], $0x1F40, $0x38;
	[tilespmem:$0x19A00] =	vst v63  }
0x36: {  	s25 =	sadd.s32 s4, s25;
	s26 =	sadd.s32 s4, s26  }
0x37: {  	[tilespmem:s17], [sflag:$0x2] =	stream.linear.gather [hbm4b:s26+s2], $0x1F40, $0x38;
	[tilespmem:$0x19A00] =	vst v63  }
0x38: {  	s31 =	sadd.s32 $0xA028, s25  }
0x39: {  	[tilespmem:s18], [sflag:$0x2] =	stream.linear.gather [hbm4b:s31+s2], $0x1F40, $0x38;
	[tilespmem:$0x19A00] =	vst v63  }
0x3a: {  	s25 =	sadd.s32 $0x13C68, s25;
	s31 =	simm.s32 $0xA020  }
0x3b: {  	[tilespmem:s19], [sflag:$0x2] =	stream.linear.gather [hbm4b:s25+s2], $0x1F40, $0x38;
	[tilespmem:$0x19A00] =	vst v63  }
0x3c: {  	v2 =	vld [tilespmem:s31+$0x10]  }
0x3d: {  	v4 =	vld [tilespmem:s31+$0xFFFFFFF0]  }
0x3e: {  	v5 =	vld [tilespmem:s31+$0x0]  }
0x3f: {  	v6 =	vld [tilespmem:s31+$0xFFFFFFE0];
	_ =	sdelay $0x1  }
0x40: {  	v1 =	vand.u32 $0xFFFF, v2  }
0x41: {  	v3 =	vand.u32 $0xFFFF, v4  }
0x42: {  	v7 =	vand.u32 $0xFFFF, v5  }
0x43: {  	s25 =	simm.s32 $0xBF60;
	v9 =	vand.u32 $0xFFFF, v6  }
0x44: {  	v10 =	vld [tilespmem:s25+$0x10]  }
0x45: {  	v8 =	vld.idx.msk [tilespmem:v1+s2+$0x0], $0xffff  }
0x46: {  	v3 =	vld.idx.msk [tilespmem:v3+s2+$0x0], $0xffff  }
0x47: {  	v12 =	vshra.s32 v2, $0x10;
	v1 =	vld.idx.msk [tilespmem:v7+s2+$0x0], $0xffff  }
0x48: {  	v2 =	vld.idx.msk [tilespmem:v9+s2+$0x0], $0xffff  }
0x49: {  	v7 =	vld [tilespmem:s25+$0xFFFFFFE0]  }
0x4a: {  	v9 =	vld [tilespmem:s25+$0xFFFFFFF0];
	v10 =	vmul.f32 v10, v8  }
0x4b: {  	v6 =	vshra.s32 v6, $0x10  }
0x4c: {  	s26 =	simm.s32 $0xDEA0;
	v4 =	vshra.s32 v4, $0x10;
	[tilespmem:v12+s20+$0x0] =	vst.idx.add.f32.msk $0xffff, v10  }
0x4d: {  	v10 =	vld [tilespmem:s26+$0x10]  }
0x4e: {  	v13 =	vshra.s32 v5, $0x10;
	v5 =	vmul.f32 v7, v2  }
0x4f: {  	v11 =	vld [tilespmem:s25+$0x0];
	v7 =	vmul.f32 v9, v3;
	v9 =	vadd.s32 $0x2800, v12  }
0x50: {  	[tilespmem:v6+s20+$0x0] =	vst.idx.add.f32.msk $0xffff, v5  }
0x51: {  	[tilespmem:v4+s20+$0x0] =	vst.idx.add.f32.msk $0xffff, v7  }
0x52: {  	v16 =	vld [tilespmem:s26+$0xFFFFFFE0];
	v7 =	vmul.f32 v10, v8  }
0x53: {  	v14 =	vld [tilespmem:s26+$0xFFFFFFF0]  }
0x54: {  	s28 =	simm.s32 $0xFDE0;
	v5 =	vmul.f32 v11, v1;
	[tilespmem:v9+s20+$0x0] =	vst.idx.add.f32.msk $0xffff, v7  }
0x55: {  	v11 =	vld [tilespmem:s28+$0x10]  }
0x56: {  	[tilespmem:v13+s20+$0x0] =	vst.idx.add.f32.msk $0xffff, v5  }
0x57: {  	v12 =	vadd.s32 $0x5000, v12;
	v5 =	vadd.s32 $0x5000, v6;
	v15 =	vld [tilespmem:s26+$0x0]  }
0x58: {  	v10 =	vadd.s32 $0x2800, v6;
	v6 =	vadd.s32 $0x5000, v13;
	v7 =	vadd.s32 $0x2800, v4  }
0x59: {  	s29 =	simm.s32 $0x0;
	s30 =	simm.s32 $0xA060;
	v4 =	vadd.s32 $0x5000, v4;
	v9 =	vadd.s32 $0x2800, v13;
	v13 =	vmul.f32 v16, v2  }
.LBB2_5:
0x5a: {  	v16 =	vld [tilespmem:s30+$0x10];
	s29 =	sadd.s32 $0x4, s29;
	v8 =	vmul.f32 v11, v8  }
0x5b: {  	v11 =	vld [tilespmem:s30+$0xFFFFFFF0];
	p0 =	slt.u32 s29, $0x1F0;
	v14 =	vmul.f32 v14, v3  }
0x5c: {  	v15 =	vmul.f32 v15, v1;
	[tilespmem:v12+s20+$0x0] =	vst.idx.add.f32.msk $0xffff, v8  }
0x5d: {  	v8 =	vld [tilespmem:s30+$0x0]  }
0x5e: {  	v12 =	vld [tilespmem:s30+$0xFFFFFFE0]  }
0x5f: {  	v17 =	vand.u32 $0xFFFF, v16;
	[tilespmem:v10+s20+$0x0] =	vst.idx.add.f32.msk $0xffff, v13  }
0x60: {  	v13 =	vshra.s32 v11, $0x10;
	v11 =	vand.u32 $0xFFFF, v11;
	[tilespmem:v7+s20+$0x0] =	vst.idx.add.f32.msk $0xffff, v14  }
0x61: {  	v7 =	vadd.s32 $0x2800, v13;
	v18 =	vadd.s32 $0x5000, v13;
	[tilespmem:v9+s20+$0x0] =	vst.idx.add.f32.msk $0xffff, v15  }
0x62: {  	v14 =	vshra.s32 v8, $0x10;
	v15 =	vand.u32 $0xFFFF, v8;
	v19 =	vld [tilespmem:s28+$0xFFFFFFE0]  }
0x63: {  	v20 =	vshra.s32 v12, $0x10;
	v12 =	vand.u32 $0xFFFF, v12;
	v9 =	vadd.s32 $0x2800, v14;
	v21 =	vld [tilespmem:s28+$0xFFFFFFF0]  }
0x64: {  	s25 =	sadd.s32 $0x40, s25;
	v23 =	vadd.s32 $0x5000, v14;
	v10 =	vadd.s32 $0x2800, v20;
	v22 =	vadd.s32 $0x5000, v20;
	v8 =	vld.idx.msk [tilespmem:v17+s2+$0x0], $0xffff  }
0x65: {  	v17 =	vld [tilespmem:s25+$0x10]  }
0x66: {  	v11 =	vld.idx.msk [tilespmem:v11+s2+$0x0], $0xffff  }
0x67: {  	v16 =	vshra.s32 v16, $0x10;
	v15 =	vld.idx.msk [tilespmem:v15+s2+$0x0], $0xffff;
	v19 =	vmul.f32 v19, v2  }
0x68: {  	v2 =	vld.idx.msk [tilespmem:v12+s2+$0x0], $0xffff;
	v21 =	vmul.f32 v21, v3  }
0x69: {  	v12 =	vld [tilespmem:s25+$0xFFFFFFE0]  }
0x6a: {  	v24 =	vld [tilespmem:s25+$0xFFFFFFF0];
	v25 =	vmul.f32 v17, v8  }
0x6b: {  	v17 =	vld [tilespmem:s25+$0x0]  }
0x6c: {  	s26 =	sadd.s32 $0x40, s26;
	v3 =	vmov v11;
	[tilespmem:v16+s20+$0x0] =	vst.idx.add.f32.msk $0xffff, v25  }
0x6d: {  	v11 =	vld [tilespmem:s26+$0x10]  }
0x6e: {  	v12 =	vmul.f32 v12, v2;
	v25 =	vld [tilespmem:s28+$0x0]  }
0x6f: {  	v26 =	vadd.s32 $0x2800, v16;
	v24 =	vmul.f32 v24, v3;
	[tilespmem:v5+s20+$0x0] =	vst.idx.add.f32.msk $0xffff, v19;
	v5 =	vmov v22  }
0x70: {  	[tilespmem:v20+s20+$0x0] =	vst.idx.add.f32.msk $0xffff, v12;
	v12 =	vmul.f32 v17, v15  }
0x71: {  	[tilespmem:v13+s20+$0x0] =	vst.idx.add.f32.msk $0xffff, v24  }
0x72: {  	[tilespmem:v14+s20+$0x0] =	vst.idx.add.f32.msk $0xffff, v12;
	v11 =	vmul.f32 v11, v8  }
0x73: {  	v13 =	vld [tilespmem:s26+$0xFFFFFFE0];
	v17 =	vmul.f32 v25, v1;
	v1 =	vmov v15  }
0x74: {  	s28 =	sadd.s32 $0x40, s28;
	[tilespmem:v26+s20+$0x0] =	vst.idx.add.f32.msk $0xffff, v11  }
.Ltmp1:
0x75: {  	v11 =	vld [tilespmem:s28+$0x10];
	(pc) =	sbr.rel @p0 .LBB2_5-.Ltmp1, $4  }
0x76: {  	v14 =	vld [tilespmem:s26+$0xFFFFFFF0]  }
0x77: {  	v12 =	vadd.s32 $0x5000, v16;
	v15 =	vld [tilespmem:s26+$0x0]  }
0x78: {  	v13 =	vmul.f32 v13, v2;
	[tilespmem:v4+s20+$0x0] =	vst.idx.add.f32.msk $0xffff, v21;
	v4 =	vmov v18  }
0x79: {  	s30 =	sadd.s32 $0x40, s30;
	[tilespmem:v6+s20+$0x0] =	vst.idx.add.f32.msk $0xffff, v17;
	v6 =	vmov v23  }
0x7a: {  	_ =	sdelay $0x2  }
0x7b: {  	v14 =	vmul.f32 v14, v3  }
0x7c: {  	[tilespmem:v10+s20+$0x0] =	vst.idx.add.f32.msk $0xffff, v13  }
0x7d: {  	v15 =	vmul.f32 v15, v1;
	[tilespmem:v7+s20+$0x0] =	vst.idx.add.f32.msk $0xffff, v14  }
0x7e: {  	v7 =	vld [tilespmem:s28+$0xFFFFFFE0]  }
0x7f: {  	[tilespmem:v9+s20+$0x0] =	vst.idx.add.f32.msk $0xffff, v15  }
0x80: {  	v9 =	vld [tilespmem:s28+$0xFFFFFFF0]  }
0x81: {  	v10 =	vld [tilespmem:s28+$0x0];
	_ =	sdelay $0x1  }
0x82: {  	v8 =	vmul.f32 v11, v8  }
0x83: {  	v2 =	vmul.f32 v7, v2  }
0x84: {  	[tilespmem:v12+s20+$0x0] =	vst.idx.add.f32.msk $0xffff, v8;
	v3 =	vmul.f32 v9, v3  }
0x85: {  	[tilespmem:v5+s20+$0x0] =	vst.idx.add.f32.msk $0xffff, v2;
	v1 =	vmul.f32 v10, v1  }
0x86: {  	[tilespmem:v4+s20+$0x0] =	vst.idx.add.f32.msk $0xffff, v3  }
0x87: {  	[tilespmem:v6+s20+$0x0] =	vst.idx.add.f32.msk $0xffff, v1  }
0x88: {  	_ =	swait.ge [sflag:s21], $0x1F40  }
0x89: {  	[sflag:s21] =	ssyncset.done $0x0  }
0x8a: {  	[sflag:s21] =	ssyncadd.s32 $0xFFFFE0C0  }
0x8b: {  	_ =	swait.ge [sflag:s21], $0x1F40  }
0x8c: {  	[sflag:s21] =	ssyncset.done $0x0  }
0x8d: {  	[sflag:s21] =	ssyncadd.s32 $0xFFFFE0C0  }
0x8e: {  	_ =	swait.ge [sflag:s21], $0x1F40  }
0x8f: {  	[sflag:s21] =	ssyncset.done $0x0  }
0x90: {  	p0 =	seq.s32 s23, $0x13;
	[sflag:s21] =	ssyncadd.s32 $0xFFFFE0C0  }
0x91: {  	s24 =	sshrl.u32 @!p0 s24, $0x3;
	_ =	swait.ge [sflag:s21], $0x1F40  }
0x92: {  	s29 =	simm.s32 @!p0 $0xA000;
	s25 =	sadd.s32 @!p0 $0x7D0, s24;
	[sflag:s21] =	ssyncset.done $0x0  }
0x93: {  	s26 =	sadd.s32 @!p0 s3, s25;
	s28 =	simm.s32 @!p0 $0x0;
	[sflag:s21] =	ssyncadd.s32 $0xFFFFE0C0  }
0x94: {  	[tilespmem:s29], [sflag:$0x1] =	stream.linear.gather @!p0 [hbm4b:s26+s28], $0x1F40, $0x38;
	[tilespmem:$0x19A00] =	vst v63  }
0x95: {  	s24 =	sadd.s32 @!p0 s4, s24;
	s25 =	sadd.s32 @!p0 s4, s25;
	s26 =	simm.s32 @!p0 $0xBF40  }
0x96: {  	[tilespmem:s26], [sflag:$0x1] =	stream.linear.gather @!p0 [hbm4b:s25+s28], $0x1F40, $0x38;
	[tilespmem:$0x19A00] =	vst v63  }
0x97: {  	s25 =	sadd.s32 @!p0 $0xA410, s24;
	s26 =	simm.s32 @!p0 $0xDE80  }
0x98: {  	[tilespmem:s26], [sflag:$0x1] =	stream.linear.gather @!p0 [hbm4b:s25+s28], $0x1F40, $0x38;
	[tilespmem:$0x19A00] =	vst v63  }
0x99: {  	s31 =	simm.s32 $0x11D20;
	s24 =	sadd.s32 @!p0 $0x14050, s24;
	s25 =	simm.s32 @!p0 $0xFDC0  }
0x9a: {  	[tilespmem:s25], [sflag:$0x1] =	stream.linear.gather @!p0 [hbm4b:s24+s28], $0x1F40, $0x38;
	[tilespmem:$0x19A00] =	vst v63  }
0x9b: {  	v2 =	vld [tilespmem:s31+$0x10]  }
0x9c: {  	v4 =	vld [tilespmem:s31+$0xFFFFFFF0]  }
0x9d: {  	v5 =	vld [tilespmem:s31+$0x0]  }
0x9e: {  	v6 =	vld [tilespmem:s31+$0xFFFFFFE0];
	_ =	sdelay $0x1  }
0x9f: {  	v1 =	vand.u32 $0xFFFF, v2  }
0xa0: {  	v3 =	vand.u32 $0xFFFF, v4  }
0xa1: {  	v7 =	vand.u32 $0xFFFF, v5  }
0xa2: {  	s24 =	simm.s32 $0x13C60;
	v9 =	vand.u32 $0xFFFF, v6  }
0xa3: {  	v10 =	vld [tilespmem:s24+$0x10]  }
0xa4: {  	v8 =	vld.idx.msk [tilespmem:v1+s2+$0x0], $0xffff  }
0xa5: {  	v3 =	vld.idx.msk [tilespmem:v3+s2+$0x0], $0xffff  }
0xa6: {  	v12 =	vshra.s32 v2, $0x10;
	v1 =	vld.idx.msk [tilespmem:v7+s2+$0x0], $0xffff  }
0xa7: {  	v2 =	vld.idx.msk [tilespmem:v9+s2+$0x0], $0xffff  }
0xa8: {  	v7 =	vld [tilespmem:s24+$0xFFFFFFE0]  }
0xa9: {  	v9 =	vld [tilespmem:s24+$0xFFFFFFF0];
	v10 =	vmul.f32 v10, v8  }
0xaa: {  	v6 =	vshra.s32 v6, $0x10  }
0xab: {  	s25 =	simm.s32 $0x15BA0;
	v4 =	vshra.s32 v4, $0x10;
	[tilespmem:v12+s20+$0x0] =	vst.idx.add.f32.msk $0xffff, v10  }
0xac: {  	v10 =	vld [tilespmem:s25+$0x10]  }
0xad: {  	v7 =	vmul.f32 v7, v2  }
0xae: {  	v11 =	vld [tilespmem:s24+$0x0];
	v13 =	vadd.s32 $0x2800, v12;
	v9 =	vmul.f32 v9, v3  }
0xaf: {  	[tilespmem:v6+s20+$0x0] =	vst.idx.add.f32.msk $0xffff, v7  }
0xb0: {  	v5 =	vshra.s32 v5, $0x10;
	[tilespmem:v4+s20+$0x0] =	vst.idx.add.f32.msk $0xffff, v9  }
0xb1: {  	v16 =	vld [tilespmem:s25+$0xFFFFFFE0];
	v9 =	vmul.f32 v10, v8  }
0xb2: {  	v14 =	vld [tilespmem:s25+$0xFFFFFFF0]  }
0xb3: {  	s26 =	simm.s32 $0x17AE0;
	v7 =	vmul.f32 v11, v1;
	[tilespmem:v13+s20+$0x0] =	vst.idx.add.f32.msk $0xffff, v9  }
0xb4: {  	v11 =	vld [tilespmem:s26+$0x10]  }
0xb5: {  	[tilespmem:v5+s20+$0x0] =	vst.idx.add.f32.msk $0xffff, v7  }
0xb6: {  	v12 =	vadd.s32 $0x5000, v12;
	v7 =	vadd.s32 $0x2800, v4;
	v15 =	vld [tilespmem:s25+$0x0]  }
0xb7: {  	v4 =	vadd.s32 $0x5000, v4;
	v10 =	vadd.s32 $0x2800, v6;
	v6 =	vadd.s32 $0x5000, v6  }
0xb8: {  	s29 =	simm.s32 $0x11D60;
	s28 =	simm.s32 $0x0;
	v9 =	vadd.s32 $0x2800, v5;
	v5 =	vadd.s32 $0x5000, v5;
	v13 =	vmul.f32 v16, v2  }
.LBB2_7:
0xb9: {  	v16 =	vld [tilespmem:s29+$0x10];
	s28 =	sadd.s32 $0x4, s28;
	v8 =	vmul.f32 v11, v8  }
0xba: {  	v11 =	vld [tilespmem:s29+$0xFFFFFFF0];
	p0 =	slt.u32 s28, $0x1F0;
	v14 =	vmul.f32 v14, v3  }
0xbb: {  	v15 =	vmul.f32 v15, v1;
	[tilespmem:v12+s20+$0x0] =	vst.idx.add.f32.msk $0xffff, v8  }
0xbc: {  	v8 =	vld [tilespmem:s29+$0x0]  }
0xbd: {  	v12 =	vld [tilespmem:s29+$0xFFFFFFE0]  }
0xbe: {  	v17 =	vand.u32 $0xFFFF, v16;
	[tilespmem:v10+s20+$0x0] =	vst.idx.add.f32.msk $0xffff, v13  }
0xbf: {  	v13 =	vshra.s32 v11, $0x10;
	v11 =	vand.u32 $0xFFFF, v11;
	[tilespmem:v7+s20+$0x0] =	vst.idx.add.f32.msk $0xffff, v14  }
0xc0: {  	v7 =	vadd.s32 $0x2800, v13;
	v18 =	vadd.s32 $0x5000, v13;
	[tilespmem:v9+s20+$0x0] =	vst.idx.add.f32.msk $0xffff, v15  }
0xc1: {  	v14 =	vshra.s32 v8, $0x10;
	v15 =	vand.u32 $0xFFFF, v8;
	v19 =	vld [tilespmem:s26+$0xFFFFFFE0]  }
0xc2: {  	v20 =	vshra.s32 v12, $0x10;
	v12 =	vand.u32 $0xFFFF, v12;
	v9 =	vadd.s32 $0x2800, v14;
	v21 =	vld [tilespmem:s26+$0xFFFFFFF0]  }
0xc3: {  	s24 =	sadd.s32 $0x40, s24;
	v23 =	vadd.s32 $0x5000, v14;
	v10 =	vadd.s32 $0x2800, v20;
	v22 =	vadd.s32 $0x5000, v20;
	v8 =	vld.idx.msk [tilespmem:v17+s2+$0x0], $0xffff  }
0xc4: {  	v17 =	vld [tilespmem:s24+$0x10]  }
0xc5: {  	v11 =	vld.idx.msk [tilespmem:v11+s2+$0x0], $0xffff  }
0xc6: {  	v16 =	vshra.s32 v16, $0x10;
	v15 =	vld.idx.msk [tilespmem:v15+s2+$0x0], $0xffff;
	v19 =	vmul.f32 v19, v2  }
0xc7: {  	v2 =	vld.idx.msk [tilespmem:v12+s2+$0x0], $0xffff;
	v21 =	vmul.f32 v21, v3  }
0xc8: {  	v12 =	vld [tilespmem:s24+$0xFFFFFFE0]  }
0xc9: {  	v24 =	vld [tilespmem:s24+$0xFFFFFFF0];
	v25 =	vmul.f32 v17, v8  }
0xca: {  	v17 =	vld [tilespmem:s24+$0x0]  }
0xcb: {  	s25 =	sadd.s32 $0x40, s25;
	v3 =	vmov v11;
	[tilespmem:v16+s20+$0x0] =	vst.idx.add.f32.msk $0xffff, v25  }
0xcc: {  	v11 =	vld [tilespmem:s25+$0x10]  }
0xcd: {  	v12 =	vmul.f32 v12, v2;
	v25 =	vld [tilespmem:s26+$0x0]  }
0xce: {  	v26 =	vadd.s32 $0x2800, v16;
	v24 =	vmul.f32 v24, v3;
	[tilespmem:v6+s20+$0x0] =	vst.idx.add.f32.msk $0xffff, v19;
	v6 =	vmov v22  }
0xcf: {  	[tilespmem:v20+s20+$0x0] =	vst.idx.add.f32.msk $0xffff, v12;
	v12 =	vmul.f32 v17, v15  }
0xd0: {  	[tilespmem:v13+s20+$0x0] =	vst.idx.add.f32.msk $0xffff, v24  }
0xd1: {  	[tilespmem:v14+s20+$0x0] =	vst.idx.add.f32.msk $0xffff, v12;
	v11 =	vmul.f32 v11, v8  }
0xd2: {  	v13 =	vld [tilespmem:s25+$0xFFFFFFE0];
	v17 =	vmul.f32 v25, v1;
	v1 =	vmov v15  }
0xd3: {  	s26 =	sadd.s32 $0x40, s26;
	[tilespmem:v26+s20+$0x0] =	vst.idx.add.f32.msk $0xffff, v11  }
.Ltmp2:
0xd4: {  	v11 =	vld [tilespmem:s26+$0x10];
	(pc) =	sbr.rel @p0 .LBB2_7-.Ltmp2, $4  }
0xd5: {  	v14 =	vld [tilespmem:s25+$0xFFFFFFF0]  }
0xd6: {  	v12 =	vadd.s32 $0x5000, v16;
	v15 =	vld [tilespmem:s25+$0x0]  }
0xd7: {  	v13 =	vmul.f32 v13, v2;
	[tilespmem:v4+s20+$0x0] =	vst.idx.add.f32.msk $0xffff, v21;
	v4 =	vmov v18  }
0xd8: {  	s29 =	sadd.s32 $0x40, s29;
	[tilespmem:v5+s20+$0x0] =	vst.idx.add.f32.msk $0xffff, v17;
	v5 =	vmov v23  }
0xd9: {  	_ =	sdelay $0x3  }
0xda: {  	[tilespmem:v10+s20+$0x0] =	vst.idx.add.f32.msk $0xffff, v13;
	v14 =	vmul.f32 v14, v3  }
0xdb: {  	v61 =	vld [tilespmem:s26+$0xFFFFFFE0];
	v15 =	vmul.f32 v15, v1  }
0xdc: {  	[tilespmem:v7+s20+$0x0] =	vst.idx.add.f32.msk $0xffff, v14  }
0xdd: {  	[tilespmem:v9+s20+$0x0] =	vst.idx.add.f32.msk $0xffff, v15  }
0xde: {  	v62 =	vld [tilespmem:s26+$0xFFFFFFF0]  }
0xdf: {  	v63 =	vld [tilespmem:s26+$0x0]  }
0xe0: {  	s23 =	sadd.s32 $0x1, s23  }
0xe1: {  	v8 =	vmul.f32 v11, v8;
	p0 =	sne.s32 s23, $0x14  }
.Ltmp3:
0xe2: {  	v2 =	vmul.f32 v61, v2;
	(pc) =	sbr.rel @p0 .LBB2_4-.Ltmp3, $4  }
0xe3: {  	[tilespmem:v12+s20+$0x0] =	vst.idx.add.f32.msk $0xffff, v8;
	v3 =	vmul.f32 v62, v3  }
0xe4: {  	[tilespmem:v6+s20+$0x0] =	vst.idx.add.f32.msk $0xffff, v2;
	v1 =	vmul.f32 v63, v1  }
0xe5: {  	[tilespmem:v4+s20+$0x0] =	vst.idx.add.f32.msk $0xffff, v3  }
0xe6: {  	[tilespmem:v5+s20+$0x0] =	vst.idx.add.f32.msk $0xffff, v1  }
0xe7: {  	s22 =	sadd.s32 $0x1, s22  }
0xe8: {  	p0 =	sne.s32 s22, s9  }
.Ltmp4:
0xe9: {  	_ = 	snop;
	(pc) =	sbr.rel @p0 .LBB2_1-.Ltmp4, $4  }
0xea: {  	[hbm4b:s8+s2] =	stream.linear.scatter [tilespmem:s20], [sflag:$0x3], $0x7800, $0x38;
	[tilespmem:$0x19A00] =	vst v63  }
0xeb: {  	_ =	swait.ge [sflag:s10], $0x7800  }
0xec: {  	[sflag:s10] =	ssyncset.done $0x0  }
0xed: {  	[sflag:s10] =	ssyncadd.s32 $0xFFFF8800  }
0xee: {  	_ =	sfence.sel $0x180000  }
0xef: {  	[bflag:$0x0] =	sbarrier.arrive $0xFFFF  }
0xf0: {  	p0 =	sne.s32 s0, $0x0;
	_ =	strace $0x9000004A  }
0xf1: {  	s0 =	sadd.s32 @!p0 $0x100000, s1;
	[bflag:$0x2] =	sbarrier.arrive $0xFFFF  }
0xf2: {  	[sflag:s0] =	ssyncadd.tile.s32 @!p0 $0x1;
	_ =	shalt  }
.Lfunc_end2:
_tile_overlayer_lowered:
.L_overlay_start_2:
0xf3: {  	(tag) =	ssettag $0x2  }
0xf4: {  	s0 =	rddreg [dreg:$0x0];
	s2 =	stileid.u32  }
0xf5: {  	s1 =	rddreg [dreg:$0x1];
	p0 =	sne.s32 s2, $0x0  }
0xf6: {  	s3 =	rddreg [dreg:$0x2];
	[bflag:$0x3] =	sbarrier.arrive $0xFFFF;
	s2 =	simm.s32 @!p0 $0x1C03  }
0xf7: {  	[timem:s3], [sflag:s2] =	dma.local @!p0 [hbm:s0], s1  }
0xf8: {  	s0 =	simm.s32 @!p0 $0x3  }
0xf9: {  	_ =	swait.ge @!p0 [sflag:s0], s1  }
0xfa: {  	s1 =	ssub.s32 @!p0 $0x0, s1;
	[sflag:s0] =	ssyncset.done @!p0 $0x0  }
0xfb: {  	[sflag:s0] =	ssyncadd.s32 @!p0 s1  }
0xfc: {  	[bflag:$0x3] =	sbarrier.arrive $0xFFFF  }
0xfd: {  	_ =	shalt  }

</sc_bundles>
